<compile_context>
chip_gen: v7x
topology: tpu7x:2x2x1
jax: 0.10.2.dev20260603
libtpu: 0.0.44.dev20260713+nightly
codegen_flags: <defaults>
</compile_context>

<pallas_src>
import functools

import jax
import jax.numpy as jnp
from jax import lax
from jax.experimental import pallas as pl
from jax.experimental.pallas import tpu as pltpu
from jax.experimental.pallas import tpu_sc as plsc

NC = 2
NS = 16
NW = NC * NS
L = 16
C = 4
R = 4


def _extract(vec_ref, j):
    grp = (j // L) * L
    vec = vec_ref[pl.ds(grp, L)]
    onehot = lax.iota(jnp.int32, L) == (j - grp)
    return jnp.sum(jnp.where(onehot, vec, 0))


@functools.partial(jax.jit, static_argnums=(4, 5))
def _sc_masked_add(x2, a2, gidx, starts, N, D):
    RW = N // NW
    nchunk = RW // C

    def body(x_hbm, a_hbm, gidx_hbm, starts_hbm, out_hbm,
             buf, abuf, idxv, stv,
             in0, in1, in2, in3, ou0, ou1, ou2, ou3, gs0, gs1):
        ins = (in0, in1, in2, in3)
        outs = (ou0, ou1, ou2, ou3)
        gss = (gs0, gs1)
        cid = lax.axis_index("c")
        sid = lax.axis_index("s")
        w = sid * NC + cid
        base = w * RW
        pltpu.sync_copy(gidx_hbm.at[w], idxv)
        pltpu.sync_copy(starts_hbm.at[w], stv)

        def issue_in(c, t):
            pltpu.async_copy(x_hbm.at[pl.ds(base + c * C, C)],
                             buf.at[t], ins[t])

        def fire_rows(s, e, q):
            def fire(i, _):
                g = _extract(idxv, s + i)
                pltpu.async_copy(a_hbm.at[pl.ds(g, 1)],
                                 abuf.at[q, pl.ds(i, 1)], gss[q])
                return _

            lax.fori_loop(0, e - s, fire, 0)

        issue_in(0, 0)
        e0 = _extract(stv, 1)
        fire_rows(0, e0, 0)

        def chunk_work(c, u, carry):
            s, e = carry
            t = u % R
            q = u % 2
            k = e - s
            pltpu.make_async_copy(x_hbm.at[pl.ds(base, C)],
                                  buf.at[t], ins[t]).wait()
            t1 = (u + 1) % R

            @pl.when(c + 1 < nchunk)
            def _():
                @pl.when(c >= R - 1)
                def _():
                    pltpu.make_async_copy(buf.at[t1],
                                          out_hbm.at[pl.ds(base, C)],
                                          outs[t1]).wait()
                issue_in(c + 1, t1)

            def drain(i, _):
                pltpu.make_async_copy(a_hbm.at[pl.ds(base, 1)],
                                      abuf.at[q, pl.ds(0, 1)], gss[q]).wait()
                return _

            lax.fori_loop(0, k, drain, 0)

            def patch(i, _):
                g = _extract(idxv, s + i)
                p = g - (base + c * C)

                def add_body(d, c2):
                    slc = pl.ds(d * L, L)
                    plsc.addupdate(buf.at[t, p, slc], abuf[q, i, slc])
                    return c2

                lax.fori_loop(0, D // L, add_body, 0, unroll=16)
                return _

            lax.fori_loop(0, k, patch, 0)
            e2 = _extract(stv, c + 2)
            fire_rows(e, e2, 1 - q)
            pltpu.async_copy(buf.at[t], out_hbm.at[pl.ds(base + c * C, C)],
                             outs[t])
            return (e, e2)

        def group_body(gi, carry):
            for u in range(R):
                carry = chunk_work(gi * R + u, u, carry)
            return carry

        lax.fori_loop(0, nchunk // R, group_body, (jnp.int32(0), e0))
        for t in range(R):
            pltpu.make_async_copy(buf.at[t], out_hbm.at[pl.ds(base, C)],
                                  outs[t]).wait()

    fn = pl.kernel(
        body,
        out_type=jax.ShapeDtypeStruct((N, D), jnp.float32),
        mesh=plsc.VectorSubcoreMesh(
            core_axis_name="c", subcore_axis_name="s",
            num_cores=NC, num_subcores=NS),
        scratch_types=[
            pltpu.VMEM((R, C, D), jnp.float32),
            pltpu.VMEM((2, C, D), jnp.float32),
            pltpu.VMEM((RW,), jnp.int32),
            pltpu.VMEM((96,), jnp.int32),
        ] + [pltpu.SemaphoreType.DMA] * 10,
        compiler_params=pltpu.CompilerParams(needs_layout_passes=False),
    )
    return fn(x2, a2, gidx, starts)


K_SC = 4096


def _tc_body(x_ref, a_ref, m_ref, o_ref):
    m = m_ref[...]
    o_ref[...] = jnp.where(m != 0.0, x_ref[...] + a_ref[...], x_ref[...])


def _tc_where(x2, a2, mf, K, N, D):
    RB = 256
    off = K // RB
    return pl.pallas_call(
        _tc_body,
        grid=((N - K) // RB,),
        in_specs=[
            pl.BlockSpec((RB, D), lambda i: (i + off, 0)),
            pl.BlockSpec((RB, D), lambda i: (i + off, 0)),
            pl.BlockSpec((RB, 1), lambda i: (i + off, 0)),
        ],
        out_specs=pl.BlockSpec((RB, D), lambda i: (i, 0)),
        out_shape=jax.ShapeDtypeStruct((N - K, D), jnp.float32),
    )(x2, a2, mf)


def kernel(x, attack, attack_mask):
    B, S, D = x.shape
    N = B * S
    K = K_SC
    RW = K // NW
    x2 = x.reshape(N, D)
    a2 = attack.astype(x.dtype).reshape(N, D)
    m = attack_mask[:, :S].reshape(N)
    m2 = m[:K].reshape(NW, RW)
    loc = jnp.argsort(~m2, axis=1, stable=True).astype(jnp.int32)
    gidx = loc + (jnp.arange(NW, dtype=jnp.int32) * RW)[:, None]
    ccnt = m2.reshape(NW, RW // C, C).sum(-1).astype(jnp.int32)
    starts = jnp.concatenate(
        [jnp.zeros((NW, 1), jnp.int32), jnp.cumsum(ccnt, axis=1)], axis=1)
    starts = jnp.pad(starts, ((0, 0), (0, 96 - starts.shape[1])))
    sc_out = _sc_masked_add(x2, a2, gidx, starts, K, D)
    if K < N:
        hi = jnp.where(m[K:, None], x2[K:] + a2[K:], x2[K:])
        out2 = jnp.concatenate([sc_out, hi], axis=0)
    else:
        out2 = sc_out
    return out2.reshape(B, S, D)

# --- scband reference (transcript-rebuilt; emitter-appended) ---
"""Pipeline reference for scband-gdadversary-57964878627005 (READ-ONLY COPY).

The authoritative reference and input builder live on the scoring server;
editing this copy changes nothing except your own understanding.
"""

import jax, jax.numpy as jnp
import numpy as np

B, S, DIM = 4, 2048, 4096
EPSILON = 8.0

def setup_inputs(seed: int = 0) -> dict:
    key = jax.random.key(seed)
    k1, k2, k3 = jax.random.split(key, 3)
    x = jax.random.normal(k1, (B, S, DIM), dtype=jnp.float32)
    # Learned parameter: attack perturbation, clipped to epsilon-ball as in clip_attack()
    attack = jax.random.normal(k2, (B, S, DIM), dtype=jnp.float32)
    norms = jnp.linalg.norm(attack, axis=-1, keepdims=True)
    scale = jnp.maximum(norms / EPSILON, 1.0)
    attack = attack / scale
    attack_mask = jax.random.bernoulli(k3, 0.25, (B, S))
    return {"x": x, "attack": attack, "attack_mask": attack_mask}

def reference(x, attack, attack_mask):
    # attack_mask[:, :x.shape[1]] -- x has full seq len here so slice is identity
    mask = attack_mask[:, :x.shape[1]]
    perturbed = x + attack.astype(x.dtype)
    x = jnp.where(mask[..., None], perturbed, x)
    return x

if __name__ == "__main__":
    import jax
    _d = setup_inputs()
    print(jax.jit(kernel)(*tuple(_d.values())))

</pallas_src>

<mosaic_0001>
#map = affine_map<(d0, d1) -> (0, 0)>
module attributes {stable_mosaic.version = 14 : i64} {
  func.func @body(%arg0: i32, %arg1: i32, %arg2: memref<8192x4096xf32, #tpu.memory_space<hbm>>, %arg3: memref<8192x4096xf32, #tpu.memory_space<hbm>>, %arg4: memref<32x128xi32, #tpu.memory_space<hbm>>, %arg5: memref<32x96xi32, #tpu.memory_space<hbm>>, %arg6: memref<4096x4096xf32, #tpu.memory_space<hbm>>, %arg7: memref<4x4x4096xf32, #tpu.memory_space<vmem>>, %arg8: memref<2x4x4096xf32, #tpu.memory_space<vmem>>, %arg9: memref<128xi32, #tpu.memory_space<vmem>>, %arg10: memref<96xi32, #tpu.memory_space<vmem>>, %arg11: memref<!tpu.dma_semaphore, #tpu.memory_space<semaphore_mem>>, %arg12: memref<!tpu.dma_semaphore, #tpu.memory_space<semaphore_mem>>, %arg13: memref<!tpu.dma_semaphore, #tpu.memory_space<semaphore_mem>>, %arg14: memref<!tpu.dma_semaphore, #tpu.memory_space<semaphore_mem>>, %arg15: memref<!tpu.dma_semaphore, #tpu.memory_space<semaphore_mem>>, %arg16: memref<!tpu.dma_semaphore, #tpu.memory_space<semaphore_mem>>, %arg17: memref<!tpu.dma_semaphore, #tpu.memory_space<semaphore_mem>>, %arg18: memref<!tpu.dma_semaphore, #tpu.memory_space<semaphore_mem>>, %arg19: memref<!tpu.dma_semaphore, #tpu.memory_space<semaphore_mem>>, %arg20: memref<!tpu.dma_semaphore, #tpu.memory_space<semaphore_mem>>) attributes {dimension_semantics = [#tpu.dimension_semantics<core_parallel>, #tpu.dimension_semantics<subcore_parallel>], iteration_bounds = array<i64: 2, 16>, scalar_prefetch = 0 : i64, scratch_operands = 14 : i64, tpu.core_type = #tpu.core_type<sc_vector_subcore>, window_params = [{transform_indices = #map}, {transform_indices = #map}, {transform_indices = #map}, {transform_indices = #map}, {transform_indices = #map}]} {
    %mul3A = arith.constant 2 : i32
    %mul3A_0 = arith.muli %arg1, %mul3A : i32
    %add3A = arith.addi %mul3A_0, %arg0 : i32
    %mul3A_1 = arith.constant 128 : i32
    %mul3A_2 = arith.muli %add3A, %mul3A_1 : i32
    "tpu.region"() ({
      %run_scoped3A = tpu.sem_alloc : memref<!tpu.dma_semaphore, #tpu.memory_space<semaphore_mem>>
      %dma_start3A_90 = arith.constant 0 : i32
      %dma_start3A_91 = tpu.memref_slice %arg4[%add3A, %dma_start3A_90] : memref<32x128xi32, #tpu.memory_space<hbm>> -> memref<1x128xi32, #tpu.memory_space<hbm>>
      %dma_start3A_92 = tpu.memref_squeeze %dma_start3A_91 : memref<1x128xi32, #tpu.memory_space<hbm>> -> memref<128xi32, #tpu.memory_space<hbm>>
      %dma_start3A_93 = arith.constant 0 : i32
      %dma_start3A_94 = tpu.memref_slice %arg4[%add3A, %dma_start3A_93] : memref<32x128xi32, #tpu.memory_space<hbm>> -> memref<1x128xi32, #tpu.memory_space<hbm>>
      %dma_start3A_95 = tpu.memref_squeeze %dma_start3A_94 : memref<1x128xi32, #tpu.memory_space<hbm>> -> memref<128xi32, #tpu.memory_space<hbm>>
      tpu.enqueue_dma source(%dma_start3A_95 : memref<128xi32, #tpu.memory_space<hbm>>) target(%arg9 : memref<128xi32, #tpu.memory_space<vmem>>) target_semaphore(%run_scoped3A : memref<!tpu.dma_semaphore, #tpu.memory_space<semaphore_mem>>)
      %dma_wait3A_96 = arith.constant 0 : i32
      %dma_wait3A_97 = tpu.memref_slice %arg4[%add3A, %dma_wait3A_96] : memref<32x128xi32, #tpu.memory_space<hbm>> -> memref<1x128xi32, #tpu.memory_space<hbm>>
      %dma_wait3A_98 = tpu.memref_squeeze %dma_wait3A_97 : memref<1x128xi32, #tpu.memory_space<hbm>> -> memref<128xi32, #tpu.memory_space<hbm>>
      %dma_wait3A_99 = arith.constant 0 : i32
      %dma_wait3A_100 = tpu.memref_slice %arg4[%add3A, %dma_wait3A_99] : memref<32x128xi32, #tpu.memory_space<hbm>> -> memref<1x128xi32, #tpu.memory_space<hbm>>
      %dma_wait3A_101 = tpu.memref_squeeze %dma_wait3A_100 : memref<1x128xi32, #tpu.memory_space<hbm>> -> memref<128xi32, #tpu.memory_space<hbm>>
      tpu.wait_dma2 semaphore(%run_scoped3A : memref<!tpu.dma_semaphore, #tpu.memory_space<semaphore_mem>>) src(%dma_wait3A_101 : memref<128xi32, #tpu.memory_space<hbm>>) dst(%arg9 : memref<128xi32, #tpu.memory_space<vmem>>)
      tpu.yield
    }) : () -> ()
    "tpu.region"() ({
      %run_scoped3A = tpu.sem_alloc : memref<!tpu.dma_semaphore, #tpu.memory_space<semaphore_mem>>
      %dma_start3A_90 = arith.constant 0 : i32
      %dma_start3A_91 = tpu.memref_slice %arg5[%add3A, %dma_start3A_90] : memref<32x96xi32, #tpu.memory_space<hbm>> -> memref<1x96xi32, #tpu.memory_space<hbm>>
      %dma_start3A_92 = tpu.memref_squeeze %dma_start3A_91 : memref<1x96xi32, #tpu.memory_space<hbm>> -> memref<96xi32, #tpu.memory_space<hbm>>
      %dma_start3A_93 = arith.constant 0 : i32
      %dma_start3A_94 = tpu.memref_slice %arg5[%add3A, %dma_start3A_93] : memref<32x96xi32, #tpu.memory_space<hbm>> -> memref<1x96xi32, #tpu.memory_space<hbm>>
      %dma_start3A_95 = tpu.memref_squeeze %dma_start3A_94 : memref<1x96xi32, #tpu.memory_space<hbm>> -> memref<96xi32, #tpu.memory_space<hbm>>
      tpu.enqueue_dma source(%dma_start3A_95 : memref<96xi32, #tpu.memory_space<hbm>>) target(%arg10 : memref<96xi32, #tpu.memory_space<vmem>>) target_semaphore(%run_scoped3A : memref<!tpu.dma_semaphore, #tpu.memory_space<semaphore_mem>>)
      %dma_wait3A_96 = arith.constant 0 : i32
      %dma_wait3A_97 = tpu.memref_slice %arg5[%add3A, %dma_wait3A_96] : memref<32x96xi32, #tpu.memory_space<hbm>> -> memref<1x96xi32, #tpu.memory_space<hbm>>
      %dma_wait3A_98 = tpu.memref_squeeze %dma_wait3A_97 : memref<1x96xi32, #tpu.memory_space<hbm>> -> memref<96xi32, #tpu.memory_space<hbm>>
      %dma_wait3A_99 = arith.constant 0 : i32
      %dma_wait3A_100 = tpu.memref_slice %arg5[%add3A, %dma_wait3A_99] : memref<32x96xi32, #tpu.memory_space<hbm>> -> memref<1x96xi32, #tpu.memory_space<hbm>>
      %dma_wait3A_101 = tpu.memref_squeeze %dma_wait3A_100 : memref<1x96xi32, #tpu.memory_space<hbm>> -> memref<96xi32, #tpu.memory_space<hbm>>
      tpu.wait_dma2 semaphore(%run_scoped3A : memref<!tpu.dma_semaphore, #tpu.memory_space<semaphore_mem>>) src(%dma_wait3A_101 : memref<96xi32, #tpu.memory_space<hbm>>) dst(%arg10 : memref<96xi32, #tpu.memory_space<vmem>>)
      tpu.yield
    }) : () -> ()
    %add3A_3 = arith.constant 0 : i32
    %add3A_4 = arith.addi %mul3A_2, %add3A_3 : i32
    %dma_start3A = arith.constant 0 : i32
    %dma_start3A_5 = arith.constant 0 : i32
    %dma_start3A_6 = arith.constant 0 : i32
    %dma_start3A_7 = tpu.memref_slice %arg7[%dma_start3A, %dma_start3A_5, %dma_start3A_6] : memref<4x4x4096xf32, #tpu.memory_space<vmem>> -> memref<1x4x4096xf32, #tpu.memory_space<vmem>>
    %dma_start3A_8 = tpu.memref_squeeze %dma_start3A_7 : memref<1x4x4096xf32, #tpu.memory_space<vmem>> -> memref<4x4096xf32, #tpu.memory_space<vmem>>
    %dma_start3A_9 = arith.constant 0 : i32
    %dma_start3A_10 = tpu.memref_slice %arg2[%add3A_4, %dma_start3A_9] : memref<8192x4096xf32, #tpu.memory_space<hbm>> -> memref<4x4096xf32, #tpu.memory_space<hbm>>
    %dma_start3A_11 = arith.constant 0 : i32
    %dma_start3A_12 = arith.constant 0 : i32
    %dma_start3A_13 = tpu.memref_slice %arg7[%dma_start3A, %dma_start3A_11, %dma_start3A_12] : memref<4x4x4096xf32, #tpu.memory_space<vmem>> -> memref<1x4x4096xf32, #tpu.memory_space<vmem>>
    %dma_start3A_14 = tpu.memref_squeeze %dma_start3A_13 : memref<1x4x4096xf32, #tpu.memory_space<vmem>> -> memref<4x4096xf32, #tpu.memory_space<vmem>>
    %dma_start3A_15 = arith.constant 0 : i32
    %dma_start3A_16 = tpu.memref_slice %arg2[%add3A_4, %dma_start3A_15] : memref<8192x4096xf32, #tpu.memory_space<hbm>> -> memref<4x4096xf32, #tpu.memory_space<hbm>>
    tpu.enqueue_dma source(%dma_start3A_16 : memref<4x4096xf32, #tpu.memory_space<hbm>>) target(%dma_start3A_14 : memref<4x4096xf32, #tpu.memory_space<vmem>>) target_semaphore(%arg11 : memref<!tpu.dma_semaphore, #tpu.memory_space<semaphore_mem>>)
    %get3A = arith.constant 0 : index
    %get3A_17 = tpu.vector_load %arg10[%get3A] {strides = array<i32>} : memref<96xi32, #tpu.memory_space<vmem>>, vector<16xi32>,
    %iota3A = tpu.iota {dimensions = array<i32: 0>} : vector<16xi32>
    %eq3A = arith.constant 1 : i32
    %eq3A_18 = vector.broadcast %eq3A : i32 to vector<16xi32>
    %eq3A_19 = arith.cmpi eq, %iota3A, %eq3A_18 : vector<16xi32>
    %jit3A = arith.constant 0 : i32
    %broadcast_in_dim3A = vector.broadcast %jit3A : i32 to vector<16xi32>
    %select_n3A = arith.select %eq3A_19, %get3A_17, %broadcast_in_dim3A : vector<16xi1>, vector<16xi32>
    %reduce_sum3A = arith.constant true
    %reduce_sum3A_20 = vector.broadcast %reduce_sum3A : i1 to vector<16xi1>
    %reduce_sum3A_21 = tpu.scan <sum>, %select_n3A masked %reduce_sum3A_20 : vector<16xi32>, vector<16xi1> -> vector<16xi32>
    %reduce_sum3A_22 = vector.extract %reduce_sum3A_21[15] : i32 from vector<16xi32>
    %sub3A = arith.constant 0 : i32
    %sub3A_23 = arith.subi %reduce_sum3A_22, %sub3A : i32
    %while3A = arith.constant 0 : i32
    %while3A_24 = arith.constant 0 : i32
    %while3A_25 = arith.subi %sub3A_23, %while3A_24 : i32
    %while3A_26 = arith.addi %while3A_24, %while3A_25 : i32
    %while3A_27 = arith.constant 1 : i32
    %while3A_28 = arith.divsi %while3A_25, %while3A_27 : i32
    %while3A_29 = arith.muli %while3A_28, %while3A_27 : i32
    %while3A_30 = arith.addi %while3A_24, %while3A_29 : i32
    %while3A_31 = arith.constant 1 : i32
    scf.for %while3A_90 = %while3A_24 to %while3A_30 step %while3A_31  : i32 {
      %add3A_91 = arith.constant 0 : i32
      %add3A_92 = arith.addi %add3A_91, %while3A_90 : i32
      %jit3A_93 = arith.constant 16 : i32
      %div3A = arith.divsi %add3A_92, %jit3A_93 : i32
      %sign3A = arith.constant 0 : i32
      %sign3A_94 = arith.cmpi sgt, %add3A_92, %sign3A : i32
      %sign3A_95 = arith.extui %sign3A_94 : i1 to i32
      %sign3A_96 = arith.constant 0 : i32
      %sign3A_97 = arith.cmpi slt, %add3A_92, %sign3A_96 : i32
      %sign3A_98 = arith.extui %sign3A_97 : i1 to i32
      %sign3A_99 = arith.subi %sign3A_95, %sign3A_98 : i32
      %sign3A_100 = arith.constant 0 : i32
      %sign3A_101 = arith.cmpi sgt, %jit3A_93, %sign3A_100 : i32
      %sign3A_102 = arith.extui %sign3A_101 : i1 to i32
      %sign3A_103 = arith.constant 0 : i32
      %sign3A_104 = arith.cmpi slt, %jit3A_93, %sign3A_103 : i32
      %sign3A_105 = arith.extui %sign3A_104 : i1 to i32
      %sign3A_106 = arith.subi %sign3A_102, %sign3A_105 : i32
      %ne3A = arith.cmpi ne, %sign3A_99, %sign3A_106 : i32
      %rem3A = arith.remsi %add3A_92, %jit3A_93 : i32
      %ne3A_107 = arith.constant 0 : i32
      %ne3A_108 = arith.cmpi ne, %rem3A, %ne3A_107 : i32
      %and3A = arith.andi %ne3A, %ne3A_108 : i1
      %sub3A_109 = arith.constant 1 : i32
      %sub3A_110 = arith.subi %div3A, %sub3A_109 : i32
      %select_n3A_111 = arith.select %and3A, %sub3A_110, %div3A : i32
      %mul3A_112 = arith.constant 16 : i32
      %mul3A_113 = arith.muli %select_n3A_111, %mul3A_112 : i32
      %get3A_114 = arith.index_cast %mul3A_113 : i32 to index
      %get3A_115 = tpu.vector_load %arg9[%get3A_114] {strides = array<i32>} : memref<128xi32, #tpu.memory_space<vmem>>, vector<16xi32>,
      %iota3A_116 = tpu.iota {dimensions = array<i32: 0>} : vector<16xi32>
      %sub3A_117 = arith.subi %add3A_92, %mul3A_113 : i32
      %eq3A_118 = vector.broadcast %sub3A_117 : i32 to vector<16xi32>
      %eq3A_119 = arith.cmpi eq, %iota3A_116, %eq3A_118 : vector<16xi32>
      %jit3A_120 = arith.constant 0 : i32
      %broadcast_in_dim3A_121 = vector.broadcast %jit3A_120 : i32 to vector<16xi32>
      %select_n3A_122 = arith.select %eq3A_119, %get3A_115, %broadcast_in_dim3A_121 : vector<16xi1>, vector<16xi32>
      %reduce_sum3A_123 = arith.constant true
      %reduce_sum3A_124 = vector.broadcast %reduce_sum3A_123 : i1 to vector<16xi1>
      %reduce_sum3A_125 = tpu.scan <sum>, %select_n3A_122 masked %reduce_sum3A_124 : vector<16xi32>, vector<16xi1> -> vector<16xi32>
      %reduce_sum3A_126 = vector.extract %reduce_sum3A_125[15] : i32 from vector<16xi32>
      %dma_start3A_127 = arith.constant 0 : i32
      %dma_start3A_128 = arith.constant 0 : i32
      %dma_start3A_129 = tpu.memref_slice %arg8[%dma_start3A_127, %while3A_90, %dma_start3A_128] : memref<2x4x4096xf32, #tpu.memory_space<vmem>> -> memref<1x1x4096xf32, #tpu.memory_space<vmem>>
      %dma_start3A_130 = tpu.memref_squeeze %dma_start3A_129 : memref<1x1x4096xf32, #tpu.memory_space<vmem>> -> memref<1x4096xf32, #tpu.memory_space<vmem>>
      %dma_start3A_131 = arith.constant 0 : i32
      %dma_start3A_132 = tpu.memref_slice %arg3[%reduce_sum3A_126, %dma_start3A_131] : memref<8192x4096xf32, #tpu.memory_space<hbm>> -> memref<1x4096xf32, #tpu.memory_space<hbm>>
      %dma_start3A_133 = arith.constant 0 : i32
      %dma_start3A_134 = tpu.memref_slice %arg8[%dma_start3A_127, %while3A_90, %dma_start3A_133] : memref<2x4x4096xf32, #tpu.memory_space<vmem>> -> memref<1x1x4096xf32, #tpu.memory_space<vmem>>
      %dma_start3A_135 = tpu.memref_squeeze %dma_start3A_134 : memref<1x1x4096xf32, #tpu.memory_space<vmem>> -> memref<1x4096xf32, #tpu.memory_space<vmem>>
      %dma_start3A_136 = arith.constant 0 : i32
      %dma_start3A_137 = tpu.memref_slice %arg3[%reduce_sum3A_126, %dma_start3A_136] : memref<8192x4096xf32, #tpu.memory_space<hbm>> -> memref<1x4096xf32, #tpu.memory_space<hbm>>
      tpu.enqueue_dma source(%dma_start3A_137 : memref<1x4096xf32, #tpu.memory_space<hbm>>) target(%dma_start3A_135 : memref<1x4096xf32, #tpu.memory_space<vmem>>) target_semaphore(%arg19 : memref<!tpu.dma_semaphore, #tpu.memory_space<semaphore_mem>>)
    }
    %while3A_32 = arith.constant 1 : i32
    scf.for %while3A_90 = %while3A_30 to %while3A_26 step %while3A_32  : i32 {
      %add3A_91 = arith.constant 0 : i32
      %add3A_92 = arith.addi %add3A_91, %while3A_90 : i32
      %jit3A_93 = arith.constant 16 : i32
      %div3A = arith.divsi %add3A_92, %jit3A_93 : i32
      %sign3A = arith.constant 0 : i32
      %sign3A_94 = arith.cmpi sgt, %add3A_92, %sign3A : i32
      %sign3A_95 = arith.extui %sign3A_94 : i1 to i32
      %sign3A_96 = arith.constant 0 : i32
      %sign3A_97 = arith.cmpi slt, %add3A_92, %sign3A_96 : i32
      %sign3A_98 = arith.extui %sign3A_97 : i1 to i32
      %sign3A_99 = arith.subi %sign3A_95, %sign3A_98 : i32
      %sign3A_100 = arith.constant 0 : i32
      %sign3A_101 = arith.cmpi sgt, %jit3A_93, %sign3A_100 : i32
      %sign3A_102 = arith.extui %sign3A_101 : i1 to i32
      %sign3A_103 = arith.constant 0 : i32
      %sign3A_104 = arith.cmpi slt, %jit3A_93, %sign3A_103 : i32
      %sign3A_105 = arith.extui %sign3A_104 : i1 to i32
      %sign3A_106 = arith.subi %sign3A_102, %sign3A_105 : i32
      %ne3A = arith.cmpi ne, %sign3A_99, %sign3A_106 : i32
      %rem3A = arith.remsi %add3A_92, %jit3A_93 : i32
      %ne3A_107 = arith.constant 0 : i32
      %ne3A_108 = arith.cmpi ne, %rem3A, %ne3A_107 : i32
      %and3A = arith.andi %ne3A, %ne3A_108 : i1
      %sub3A_109 = arith.constant 1 : i32
      %sub3A_110 = arith.subi %div3A, %sub3A_109 : i32
      %select_n3A_111 = arith.select %and3A, %sub3A_110, %div3A : i32
      %mul3A_112 = arith.constant 16 : i32
      %mul3A_113 = arith.muli %select_n3A_111, %mul3A_112 : i32
      %get3A_114 = arith.index_cast %mul3A_113 : i32 to index
      %get3A_115 = tpu.vector_load %arg9[%get3A_114] {strides = array<i32>} : memref<128xi32, #tpu.memory_space<vmem>>, vector<16xi32>,
      %iota3A_116 = tpu.iota {dimensions = array<i32: 0>} : vector<16xi32>
      %sub3A_117 = arith.subi %add3A_92, %mul3A_113 : i32
      %eq3A_118 = vector.broadcast %sub3A_117 : i32 to vector<16xi32>
      %eq3A_119 = arith.cmpi eq, %iota3A_116, %eq3A_118 : vector<16xi32>
      %jit3A_120 = arith.constant 0 : i32
      %broadcast_in_dim3A_121 = vector.broadcast %jit3A_120 : i32 to vector<16xi32>
      %select_n3A_122 = arith.select %eq3A_119, %get3A_115, %broadcast_in_dim3A_121 : vector<16xi1>, vector<16xi32>
      %reduce_sum3A_123 = arith.constant true
      %reduce_sum3A_124 = vector.broadcast %reduce_sum3A_123 : i1 to vector<16xi1>
      %reduce_sum3A_125 = tpu.scan <sum>, %select_n3A_122 masked %reduce_sum3A_124 : vector<16xi32>, vector<16xi1> -> vector<16xi32>
      %reduce_sum3A_126 = vector.extract %reduce_sum3A_125[15] : i32 from vector<16xi32>
      %dma_start3A_127 = arith.constant 0 : i32
      %dma_start3A_128 = arith.constant 0 : i32
      %dma_start3A_129 = tpu.memref_slice %arg8[%dma_start3A_127, %while3A_90, %dma_start3A_128] : memref<2x4x4096xf32, #tpu.memory_space<vmem>> -> memref<1x1x4096xf32, #tpu.memory_space<vmem>>
      %dma_start3A_130 = tpu.memref_squeeze %dma_start3A_129 : memref<1x1x4096xf32, #tpu.memory_space<vmem>> -> memref<1x4096xf32, #tpu.memory_space<vmem>>
      %dma_start3A_131 = arith.constant 0 : i32
      %dma_start3A_132 = tpu.memref_slice %arg3[%reduce_sum3A_126, %dma_start3A_131] : memref<8192x4096xf32, #tpu.memory_space<hbm>> -> memref<1x4096xf32, #tpu.memory_space<hbm>>
      %dma_start3A_133 = arith.constant 0 : i32
      %dma_start3A_134 = tpu.memref_slice %arg8[%dma_start3A_127, %while3A_90, %dma_start3A_133] : memref<2x4x4096xf32, #tpu.memory_space<vmem>> -> memref<1x1x4096xf32, #tpu.memory_space<vmem>>
      %dma_start3A_135 = tpu.memref_squeeze %dma_start3A_134 : memref<1x1x4096xf32, #tpu.memory_space<vmem>> -> memref<1x4096xf32, #tpu.memory_space<vmem>>
      %dma_start3A_136 = arith.constant 0 : i32
      %dma_start3A_137 = tpu.memref_slice %arg3[%reduce_sum3A_126, %dma_start3A_136] : memref<8192x4096xf32, #tpu.memory_space<hbm>> -> memref<1x4096xf32, #tpu.memory_space<hbm>>
      tpu.enqueue_dma source(%dma_start3A_137 : memref<1x4096xf32, #tpu.memory_space<hbm>>) target(%dma_start3A_135 : memref<1x4096xf32, #tpu.memory_space<vmem>>) target_semaphore(%arg19 : memref<!tpu.dma_semaphore, #tpu.memory_space<semaphore_mem>>)
    }
    %scan3A = arith.constant 0 : i32
    %scan3A_33 = arith.constant 0 : i32
    %scan3A_34 = arith.constant 8 : i32
    %scan3A_35 = arith.addi %scan3A_33, %scan3A_34 : i32
    %scan3A_36 = arith.constant 1 : i32
    %scan3A_37:2 = scf.for %scan3A_90 = %scan3A_33 to %scan3A_35 step %scan3A_36 iter_args(%scan3A_91 = %scan3A, %scan3A_92 = %reduce_sum3A_22) -> (i32, i32)  : i32 {
      %mul3A_93 = arith.constant 4 : i32
      %mul3A_94 = arith.muli %scan3A_90, %mul3A_93 : i32
      %add3A_95 = arith.constant 0 : i32
      %add3A_96 = arith.addi %mul3A_94, %add3A_95 : i32
      %sub3A_97 = arith.subi %scan3A_92, %scan3A_91 : i32
      %dma_wait3A_98 = arith.constant 0 : i32
      %dma_wait3A_99 = arith.constant 0 : i32
      %dma_wait3A_100 = arith.constant 0 : i32
      %dma_wait3A_101 = tpu.memref_slice %arg7[%dma_wait3A_98, %dma_wait3A_99, %dma_wait3A_100] : memref<4x4x4096xf32, #tpu.memory_space<vmem>> -> memref<1x4x4096xf32, #tpu.memory_space<vmem>>
      %dma_wait3A_102 = tpu.memref_squeeze %dma_wait3A_101 : memref<1x4x4096xf32, #tpu.memory_space<vmem>> -> memref<4x4096xf32, #tpu.memory_space<vmem>>
      %dma_wait3A_103 = arith.constant 0 : i32
      %dma_wait3A_104 = tpu.memref_slice %arg2[%mul3A_2, %dma_wait3A_103] : memref<8192x4096xf32, #tpu.memory_space<hbm>> -> memref<4x4096xf32, #tpu.memory_space<hbm>>
      %dma_wait3A_105 = arith.constant 0 : i32
      %dma_wait3A_106 = arith.constant 0 : i32
      %dma_wait3A_107 = tpu.memref_slice %arg7[%dma_wait3A_98, %dma_wait3A_105, %dma_wait3A_106] : memref<4x4x4096xf32, #tpu.memory_space<vmem>> -> memref<1x4x4096xf32, #tpu.memory_space<vmem>>
      %dma_wait3A_108 = tpu.memref_squeeze %dma_wait3A_107 : memref<1x4x4096xf32, #tpu.memory_space<vmem>> -> memref<4x4096xf32, #tpu.memory_space<vmem>>
      %dma_wait3A_109 = arith.constant 0 : i32
      %dma_wait3A_110 = tpu.memref_slice %arg2[%mul3A_2, %dma_wait3A_109] : memref<8192x4096xf32, #tpu.memory_space<hbm>> -> memref<4x4096xf32, #tpu.memory_space<hbm>>
      tpu.wait_dma2 semaphore(%arg11 : memref<!tpu.dma_semaphore, #tpu.memory_space<semaphore_mem>>) src(%dma_wait3A_110 : memref<4x4096xf32, #tpu.memory_space<hbm>>) dst(%dma_wait3A_108 : memref<4x4096xf32, #tpu.memory_space<vmem>>)
      %add3A_111 = arith.constant 1 : i32
      %add3A_112 = arith.addi %add3A_96, %add3A_111 : i32
      %lt3A = arith.constant 32 : i32
      %lt3A_113 = arith.cmpi slt, %add3A_112, %lt3A : i32
      %convert_element_type3A = arith.extui %lt3A_113 : i1 to i32
      %cond3A = arith.constant 0 : i32
      %cond3A_114 = arith.cmpi ne, %convert_element_type3A, %cond3A : i32
      scf.if %cond3A_114 {
        %ge3A = arith.constant 3 : i32
        %ge3A_537 = arith.cmpi sge, %add3A_96, %ge3A : i32
        %convert_element_type3A_538 = arith.extui %ge3A_537 : i1 to i32
        %cond3A_539 = arith.constant 0 : i32
        %cond3A_540 = arith.cmpi ne, %convert_element_type3A_538, %cond3A_539 : i32
        scf.if %cond3A_540 {
          %dma_wait3A_559 = arith.constant 1 : i32
          %dma_wait3A_560 = arith.constant 0 : i32
          %dma_wait3A_561 = arith.constant 0 : i32
          %dma_wait3A_562 = tpu.memref_slice %arg7[%dma_wait3A_559, %dma_wait3A_560, %dma_wait3A_561] : memref<4x4x4096xf32, #tpu.memory_space<vmem>> -> memref<1x4x4096xf32, #tpu.memory_space<vmem>>
          %dma_wait3A_563 = tpu.memref_squeeze %dma_wait3A_562 : memref<1x4x4096xf32, #tpu.memory_space<vmem>> -> memref<4x4096xf32, #tpu.memory_space<vmem>>
          %dma_wait3A_564 = arith.constant 0 : i32
          %dma_wait3A_565 = tpu.memref_slice %arg6[%mul3A_2, %dma_wait3A_564] : memref<4096x4096xf32, #tpu.memory_space<hbm>> -> memref<4x4096xf32, #tpu.memory_space<hbm>>
          %dma_wait3A_566 = arith.constant 0 : i32
          %dma_wait3A_567 = tpu.memref_slice %arg6[%mul3A_2, %dma_wait3A_566] : memref<4096x4096xf32, #tpu.memory_space<hbm>> -> memref<4x4096xf32, #tpu.memory_space<hbm>>
          %dma_wait3A_568 = arith.constant 0 : i32
          %dma_wait3A_569 = arith.constant 0 : i32
          %dma_wait3A_570 = tpu.memref_slice %arg7[%dma_wait3A_559, %dma_wait3A_568, %dma_wait3A_569] : memref<4x4x4096xf32, #tpu.memory_space<vmem>> -> memref<1x4x4096xf32, #tpu.memory_space<vmem>>
          %dma_wait3A_571 = tpu.memref_squeeze %dma_wait3A_570 : memref<1x4x4096xf32, #tpu.memory_space<vmem>> -> memref<4x4096xf32, #tpu.memory_space<vmem>>
          tpu.wait_dma2 semaphore(%arg16 : memref<!tpu.dma_semaphore, #tpu.memory_space<semaphore_mem>>) src(%dma_wait3A_571 : memref<4x4096xf32, #tpu.memory_space<vmem>>) dst(%dma_wait3A_567 : memref<4x4096xf32, #tpu.memory_space<hbm>>)
        } else {
        }
        %add3A_541 = arith.constant 1 : i32
        %add3A_542 = arith.addi %add3A_96, %add3A_541 : i32
        %mul3A_543 = arith.constant 4 : i32
        %mul3A_544 = arith.muli %add3A_542, %mul3A_543 : i32
        %add3A_545 = arith.addi %mul3A_2, %mul3A_544 : i32
        %dma_start3A_546 = arith.constant 1 : i32
        %dma_start3A_547 = arith.constant 0 : i32
        %dma_start3A_548 = arith.constant 0 : i32
        %dma_start3A_549 = tpu.memref_slice %arg7[%dma_start3A_546, %dma_start3A_547, %dma_start3A_548] : memref<4x4x4096xf32, #tpu.memory_space<vmem>> -> memref<1x4x4096xf32, #tpu.memory_space<vmem>>
        %dma_start3A_550 = tpu.memref_squeeze %dma_start3A_549 : memref<1x4x4096xf32, #tpu.memory_space<vmem>> -> memref<4x4096xf32, #tpu.memory_space<vmem>>
        %dma_start3A_551 = arith.constant 0 : i32
        %dma_start3A_552 = tpu.memref_slice %arg2[%add3A_545, %dma_start3A_551] : memref<8192x4096xf32, #tpu.memory_space<hbm>> -> memref<4x4096xf32, #tpu.memory_space<hbm>>
        %dma_start3A_553 = arith.constant 0 : i32
        %dma_start3A_554 = arith.constant 0 : i32
        %dma_start3A_555 = tpu.memref_slice %arg7[%dma_start3A_546, %dma_start3A_553, %dma_start3A_554] : memref<4x4x4096xf32, #tpu.memory_space<vmem>> -> memref<1x4x4096xf32, #tpu.memory_space<vmem>>
        %dma_start3A_556 = tpu.memref_squeeze %dma_start3A_555 : memref<1x4x4096xf32, #tpu.memory_space<vmem>> -> memref<4x4096xf32, #tpu.memory_space<vmem>>
        %dma_start3A_557 = arith.constant 0 : i32
        %dma_start3A_558 = tpu.memref_slice %arg2[%add3A_545, %dma_start3A_557] : memref<8192x4096xf32, #tpu.memory_space<hbm>> -> memref<4x4096xf32, #tpu.memory_space<hbm>>
        tpu.enqueue_dma source(%dma_start3A_558 : memref<4x4096xf32, #tpu.memory_space<hbm>>) target(%dma_start3A_556 : memref<4x4096xf32, #tpu.memory_space<vmem>>) target_semaphore(%arg12 : memref<!tpu.dma_semaphore, #tpu.memory_space<semaphore_mem>>)
      } else {
      }
      %while3A_115 = arith.constant 0 : i32
      %while3A_116 = arith.constant 0 : i32
      %while3A_117 = arith.subi %sub3A_97, %while3A_116 : i32
      %while3A_118 = arith.addi %while3A_116, %while3A_117 : i32
      %while3A_119 = arith.constant 1 : i32
      %while3A_120 = arith.divsi %while3A_117, %while3A_119 : i32
      %while3A_121 = arith.muli %while3A_120, %while3A_119 : i32
      %while3A_122 = arith.addi %while3A_116, %while3A_121 : i32
      %while3A_123 = arith.constant 1 : i32
      scf.for %while3A_537 = %while3A_116 to %while3A_122 step %while3A_123  : i32 {
        %dma_wait3A_538 = arith.constant 0 : i32
        %dma_wait3A_539 = arith.constant 0 : i32
        %dma_wait3A_540 = arith.constant 0 : i32
        %dma_wait3A_541 = tpu.memref_slice %arg8[%dma_wait3A_538, %dma_wait3A_539, %dma_wait3A_540] : memref<2x4x4096xf32, #tpu.memory_space<vmem>> -> memref<1x1x4096xf32, #tpu.memory_space<vmem>>
        %dma_wait3A_542 = tpu.memref_squeeze %dma_wait3A_541 : memref<1x1x4096xf32, #tpu.memory_space<vmem>> -> memref<1x4096xf32, #tpu.memory_space<vmem>>
        %dma_wait3A_543 = arith.constant 0 : i32
        %dma_wait3A_544 = tpu.memref_slice %arg3[%mul3A_2, %dma_wait3A_543] : memref<8192x4096xf32, #tpu.memory_space<hbm>> -> memref<1x4096xf32, #tpu.memory_space<hbm>>
        %dma_wait3A_545 = arith.constant 0 : i32
        %dma_wait3A_546 = arith.constant 0 : i32
        %dma_wait3A_547 = tpu.memref_slice %arg8[%dma_wait3A_538, %dma_wait3A_545, %dma_wait3A_546] : memref<2x4x4096xf32, #tpu.memory_space<vmem>> -> memref<1x1x4096xf32, #tpu.memory_space<vmem>>
        %dma_wait3A_548 = tpu.memref_squeeze %dma_wait3A_547 : memref<1x1x4096xf32, #tpu.memory_space<vmem>> -> memref<1x4096xf32, #tpu.memory_space<vmem>>
        %dma_wait3A_549 = arith.constant 0 : i32
        %dma_wait3A_550 = tpu.memref_slice %arg3[%mul3A_2, %dma_wait3A_549] : memref<8192x4096xf32, #tpu.memory_space<hbm>> -> memref<1x4096xf32, #tpu.memory_space<hbm>>
        tpu.wait_dma2 semaphore(%arg19 : memref<!tpu.dma_semaphore, #tpu.memory_space<semaphore_mem>>) src(%dma_wait3A_550 : memref<1x4096xf32, #tpu.memory_space<hbm>>) dst(%dma_wait3A_548 : memref<1x4096xf32, #tpu.memory_space<vmem>>)
      }
      %while3A_124 = arith.constant 1 : i32
      scf.for %while3A_537 = %while3A_122 to %while3A_118 step %while3A_124  : i32 {
        %dma_wait3A_538 = arith.constant 0 : i32
        %dma_wait3A_539 = arith.constant 0 : i32
        %dma_wait3A_540 = arith.constant 0 : i32
        %dma_wait3A_541 = tpu.memref_slice %arg8[%dma_wait3A_538, %dma_wait3A_539, %dma_wait3A_540] : memref<2x4x4096xf32, #tpu.memory_space<vmem>> -> memref<1x1x4096xf32, #tpu.memory_space<vmem>>
        %dma_wait3A_542 = tpu.memref_squeeze %dma_wait3A_541 : memref<1x1x4096xf32, #tpu.memory_space<vmem>> -> memref<1x4096xf32, #tpu.memory_space<vmem>>
        %dma_wait3A_543 = arith.constant 0 : i32
        %dma_wait3A_544 = tpu.memref_slice %arg3[%mul3A_2, %dma_wait3A_543] : memref<8192x4096xf32, #tpu.memory_space<hbm>> -> memref<1x4096xf32, #tpu.memory_space<hbm>>
        %dma_wait3A_545 = arith.constant 0 : i32
        %dma_wait3A_546 = arith.constant 0 : i32
        %dma_wait3A_547 = tpu.memref_slice %arg8[%dma_wait3A_538, %dma_wait3A_545, %dma_wait3A_546] : memref<2x4x4096xf32, #tpu.memory_space<vmem>> -> memref<1x1x4096xf32, #tpu.memory_space<vmem>>
        %dma_wait3A_548 = tpu.memref_squeeze %dma_wait3A_547 : memref<1x1x4096xf32, #tpu.memory_space<vmem>> -> memref<1x4096xf32, #tpu.memory_space<vmem>>
        %dma_wait3A_549 = arith.constant 0 : i32
        %dma_wait3A_550 = tpu.memref_slice %arg3[%mul3A_2, %dma_wait3A_549] : memref<8192x4096xf32, #tpu.memory_space<hbm>> -> memref<1x4096xf32, #tpu.memory_space<hbm>>
        tpu.wait_dma2 semaphore(%arg19 : memref<!tpu.dma_semaphore, #tpu.memory_space<semaphore_mem>>) src(%dma_wait3A_550 : memref<1x4096xf32, #tpu.memory_space<hbm>>) dst(%dma_wait3A_548 : memref<1x4096xf32, #tpu.memory_space<vmem>>)
      }
      %while3A_125 = arith.constant 0 : i32
      %while3A_126 = arith.constant 0 : i32
      %while3A_127 = arith.subi %sub3A_97, %while3A_126 : i32
      %while3A_128 = arith.addi %while3A_126, %while3A_127 : i32
      %while3A_129 = arith.constant 1 : i32
      %while3A_130 = arith.divsi %while3A_127, %while3A_129 : i32
      %while3A_131 = arith.muli %while3A_130, %while3A_129 : i32
      %while3A_132 = arith.addi %while3A_126, %while3A_131 : i32
      %while3A_133 = arith.constant 1 : i32
      scf.for %while3A_537 = %while3A_126 to %while3A_132 step %while3A_133  : i32 {
        %add3A_538 = arith.addi %scan3A_91, %while3A_537 : i32
        %jit3A_539 = arith.constant 16 : i32
        %div3A_540 = arith.divsi %add3A_538, %jit3A_539 : i32
        %sign3A_541 = arith.constant 0 : i32
        %sign3A_542 = arith.cmpi sgt, %add3A_538, %sign3A_541 : i32
        %sign3A_543 = arith.extui %sign3A_542 : i1 to i32
        %sign3A_544 = arith.constant 0 : i32
        %sign3A_545 = arith.cmpi slt, %add3A_538, %sign3A_544 : i32
        %sign3A_546 = arith.extui %sign3A_545 : i1 to i32
        %sign3A_547 = arith.subi %sign3A_543, %sign3A_546 : i32
        %sign3A_548 = arith.constant 0 : i32
        %sign3A_549 = arith.cmpi sgt, %jit3A_539, %sign3A_548 : i32
        %sign3A_550 = arith.extui %sign3A_549 : i1 to i32
        %sign3A_551 = arith.constant 0 : i32
        %sign3A_552 = arith.cmpi slt, %jit3A_539, %sign3A_551 : i32
        %sign3A_553 = arith.extui %sign3A_552 : i1 to i32
        %sign3A_554 = arith.subi %sign3A_550, %sign3A_553 : i32
        %ne3A_555 = arith.cmpi ne, %sign3A_547, %sign3A_554 : i32
        %rem3A_556 = arith.remsi %add3A_538, %jit3A_539 : i32
        %ne3A_557 = arith.constant 0 : i32
        %ne3A_558 = arith.cmpi ne, %rem3A_556, %ne3A_557 : i32
        %and3A_559 = arith.andi %ne3A_555, %ne3A_558 : i1
        %sub3A_560 = arith.constant 1 : i32
        %sub3A_561 = arith.subi %div3A_540, %sub3A_560 : i32
        %select_n3A_562 = arith.select %and3A_559, %sub3A_561, %div3A_540 : i32
        %mul3A_563 = arith.constant 16 : i32
        %mul3A_564 = arith.muli %select_n3A_562, %mul3A_563 : i32
        %get3A_565 = arith.index_cast %mul3A_564 : i32 to index
        %get3A_566 = tpu.vector_load %arg9[%get3A_565] {strides = array<i32>} : memref<128xi32, #tpu.memory_space<vmem>>, vector<16xi32>,
        %iota3A_567 = tpu.iota {dimensions = array<i32: 0>} : vector<16xi32>
        %sub3A_568 = arith.subi %add3A_538, %mul3A_564 : i32
        %eq3A_569 = vector.broadcast %sub3A_568 : i32 to vector<16xi32>
        %eq3A_570 = arith.cmpi eq, %iota3A_567, %eq3A_569 : vector<16xi32>
        %jit3A_571 = arith.constant 0 : i32
        %broadcast_in_dim3A_572 = vector.broadcast %jit3A_571 : i32 to vector<16xi32>
        %select_n3A_573 = arith.select %eq3A_570, %get3A_566, %broadcast_in_dim3A_572 : vector<16xi1>, vector<16xi32>
        %reduce_sum3A_574 = arith.constant true
        %reduce_sum3A_575 = vector.broadcast %reduce_sum3A_574 : i1 to vector<16xi1>
        %reduce_sum3A_576 = tpu.scan <sum>, %select_n3A_573 masked %reduce_sum3A_575 : vector<16xi32>, vector<16xi1> -> vector<16xi32>
        %reduce_sum3A_577 = vector.extract %reduce_sum3A_576[15] : i32 from vector<16xi32>
        %mul3A_578 = arith.constant 4 : i32
        %mul3A_579 = arith.muli %add3A_96, %mul3A_578 : i32
        %add3A_580 = arith.addi %mul3A_2, %mul3A_579 : i32
        %sub3A_581 = arith.subi %reduce_sum3A_577, %add3A_580 : i32
        %scan3A_582 = arith.constant 0 : i32
        %scan3A_583 = arith.constant 0 : i32
        %scan3A_584 = arith.constant 256 : i32
        %scan3A_585 = arith.addi %scan3A_583, %scan3A_584 : i32
        %scan3A_586 = arith.constant 16 : i32
        scf.for %scan3A_588 = %scan3A_583 to %scan3A_585 step %scan3A_586  : i32 {
          %mul3A_589 = arith.constant 16 : i32
          %mul3A_590 = arith.muli %scan3A_588, %mul3A_589 : i32
          %get3A_591 = arith.constant 0 : i32
          %get3A_592 = arith.index_cast %get3A_591 : i32 to index
          %get3A_593 = arith.index_cast %while3A_537 : i32 to index
          %get3A_594 = arith.index_cast %mul3A_590 : i32 to index
          %get3A_595 = tpu.vector_load %arg8[%get3A_592, %get3A_593, %get3A_594] {strides = array<i32>} : memref<2x4x4096xf32, #tpu.memory_space<vmem>>, vector<16xf32>,
          %swap3A = arith.constant 0 : i32
          %swap3A_596 = arith.index_cast %swap3A : i32 to index
          %swap3A_597 = arith.index_cast %sub3A_581 : i32 to index
          %swap3A_598 = arith.index_cast %mul3A_590 : i32 to index
          %swap3A_599 = tpu.vector_load %arg7[%swap3A_596, %swap3A_597, %swap3A_598] {strides = array<i32>} : memref<4x4x4096xf32, #tpu.memory_space<vmem>>, vector<16xf32>,
          tpu.vector_store %arg7[%swap3A_596, %swap3A_597, %swap3A_598], %get3A_595 {add = true, strides = array<i32>} : memref<4x4x4096xf32, #tpu.memory_space<vmem>>, vector<16xf32>,
          %scan3A_600 = arith.constant 1 : i32
          %scan3A_601 = arith.addi %scan3A_588, %scan3A_600 : i32
          %mul3A_602 = arith.constant 16 : i32
          %mul3A_603 = arith.muli %scan3A_601, %mul3A_602 : i32
          %get3A_604 = arith.constant 0 : i32
          %get3A_605 = arith.index_cast %get3A_604 : i32 to index
          %get3A_606 = arith.index_cast %while3A_537 : i32 to index
          %get3A_607 = arith.index_cast %mul3A_603 : i32 to index
          %get3A_608 = tpu.vector_load %arg8[%get3A_605, %get3A_606, %get3A_607] {strides = array<i32>} : memref<2x4x4096xf32, #tpu.memory_space<vmem>>, vector<16xf32>,
          %swap3A_609 = arith.constant 0 : i32
          %swap3A_610 = arith.index_cast %swap3A_609 : i32 to index
          %swap3A_611 = arith.index_cast %sub3A_581 : i32 to index
          %swap3A_612 = arith.index_cast %mul3A_603 : i32 to index
          %swap3A_613 = tpu.vector_load %arg7[%swap3A_610, %swap3A_611, %swap3A_612] {strides = array<i32>} : memref<4x4x4096xf32, #tpu.memory_space<vmem>>, vector<16xf32>,
          tpu.vector_store %arg7[%swap3A_610, %swap3A_611, %swap3A_612], %get3A_608 {add = true, strides = array<i32>} : memref<4x4x4096xf32, #tpu.memory_space<vmem>>, vector<16xf32>,
          %scan3A_614 = arith.constant 2 : i32
          %scan3A_615 = arith.addi %scan3A_588, %scan3A_614 : i32
          %mul3A_616 = arith.constant 16 : i32
          %mul3A_617 = arith.muli %scan3A_615, %mul3A_616 : i32
          %get3A_618 = arith.constant 0 : i32
          %get3A_619 = arith.index_cast %get3A_618 : i32 to index
          %get3A_620 = arith.index_cast %while3A_537 : i32 to index
          %get3A_621 = arith.index_cast %mul3A_617 : i32 to index
          %get3A_622 = tpu.vector_load %arg8[%get3A_619, %get3A_620, %get3A_621] {strides = array<i32>} : memref<2x4x4096xf32, #tpu.memory_space<vmem>>, vector<16xf32>,
          %swap3A_623 = arith.constant 0 : i32
          %swap3A_624 = arith.index_cast %swap3A_623 : i32 to index
          %swap3A_625 = arith.index_cast %sub3A_581 : i32 to index
          %swap3A_626 = arith.index_cast %mul3A_617 : i32 to index
          %swap3A_627 = tpu.vector_load %arg7[%swap3A_624, %swap3A_625, %swap3A_626] {strides = array<i32>} : memref<4x4x4096xf32, #tpu.memory_space<vmem>>, vector<16xf32>,
          tpu.vector_store %arg7[%swap3A_624, %swap3A_625, %swap3A_626], %get3A_622 {add = true, strides = array<i32>} : memref<4x4x4096xf32, #tpu.memory_space<vmem>>, vector<16xf32>,
          %scan3A_628 = arith.constant 3 : i32
          %scan3A_629 = arith.addi %scan3A_588, %scan3A_628 : i32
          %mul3A_630 = arith.constant 16 : i32
          %mul3A_631 = arith.muli %scan3A_629, %mul3A_630 : i32
          %get3A_632 = arith.constant 0 : i32
          %get3A_633 = arith.index_cast %get3A_632 : i32 to index
          %get3A_634 = arith.index_cast %while3A_537 : i32 to index
          %get3A_635 = arith.index_cast %mul3A_631 : i32 to index
          %get3A_636 = tpu.vector_load %arg8[%get3A_633, %get3A_634, %get3A_635] {strides = array<i32>} : memref<2x4x4096xf32, #tpu.memory_space<vmem>>, vector<16xf32>,
          %swap3A_637 = arith.constant 0 : i32
          %swap3A_638 = arith.index_cast %swap3A_637 : i32 to index
          %swap3A_639 = arith.index_cast %sub3A_581 : i32 to index
          %swap3A_640 = arith.index_cast %mul3A_631 : i32 to index
          %swap3A_641 = tpu.vector_load %arg7[%swap3A_638, %swap3A_639, %swap3A_640] {strides = array<i32>} : memref<4x4x4096xf32, #tpu.memory_space<vmem>>, vector<16xf32>,
          tpu.vector_store %arg7[%swap3A_638, %swap3A_639, %swap3A_640], %get3A_636 {add = true, strides = array<i32>} : memref<4x4x4096xf32, #tpu.memory_space<vmem>>, vector<16xf32>,
          %scan3A_642 = arith.constant 4 : i32
          %scan3A_643 = arith.addi %scan3A_588, %scan3A_642 : i32
          %mul3A_644 = arith.constant 16 : i32
          %mul3A_645 = arith.muli %scan3A_643, %mul3A_644 : i32
          %get3A_646 = arith.constant 0 : i32
          %get3A_647 = arith.index_cast %get3A_646 : i32 to index
          %get3A_648 = arith.index_cast %while3A_537 : i32 to index
          %get3A_649 = arith.index_cast %mul3A_645 : i32 to index
          %get3A_650 = tpu.vector_load %arg8[%get3A_647, %get3A_648, %get3A_649] {strides = array<i32>} : memref<2x4x4096xf32, #tpu.memory_space<vmem>>, vector<16xf32>,
          %swap3A_651 = arith.constant 0 : i32
          %swap3A_652 = arith.index_cast %swap3A_651 : i32 to index
          %swap3A_653 = arith.index_cast %sub3A_581 : i32 to index
          %swap3A_654 = arith.index_cast %mul3A_645 : i32 to index
          %swap3A_655 = tpu.vector_load %arg7[%swap3A_652, %swap3A_653, %swap3A_654] {strides = array<i32>} : memref<4x4x4096xf32, #tpu.memory_space<vmem>>, vector<16xf32>,
          tpu.vector_store %arg7[%swap3A_652, %swap3A_653, %swap3A_654], %get3A_650 {add = true, strides = array<i32>} : memref<4x4x4096xf32, #tpu.memory_space<vmem>>, vector<16xf32>,
          %scan3A_656 = arith.constant 5 : i32
          %scan3A_657 = arith.addi %scan3A_588, %scan3A_656 : i32
          %mul3A_658 = arith.constant 16 : i32
          %mul3A_659 = arith.muli %scan3A_657, %mul3A_658 : i32
          %get3A_660 = arith.constant 0 : i32
          %get3A_661 = arith.index_cast %get3A_660 : i32 to index
          %get3A_662 = arith.index_cast %while3A_537 : i32 to index
          %get3A_663 = arith.index_cast %mul3A_659 : i32 to index
          %get3A_664 = tpu.vector_load %arg8[%get3A_661, %get3A_662, %get3A_663] {strides = array<i32>} : memref<2x4x4096xf32, #tpu.memory_space<vmem>>, vector<16xf32>,
          %swap3A_665 = arith.constant 0 : i32
          %swap3A_666 = arith.index_cast %swap3A_665 : i32 to index
          %swap3A_667 = arith.index_cast %sub3A_581 : i32 to index
          %swap3A_668 = arith.index_cast %mul3A_659 : i32 to index
          %swap3A_669 = tpu.vector_load %arg7[%swap3A_666, %swap3A_667, %swap3A_668] {strides = array<i32>} : memref<4x4x4096xf32, #tpu.memory_space<vmem>>, vector<16xf32>,
          tpu.vector_store %arg7[%swap3A_666, %swap3A_667, %swap3A_668], %get3A_664 {add = true, strides = array<i32>} : memref<4x4x4096xf32, #tpu.memory_space<vmem>>, vector<16xf32>,
          %scan3A_670 = arith.constant 6 : i32
          %scan3A_671 = arith.addi %scan3A_588, %scan3A_670 : i32
          %mul3A_672 = arith.constant 16 : i32
          %mul3A_673 = arith.muli %scan3A_671, %mul3A_672 : i32
          %get3A_674 = arith.constant 0 : i32
          %get3A_675 = arith.index_cast %get3A_674 : i32 to index
          %get3A_676 = arith.index_cast %while3A_537 : i32 to index
          %get3A_677 = arith.index_cast %mul3A_673 : i32 to index
          %get3A_678 = tpu.vector_load %arg8[%get3A_675, %get3A_676, %get3A_677] {strides = array<i32>} : memref<2x4x4096xf32, #tpu.memory_space<vmem>>, vector<16xf32>,
          %swap3A_679 = arith.constant 0 : i32
          %swap3A_680 = arith.index_cast %swap3A_679 : i32 to index
          %swap3A_681 = arith.index_cast %sub3A_581 : i32 to index
          %swap3A_682 = arith.index_cast %mul3A_673 : i32 to index
          %swap3A_683 = tpu.vector_load %arg7[%swap3A_680, %swap3A_681, %swap3A_682] {strides = array<i32>} : memref<4x4x4096xf32, #tpu.memory_space<vmem>>, vector<16xf32>,
          tpu.vector_store %arg7[%swap3A_680, %swap3A_681, %swap3A_682], %get3A_678 {add = true, strides = array<i32>} : memref<4x4x4096xf32, #tpu.memory_space<vmem>>, vector<16xf32>,
          %scan3A_684 = arith.constant 7 : i32
          %scan3A_685 = arith.addi %scan3A_588, %scan3A_684 : i32
          %mul3A_686 = arith.constant 16 : i32
          %mul3A_687 = arith.muli %scan3A_685, %mul3A_686 : i32
          %get3A_688 = arith.constant 0 : i32
          %get3A_689 = arith.index_cast %get3A_688 : i32 to index
          %get3A_690 = arith.index_cast %while3A_537 : i32 to index
          %get3A_691 = arith.index_cast %mul3A_687 : i32 to index
          %get3A_692 = tpu.vector_load %arg8[%get3A_689, %get3A_690, %get3A_691] {strides = array<i32>} : memref<2x4x4096xf32, #tpu.memory_space<vmem>>, vector<16xf32>,
          %swap3A_693 = arith.constant 0 : i32
          %swap3A_694 = arith.index_cast %swap3A_693 : i32 to index
          %swap3A_695 = arith.index_cast %sub3A_581 : i32 to index
          %swap3A_696 = arith.index_cast %mul3A_687 : i32 to index
          %swap3A_697 = tpu.vector_load %arg7[%swap3A_694, %swap3A_695, %swap3A_696] {strides = array<i32>} : memref<4x4x4096xf32, #tpu.memory_space<vmem>>, vector<16xf32>,
          tpu.vector_store %arg7[%swap3A_694, %swap3A_695, %swap3A_696], %get3A_692 {add = true, strides = array<i32>} : memref<4x4x4096xf32, #tpu.memory_space<vmem>>, vector<16xf32>,
          %scan3A_698 = arith.constant 8 : i32
          %scan3A_699 = arith.addi %scan3A_588, %scan3A_698 : i32
          %mul3A_700 = arith.constant 16 : i32
          %mul3A_701 = arith.muli %scan3A_699, %mul3A_700 : i32
          %get3A_702 = arith.constant 0 : i32
          %get3A_703 = arith.index_cast %get3A_702 : i32 to index
          %get3A_704 = arith.index_cast %while3A_537 : i32 to index
          %get3A_705 = arith.index_cast %mul3A_701 : i32 to index
          %get3A_706 = tpu.vector_load %arg8[%get3A_703, %get3A_704, %get3A_705] {strides = array<i32>} : memref<2x4x4096xf32, #tpu.memory_space<vmem>>, vector<16xf32>,
          %swap3A_707 = arith.constant 0 : i32
          %swap3A_708 = arith.index_cast %swap3A_707 : i32 to index
          %swap3A_709 = arith.index_cast %sub3A_581 : i32 to index
          %swap3A_710 = arith.index_cast %mul3A_701 : i32 to index
          %swap3A_711 = tpu.vector_load %arg7[%swap3A_708, %swap3A_709, %swap3A_710] {strides = array<i32>} : memref<4x4x4096xf32, #tpu.memory_space<vmem>>, vector<16xf32>,
          tpu.vector_store %arg7[%swap3A_708, %swap3A_709, %swap3A_710], %get3A_706 {add = true, strides = array<i32>} : memref<4x4x4096xf32, #tpu.memory_space<vmem>>, vector<16xf32>,
          %scan3A_712 = arith.constant 9 : i32
          %scan3A_713 = arith.addi %scan3A_588, %scan3A_712 : i32
          %mul3A_714 = arith.constant 16 : i32
          %mul3A_715 = arith.muli %scan3A_713, %mul3A_714 : i32
          %get3A_716 = arith.constant 0 : i32
          %get3A_717 = arith.index_cast %get3A_716 : i32 to index
          %get3A_718 = arith.index_cast %while3A_537 : i32 to index
          %get3A_719 = arith.index_cast %mul3A_715 : i32 to index
          %get3A_720 = tpu.vector_load %arg8[%get3A_717, %get3A_718, %get3A_719] {strides = array<i32>} : memref<2x4x4096xf32, #tpu.memory_space<vmem>>, vector<16xf32>,
          %swap3A_721 = arith.constant 0 : i32
          %swap3A_722 = arith.index_cast %swap3A_721 : i32 to index
          %swap3A_723 = arith.index_cast %sub3A_581 : i32 to index
          %swap3A_724 = arith.index_cast %mul3A_715 : i32 to index
          %swap3A_725 = tpu.vector_load %arg7[%swap3A_722, %swap3A_723, %swap3A_724] {strides = array<i32>} : memref<4x4x4096xf32, #tpu.memory_space<vmem>>, vector<16xf32>,
          tpu.vector_store %arg7[%swap3A_722, %swap3A_723, %swap3A_724], %get3A_720 {add = true, strides = array<i32>} : memref<4x4x4096xf32, #tpu.memory_space<vmem>>, vector<16xf32>,
          %scan3A_726 = arith.constant 10 : i32
          %scan3A_727 = arith.addi %scan3A_588, %scan3A_726 : i32
          %mul3A_728 = arith.constant 16 : i32
          %mul3A_729 = arith.muli %scan3A_727, %mul3A_728 : i32
          %get3A_730 = arith.constant 0 : i32
          %get3A_731 = arith.index_cast %get3A_730 : i32 to index
          %get3A_732 = arith.index_cast %while3A_537 : i32 to index
          %get3A_733 = arith.index_cast %mul3A_729 : i32 to index
          %get3A_734 = tpu.vector_load %arg8[%get3A_731, %get3A_732, %get3A_733] {strides = array<i32>} : memref<2x4x4096xf32, #tpu.memory_space<vmem>>, vector<16xf32>,
          %swap3A_735 = arith.constant 0 : i32
          %swap3A_736 = arith.index_cast %swap3A_735 : i32 to index
          %swap3A_737 = arith.index_cast %sub3A_581 : i32 to index
          %swap3A_738 = arith.index_cast %mul3A_729 : i32 to index
          %swap3A_739 = tpu.vector_load %arg7[%swap3A_736, %swap3A_737, %swap3A_738] {strides = array<i32>} : memref<4x4x4096xf32, #tpu.memory_space<vmem>>, vector<16xf32>,
          tpu.vector_store %arg7[%swap3A_736, %swap3A_737, %swap3A_738], %get3A_734 {add = true, strides = array<i32>} : memref<4x4x4096xf32, #tpu.memory_space<vmem>>, vector<16xf32>,
          %scan3A_740 = arith.constant 11 : i32
          %scan3A_741 = arith.addi %scan3A_588, %scan3A_740 : i32
          %mul3A_742 = arith.constant 16 : i32
          %mul3A_743 = arith.muli %scan3A_741, %mul3A_742 : i32
          %get3A_744 = arith.constant 0 : i32
          %get3A_745 = arith.index_cast %get3A_744 : i32 to index
          %get3A_746 = arith.index_cast %while3A_537 : i32 to index
          %get3A_747 = arith.index_cast %mul3A_743 : i32 to index
          %get3A_748 = tpu.vector_load %arg8[%get3A_745, %get3A_746, %get3A_747] {strides = array<i32>} : memref<2x4x4096xf32, #tpu.memory_space<vmem>>, vector<16xf32>,
          %swap3A_749 = arith.constant 0 : i32
          %swap3A_750 = arith.index_cast %swap3A_749 : i32 to index
          %swap3A_751 = arith.index_cast %sub3A_581 : i32 to index
          %swap3A_752 = arith.index_cast %mul3A_743 : i32 to index
          %swap3A_753 = tpu.vector_load %arg7[%swap3A_750, %swap3A_751, %swap3A_752] {strides = array<i32>} : memref<4x4x4096xf32, #tpu.memory_space<vmem>>, vector<16xf32>,
          tpu.vector_store %arg7[%swap3A_750, %swap3A_751, %swap3A_752], %get3A_748 {add = true, strides = array<i32>} : memref<4x4x4096xf32, #tpu.memory_space<vmem>>, vector<16xf32>,
          %scan3A_754 = arith.constant 12 : i32
          %scan3A_755 = arith.addi %scan3A_588, %scan3A_754 : i32
          %mul3A_756 = arith.constant 16 : i32
          %mul3A_757 = arith.muli %scan3A_755, %mul3A_756 : i32
          %get3A_758 = arith.constant 0 : i32
          %get3A_759 = arith.index_cast %get3A_758 : i32 to index
          %get3A_760 = arith.index_cast %while3A_537 : i32 to index
          %get3A_761 = arith.index_cast %mul3A_757 : i32 to index
          %get3A_762 = tpu.vector_load %arg8[%get3A_759, %get3A_760, %get3A_761] {strides = array<i32>} : memref<2x4x4096xf32, #tpu.memory_space<vmem>>, vector<16xf32>,
          %swap3A_763 = arith.constant 0 : i32
          %swap3A_764 = arith.index_cast %swap3A_763 : i32 to index
          %swap3A_765 = arith.index_cast %sub3A_581 : i32 to index
          %swap3A_766 = arith.index_cast %mul3A_757 : i32 to index
          %swap3A_767 = tpu.vector_load %arg7[%swap3A_764, %swap3A_765, %swap3A_766] {strides = array<i32>} : memref<4x4x4096xf32, #tpu.memory_space<vmem>>, vector<16xf32>,
          tpu.vector_store %arg7[%swap3A_764, %swap3A_765, %swap3A_766], %get3A_762 {add = true, strides = array<i32>} : memref<4x4x4096xf32, #tpu.memory_space<vmem>>, vector<16xf32>,
          %scan3A_768 = arith.constant 13 : i32
          %scan3A_769 = arith.addi %scan3A_588, %scan3A_768 : i32
          %mul3A_770 = arith.constant 16 : i32
          %mul3A_771 = arith.muli %scan3A_769, %mul3A_770 : i32
          %get3A_772 = arith.constant 0 : i32
          %get3A_773 = arith.index_cast %get3A_772 : i32 to index
          %get3A_774 = arith.index_cast %while3A_537 : i32 to index
          %get3A_775 = arith.index_cast %mul3A_771 : i32 to index
          %get3A_776 = tpu.vector_load %arg8[%get3A_773, %get3A_774, %get3A_775] {strides = array<i32>} : memref<2x4x4096xf32, #tpu.memory_space<vmem>>, vector<16xf32>,
          %swap3A_777 = arith.constant 0 : i32
          %swap3A_778 = arith.index_cast %swap3A_777 : i32 to index
          %swap3A_779 = arith.index_cast %sub3A_581 : i32 to index
          %swap3A_780 = arith.index_cast %mul3A_771 : i32 to index
          %swap3A_781 = tpu.vector_load %arg7[%swap3A_778, %swap3A_779, %swap3A_780] {strides = array<i32>} : memref<4x4x4096xf32, #tpu.memory_space<vmem>>, vector<16xf32>,
          tpu.vector_store %arg7[%swap3A_778, %swap3A_779, %swap3A_780], %get3A_776 {add = true, strides = array<i32>} : memref<4x4x4096xf32, #tpu.memory_space<vmem>>, vector<16xf32>,
          %scan3A_782 = arith.constant 14 : i32
          %scan3A_783 = arith.addi %scan3A_588, %scan3A_782 : i32
          %mul3A_784 = arith.constant 16 : i32
          %mul3A_785 = arith.muli %scan3A_783, %mul3A_784 : i32
          %get3A_786 = arith.constant 0 : i32
          %get3A_787 = arith.index_cast %get3A_786 : i32 to index
          %get3A_788 = arith.index_cast %while3A_537 : i32 to index
          %get3A_789 = arith.index_cast %mul3A_785 : i32 to index
          %get3A_790 = tpu.vector_load %arg8[%get3A_787, %get3A_788, %get3A_789] {strides = array<i32>} : memref<2x4x4096xf32, #tpu.memory_space<vmem>>, vector<16xf32>,
          %swap3A_791 = arith.constant 0 : i32
          %swap3A_792 = arith.index_cast %swap3A_791 : i32 to index
          %swap3A_793 = arith.index_cast %sub3A_581 : i32 to index
          %swap3A_794 = arith.index_cast %mul3A_785 : i32 to index
          %swap3A_795 = tpu.vector_load %arg7[%swap3A_792, %swap3A_793, %swap3A_794] {strides = array<i32>} : memref<4x4x4096xf32, #tpu.memory_space<vmem>>, vector<16xf32>,
          tpu.vector_store %arg7[%swap3A_792, %swap3A_793, %swap3A_794], %get3A_790 {add = true, strides = array<i32>} : memref<4x4x4096xf32, #tpu.memory_space<vmem>>, vector<16xf32>,
          %scan3A_796 = arith.constant 15 : i32
          %scan3A_797 = arith.addi %scan3A_588, %scan3A_796 : i32
          %mul3A_798 = arith.constant 16 : i32
          %mul3A_799 = arith.muli %scan3A_797, %mul3A_798 : i32
          %get3A_800 = arith.constant 0 : i32
          %get3A_801 = arith.index_cast %get3A_800 : i32 to index
          %get3A_802 = arith.index_cast %while3A_537 : i32 to index
          %get3A_803 = arith.index_cast %mul3A_799 : i32 to index
          %get3A_804 = tpu.vector_load %arg8[%get3A_801, %get3A_802, %get3A_803] {strides = array<i32>} : memref<2x4x4096xf32, #tpu.memory_space<vmem>>, vector<16xf32>,
          %swap3A_805 = arith.constant 0 : i32
          %swap3A_806 = arith.index_cast %swap3A_805 : i32 to index
          %swap3A_807 = arith.index_cast %sub3A_581 : i32 to index
          %swap3A_808 = arith.index_cast %mul3A_799 : i32 to index
          %swap3A_809 = tpu.vector_load %arg7[%swap3A_806, %swap3A_807, %swap3A_808] {strides = array<i32>} : memref<4x4x4096xf32, #tpu.memory_space<vmem>>, vector<16xf32>,
          tpu.vector_store %arg7[%swap3A_806, %swap3A_807, %swap3A_808], %get3A_804 {add = true, strides = array<i32>} : memref<4x4x4096xf32, #tpu.memory_space<vmem>>, vector<16xf32>,
        }
        %scan3A_587 = arith.constant 256 : i32
      }
      %while3A_134 = arith.constant 1 : i32
      scf.for %while3A_537 = %while3A_132 to %while3A_128 step %while3A_134  : i32 {
        %add3A_538 = arith.addi %scan3A_91, %while3A_537 : i32
        %jit3A_539 = arith.constant 16 : i32
        %div3A_540 = arith.divsi %add3A_538, %jit3A_539 : i32
        %sign3A_541 = arith.constant 0 : i32
        %sign3A_542 = arith.cmpi sgt, %add3A_538, %sign3A_541 : i32
        %sign3A_543 = arith.extui %sign3A_542 : i1 to i32
        %sign3A_544 = arith.constant 0 : i32
        %sign3A_545 = arith.cmpi slt, %add3A_538, %sign3A_544 : i32
        %sign3A_546 = arith.extui %sign3A_545 : i1 to i32
        %sign3A_547 = arith.subi %sign3A_543, %sign3A_546 : i32
        %sign3A_548 = arith.constant 0 : i32
        %sign3A_549 = arith.cmpi sgt, %jit3A_539, %sign3A_548 : i32
        %sign3A_550 = arith.extui %sign3A_549 : i1 to i32
        %sign3A_551 = arith.constant 0 : i32
        %sign3A_552 = arith.cmpi slt, %jit3A_539, %sign3A_551 : i32
        %sign3A_553 = arith.extui %sign3A_552 : i1 to i32
        %sign3A_554 = arith.subi %sign3A_550, %sign3A_553 : i32
        %ne3A_555 = arith.cmpi ne, %sign3A_547, %sign3A_554 : i32
        %rem3A_556 = arith.remsi %add3A_538, %jit3A_539 : i32
        %ne3A_557 = arith.constant 0 : i32
        %ne3A_558 = arith.cmpi ne, %rem3A_556, %ne3A_557 : i32
        %and3A_559 = arith.andi %ne3A_555, %ne3A_558 : i1
        %sub3A_560 = arith.constant 1 : i32
        %sub3A_561 = arith.subi %div3A_540, %sub3A_560 : i32
        %select_n3A_562 = arith.select %and3A_559, %sub3A_561, %div3A_540 : i32
        %mul3A_563 = arith.constant 16 : i32
        %mul3A_564 = arith.muli %select_n3A_562, %mul3A_563 : i32
        %get3A_565 = arith.index_cast %mul3A_564 : i32 to index
        %get3A_566 = tpu.vector_load %arg9[%get3A_565] {strides = array<i32>} : memref<128xi32, #tpu.memory_space<vmem>>, vector<16xi32>,
        %iota3A_567 = tpu.iota {dimensions = array<i32: 0>} : vector<16xi32>
        %sub3A_568 = arith.subi %add3A_538, %mul3A_564 : i32
        %eq3A_569 = vector.broadcast %sub3A_568 : i32 to vector<16xi32>
        %eq3A_570 = arith.cmpi eq, %iota3A_567, %eq3A_569 : vector<16xi32>
        %jit3A_571 = arith.constant 0 : i32
        %broadcast_in_dim3A_572 = vector.broadcast %jit3A_571 : i32 to vector<16xi32>
        %select_n3A_573 = arith.select %eq3A_570, %get3A_566, %broadcast_in_dim3A_572 : vector<16xi1>, vector<16xi32>
        %reduce_sum3A_574 = arith.constant true
        %reduce_sum3A_575 = vector.broadcast %reduce_sum3A_574 : i1 to vector<16xi1>
        %reduce_sum3A_576 = tpu.scan <sum>, %select_n3A_573 masked %reduce_sum3A_575 : vector<16xi32>, vector<16xi1> -> vector<16xi32>
        %reduce_sum3A_577 = vector.extract %reduce_sum3A_576[15] : i32 from vector<16xi32>
        %mul3A_578 = arith.constant 4 : i32
        %mul3A_579 = arith.muli %add3A_96, %mul3A_578 : i32
        %add3A_580 = arith.addi %mul3A_2, %mul3A_579 : i32
        %sub3A_581 = arith.subi %reduce_sum3A_577, %add3A_580 : i32
        %scan3A_582 = arith.constant 0 : i32
        %scan3A_583 = arith.constant 0 : i32
        %scan3A_584 = arith.constant 256 : i32
        %scan3A_585 = arith.addi %scan3A_583, %scan3A_584 : i32
        %scan3A_586 = arith.constant 16 : i32
        scf.for %scan3A_588 = %scan3A_583 to %scan3A_585 step %scan3A_586  : i32 {
          %mul3A_589 = arith.constant 16 : i32
          %mul3A_590 = arith.muli %scan3A_588, %mul3A_589 : i32
          %get3A_591 = arith.constant 0 : i32
          %get3A_592 = arith.index_cast %get3A_591 : i32 to index
          %get3A_593 = arith.index_cast %while3A_537 : i32 to index
          %get3A_594 = arith.index_cast %mul3A_590 : i32 to index
          %get3A_595 = tpu.vector_load %arg8[%get3A_592, %get3A_593, %get3A_594] {strides = array<i32>} : memref<2x4x4096xf32, #tpu.memory_space<vmem>>, vector<16xf32>,
          %swap3A = arith.constant 0 : i32
          %swap3A_596 = arith.index_cast %swap3A : i32 to index
          %swap3A_597 = arith.index_cast %sub3A_581 : i32 to index
          %swap3A_598 = arith.index_cast %mul3A_590 : i32 to index
          %swap3A_599 = tpu.vector_load %arg7[%swap3A_596, %swap3A_597, %swap3A_598] {strides = array<i32>} : memref<4x4x4096xf32, #tpu.memory_space<vmem>>, vector<16xf32>,
          tpu.vector_store %arg7[%swap3A_596, %swap3A_597, %swap3A_598], %get3A_595 {add = true, strides = array<i32>} : memref<4x4x4096xf32, #tpu.memory_space<vmem>>, vector<16xf32>,
          %scan3A_600 = arith.constant 1 : i32
          %scan3A_601 = arith.addi %scan3A_588, %scan3A_600 : i32
          %mul3A_602 = arith.constant 16 : i32
          %mul3A_603 = arith.muli %scan3A_601, %mul3A_602 : i32
          %get3A_604 = arith.constant 0 : i32
          %get3A_605 = arith.index_cast %get3A_604 : i32 to index
          %get3A_606 = arith.index_cast %while3A_537 : i32 to index
          %get3A_607 = arith.index_cast %mul3A_603 : i32 to index
          %get3A_608 = tpu.vector_load %arg8[%get3A_605, %get3A_606, %get3A_607] {strides = array<i32>} : memref<2x4x4096xf32, #tpu.memory_space<vmem>>, vector<16xf32>,
          %swap3A_609 = arith.constant 0 : i32
          %swap3A_610 = arith.index_cast %swap3A_609 : i32 to index
          %swap3A_611 = arith.index_cast %sub3A_581 : i32 to index
          %swap3A_612 = arith.index_cast %mul3A_603 : i32 to index
          %swap3A_613 = tpu.vector_load %arg7[%swap3A_610, %swap3A_611, %swap3A_612] {strides = array<i32>} : memref<4x4x4096xf32, #tpu.memory_space<vmem>>, vector<16xf32>,
          tpu.vector_store %arg7[%swap3A_610, %swap3A_611, %swap3A_612], %get3A_608 {add = true, strides = array<i32>} : memref<4x4x4096xf32, #tpu.memory_space<vmem>>, vector<16xf32>,
          %scan3A_614 = arith.constant 2 : i32
          %scan3A_615 = arith.addi %scan3A_588, %scan3A_614 : i32
          %mul3A_616 = arith.constant 16 : i32
          %mul3A_617 = arith.muli %scan3A_615, %mul3A_616 : i32
          %get3A_618 = arith.constant 0 : i32
          %get3A_619 = arith.index_cast %get3A_618 : i32 to index
          %get3A_620 = arith.index_cast %while3A_537 : i32 to index
          %get3A_621 = arith.index_cast %mul3A_617 : i32 to index
          %get3A_622 = tpu.vector_load %arg8[%get3A_619, %get3A_620, %get3A_621] {strides = array<i32>} : memref<2x4x4096xf32, #tpu.memory_space<vmem>>, vector<16xf32>,
          %swap3A_623 = arith.constant 0 : i32
          %swap3A_624 = arith.index_cast %swap3A_623 : i32 to index
          %swap3A_625 = arith.index_cast %sub3A_581 : i32 to index
          %swap3A_626 = arith.index_cast %mul3A_617 : i32 to index
          %swap3A_627 = tpu.vector_load %arg7[%swap3A_624, %swap3A_625, %swap3A_626] {strides = array<i32>} : memref<4x4x4096xf32, #tpu.memory_space<vmem>>, vector<16xf32>,
          tpu.vector_store %arg7[%swap3A_624, %swap3A_625, %swap3A_626], %get3A_622 {add = true, strides = array<i32>} : memref<4x4x4096xf32, #tpu.memory_space<vmem>>, vector<16xf32>,
          %scan3A_628 = arith.constant 3 : i32
          %scan3A_629 = arith.addi %scan3A_588, %scan3A_628 : i32
          %mul3A_630 = arith.constant 16 : i32
          %mul3A_631 = arith.muli %scan3A_629, %mul3A_630 : i32
          %get3A_632 = arith.constant 0 : i32
          %get3A_633 = arith.index_cast %get3A_632 : i32 to index
          %get3A_634 = arith.index_cast %while3A_537 : i32 to index
          %get3A_635 = arith.index_cast %mul3A_631 : i32 to index
          %get3A_636 = tpu.vector_load %arg8[%get3A_633, %get3A_634, %get3A_635] {strides = array<i32>} : memref<2x4x4096xf32, #tpu.memory_space<vmem>>, vector<16xf32>,
          %swap3A_637 = arith.constant 0 : i32
          %swap3A_638 = arith.index_cast %swap3A_637 : i32 to index
          %swap3A_639 = arith.index_cast %sub3A_581 : i32 to index
          %swap3A_640 = arith.index_cast %mul3A_631 : i32 to index
          %swap3A_641 = tpu.vector_load %arg7[%swap3A_638, %swap3A_639, %swap3A_640] {strides = array<i32>} : memref<4x4x4096xf32, #tpu.memory_space<vmem>>, vector<16xf32>,
          tpu.vector_store %arg7[%swap3A_638, %swap3A_639, %swap3A_640], %get3A_636 {add = true, strides = array<i32>} : memref<4x4x4096xf32, #tpu.memory_space<vmem>>, vector<16xf32>,
          %scan3A_642 = arith.constant 4 : i32
          %scan3A_643 = arith.addi %scan3A_588, %scan3A_642 : i32
          %mul3A_644 = arith.constant 16 : i32
          %mul3A_645 = arith.muli %scan3A_643, %mul3A_644 : i32
          %get3A_646 = arith.constant 0 : i32
          %get3A_647 = arith.index_cast %get3A_646 : i32 to index
          %get3A_648 = arith.index_cast %while3A_537 : i32 to index
          %get3A_649 = arith.index_cast %mul3A_645 : i32 to index
          %get3A_650 = tpu.vector_load %arg8[%get3A_647, %get3A_648, %get3A_649] {strides = array<i32>} : memref<2x4x4096xf32, #tpu.memory_space<vmem>>, vector<16xf32>,
          %swap3A_651 = arith.constant 0 : i32
          %swap3A_652 = arith.index_cast %swap3A_651 : i32 to index
          %swap3A_653 = arith.index_cast %sub3A_581 : i32 to index
          %swap3A_654 = arith.index_cast %mul3A_645 : i32 to index
          %swap3A_655 = tpu.vector_load %arg7[%swap3A_652, %swap3A_653, %swap3A_654] {strides = array<i32>} : memref<4x4x4096xf32, #tpu.memory_space<vmem>>, vector<16xf32>,
          tpu.vector_store %arg7[%swap3A_652, %swap3A_653, %swap3A_654], %get3A_650 {add = true, strides = array<i32>} : memref<4x4x4096xf32, #tpu.memory_space<vmem>>, vector<16xf32>,
          %scan3A_656 = arith.constant 5 : i32
          %scan3A_657 = arith.addi %scan3A_588, %scan3A_656 : i32
          %mul3A_658 = arith.constant 16 : i32
          %mul3A_659 = arith.muli %scan3A_657, %mul3A_658 : i32
          %get3A_660 = arith.constant 0 : i32
          %get3A_661 = arith.index_cast %get3A_660 : i32 to index
          %get3A_662 = arith.index_cast %while3A_537 : i32 to index
          %get3A_663 = arith.index_cast %mul3A_659 : i32 to index
          %get3A_664 = tpu.vector_load %arg8[%get3A_661, %get3A_662, %get3A_663] {strides = array<i32>} : memref<2x4x4096xf32, #tpu.memory_space<vmem>>, vector<16xf32>,
          %swap3A_665 = arith.constant 0 : i32
          %swap3A_666 = arith.index_cast %swap3A_665 : i32 to index
          %swap3A_667 = arith.index_cast %sub3A_581 : i32 to index
          %swap3A_668 = arith.index_cast %mul3A_659 : i32 to index
          %swap3A_669 = tpu.vector_load %arg7[%swap3A_666, %swap3A_667, %swap3A_668] {strides = array<i32>} : memref<4x4x4096xf32, #tpu.memory_space<vmem>>, vector<16xf32>,
          tpu.vector_store %arg7[%swap3A_666, %swap3A_667, %swap3A_668], %get3A_664 {add = true, strides = array<i32>} : memref<4x4x4096xf32, #tpu.memory_space<vmem>>, vector<16xf32>,
          %scan3A_670 = arith.constant 6 : i32
          %scan3A_671 = arith.addi %scan3A_588, %scan3A_670 : i32
          %mul3A_672 = arith.constant 16 : i32
          %mul3A_673 = arith.muli %scan3A_671, %mul3A_672 : i32
          %get3A_674 = arith.constant 0 : i32
          %get3A_675 = arith.index_cast %get3A_674 : i32 to index
          %get3A_676 = arith.index_cast %while3A_537 : i32 to index
          %get3A_677 = arith.index_cast %mul3A_673 : i32 to index
          %get3A_678 = tpu.vector_load %arg8[%get3A_675, %get3A_676, %get3A_677] {strides = array<i32>} : memref<2x4x4096xf32, #tpu.memory_space<vmem>>, vector<16xf32>,
          %swap3A_679 = arith.constant 0 : i32
          %swap3A_680 = arith.index_cast %swap3A_679 : i32 to index
          %swap3A_681 = arith.index_cast %sub3A_581 : i32 to index
          %swap3A_682 = arith.index_cast %mul3A_673 : i32 to index
          %swap3A_683 = tpu.vector_load %arg7[%swap3A_680, %swap3A_681, %swap3A_682] {strides = array<i32>} : memref<4x4x4096xf32, #tpu.memory_space<vmem>>, vector<16xf32>,
          tpu.vector_store %arg7[%swap3A_680, %swap3A_681, %swap3A_682], %get3A_678 {add = true, strides = array<i32>} : memref<4x4x4096xf32, #tpu.memory_space<vmem>>, vector<16xf32>,
          %scan3A_684 = arith.constant 7 : i32
          %scan3A_685 = arith.addi %scan3A_588, %scan3A_684 : i32
          %mul3A_686 = arith.constant 16 : i32
          %mul3A_687 = arith.muli %scan3A_685, %mul3A_686 : i32
          %get3A_688 = arith.constant 0 : i32
          %get3A_689 = arith.index_cast %get3A_688 : i32 to index
          %get3A_690 = arith.index_cast %while3A_537 : i32 to index
          %get3A_691 = arith.index_cast %mul3A_687 : i32 to index
          %get3A_692 = tpu.vector_load %arg8[%get3A_689, %get3A_690, %get3A_691] {strides = array<i32>} : memref<2x4x4096xf32, #tpu.memory_space<vmem>>, vector<16xf32>,
          %swap3A_693 = arith.constant 0 : i32
          %swap3A_694 = arith.index_cast %swap3A_693 : i32 to index
          %swap3A_695 = arith.index_cast %sub3A_581 : i32 to index
          %swap3A_696 = arith.index_cast %mul3A_687 : i32 to index
          %swap3A_697 = tpu.vector_load %arg7[%swap3A_694, %swap3A_695, %swap3A_696] {strides = array<i32>} : memref<4x4x4096xf32, #tpu.memory_space<vmem>>, vector<16xf32>,
          tpu.vector_store %arg7[%swap3A_694, %swap3A_695, %swap3A_696], %get3A_692 {add = true, strides = array<i32>} : memref<4x4x4096xf32, #tpu.memory_space<vmem>>, vector<16xf32>,
          %scan3A_698 = arith.constant 8 : i32
          %scan3A_699 = arith.addi %scan3A_588, %scan3A_698 : i32
          %mul3A_700 = arith.constant 16 : i32
          %mul3A_701 = arith.muli %scan3A_699, %mul3A_700 : i32
          %get3A_702 = arith.constant 0 : i32
          %get3A_703 = arith.index_cast %get3A_702 : i32 to index
          %get3A_704 = arith.index_cast %while3A_537 : i32 to index
          %get3A_705 = arith.index_cast %mul3A_701 : i32 to index
          %get3A_706 = tpu.vector_load %arg8[%get3A_703, %get3A_704, %get3A_705] {strides = array<i32>} : memref<2x4x4096xf32, #tpu.memory_space<vmem>>, vector<16xf32>,
          %swap3A_707 = arith.constant 0 : i32
          %swap3A_708 = arith.index_cast %swap3A_707 : i32 to index
          %swap3A_709 = arith.index_cast %sub3A_581 : i32 to index
          %swap3A_710 = arith.index_cast %mul3A_701 : i32 to index
          %swap3A_711 = tpu.vector_load %arg7[%swap3A_708, %swap3A_709, %swap3A_710] {strides = array<i32>} : memref<4x4x4096xf32, #tpu.memory_space<vmem>>, vector<16xf32>,
          tpu.vector_store %arg7[%swap3A_708, %swap3A_709, %swap3A_710], %get3A_706 {add = true, strides = array<i32>} : memref<4x4x4096xf32, #tpu.memory_space<vmem>>, vector<16xf32>,
          %scan3A_712 = arith.constant 9 : i32
          %scan3A_713 = arith.addi %scan3A_588, %scan3A_712 : i32
          %mul3A_714 = arith.constant 16 : i32
          %mul3A_715 = arith.muli %scan3A_713, %mul3A_714 : i32
          %get3A_716 = arith.constant 0 : i32
          %get3A_717 = arith.index_cast %get3A_716 : i32 to index
          %get3A_718 = arith.index_cast %while3A_537 : i32 to index
          %get3A_719 = arith.index_cast %mul3A_715 : i32 to index
          %get3A_720 = tpu.vector_load %arg8[%get3A_717, %get3A_718, %get3A_719] {strides = array<i32>} : memref<2x4x4096xf32, #tpu.memory_space<vmem>>, vector<16xf32>,
          %swap3A_721 = arith.constant 0 : i32
          %swap3A_722 = arith.index_cast %swap3A_721 : i32 to index
          %swap3A_723 = arith.index_cast %sub3A_581 : i32 to index
          %swap3A_724 = arith.index_cast %mul3A_715 : i32 to index
          %swap3A_725 = tpu.vector_load %arg7[%swap3A_722, %swap3A_723, %swap3A_724] {strides = array<i32>} : memref<4x4x4096xf32, #tpu.memory_space<vmem>>, vector<16xf32>,
          tpu.vector_store %arg7[%swap3A_722, %swap3A_723, %swap3A_724], %get3A_720 {add = true, strides = array<i32>} : memref<4x4x4096xf32, #tpu.memory_space<vmem>>, vector<16xf32>,
          %scan3A_726 = arith.constant 10 : i32
          %scan3A_727 = arith.addi %scan3A_588, %scan3A_726 : i32
          %mul3A_728 = arith.constant 16 : i32
          %mul3A_729 = arith.muli %scan3A_727, %mul3A_728 : i32
          %get3A_730 = arith.constant 0 : i32
          %get3A_731 = arith.index_cast %get3A_730 : i32 to index
          %get3A_732 = arith.index_cast %while3A_537 : i32 to index
          %get3A_733 = arith.index_cast %mul3A_729 : i32 to index
          %get3A_734 = tpu.vector_load %arg8[%get3A_731, %get3A_732, %get3A_733] {strides = array<i32>} : memref<2x4x4096xf32, #tpu.memory_space<vmem>>, vector<16xf32>,
          %swap3A_735 = arith.constant 0 : i32
          %swap3A_736 = arith.index_cast %swap3A_735 : i32 to index
          %swap3A_737 = arith.index_cast %sub3A_581 : i32 to index
          %swap3A_738 = arith.index_cast %mul3A_729 : i32 to index
          %swap3A_739 = tpu.vector_load %arg7[%swap3A_736, %swap3A_737, %swap3A_738] {strides = array<i32>} : memref<4x4x4096xf32, #tpu.memory_space<vmem>>, vector<16xf32>,
          tpu.vector_store %arg7[%swap3A_736, %swap3A_737, %swap3A_738], %get3A_734 {add = true, strides = array<i32>} : memref<4x4x4096xf32, #tpu.memory_space<vmem>>, vector<16xf32>,
          %scan3A_740 = arith.constant 11 : i32
          %scan3A_741 = arith.addi %scan3A_588, %scan3A_740 : i32
          %mul3A_742 = arith.constant 16 : i32
          %mul3A_743 = arith.muli %scan3A_741, %mul3A_742 : i32
          %get3A_744 = arith.constant 0 : i32
          %get3A_745 = arith.index_cast %get3A_744 : i32 to index
          %get3A_746 = arith.index_cast %while3A_537 : i32 to index
          %get3A_747 = arith.index_cast %mul3A_743 : i32 to index
          %get3A_748 = tpu.vector_load %arg8[%get3A_745, %get3A_746, %get3A_747] {strides = array<i32>} : memref<2x4x4096xf32, #tpu.memory_space<vmem>>, vector<16xf32>,
          %swap3A_749 = arith.constant 0 : i32
          %swap3A_750 = arith.index_cast %swap3A_749 : i32 to index
          %swap3A_751 = arith.index_cast %sub3A_581 : i32 to index
          %swap3A_752 = arith.index_cast %mul3A_743 : i32 to index
          %swap3A_753 = tpu.vector_load %arg7[%swap3A_750, %swap3A_751, %swap3A_752] {strides = array<i32>} : memref<4x4x4096xf32, #tpu.memory_space<vmem>>, vector<16xf32>,
          tpu.vector_store %arg7[%swap3A_750, %swap3A_751, %swap3A_752], %get3A_748 {add = true, strides = array<i32>} : memref<4x4x4096xf32, #tpu.memory_space<vmem>>, vector<16xf32>,
          %scan3A_754 = arith.constant 12 : i32
          %scan3A_755 = arith.addi %scan3A_588, %scan3A_754 : i32
          %mul3A_756 = arith.constant 16 : i32
          %mul3A_757 = arith.muli %scan3A_755, %mul3A_756 : i32
          %get3A_758 = arith.constant 0 : i32
          %get3A_759 = arith.index_cast %get3A_758 : i32 to index
          %get3A_760 = arith.index_cast %while3A_537 : i32 to index
          %get3A_761 = arith.index_cast %mul3A_757 : i32 to index
          %get3A_762 = tpu.vector_load %arg8[%get3A_759, %get3A_760, %get3A_761] {strides = array<i32>} : memref<2x4x4096xf32, #tpu.memory_space<vmem>>, vector<16xf32>,
          %swap3A_763 = arith.constant 0 : i32
          %swap3A_764 = arith.index_cast %swap3A_763 : i32 to index
          %swap3A_765 = arith.index_cast %sub3A_581 : i32 to index
          %swap3A_766 = arith.index_cast %mul3A_757 : i32 to index
          %swap3A_767 = tpu.vector_load %arg7[%swap3A_764, %swap3A_765, %swap3A_766] {strides = array<i32>} : memref<4x4x4096xf32, #tpu.memory_space<vmem>>, vector<16xf32>,
          tpu.vector_store %arg7[%swap3A_764, %swap3A_765, %swap3A_766], %get3A_762 {add = true, strides = array<i32>} : memref<4x4x4096xf32, #tpu.memory_space<vmem>>, vector<16xf32>,
          %scan3A_768 = arith.constant 13 : i32
          %scan3A_769 = arith.addi %scan3A_588, %scan3A_768 : i32
          %mul3A_770 = arith.constant 16 : i32
          %mul3A_771 = arith.muli %scan3A_769, %mul3A_770 : i32
          %get3A_772 = arith.constant 0 : i32
          %get3A_773 = arith.index_cast %get3A_772 : i32 to index
          %get3A_774 = arith.index_cast %while3A_537 : i32 to index
          %get3A_775 = arith.index_cast %mul3A_771 : i32 to index
          %get3A_776 = tpu.vector_load %arg8[%get3A_773, %get3A_774, %get3A_775] {strides = array<i32>} : memref<2x4x4096xf32, #tpu.memory_space<vmem>>, vector<16xf32>,
          %swap3A_777 = arith.constant 0 : i32
          %swap3A_778 = arith.index_cast %swap3A_777 : i32 to index
          %swap3A_779 = arith.index_cast %sub3A_581 : i32 to index
          %swap3A_780 = arith.index_cast %mul3A_771 : i32 to index
          %swap3A_781 = tpu.vector_load %arg7[%swap3A_778, %swap3A_779, %swap3A_780] {strides = array<i32>} : memref<4x4x4096xf32, #tpu.memory_space<vmem>>, vector<16xf32>,
          tpu.vector_store %arg7[%swap3A_778, %swap3A_779, %swap3A_780], %get3A_776 {add = true, strides = array<i32>} : memref<4x4x4096xf32, #tpu.memory_space<vmem>>, vector<16xf32>,
          %scan3A_782 = arith.constant 14 : i32
          %scan3A_783 = arith.addi %scan3A_588, %scan3A_782 : i32
          %mul3A_784 = arith.constant 16 : i32
          %mul3A_785 = arith.muli %scan3A_783, %mul3A_784 : i32
          %get3A_786 = arith.constant 0 : i32
          %get3A_787 = arith.index_cast %get3A_786 : i32 to index
          %get3A_788 = arith.index_cast %while3A_537 : i32 to index
          %get3A_789 = arith.index_cast %mul3A_785 : i32 to index
          %get3A_790 = tpu.vector_load %arg8[%get3A_787, %get3A_788, %get3A_789] {strides = array<i32>} : memref<2x4x4096xf32, #tpu.memory_space<vmem>>, vector<16xf32>,
          %swap3A_791 = arith.constant 0 : i32
          %swap3A_792 = arith.index_cast %swap3A_791 : i32 to index
          %swap3A_793 = arith.index_cast %sub3A_581 : i32 to index
          %swap3A_794 = arith.index_cast %mul3A_785 : i32 to index
          %swap3A_795 = tpu.vector_load %arg7[%swap3A_792, %swap3A_793, %swap3A_794] {strides = array<i32>} : memref<4x4x4096xf32, #tpu.memory_space<vmem>>, vector<16xf32>,
          tpu.vector_store %arg7[%swap3A_792, %swap3A_793, %swap3A_794], %get3A_790 {add = true, strides = array<i32>} : memref<4x4x4096xf32, #tpu.memory_space<vmem>>, vector<16xf32>,
          %scan3A_796 = arith.constant 15 : i32
          %scan3A_797 = arith.addi %scan3A_588, %scan3A_796 : i32
          %mul3A_798 = arith.constant 16 : i32
          %mul3A_799 = arith.muli %scan3A_797, %mul3A_798 : i32
          %get3A_800 = arith.constant 0 : i32
          %get3A_801 = arith.index_cast %get3A_800 : i32 to index
          %get3A_802 = arith.index_cast %while3A_537 : i32 to index
          %get3A_803 = arith.index_cast %mul3A_799 : i32 to index
          %get3A_804 = tpu.vector_load %arg8[%get3A_801, %get3A_802, %get3A_803] {strides = array<i32>} : memref<2x4x4096xf32, #tpu.memory_space<vmem>>, vector<16xf32>,
          %swap3A_805 = arith.constant 0 : i32
          %swap3A_806 = arith.index_cast %swap3A_805 : i32 to index
          %swap3A_807 = arith.index_cast %sub3A_581 : i32 to index
          %swap3A_808 = arith.index_cast %mul3A_799 : i32 to index
          %swap3A_809 = tpu.vector_load %arg7[%swap3A_806, %swap3A_807, %swap3A_808] {strides = array<i32>} : memref<4x4x4096xf32, #tpu.memory_space<vmem>>, vector<16xf32>,
          tpu.vector_store %arg7[%swap3A_806, %swap3A_807, %swap3A_808], %get3A_804 {add = true, strides = array<i32>} : memref<4x4x4096xf32, #tpu.memory_space<vmem>>, vector<16xf32>,
        }
        %scan3A_587 = arith.constant 256 : i32
      }
      %add3A_135 = arith.constant 2 : i32
      %add3A_136 = arith.addi %add3A_96, %add3A_135 : i32
      %jit3A_137 = arith.constant 16 : i32
      %div3A = arith.divsi %add3A_136, %jit3A_137 : i32
      %sign3A = arith.constant 0 : i32
      %sign3A_138 = arith.cmpi sgt, %add3A_136, %sign3A : i32
      %sign3A_139 = arith.extui %sign3A_138 : i1 to i32
      %sign3A_140 = arith.constant 0 : i32
      %sign3A_141 = arith.cmpi slt, %add3A_136, %sign3A_140 : i32
      %sign3A_142 = arith.extui %sign3A_141 : i1 to i32
      %sign3A_143 = arith.subi %sign3A_139, %sign3A_142 : i32
      %sign3A_144 = arith.constant 0 : i32
      %sign3A_145 = arith.cmpi sgt, %jit3A_137, %sign3A_144 : i32
      %sign3A_146 = arith.extui %sign3A_145 : i1 to i32
      %sign3A_147 = arith.constant 0 : i32
      %sign3A_148 = arith.cmpi slt, %jit3A_137, %sign3A_147 : i32
      %sign3A_149 = arith.extui %sign3A_148 : i1 to i32
      %sign3A_150 = arith.subi %sign3A_146, %sign3A_149 : i32
      %ne3A = arith.cmpi ne, %sign3A_143, %sign3A_150 : i32
      %rem3A = arith.remsi %add3A_136, %jit3A_137 : i32
      %ne3A_151 = arith.constant 0 : i32
      %ne3A_152 = arith.cmpi ne, %rem3A, %ne3A_151 : i32
      %and3A = arith.andi %ne3A, %ne3A_152 : i1
      %sub3A_153 = arith.constant 1 : i32
      %sub3A_154 = arith.subi %div3A, %sub3A_153 : i32
      %select_n3A_155 = arith.select %and3A, %sub3A_154, %div3A : i32
      %mul3A_156 = arith.constant 16 : i32
      %mul3A_157 = arith.muli %select_n3A_155, %mul3A_156 : i32
      %get3A_158 = arith.index_cast %mul3A_157 : i32 to index
      %get3A_159 = tpu.vector_load %arg10[%get3A_158] {strides = array<i32>} : memref<96xi32, #tpu.memory_space<vmem>>, vector<16xi32>,
      %iota3A_160 = tpu.iota {dimensions = array<i32: 0>} : vector<16xi32>
      %sub3A_161 = arith.subi %add3A_136, %mul3A_157 : i32
      %eq3A_162 = vector.broadcast %sub3A_161 : i32 to vector<16xi32>
      %eq3A_163 = arith.cmpi eq, %iota3A_160, %eq3A_162 : vector<16xi32>
      %jit3A_164 = arith.constant 0 : i32
      %broadcast_in_dim3A_165 = vector.broadcast %jit3A_164 : i32 to vector<16xi32>
      %select_n3A_166 = arith.select %eq3A_163, %get3A_159, %broadcast_in_dim3A_165 : vector<16xi1>, vector<16xi32>
      %reduce_sum3A_167 = arith.constant true
      %reduce_sum3A_168 = vector.broadcast %reduce_sum3A_167 : i1 to vector<16xi1>
      %reduce_sum3A_169 = tpu.scan <sum>, %select_n3A_166 masked %reduce_sum3A_168 : vector<16xi32>, vector<16xi1> -> vector<16xi32>
      %reduce_sum3A_170 = vector.extract %reduce_sum3A_169[15] : i32 from vector<16xi32>
      %sub3A_171 = arith.subi %reduce_sum3A_170, %scan3A_92 : i32
      %while3A_172 = arith.constant 0 : i32
      %while3A_173 = arith.constant 0 : i32
      %while3A_174 = arith.subi %sub3A_171, %while3A_173 : i32
      %while3A_175 = arith.addi %while3A_173, %while3A_174 : i32
      %while3A_176 = arith.constant 1 : i32
      %while3A_177 = arith.divsi %while3A_174, %while3A_176 : i32
      %while3A_178 = arith.muli %while3A_177, %while3A_176 : i32
      %while3A_179 = arith.addi %while3A_173, %while3A_178 : i32
      %while3A_180 = arith.constant 1 : i32
      scf.for %while3A_537 = %while3A_173 to %while3A_179 step %while3A_180  : i32 {
        %add3A_538 = arith.addi %scan3A_92, %while3A_537 : i32
        %jit3A_539 = arith.constant 16 : i32
        %div3A_540 = arith.divsi %add3A_538, %jit3A_539 : i32
        %sign3A_541 = arith.constant 0 : i32
        %sign3A_542 = arith.cmpi sgt, %add3A_538, %sign3A_541 : i32
        %sign3A_543 = arith.extui %sign3A_542 : i1 to i32
        %sign3A_544 = arith.constant 0 : i32
        %sign3A_545 = arith.cmpi slt, %add3A_538, %sign3A_544 : i32
        %sign3A_546 = arith.extui %sign3A_545 : i1 to i32
        %sign3A_547 = arith.subi %sign3A_543, %sign3A_546 : i32
        %sign3A_548 = arith.constant 0 : i32
        %sign3A_549 = arith.cmpi sgt, %jit3A_539, %sign3A_548 : i32
        %sign3A_550 = arith.extui %sign3A_549 : i1 to i32
        %sign3A_551 = arith.constant 0 : i32
        %sign3A_552 = arith.cmpi slt, %jit3A_539, %sign3A_551 : i32
        %sign3A_553 = arith.extui %sign3A_552 : i1 to i32
        %sign3A_554 = arith.subi %sign3A_550, %sign3A_553 : i32
        %ne3A_555 = arith.cmpi ne, %sign3A_547, %sign3A_554 : i32
        %rem3A_556 = arith.remsi %add3A_538, %jit3A_539 : i32
        %ne3A_557 = arith.constant 0 : i32
        %ne3A_558 = arith.cmpi ne, %rem3A_556, %ne3A_557 : i32
        %and3A_559 = arith.andi %ne3A_555, %ne3A_558 : i1
        %sub3A_560 = arith.constant 1 : i32
        %sub3A_561 = arith.subi %div3A_540, %sub3A_560 : i32
        %select_n3A_562 = arith.select %and3A_559, %sub3A_561, %div3A_540 : i32
        %mul3A_563 = arith.constant 16 : i32
        %mul3A_564 = arith.muli %select_n3A_562, %mul3A_563 : i32
        %get3A_565 = arith.index_cast %mul3A_564 : i32 to index
        %get3A_566 = tpu.vector_load %arg9[%get3A_565] {strides = array<i32>} : memref<128xi32, #tpu.memory_space<vmem>>, vector<16xi32>,
        %iota3A_567 = tpu.iota {dimensions = array<i32: 0>} : vector<16xi32>
        %sub3A_568 = arith.subi %add3A_538, %mul3A_564 : i32
        %eq3A_569 = vector.broadcast %sub3A_568 : i32 to vector<16xi32>
        %eq3A_570 = arith.cmpi eq, %iota3A_567, %eq3A_569 : vector<16xi32>
        %jit3A_571 = arith.constant 0 : i32
        %broadcast_in_dim3A_572 = vector.broadcast %jit3A_571 : i32 to vector<16xi32>
        %select_n3A_573 = arith.select %eq3A_570, %get3A_566, %broadcast_in_dim3A_572 : vector<16xi1>, vector<16xi32>
        %reduce_sum3A_574 = arith.constant true
        %reduce_sum3A_575 = vector.broadcast %reduce_sum3A_574 : i1 to vector<16xi1>
        %reduce_sum3A_576 = tpu.scan <sum>, %select_n3A_573 masked %reduce_sum3A_575 : vector<16xi32>, vector<16xi1> -> vector<16xi32>
        %reduce_sum3A_577 = vector.extract %reduce_sum3A_576[15] : i32 from vector<16xi32>
        %dma_start3A_578 = arith.constant 1 : i32
        %dma_start3A_579 = arith.constant 0 : i32
        %dma_start3A_580 = tpu.memref_slice %arg8[%dma_start3A_578, %while3A_537, %dma_start3A_579] : memref<2x4x4096xf32, #tpu.memory_space<vmem>> -> memref<1x1x4096xf32, #tpu.memory_space<vmem>>
        %dma_start3A_581 = tpu.memref_squeeze %dma_start3A_580 : memref<1x1x4096xf32, #tpu.memory_space<vmem>> -> memref<1x4096xf32, #tpu.memory_space<vmem>>
        %dma_start3A_582 = arith.constant 0 : i32
        %dma_start3A_583 = tpu.memref_slice %arg3[%reduce_sum3A_577, %dma_start3A_582] : memref<8192x4096xf32, #tpu.memory_space<hbm>> -> memref<1x4096xf32, #tpu.memory_space<hbm>>
        %dma_start3A_584 = arith.constant 0 : i32
        %dma_start3A_585 = tpu.memref_slice %arg8[%dma_start3A_578, %while3A_537, %dma_start3A_584] : memref<2x4x4096xf32, #tpu.memory_space<vmem>> -> memref<1x1x4096xf32, #tpu.memory_space<vmem>>
        %dma_start3A_586 = tpu.memref_squeeze %dma_start3A_585 : memref<1x1x4096xf32, #tpu.memory_space<vmem>> -> memref<1x4096xf32, #tpu.memory_space<vmem>>
        %dma_start3A_587 = arith.constant 0 : i32
        %dma_start3A_588 = tpu.memref_slice %arg3[%reduce_sum3A_577, %dma_start3A_587] : memref<8192x4096xf32, #tpu.memory_space<hbm>> -> memref<1x4096xf32, #tpu.memory_space<hbm>>
        tpu.enqueue_dma source(%dma_start3A_588 : memref<1x4096xf32, #tpu.memory_space<hbm>>) target(%dma_start3A_586 : memref<1x4096xf32, #tpu.memory_space<vmem>>) target_semaphore(%arg20 : memref<!tpu.dma_semaphore, #tpu.memory_space<semaphore_mem>>)
      }
      %while3A_181 = arith.constant 1 : i32
      scf.for %while3A_537 = %while3A_179 to %while3A_175 step %while3A_181  : i32 {
        %add3A_538 = arith.addi %scan3A_92, %while3A_537 : i32
        %jit3A_539 = arith.constant 16 : i32
        %div3A_540 = arith.divsi %add3A_538, %jit3A_539 : i32
        %sign3A_541 = arith.constant 0 : i32
        %sign3A_542 = arith.cmpi sgt, %add3A_538, %sign3A_541 : i32
        %sign3A_543 = arith.extui %sign3A_542 : i1 to i32
        %sign3A_544 = arith.constant 0 : i32
        %sign3A_545 = arith.cmpi slt, %add3A_538, %sign3A_544 : i32
        %sign3A_546 = arith.extui %sign3A_545 : i1 to i32
        %sign3A_547 = arith.subi %sign3A_543, %sign3A_546 : i32
        %sign3A_548 = arith.constant 0 : i32
        %sign3A_549 = arith.cmpi sgt, %jit3A_539, %sign3A_548 : i32
        %sign3A_550 = arith.extui %sign3A_549 : i1 to i32
        %sign3A_551 = arith.constant 0 : i32
        %sign3A_552 = arith.cmpi slt, %jit3A_539, %sign3A_551 : i32
        %sign3A_553 = arith.extui %sign3A_552 : i1 to i32
        %sign3A_554 = arith.subi %sign3A_550, %sign3A_553 : i32
        %ne3A_555 = arith.cmpi ne, %sign3A_547, %sign3A_554 : i32
        %rem3A_556 = arith.remsi %add3A_538, %jit3A_539 : i32
        %ne3A_557 = arith.constant 0 : i32
        %ne3A_558 = arith.cmpi ne, %rem3A_556, %ne3A_557 : i32
        %and3A_559 = arith.andi %ne3A_555, %ne3A_558 : i1
        %sub3A_560 = arith.constant 1 : i32
        %sub3A_561 = arith.subi %div3A_540, %sub3A_560 : i32
        %select_n3A_562 = arith.select %and3A_559, %sub3A_561, %div3A_540 : i32
        %mul3A_563 = arith.constant 16 : i32
        %mul3A_564 = arith.muli %select_n3A_562, %mul3A_563 : i32
        %get3A_565 = arith.index_cast %mul3A_564 : i32 to index
        %get3A_566 = tpu.vector_load %arg9[%get3A_565] {strides = array<i32>} : memref<128xi32, #tpu.memory_space<vmem>>, vector<16xi32>,
        %iota3A_567 = tpu.iota {dimensions = array<i32: 0>} : vector<16xi32>
        %sub3A_568 = arith.subi %add3A_538, %mul3A_564 : i32
        %eq3A_569 = vector.broadcast %sub3A_568 : i32 to vector<16xi32>
        %eq3A_570 = arith.cmpi eq, %iota3A_567, %eq3A_569 : vector<16xi32>
        %jit3A_571 = arith.constant 0 : i32
        %broadcast_in_dim3A_572 = vector.broadcast %jit3A_571 : i32 to vector<16xi32>
        %select_n3A_573 = arith.select %eq3A_570, %get3A_566, %broadcast_in_dim3A_572 : vector<16xi1>, vector<16xi32>
        %reduce_sum3A_574 = arith.constant true
        %reduce_sum3A_575 = vector.broadcast %reduce_sum3A_574 : i1 to vector<16xi1>
        %reduce_sum3A_576 = tpu.scan <sum>, %select_n3A_573 masked %reduce_sum3A_575 : vector<16xi32>, vector<16xi1> -> vector<16xi32>
        %reduce_sum3A_577 = vector.extract %reduce_sum3A_576[15] : i32 from vector<16xi32>
        %dma_start3A_578 = arith.constant 1 : i32
        %dma_start3A_579 = arith.constant 0 : i32
        %dma_start3A_580 = tpu.memref_slice %arg8[%dma_start3A_578, %while3A_537, %dma_start3A_579] : memref<2x4x4096xf32, #tpu.memory_space<vmem>> -> memref<1x1x4096xf32, #tpu.memory_space<vmem>>
        %dma_start3A_581 = tpu.memref_squeeze %dma_start3A_580 : memref<1x1x4096xf32, #tpu.memory_space<vmem>> -> memref<1x4096xf32, #tpu.memory_space<vmem>>
        %dma_start3A_582 = arith.constant 0 : i32
        %dma_start3A_583 = tpu.memref_slice %arg3[%reduce_sum3A_577, %dma_start3A_582] : memref<8192x4096xf32, #tpu.memory_space<hbm>> -> memref<1x4096xf32, #tpu.memory_space<hbm>>
        %dma_start3A_584 = arith.constant 0 : i32
        %dma_start3A_585 = tpu.memref_slice %arg8[%dma_start3A_578, %while3A_537, %dma_start3A_584] : memref<2x4x4096xf32, #tpu.memory_space<vmem>> -> memref<1x1x4096xf32, #tpu.memory_space<vmem>>
        %dma_start3A_586 = tpu.memref_squeeze %dma_start3A_585 : memref<1x1x4096xf32, #tpu.memory_space<vmem>> -> memref<1x4096xf32, #tpu.memory_space<vmem>>
        %dma_start3A_587 = arith.constant 0 : i32
        %dma_start3A_588 = tpu.memref_slice %arg3[%reduce_sum3A_577, %dma_start3A_587] : memref<8192x4096xf32, #tpu.memory_space<hbm>> -> memref<1x4096xf32, #tpu.memory_space<hbm>>
        tpu.enqueue_dma source(%dma_start3A_588 : memref<1x4096xf32, #tpu.memory_space<hbm>>) target(%dma_start3A_586 : memref<1x4096xf32, #tpu.memory_space<vmem>>) target_semaphore(%arg20 : memref<!tpu.dma_semaphore, #tpu.memory_space<semaphore_mem>>)
      }
      %mul3A_182 = arith.constant 4 : i32
      %mul3A_183 = arith.muli %add3A_96, %mul3A_182 : i32
      %add3A_184 = arith.addi %mul3A_2, %mul3A_183 : i32
      %dma_start3A_185 = arith.constant 0 : i32
      %dma_start3A_186 = arith.constant 0 : i32
      %dma_start3A_187 = arith.constant 0 : i32
      %dma_start3A_188 = tpu.memref_slice %arg7[%dma_start3A_185, %dma_start3A_186, %dma_start3A_187] : memref<4x4x4096xf32, #tpu.memory_space<vmem>> -> memref<1x4x4096xf32, #tpu.memory_space<vmem>>
      %dma_start3A_189 = tpu.memref_squeeze %dma_start3A_188 : memref<1x4x4096xf32, #tpu.memory_space<vmem>> -> memref<4x4096xf32, #tpu.memory_space<vmem>>
      %dma_start3A_190 = arith.constant 0 : i32
      %dma_start3A_191 = tpu.memref_slice %arg6[%add3A_184, %dma_start3A_190] : memref<4096x4096xf32, #tpu.memory_space<hbm>> -> memref<4x4096xf32, #tpu.memory_space<hbm>>
      %dma_start3A_192 = arith.constant 0 : i32
      %dma_start3A_193 = tpu.memref_slice %arg6[%add3A_184, %dma_start3A_192] : memref<4096x4096xf32, #tpu.memory_space<hbm>> -> memref<4x4096xf32, #tpu.memory_space<hbm>>
      %dma_start3A_194 = arith.constant 0 : i32
      %dma_start3A_195 = arith.constant 0 : i32
      %dma_start3A_196 = tpu.memref_slice %arg7[%dma_start3A_185, %dma_start3A_194, %dma_start3A_195] : memref<4x4x4096xf32, #tpu.memory_space<vmem>> -> memref<1x4x4096xf32, #tpu.memory_space<vmem>>
      %dma_start3A_197 = tpu.memref_squeeze %dma_start3A_196 : memref<1x4x4096xf32, #tpu.memory_space<vmem>> -> memref<4x4096xf32, #tpu.memory_space<vmem>>
      tpu.enqueue_dma source(%dma_start3A_197 : memref<4x4096xf32, #tpu.memory_space<vmem>>) target(%dma_start3A_193 : memref<4x4096xf32, #tpu.memory_space<hbm>>) target_semaphore(%arg15 : memref<!tpu.dma_semaphore, #tpu.memory_space<semaphore_mem>>)
      %mul3A_198 = arith.constant 4 : i32
      %mul3A_199 = arith.muli %scan3A_90, %mul3A_198 : i32
      %add3A_200 = arith.constant 1 : i32
      %add3A_201 = arith.addi %mul3A_199, %add3A_200 : i32
      %sub3A_202 = arith.subi %reduce_sum3A_170, %scan3A_92 : i32
      %dma_wait3A_203 = arith.constant 1 : i32
      %dma_wait3A_204 = arith.constant 0 : i32
      %dma_wait3A_205 = arith.constant 0 : i32
      %dma_wait3A_206 = tpu.memref_slice %arg7[%dma_wait3A_203, %dma_wait3A_204, %dma_wait3A_205] : memref<4x4x4096xf32, #tpu.memory_space<vmem>> -> memref<1x4x4096xf32, #tpu.memory_space<vmem>>
      %dma_wait3A_207 = tpu.memref_squeeze %dma_wait3A_206 : memref<1x4x4096xf32, #tpu.memory_space<vmem>> -> memref<4x4096xf32, #tpu.memory_space<vmem>>
      %dma_wait3A_208 = arith.constant 0 : i32
      %dma_wait3A_209 = tpu.memref_slice %arg2[%mul3A_2, %dma_wait3A_208] : memref<8192x4096xf32, #tpu.memory_space<hbm>> -> memref<4x4096xf32, #tpu.memory_space<hbm>>
      %dma_wait3A_210 = arith.constant 0 : i32
      %dma_wait3A_211 = arith.constant 0 : i32
      %dma_wait3A_212 = tpu.memref_slice %arg7[%dma_wait3A_203, %dma_wait3A_210, %dma_wait3A_211] : memref<4x4x4096xf32, #tpu.memory_space<vmem>> -> memref<1x4x4096xf32, #tpu.memory_space<vmem>>
      %dma_wait3A_213 = tpu.memref_squeeze %dma_wait3A_212 : memref<1x4x4096xf32, #tpu.memory_space<vmem>> -> memref<4x4096xf32, #tpu.memory_space<vmem>>
      %dma_wait3A_214 = arith.constant 0 : i32
      %dma_wait3A_215 = tpu.memref_slice %arg2[%mul3A_2, %dma_wait3A_214] : memref<8192x4096xf32, #tpu.memory_space<hbm>> -> memref<4x4096xf32, #tpu.memory_space<hbm>>
      tpu.wait_dma2 semaphore(%arg12 : memref<!tpu.dma_semaphore, #tpu.memory_space<semaphore_mem>>) src(%dma_wait3A_215 : memref<4x4096xf32, #tpu.memory_space<hbm>>) dst(%dma_wait3A_213 : memref<4x4096xf32, #tpu.memory_space<vmem>>)
      %add3A_216 = arith.constant 1 : i32
      %add3A_217 = arith.addi %add3A_201, %add3A_216 : i32
      %lt3A_218 = arith.constant 32 : i32
      %lt3A_219 = arith.cmpi slt, %add3A_217, %lt3A_218 : i32
      %convert_element_type3A_220 = arith.extui %lt3A_219 : i1 to i32
      %cond3A_221 = arith.constant 0 : i32
      %cond3A_222 = arith.cmpi ne, %convert_element_type3A_220, %cond3A_221 : i32
      scf.if %cond3A_222 {
        %ge3A = arith.constant 3 : i32
        %ge3A_537 = arith.cmpi sge, %add3A_201, %ge3A : i32
        %convert_element_type3A_538 = arith.extui %ge3A_537 : i1 to i32
        %cond3A_539 = arith.constant 0 : i32
        %cond3A_540 = arith.cmpi ne, %convert_element_type3A_538, %cond3A_539 : i32
        scf.if %cond3A_540 {
          %dma_wait3A_559 = arith.constant 2 : i32
          %dma_wait3A_560 = arith.constant 0 : i32
          %dma_wait3A_561 = arith.constant 0 : i32
          %dma_wait3A_562 = tpu.memref_slice %arg7[%dma_wait3A_559, %dma_wait3A_560, %dma_wait3A_561] : memref<4x4x4096xf32, #tpu.memory_space<vmem>> -> memref<1x4x4096xf32, #tpu.memory_space<vmem>>
          %dma_wait3A_563 = tpu.memref_squeeze %dma_wait3A_562 : memref<1x4x4096xf32, #tpu.memory_space<vmem>> -> memref<4x4096xf32, #tpu.memory_space<vmem>>
          %dma_wait3A_564 = arith.constant 0 : i32
          %dma_wait3A_565 = tpu.memref_slice %arg6[%mul3A_2, %dma_wait3A_564] : memref<4096x4096xf32, #tpu.memory_space<hbm>> -> memref<4x4096xf32, #tpu.memory_space<hbm>>
          %dma_wait3A_566 = arith.constant 0 : i32
          %dma_wait3A_567 = tpu.memref_slice %arg6[%mul3A_2, %dma_wait3A_566] : memref<4096x4096xf32, #tpu.memory_space<hbm>> -> memref<4x4096xf32, #tpu.memory_space<hbm>>
          %dma_wait3A_568 = arith.constant 0 : i32
          %dma_wait3A_569 = arith.constant 0 : i32
          %dma_wait3A_570 = tpu.memref_slice %arg7[%dma_wait3A_559, %dma_wait3A_568, %dma_wait3A_569] : memref<4x4x4096xf32, #tpu.memory_space<vmem>> -> memref<1x4x4096xf32, #tpu.memory_space<vmem>>
          %dma_wait3A_571 = tpu.memref_squeeze %dma_wait3A_570 : memref<1x4x4096xf32, #tpu.memory_space<vmem>> -> memref<4x4096xf32, #tpu.memory_space<vmem>>
          tpu.wait_dma2 semaphore(%arg17 : memref<!tpu.dma_semaphore, #tpu.memory_space<semaphore_mem>>) src(%dma_wait3A_571 : memref<4x4096xf32, #tpu.memory_space<vmem>>) dst(%dma_wait3A_567 : memref<4x4096xf32, #tpu.memory_space<hbm>>)
        } else {
        }
        %add3A_541 = arith.constant 1 : i32
        %add3A_542 = arith.addi %add3A_201, %add3A_541 : i32
        %mul3A_543 = arith.constant 4 : i32
        %mul3A_544 = arith.muli %add3A_542, %mul3A_543 : i32
        %add3A_545 = arith.addi %mul3A_2, %mul3A_544 : i32
        %dma_start3A_546 = arith.constant 2 : i32
        %dma_start3A_547 = arith.constant 0 : i32
        %dma_start3A_548 = arith.constant 0 : i32
        %dma_start3A_549 = tpu.memref_slice %arg7[%dma_start3A_546, %dma_start3A_547, %dma_start3A_548] : memref<4x4x4096xf32, #tpu.memory_space<vmem>> -> memref<1x4x4096xf32, #tpu.memory_space<vmem>>
        %dma_start3A_550 = tpu.memref_squeeze %dma_start3A_549 : memref<1x4x4096xf32, #tpu.memory_space<vmem>> -> memref<4x4096xf32, #tpu.memory_space<vmem>>
        %dma_start3A_551 = arith.constant 0 : i32
        %dma_start3A_552 = tpu.memref_slice %arg2[%add3A_545, %dma_start3A_551] : memref<8192x4096xf32, #tpu.memory_space<hbm>> -> memref<4x4096xf32, #tpu.memory_space<hbm>>
        %dma_start3A_553 = arith.constant 0 : i32
        %dma_start3A_554 = arith.constant 0 : i32
        %dma_start3A_555 = tpu.memref_slice %arg7[%dma_start3A_546, %dma_start3A_553, %dma_start3A_554] : memref<4x4x4096xf32, #tpu.memory_space<vmem>> -> memref<1x4x4096xf32, #tpu.memory_space<vmem>>
        %dma_start3A_556 = tpu.memref_squeeze %dma_start3A_555 : memref<1x4x4096xf32, #tpu.memory_space<vmem>> -> memref<4x4096xf32, #tpu.memory_space<vmem>>
        %dma_start3A_557 = arith.constant 0 : i32
        %dma_start3A_558 = tpu.memref_slice %arg2[%add3A_545, %dma_start3A_557] : memref<8192x4096xf32, #tpu.memory_space<hbm>> -> memref<4x4096xf32, #tpu.memory_space<hbm>>
        tpu.enqueue_dma source(%dma_start3A_558 : memref<4x4096xf32, #tpu.memory_space<hbm>>) target(%dma_start3A_556 : memref<4x4096xf32, #tpu.memory_space<vmem>>) target_semaphore(%arg13 : memref<!tpu.dma_semaphore, #tpu.memory_space<semaphore_mem>>)
      } else {
      }
      %while3A_223 = arith.constant 0 : i32
      %while3A_224 = arith.constant 0 : i32
      %while3A_225 = arith.subi %sub3A_202, %while3A_224 : i32
      %while3A_226 = arith.addi %while3A_224, %while3A_225 : i32
      %while3A_227 = arith.constant 1 : i32
      %while3A_228 = arith.divsi %while3A_225, %while3A_227 : i32
      %while3A_229 = arith.muli %while3A_228, %while3A_227 : i32
      %while3A_230 = arith.addi %while3A_224, %while3A_229 : i32
      %while3A_231 = arith.constant 1 : i32
      scf.for %while3A_537 = %while3A_224 to %while3A_230 step %while3A_231  : i32 {
        %dma_wait3A_538 = arith.constant 1 : i32
        %dma_wait3A_539 = arith.constant 0 : i32
        %dma_wait3A_540 = arith.constant 0 : i32
        %dma_wait3A_541 = tpu.memref_slice %arg8[%dma_wait3A_538, %dma_wait3A_539, %dma_wait3A_540] : memref<2x4x4096xf32, #tpu.memory_space<vmem>> -> memref<1x1x4096xf32, #tpu.memory_space<vmem>>
        %dma_wait3A_542 = tpu.memref_squeeze %dma_wait3A_541 : memref<1x1x4096xf32, #tpu.memory_space<vmem>> -> memref<1x4096xf32, #tpu.memory_space<vmem>>
        %dma_wait3A_543 = arith.constant 0 : i32
        %dma_wait3A_544 = tpu.memref_slice %arg3[%mul3A_2, %dma_wait3A_543] : memref<8192x4096xf32, #tpu.memory_space<hbm>> -> memref<1x4096xf32, #tpu.memory_space<hbm>>
        %dma_wait3A_545 = arith.constant 0 : i32
        %dma_wait3A_546 = arith.constant 0 : i32
        %dma_wait3A_547 = tpu.memref_slice %arg8[%dma_wait3A_538, %dma_wait3A_545, %dma_wait3A_546] : memref<2x4x4096xf32, #tpu.memory_space<vmem>> -> memref<1x1x4096xf32, #tpu.memory_space<vmem>>
        %dma_wait3A_548 = tpu.memref_squeeze %dma_wait3A_547 : memref<1x1x4096xf32, #tpu.memory_space<vmem>> -> memref<1x4096xf32, #tpu.memory_space<vmem>>
        %dma_wait3A_549 = arith.constant 0 : i32
        %dma_wait3A_550 = tpu.memref_slice %arg3[%mul3A_2, %dma_wait3A_549] : memref<8192x4096xf32, #tpu.memory_space<hbm>> -> memref<1x4096xf32, #tpu.memory_space<hbm>>
        tpu.wait_dma2 semaphore(%arg20 : memref<!tpu.dma_semaphore, #tpu.memory_space<semaphore_mem>>) src(%dma_wait3A_550 : memref<1x4096xf32, #tpu.memory_space<hbm>>) dst(%dma_wait3A_548 : memref<1x4096xf32, #tpu.memory_space<vmem>>)
      }
      %while3A_232 = arith.constant 1 : i32
      scf.for %while3A_537 = %while3A_230 to %while3A_226 step %while3A_232  : i32 {
        %dma_wait3A_538 = arith.constant 1 : i32
        %dma_wait3A_539 = arith.constant 0 : i32
        %dma_wait3A_540 = arith.constant 0 : i32
        %dma_wait3A_541 = tpu.memref_slice %arg8[%dma_wait3A_538, %dma_wait3A_539, %dma_wait3A_540] : memref<2x4x4096xf32, #tpu.memory_space<vmem>> -> memref<1x1x4096xf32, #tpu.memory_space<vmem>>
        %dma_wait3A_542 = tpu.memref_squeeze %dma_wait3A_541 : memref<1x1x4096xf32, #tpu.memory_space<vmem>> -> memref<1x4096xf32, #tpu.memory_space<vmem>>
        %dma_wait3A_543 = arith.constant 0 : i32
        %dma_wait3A_544 = tpu.memref_slice %arg3[%mul3A_2, %dma_wait3A_543] : memref<8192x4096xf32, #tpu.memory_space<hbm>> -> memref<1x4096xf32, #tpu.memory_space<hbm>>
        %dma_wait3A_545 = arith.constant 0 : i32
        %dma_wait3A_546 = arith.constant 0 : i32
        %dma_wait3A_547 = tpu.memref_slice %arg8[%dma_wait3A_538, %dma_wait3A_545, %dma_wait3A_546] : memref<2x4x4096xf32, #tpu.memory_space<vmem>> -> memref<1x1x4096xf32, #tpu.memory_space<vmem>>
        %dma_wait3A_548 = tpu.memref_squeeze %dma_wait3A_547 : memref<1x1x4096xf32, #tpu.memory_space<vmem>> -> memref<1x4096xf32, #tpu.memory_space<vmem>>
        %dma_wait3A_549 = arith.constant 0 : i32
        %dma_wait3A_550 = tpu.memref_slice %arg3[%mul3A_2, %dma_wait3A_549] : memref<8192x4096xf32, #tpu.memory_space<hbm>> -> memref<1x4096xf32, #tpu.memory_space<hbm>>
        tpu.wait_dma2 semaphore(%arg20 : memref<!tpu.dma_semaphore, #tpu.memory_space<semaphore_mem>>) src(%dma_wait3A_550 : memref<1x4096xf32, #tpu.memory_space<hbm>>) dst(%dma_wait3A_548 : memref<1x4096xf32, #tpu.memory_space<vmem>>)
      }
      %while3A_233 = arith.constant 0 : i32
      %while3A_234 = arith.constant 0 : i32
      %while3A_235 = arith.subi %sub3A_202, %while3A_234 : i32
      %while3A_236 = arith.addi %while3A_234, %while3A_235 : i32
      %while3A_237 = arith.constant 1 : i32
      %while3A_238 = arith.divsi %while3A_235, %while3A_237 : i32
      %while3A_239 = arith.muli %while3A_238, %while3A_237 : i32
      %while3A_240 = arith.addi %while3A_234, %while3A_239 : i32
      %while3A_241 = arith.constant 1 : i32
      scf.for %while3A_537 = %while3A_234 to %while3A_240 step %while3A_241  : i32 {
        %add3A_538 = arith.addi %scan3A_92, %while3A_537 : i32
        %jit3A_539 = arith.constant 16 : i32
        %div3A_540 = arith.divsi %add3A_538, %jit3A_539 : i32
        %sign3A_541 = arith.constant 0 : i32
        %sign3A_542 = arith.cmpi sgt, %add3A_538, %sign3A_541 : i32
        %sign3A_543 = arith.extui %sign3A_542 : i1 to i32
        %sign3A_544 = arith.constant 0 : i32
        %sign3A_545 = arith.cmpi slt, %add3A_538, %sign3A_544 : i32
        %sign3A_546 = arith.extui %sign3A_545 : i1 to i32
        %sign3A_547 = arith.subi %sign3A_543, %sign3A_546 : i32
        %sign3A_548 = arith.constant 0 : i32
        %sign3A_549 = arith.cmpi sgt, %jit3A_539, %sign3A_548 : i32
        %sign3A_550 = arith.extui %sign3A_549 : i1 to i32
        %sign3A_551 = arith.constant 0 : i32
        %sign3A_552 = arith.cmpi slt, %jit3A_539, %sign3A_551 : i32
        %sign3A_553 = arith.extui %sign3A_552 : i1 to i32
        %sign3A_554 = arith.subi %sign3A_550, %sign3A_553 : i32
        %ne3A_555 = arith.cmpi ne, %sign3A_547, %sign3A_554 : i32
        %rem3A_556 = arith.remsi %add3A_538, %jit3A_539 : i32
        %ne3A_557 = arith.constant 0 : i32
        %ne3A_558 = arith.cmpi ne, %rem3A_556, %ne3A_557 : i32
        %and3A_559 = arith.andi %ne3A_555, %ne3A_558 : i1
        %sub3A_560 = arith.constant 1 : i32
        %sub3A_561 = arith.subi %div3A_540, %sub3A_560 : i32
        %select_n3A_562 = arith.select %and3A_559, %sub3A_561, %div3A_540 : i32
        %mul3A_563 = arith.constant 16 : i32
        %mul3A_564 = arith.muli %select_n3A_562, %mul3A_563 : i32
        %get3A_565 = arith.index_cast %mul3A_564 : i32 to index
        %get3A_566 = tpu.vector_load %arg9[%get3A_565] {strides = array<i32>} : memref<128xi32, #tpu.memory_space<vmem>>, vector<16xi32>,
        %iota3A_567 = tpu.iota {dimensions = array<i32: 0>} : vector<16xi32>
        %sub3A_568 = arith.subi %add3A_538, %mul3A_564 : i32
        %eq3A_569 = vector.broadcast %sub3A_568 : i32 to vector<16xi32>
        %eq3A_570 = arith.cmpi eq, %iota3A_567, %eq3A_569 : vector<16xi32>
        %jit3A_571 = arith.constant 0 : i32
        %broadcast_in_dim3A_572 = vector.broadcast %jit3A_571 : i32 to vector<16xi32>
        %select_n3A_573 = arith.select %eq3A_570, %get3A_566, %broadcast_in_dim3A_572 : vector<16xi1>, vector<16xi32>
        %reduce_sum3A_574 = arith.constant true
        %reduce_sum3A_575 = vector.broadcast %reduce_sum3A_574 : i1 to vector<16xi1>
        %reduce_sum3A_576 = tpu.scan <sum>, %select_n3A_573 masked %reduce_sum3A_575 : vector<16xi32>, vector<16xi1> -> vector<16xi32>
        %reduce_sum3A_577 = vector.extract %reduce_sum3A_576[15] : i32 from vector<16xi32>
        %mul3A_578 = arith.constant 4 : i32
        %mul3A_579 = arith.muli %add3A_201, %mul3A_578 : i32
        %add3A_580 = arith.addi %mul3A_2, %mul3A_579 : i32
        %sub3A_581 = arith.subi %reduce_sum3A_577, %add3A_580 : i32
        %scan3A_582 = arith.constant 0 : i32
        %scan3A_583 = arith.constant 0 : i32
        %scan3A_584 = arith.constant 256 : i32
        %scan3A_585 = arith.addi %scan3A_583, %scan3A_584 : i32
        %scan3A_586 = arith.constant 16 : i32
        scf.for %scan3A_588 = %scan3A_583 to %scan3A_585 step %scan3A_586  : i32 {
          %mul3A_589 = arith.constant 16 : i32
          %mul3A_590 = arith.muli %scan3A_588, %mul3A_589 : i32
          %get3A_591 = arith.constant 1 : i32
          %get3A_592 = arith.index_cast %get3A_591 : i32 to index
          %get3A_593 = arith.index_cast %while3A_537 : i32 to index
          %get3A_594 = arith.index_cast %mul3A_590 : i32 to index
          %get3A_595 = tpu.vector_load %arg8[%get3A_592, %get3A_593, %get3A_594] {strides = array<i32>} : memref<2x4x4096xf32, #tpu.memory_space<vmem>>, vector<16xf32>,
          %swap3A = arith.constant 1 : i32
          %swap3A_596 = arith.index_cast %swap3A : i32 to index
          %swap3A_597 = arith.index_cast %sub3A_581 : i32 to index
          %swap3A_598 = arith.index_cast %mul3A_590 : i32 to index
          %swap3A_599 = tpu.vector_load %arg7[%swap3A_596, %swap3A_597, %swap3A_598] {strides = array<i32>} : memref<4x4x4096xf32, #tpu.memory_space<vmem>>, vector<16xf32>,
          tpu.vector_store %arg7[%swap3A_596, %swap3A_597, %swap3A_598], %get3A_595 {add = true, strides = array<i32>} : memref<4x4x4096xf32, #tpu.memory_space<vmem>>, vector<16xf32>,
          %scan3A_600 = arith.constant 1 : i32
          %scan3A_601 = arith.addi %scan3A_588, %scan3A_600 : i32
          %mul3A_602 = arith.constant 16 : i32
          %mul3A_603 = arith.muli %scan3A_601, %mul3A_602 : i32
          %get3A_604 = arith.constant 1 : i32
          %get3A_605 = arith.index_cast %get3A_604 : i32 to index
          %get3A_606 = arith.index_cast %while3A_537 : i32 to index
          %get3A_607 = arith.index_cast %mul3A_603 : i32 to index
          %get3A_608 = tpu.vector_load %arg8[%get3A_605, %get3A_606, %get3A_607] {strides = array<i32>} : memref<2x4x4096xf32, #tpu.memory_space<vmem>>, vector<16xf32>,
          %swap3A_609 = arith.constant 1 : i32
          %swap3A_610 = arith.index_cast %swap3A_609 : i32 to index
          %swap3A_611 = arith.index_cast %sub3A_581 : i32 to index
          %swap3A_612 = arith.index_cast %mul3A_603 : i32 to index
          %swap3A_613 = tpu.vector_load %arg7[%swap3A_610, %swap3A_611, %swap3A_612] {strides = array<i32>} : memref<4x4x4096xf32, #tpu.memory_space<vmem>>, vector<16xf32>,
          tpu.vector_store %arg7[%swap3A_610, %swap3A_611, %swap3A_612], %get3A_608 {add = true, strides = array<i32>} : memref<4x4x4096xf32, #tpu.memory_space<vmem>>, vector<16xf32>,
          %scan3A_614 = arith.constant 2 : i32
          %scan3A_615 = arith.addi %scan3A_588, %scan3A_614 : i32
          %mul3A_616 = arith.constant 16 : i32
          %mul3A_617 = arith.muli %scan3A_615, %mul3A_616 : i32
          %get3A_618 = arith.constant 1 : i32
          %get3A_619 = arith.index_cast %get3A_618 : i32 to index
          %get3A_620 = arith.index_cast %while3A_537 : i32 to index
          %get3A_621 = arith.index_cast %mul3A_617 : i32 to index
          %get3A_622 = tpu.vector_load %arg8[%get3A_619, %get3A_620, %get3A_621] {strides = array<i32>} : memref<2x4x4096xf32, #tpu.memory_space<vmem>>, vector<16xf32>,
          %swap3A_623 = arith.constant 1 : i32
          %swap3A_624 = arith.index_cast %swap3A_623 : i32 to index
          %swap3A_625 = arith.index_cast %sub3A_581 : i32 to index
          %swap3A_626 = arith.index_cast %mul3A_617 : i32 to index
          %swap3A_627 = tpu.vector_load %arg7[%swap3A_624, %swap3A_625, %swap3A_626] {strides = array<i32>} : memref<4x4x4096xf32, #tpu.memory_space<vmem>>, vector<16xf32>,
          tpu.vector_store %arg7[%swap3A_624, %swap3A_625, %swap3A_626], %get3A_622 {add = true, strides = array<i32>} : memref<4x4x4096xf32, #tpu.memory_space<vmem>>, vector<16xf32>,
          %scan3A_628 = arith.constant 3 : i32
          %scan3A_629 = arith.addi %scan3A_588, %scan3A_628 : i32
          %mul3A_630 = arith.constant 16 : i32
          %mul3A_631 = arith.muli %scan3A_629, %mul3A_630 : i32
          %get3A_632 = arith.constant 1 : i32
          %get3A_633 = arith.index_cast %get3A_632 : i32 to index
          %get3A_634 = arith.index_cast %while3A_537 : i32 to index
          %get3A_635 = arith.index_cast %mul3A_631 : i32 to index
          %get3A_636 = tpu.vector_load %arg8[%get3A_633, %get3A_634, %get3A_635] {strides = array<i32>} : memref<2x4x4096xf32, #tpu.memory_space<vmem>>, vector<16xf32>,
          %swap3A_637 = arith.constant 1 : i32
          %swap3A_638 = arith.index_cast %swap3A_637 : i32 to index
          %swap3A_639 = arith.index_cast %sub3A_581 : i32 to index
          %swap3A_640 = arith.index_cast %mul3A_631 : i32 to index
          %swap3A_641 = tpu.vector_load %arg7[%swap3A_638, %swap3A_639, %swap3A_640] {strides = array<i32>} : memref<4x4x4096xf32, #tpu.memory_space<vmem>>, vector<16xf32>,
          tpu.vector_store %arg7[%swap3A_638, %swap3A_639, %swap3A_640], %get3A_636 {add = true, strides = array<i32>} : memref<4x4x4096xf32, #tpu.memory_space<vmem>>, vector<16xf32>,
          %scan3A_642 = arith.constant 4 : i32
          %scan3A_643 = arith.addi %scan3A_588, %scan3A_642 : i32
          %mul3A_644 = arith.constant 16 : i32
          %mul3A_645 = arith.muli %scan3A_643, %mul3A_644 : i32
          %get3A_646 = arith.constant 1 : i32
          %get3A_647 = arith.index_cast %get3A_646 : i32 to index
          %get3A_648 = arith.index_cast %while3A_537 : i32 to index
          %get3A_649 = arith.index_cast %mul3A_645 : i32 to index
          %get3A_650 = tpu.vector_load %arg8[%get3A_647, %get3A_648, %get3A_649] {strides = array<i32>} : memref<2x4x4096xf32, #tpu.memory_space<vmem>>, vector<16xf32>,
          %swap3A_651 = arith.constant 1 : i32
          %swap3A_652 = arith.index_cast %swap3A_651 : i32 to index
          %swap3A_653 = arith.index_cast %sub3A_581 : i32 to index
          %swap3A_654 = arith.index_cast %mul3A_645 : i32 to index
          %swap3A_655 = tpu.vector_load %arg7[%swap3A_652, %swap3A_653, %swap3A_654] {strides = array<i32>} : memref<4x4x4096xf32, #tpu.memory_space<vmem>>, vector<16xf32>,
          tpu.vector_store %arg7[%swap3A_652, %swap3A_653, %swap3A_654], %get3A_650 {add = true, strides = array<i32>} : memref<4x4x4096xf32, #tpu.memory_space<vmem>>, vector<16xf32>,
          %scan3A_656 = arith.constant 5 : i32
          %scan3A_657 = arith.addi %scan3A_588, %scan3A_656 : i32
          %mul3A_658 = arith.constant 16 : i32
          %mul3A_659 = arith.muli %scan3A_657, %mul3A_658 : i32
          %get3A_660 = arith.constant 1 : i32
          %get3A_661 = arith.index_cast %get3A_660 : i32 to index
          %get3A_662 = arith.index_cast %while3A_537 : i32 to index
          %get3A_663 = arith.index_cast %mul3A_659 : i32 to index
          %get3A_664 = tpu.vector_load %arg8[%get3A_661, %get3A_662, %get3A_663] {strides = array<i32>} : memref<2x4x4096xf32, #tpu.memory_space<vmem>>, vector<16xf32>,
          %swap3A_665 = arith.constant 1 : i32
          %swap3A_666 = arith.index_cast %swap3A_665 : i32 to index
          %swap3A_667 = arith.index_cast %sub3A_581 : i32 to index
          %swap3A_668 = arith.index_cast %mul3A_659 : i32 to index
          %swap3A_669 = tpu.vector_load %arg7[%swap3A_666, %swap3A_667, %swap3A_668] {strides = array<i32>} : memref<4x4x4096xf32, #tpu.memory_space<vmem>>, vector<16xf32>,
          tpu.vector_store %arg7[%swap3A_666, %swap3A_667, %swap3A_668], %get3A_664 {add = true, strides = array<i32>} : memref<4x4x4096xf32, #tpu.memory_space<vmem>>, vector<16xf32>,
          %scan3A_670 = arith.constant 6 : i32
          %scan3A_671 = arith.addi %scan3A_588, %scan3A_670 : i32
          %mul3A_672 = arith.constant 16 : i32
          %mul3A_673 = arith.muli %scan3A_671, %mul3A_672 : i32
          %get3A_674 = arith.constant 1 : i32
          %get3A_675 = arith.index_cast %get3A_674 : i32 to index
          %get3A_676 = arith.index_cast %while3A_537 : i32 to index
          %get3A_677 = arith.index_cast %mul3A_673 : i32 to index
          %get3A_678 = tpu.vector_load %arg8[%get3A_675, %get3A_676, %get3A_677] {strides = array<i32>} : memref<2x4x4096xf32, #tpu.memory_space<vmem>>, vector<16xf32>,
          %swap3A_679 = arith.constant 1 : i32
          %swap3A_680 = arith.index_cast %swap3A_679 : i32 to index
          %swap3A_681 = arith.index_cast %sub3A_581 : i32 to index
          %swap3A_682 = arith.index_cast %mul3A_673 : i32 to index
          %swap3A_683 = tpu.vector_load %arg7[%swap3A_680, %swap3A_681, %swap3A_682] {strides = array<i32>} : memref<4x4x4096xf32, #tpu.memory_space<vmem>>, vector<16xf32>,
          tpu.vector_store %arg7[%swap3A_680, %swap3A_681, %swap3A_682], %get3A_678 {add = true, strides = array<i32>} : memref<4x4x4096xf32, #tpu.memory_space<vmem>>, vector<16xf32>,
          %scan3A_684 = arith.constant 7 : i32
          %scan3A_685 = arith.addi %scan3A_588, %scan3A_684 : i32
          %mul3A_686 = arith.constant 16 : i32
          %mul3A_687 = arith.muli %scan3A_685, %mul3A_686 : i32
          %get3A_688 = arith.constant 1 : i32
          %get3A_689 = arith.index_cast %get3A_688 : i32 to index
          %get3A_690 = arith.index_cast %while3A_537 : i32 to index
          %get3A_691 = arith.index_cast %mul3A_687 : i32 to index
          %get3A_692 = tpu.vector_load %arg8[%get3A_689, %get3A_690, %get3A_691] {strides = array<i32>} : memref<2x4x4096xf32, #tpu.memory_space<vmem>>, vector<16xf32>,
          %swap3A_693 = arith.constant 1 : i32
          %swap3A_694 = arith.index_cast %swap3A_693 : i32 to index
          %swap3A_695 = arith.index_cast %sub3A_581 : i32 to index
          %swap3A_696 = arith.index_cast %mul3A_687 : i32 to index
          %swap3A_697 = tpu.vector_load %arg7[%swap3A_694, %swap3A_695, %swap3A_696] {strides = array<i32>} : memref<4x4x4096xf32, #tpu.memory_space<vmem>>, vector<16xf32>,
          tpu.vector_store %arg7[%swap3A_694, %swap3A_695, %swap3A_696], %get3A_692 {add = true, strides = array<i32>} : memref<4x4x4096xf32, #tpu.memory_space<vmem>>, vector<16xf32>,
          %scan3A_698 = arith.constant 8 : i32
          %scan3A_699 = arith.addi %scan3A_588, %scan3A_698 : i32
          %mul3A_700 = arith.constant 16 : i32
          %mul3A_701 = arith.muli %scan3A_699, %mul3A_700 : i32
          %get3A_702 = arith.constant 1 : i32
          %get3A_703 = arith.index_cast %get3A_702 : i32 to index
          %get3A_704 = arith.index_cast %while3A_537 : i32 to index
          %get3A_705 = arith.index_cast %mul3A_701 : i32 to index
          %get3A_706 = tpu.vector_load %arg8[%get3A_703, %get3A_704, %get3A_705] {strides = array<i32>} : memref<2x4x4096xf32, #tpu.memory_space<vmem>>, vector<16xf32>,
          %swap3A_707 = arith.constant 1 : i32
          %swap3A_708 = arith.index_cast %swap3A_707 : i32 to index
          %swap3A_709 = arith.index_cast %sub3A_581 : i32 to index
          %swap3A_710 = arith.index_cast %mul3A_701 : i32 to index
          %swap3A_711 = tpu.vector_load %arg7[%swap3A_708, %swap3A_709, %swap3A_710] {strides = array<i32>} : memref<4x4x4096xf32, #tpu.memory_space<vmem>>, vector<16xf32>,
          tpu.vector_store %arg7[%swap3A_708, %swap3A_709, %swap3A_710], %get3A_706 {add = true, strides = array<i32>} : memref<4x4x4096xf32, #tpu.memory_space<vmem>>, vector<16xf32>,
          %scan3A_712 = arith.constant 9 : i32
          %scan3A_713 = arith.addi %scan3A_588, %scan3A_712 : i32
          %mul3A_714 = arith.constant 16 : i32
          %mul3A_715 = arith.muli %scan3A_713, %mul3A_714 : i32
          %get3A_716 = arith.constant 1 : i32
          %get3A_717 = arith.index_cast %get3A_716 : i32 to index
          %get3A_718 = arith.index_cast %while3A_537 : i32 to index
          %get3A_719 = arith.index_cast %mul3A_715 : i32 to index
          %get3A_720 = tpu.vector_load %arg8[%get3A_717, %get3A_718, %get3A_719] {strides = array<i32>} : memref<2x4x4096xf32, #tpu.memory_space<vmem>>, vector<16xf32>,
          %swap3A_721 = arith.constant 1 : i32
          %swap3A_722 = arith.index_cast %swap3A_721 : i32 to index
          %swap3A_723 = arith.index_cast %sub3A_581 : i32 to index
          %swap3A_724 = arith.index_cast %mul3A_715 : i32 to index
          %swap3A_725 = tpu.vector_load %arg7[%swap3A_722, %swap3A_723, %swap3A_724] {strides = array<i32>} : memref<4x4x4096xf32, #tpu.memory_space<vmem>>, vector<16xf32>,
          tpu.vector_store %arg7[%swap3A_722, %swap3A_723, %swap3A_724], %get3A_720 {add = true, strides = array<i32>} : memref<4x4x4096xf32, #tpu.memory_space<vmem>>, vector<16xf32>,
          %scan3A_726 = arith.constant 10 : i32
          %scan3A_727 = arith.addi %scan3A_588, %scan3A_726 : i32
          %mul3A_728 = arith.constant 16 : i32
          %mul3A_729 = arith.muli %scan3A_727, %mul3A_728 : i32
          %get3A_730 = arith.constant 1 : i32
          %get3A_731 = arith.index_cast %get3A_730 : i32 to index
          %get3A_732 = arith.index_cast %while3A_537 : i32 to index
          %get3A_733 = arith.index_cast %mul3A_729 : i32 to index
          %get3A_734 = tpu.vector_load %arg8[%get3A_731, %get3A_732, %get3A_733] {strides = array<i32>} : memref<2x4x4096xf32, #tpu.memory_space<vmem>>, vector<16xf32>,
          %swap3A_735 = arith.constant 1 : i32
          %swap3A_736 = arith.index_cast %swap3A_735 : i32 to index
          %swap3A_737 = arith.index_cast %sub3A_581 : i32 to index
          %swap3A_738 = arith.index_cast %mul3A_729 : i32 to index
          %swap3A_739 = tpu.vector_load %arg7[%swap3A_736, %swap3A_737, %swap3A_738] {strides = array<i32>} : memref<4x4x4096xf32, #tpu.memory_space<vmem>>, vector<16xf32>,
          tpu.vector_store %arg7[%swap3A_736, %swap3A_737, %swap3A_738], %get3A_734 {add = true, strides = array<i32>} : memref<4x4x4096xf32, #tpu.memory_space<vmem>>, vector<16xf32>,
          %scan3A_740 = arith.constant 11 : i32
          %scan3A_741 = arith.addi %scan3A_588, %scan3A_740 : i32
          %mul3A_742 = arith.constant 16 : i32
          %mul3A_743 = arith.muli %scan3A_741, %mul3A_742 : i32
          %get3A_744 = arith.constant 1 : i32
          %get3A_745 = arith.index_cast %get3A_744 : i32 to index
          %get3A_746 = arith.index_cast %while3A_537 : i32 to index
          %get3A_747 = arith.index_cast %mul3A_743 : i32 to index
          %get3A_748 = tpu.vector_load %arg8[%get3A_745, %get3A_746, %get3A_747] {strides = array<i32>} : memref<2x4x4096xf32, #tpu.memory_space<vmem>>, vector<16xf32>,
          %swap3A_749 = arith.constant 1 : i32
          %swap3A_750 = arith.index_cast %swap3A_749 : i32 to index
          %swap3A_751 = arith.index_cast %sub3A_581 : i32 to index
          %swap3A_752 = arith.index_cast %mul3A_743 : i32 to index
          %swap3A_753 = tpu.vector_load %arg7[%swap3A_750, %swap3A_751, %swap3A_752] {strides = array<i32>} : memref<4x4x4096xf32, #tpu.memory_space<vmem>>, vector<16xf32>,
          tpu.vector_store %arg7[%swap3A_750, %swap3A_751, %swap3A_752], %get3A_748 {add = true, strides = array<i32>} : memref<4x4x4096xf32, #tpu.memory_space<vmem>>, vector<16xf32>,
          %scan3A_754 = arith.constant 12 : i32
          %scan3A_755 = arith.addi %scan3A_588, %scan3A_754 : i32
          %mul3A_756 = arith.constant 16 : i32
          %mul3A_757 = arith.muli %scan3A_755, %mul3A_756 : i32
          %get3A_758 = arith.constant 1 : i32
          %get3A_759 = arith.index_cast %get3A_758 : i32 to index
          %get3A_760 = arith.index_cast %while3A_537 : i32 to index
          %get3A_761 = arith.index_cast %mul3A_757 : i32 to index
          %get3A_762 = tpu.vector_load %arg8[%get3A_759, %get3A_760, %get3A_761] {strides = array<i32>} : memref<2x4x4096xf32, #tpu.memory_space<vmem>>, vector<16xf32>,
          %swap3A_763 = arith.constant 1 : i32
          %swap3A_764 = arith.index_cast %swap3A_763 : i32 to index
          %swap3A_765 = arith.index_cast %sub3A_581 : i32 to index
          %swap3A_766 = arith.index_cast %mul3A_757 : i32 to index
          %swap3A_767 = tpu.vector_load %arg7[%swap3A_764, %swap3A_765, %swap3A_766] {strides = array<i32>} : memref<4x4x4096xf32, #tpu.memory_space<vmem>>, vector<16xf32>,
          tpu.vector_store %arg7[%swap3A_764, %swap3A_765, %swap3A_766], %get3A_762 {add = true, strides = array<i32>} : memref<4x4x4096xf32, #tpu.memory_space<vmem>>, vector<16xf32>,
          %scan3A_768 = arith.constant 13 : i32
          %scan3A_769 = arith.addi %scan3A_588, %scan3A_768 : i32
          %mul3A_770 = arith.constant 16 : i32
          %mul3A_771 = arith.muli %scan3A_769, %mul3A_770 : i32
          %get3A_772 = arith.constant 1 : i32
          %get3A_773 = arith.index_cast %get3A_772 : i32 to index
          %get3A_774 = arith.index_cast %while3A_537 : i32 to index
          %get3A_775 = arith.index_cast %mul3A_771 : i32 to index
          %get3A_776 = tpu.vector_load %arg8[%get3A_773, %get3A_774, %get3A_775] {strides = array<i32>} : memref<2x4x4096xf32, #tpu.memory_space<vmem>>, vector<16xf32>,
          %swap3A_777 = arith.constant 1 : i32
          %swap3A_778 = arith.index_cast %swap3A_777 : i32 to index
          %swap3A_779 = arith.index_cast %sub3A_581 : i32 to index
          %swap3A_780 = arith.index_cast %mul3A_771 : i32 to index
          %swap3A_781 = tpu.vector_load %arg7[%swap3A_778, %swap3A_779, %swap3A_780] {strides = array<i32>} : memref<4x4x4096xf32, #tpu.memory_space<vmem>>, vector<16xf32>,
          tpu.vector_store %arg7[%swap3A_778, %swap3A_779, %swap3A_780], %get3A_776 {add = true, strides = array<i32>} : memref<4x4x4096xf32, #tpu.memory_space<vmem>>, vector<16xf32>,
          %scan3A_782 = arith.constant 14 : i32
          %scan3A_783 = arith.addi %scan3A_588, %scan3A_782 : i32
          %mul3A_784 = arith.constant 16 : i32
          %mul3A_785 = arith.muli %scan3A_783, %mul3A_784 : i32
          %get3A_786 = arith.constant 1 : i32
          %get3A_787 = arith.index_cast %get3A_786 : i32 to index
          %get3A_788 = arith.index_cast %while3A_537 : i32 to index
          %get3A_789 = arith.index_cast %mul3A_785 : i32 to index
          %get3A_790 = tpu.vector_load %arg8[%get3A_787, %get3A_788, %get3A_789] {strides = array<i32>} : memref<2x4x4096xf32, #tpu.memory_space<vmem>>, vector<16xf32>,
          %swap3A_791 = arith.constant 1 : i32
          %swap3A_792 = arith.index_cast %swap3A_791 : i32 to index
          %swap3A_793 = arith.index_cast %sub3A_581 : i32 to index
          %swap3A_794 = arith.index_cast %mul3A_785 : i32 to index
          %swap3A_795 = tpu.vector_load %arg7[%swap3A_792, %swap3A_793, %swap3A_794] {strides = array<i32>} : memref<4x4x4096xf32, #tpu.memory_space<vmem>>, vector<16xf32>,
          tpu.vector_store %arg7[%swap3A_792, %swap3A_793, %swap3A_794], %get3A_790 {add = true, strides = array<i32>} : memref<4x4x4096xf32, #tpu.memory_space<vmem>>, vector<16xf32>,
          %scan3A_796 = arith.constant 15 : i32
          %scan3A_797 = arith.addi %scan3A_588, %scan3A_796 : i32
          %mul3A_798 = arith.constant 16 : i32
          %mul3A_799 = arith.muli %scan3A_797, %mul3A_798 : i32
          %get3A_800 = arith.constant 1 : i32
          %get3A_801 = arith.index_cast %get3A_800 : i32 to index
          %get3A_802 = arith.index_cast %while3A_537 : i32 to index
          %get3A_803 = arith.index_cast %mul3A_799 : i32 to index
          %get3A_804 = tpu.vector_load %arg8[%get3A_801, %get3A_802, %get3A_803] {strides = array<i32>} : memref<2x4x4096xf32, #tpu.memory_space<vmem>>, vector<16xf32>,
          %swap3A_805 = arith.constant 1 : i32
          %swap3A_806 = arith.index_cast %swap3A_805 : i32 to index
          %swap3A_807 = arith.index_cast %sub3A_581 : i32 to index
          %swap3A_808 = arith.index_cast %mul3A_799 : i32 to index
          %swap3A_809 = tpu.vector_load %arg7[%swap3A_806, %swap3A_807, %swap3A_808] {strides = array<i32>} : memref<4x4x4096xf32, #tpu.memory_space<vmem>>, vector<16xf32>,
          tpu.vector_store %arg7[%swap3A_806, %swap3A_807, %swap3A_808], %get3A_804 {add = true, strides = array<i32>} : memref<4x4x4096xf32, #tpu.memory_space<vmem>>, vector<16xf32>,
        }
        %scan3A_587 = arith.constant 256 : i32
      }
      %while3A_242 = arith.constant 1 : i32
      scf.for %while3A_537 = %while3A_240 to %while3A_236 step %while3A_242  : i32 {
        %add3A_538 = arith.addi %scan3A_92, %while3A_537 : i32
        %jit3A_539 = arith.constant 16 : i32
        %div3A_540 = arith.divsi %add3A_538, %jit3A_539 : i32
        %sign3A_541 = arith.constant 0 : i32
        %sign3A_542 = arith.cmpi sgt, %add3A_538, %sign3A_541 : i32
        %sign3A_543 = arith.extui %sign3A_542 : i1 to i32
        %sign3A_544 = arith.constant 0 : i32
        %sign3A_545 = arith.cmpi slt, %add3A_538, %sign3A_544 : i32
        %sign3A_546 = arith.extui %sign3A_545 : i1 to i32
        %sign3A_547 = arith.subi %sign3A_543, %sign3A_546 : i32
        %sign3A_548 = arith.constant 0 : i32
        %sign3A_549 = arith.cmpi sgt, %jit3A_539, %sign3A_548 : i32
        %sign3A_550 = arith.extui %sign3A_549 : i1 to i32
        %sign3A_551 = arith.constant 0 : i32
        %sign3A_552 = arith.cmpi slt, %jit3A_539, %sign3A_551 : i32
        %sign3A_553 = arith.extui %sign3A_552 : i1 to i32
        %sign3A_554 = arith.subi %sign3A_550, %sign3A_553 : i32
        %ne3A_555 = arith.cmpi ne, %sign3A_547, %sign3A_554 : i32
        %rem3A_556 = arith.remsi %add3A_538, %jit3A_539 : i32
        %ne3A_557 = arith.constant 0 : i32
        %ne3A_558 = arith.cmpi ne, %rem3A_556, %ne3A_557 : i32
        %and3A_559 = arith.andi %ne3A_555, %ne3A_558 : i1
        %sub3A_560 = arith.constant 1 : i32
        %sub3A_561 = arith.subi %div3A_540, %sub3A_560 : i32
        %select_n3A_562 = arith.select %and3A_559, %sub3A_561, %div3A_540 : i32
        %mul3A_563 = arith.constant 16 : i32
        %mul3A_564 = arith.muli %select_n3A_562, %mul3A_563 : i32
        %get3A_565 = arith.index_cast %mul3A_564 : i32 to index
        %get3A_566 = tpu.vector_load %arg9[%get3A_565] {strides = array<i32>} : memref<128xi32, #tpu.memory_space<vmem>>, vector<16xi32>,
        %iota3A_567 = tpu.iota {dimensions = array<i32: 0>} : vector<16xi32>
        %sub3A_568 = arith.subi %add3A_538, %mul3A_564 : i32
        %eq3A_569 = vector.broadcast %sub3A_568 : i32 to vector<16xi32>
        %eq3A_570 = arith.cmpi eq, %iota3A_567, %eq3A_569 : vector<16xi32>
        %jit3A_571 = arith.constant 0 : i32
        %broadcast_in_dim3A_572 = vector.broadcast %jit3A_571 : i32 to vector<16xi32>
        %select_n3A_573 = arith.select %eq3A_570, %get3A_566, %broadcast_in_dim3A_572 : vector<16xi1>, vector<16xi32>
        %reduce_sum3A_574 = arith.constant true
        %reduce_sum3A_575 = vector.broadcast %reduce_sum3A_574 : i1 to vector<16xi1>
        %reduce_sum3A_576 = tpu.scan <sum>, %select_n3A_573 masked %reduce_sum3A_575 : vector<16xi32>, vector<16xi1> -> vector<16xi32>
        %reduce_sum3A_577 = vector.extract %reduce_sum3A_576[15] : i32 from vector<16xi32>
        %mul3A_578 = arith.constant 4 : i32
        %mul3A_579 = arith.muli %add3A_201, %mul3A_578 : i32
        %add3A_580 = arith.addi %mul3A_2, %mul3A_579 : i32
        %sub3A_581 = arith.subi %reduce_sum3A_577, %add3A_580 : i32
        %scan3A_582 = arith.constant 0 : i32
        %scan3A_583 = arith.constant 0 : i32
        %scan3A_584 = arith.constant 256 : i32
        %scan3A_585 = arith.addi %scan3A_583, %scan3A_584 : i32
        %scan3A_586 = arith.constant 16 : i32
        scf.for %scan3A_588 = %scan3A_583 to %scan3A_585 step %scan3A_586  : i32 {
          %mul3A_589 = arith.constant 16 : i32
          %mul3A_590 = arith.muli %scan3A_588, %mul3A_589 : i32
          %get3A_591 = arith.constant 1 : i32
          %get3A_592 = arith.index_cast %get3A_591 : i32 to index
          %get3A_593 = arith.index_cast %while3A_537 : i32 to index
          %get3A_594 = arith.index_cast %mul3A_590 : i32 to index
          %get3A_595 = tpu.vector_load %arg8[%get3A_592, %get3A_593, %get3A_594] {strides = array<i32>} : memref<2x4x4096xf32, #tpu.memory_space<vmem>>, vector<16xf32>,
          %swap3A = arith.constant 1 : i32
          %swap3A_596 = arith.index_cast %swap3A : i32 to index
          %swap3A_597 = arith.index_cast %sub3A_581 : i32 to index
          %swap3A_598 = arith.index_cast %mul3A_590 : i32 to index
          %swap3A_599 = tpu.vector_load %arg7[%swap3A_596, %swap3A_597, %swap3A_598] {strides = array<i32>} : memref<4x4x4096xf32, #tpu.memory_space<vmem>>, vector<16xf32>,
          tpu.vector_store %arg7[%swap3A_596, %swap3A_597, %swap3A_598], %get3A_595 {add = true, strides = array<i32>} : memref<4x4x4096xf32, #tpu.memory_space<vmem>>, vector<16xf32>,
          %scan3A_600 = arith.constant 1 : i32
          %scan3A_601 = arith.addi %scan3A_588, %scan3A_600 : i32
          %mul3A_602 = arith.constant 16 : i32
          %mul3A_603 = arith.muli %scan3A_601, %mul3A_602 : i32
          %get3A_604 = arith.constant 1 : i32
          %get3A_605 = arith.index_cast %get3A_604 : i32 to index
          %get3A_606 = arith.index_cast %while3A_537 : i32 to index
          %get3A_607 = arith.index_cast %mul3A_603 : i32 to index
          %get3A_608 = tpu.vector_load %arg8[%get3A_605, %get3A_606, %get3A_607] {strides = array<i32>} : memref<2x4x4096xf32, #tpu.memory_space<vmem>>, vector<16xf32>,
          %swap3A_609 = arith.constant 1 : i32
          %swap3A_610 = arith.index_cast %swap3A_609 : i32 to index
          %swap3A_611 = arith.index_cast %sub3A_581 : i32 to index
          %swap3A_612 = arith.index_cast %mul3A_603 : i32 to index
          %swap3A_613 = tpu.vector_load %arg7[%swap3A_610, %swap3A_611, %swap3A_612] {strides = array<i32>} : memref<4x4x4096xf32, #tpu.memory_space<vmem>>, vector<16xf32>,
          tpu.vector_store %arg7[%swap3A_610, %swap3A_611, %swap3A_612], %get3A_608 {add = true, strides = array<i32>} : memref<4x4x4096xf32, #tpu.memory_space<vmem>>, vector<16xf32>,
          %scan3A_614 = arith.constant 2 : i32
          %scan3A_615 = arith.addi %scan3A_588, %scan3A_614 : i32
          %mul3A_616 = arith.constant 16 : i32
          %mul3A_617 = arith.muli %scan3A_615, %mul3A_616 : i32
          %get3A_618 = arith.constant 1 : i32
          %get3A_619 = arith.index_cast %get3A_618 : i32 to index
          %get3A_620 = arith.index_cast %while3A_537 : i32 to index
          %get3A_621 = arith.index_cast %mul3A_617 : i32 to index
          %get3A_622 = tpu.vector_load %arg8[%get3A_619, %get3A_620, %get3A_621] {strides = array<i32>} : memref<2x4x4096xf32, #tpu.memory_space<vmem>>, vector<16xf32>,
          %swap3A_623 = arith.constant 1 : i32
          %swap3A_624 = arith.index_cast %swap3A_623 : i32 to index
          %swap3A_625 = arith.index_cast %sub3A_581 : i32 to index
          %swap3A_626 = arith.index_cast %mul3A_617 : i32 to index
          %swap3A_627 = tpu.vector_load %arg7[%swap3A_624, %swap3A_625, %swap3A_626] {strides = array<i32>} : memref<4x4x4096xf32, #tpu.memory_space<vmem>>, vector<16xf32>,
          tpu.vector_store %arg7[%swap3A_624, %swap3A_625, %swap3A_626], %get3A_622 {add = true, strides = array<i32>} : memref<4x4x4096xf32, #tpu.memory_space<vmem>>, vector<16xf32>,
          %scan3A_628 = arith.constant 3 : i32
          %scan3A_629 = arith.addi %scan3A_588, %scan3A_628 : i32
          %mul3A_630 = arith.constant 16 : i32
          %mul3A_631 = arith.muli %scan3A_629, %mul3A_630 : i32
          %get3A_632 = arith.constant 1 : i32
          %get3A_633 = arith.index_cast %get3A_632 : i32 to index
          %get3A_634 = arith.index_cast %while3A_537 : i32 to index
          %get3A_635 = arith.index_cast %mul3A_631 : i32 to index
          %get3A_636 = tpu.vector_load %arg8[%get3A_633, %get3A_634, %get3A_635] {strides = array<i32>} : memref<2x4x4096xf32, #tpu.memory_space<vmem>>, vector<16xf32>,
          %swap3A_637 = arith.constant 1 : i32
          %swap3A_638 = arith.index_cast %swap3A_637 : i32 to index
          %swap3A_639 = arith.index_cast %sub3A_581 : i32 to index
          %swap3A_640 = arith.index_cast %mul3A_631 : i32 to index
          %swap3A_641 = tpu.vector_load %arg7[%swap3A_638, %swap3A_639, %swap3A_640] {strides = array<i32>} : memref<4x4x4096xf32, #tpu.memory_space<vmem>>, vector<16xf32>,
          tpu.vector_store %arg7[%swap3A_638, %swap3A_639, %swap3A_640], %get3A_636 {add = true, strides = array<i32>} : memref<4x4x4096xf32, #tpu.memory_space<vmem>>, vector<16xf32>,
          %scan3A_642 = arith.constant 4 : i32
          %scan3A_643 = arith.addi %scan3A_588, %scan3A_642 : i32
          %mul3A_644 = arith.constant 16 : i32
          %mul3A_645 = arith.muli %scan3A_643, %mul3A_644 : i32
          %get3A_646 = arith.constant 1 : i32
          %get3A_647 = arith.index_cast %get3A_646 : i32 to index
          %get3A_648 = arith.index_cast %while3A_537 : i32 to index
          %get3A_649 = arith.index_cast %mul3A_645 : i32 to index
          %get3A_650 = tpu.vector_load %arg8[%get3A_647, %get3A_648, %get3A_649] {strides = array<i32>} : memref<2x4x4096xf32, #tpu.memory_space<vmem>>, vector<16xf32>,
          %swap3A_651 = arith.constant 1 : i32
          %swap3A_652 = arith.index_cast %swap3A_651 : i32 to index
          %swap3A_653 = arith.index_cast %sub3A_581 : i32 to index
          %swap3A_654 = arith.index_cast %mul3A_645 : i32 to index
          %swap3A_655 = tpu.vector_load %arg7[%swap3A_652, %swap3A_653, %swap3A_654] {strides = array<i32>} : memref<4x4x4096xf32, #tpu.memory_space<vmem>>, vector<16xf32>,
          tpu.vector_store %arg7[%swap3A_652, %swap3A_653, %swap3A_654], %get3A_650 {add = true, strides = array<i32>} : memref<4x4x4096xf32, #tpu.memory_space<vmem>>, vector<16xf32>,
          %scan3A_656 = arith.constant 5 : i32
          %scan3A_657 = arith.addi %scan3A_588, %scan3A_656 : i32
          %mul3A_658 = arith.constant 16 : i32
          %mul3A_659 = arith.muli %scan3A_657, %mul3A_658 : i32
          %get3A_660 = arith.constant 1 : i32
          %get3A_661 = arith.index_cast %get3A_660 : i32 to index
          %get3A_662 = arith.index_cast %while3A_537 : i32 to index
          %get3A_663 = arith.index_cast %mul3A_659 : i32 to index
          %get3A_664 = tpu.vector_load %arg8[%get3A_661, %get3A_662, %get3A_663] {strides = array<i32>} : memref<2x4x4096xf32, #tpu.memory_space<vmem>>, vector<16xf32>,
          %swap3A_665 = arith.constant 1 : i32
          %swap3A_666 = arith.index_cast %swap3A_665 : i32 to index
          %swap3A_667 = arith.index_cast %sub3A_581 : i32 to index
          %swap3A_668 = arith.index_cast %mul3A_659 : i32 to index
          %swap3A_669 = tpu.vector_load %arg7[%swap3A_666, %swap3A_667, %swap3A_668] {strides = array<i32>} : memref<4x4x4096xf32, #tpu.memory_space<vmem>>, vector<16xf32>,
          tpu.vector_store %arg7[%swap3A_666, %swap3A_667, %swap3A_668], %get3A_664 {add = true, strides = array<i32>} : memref<4x4x4096xf32, #tpu.memory_space<vmem>>, vector<16xf32>,
          %scan3A_670 = arith.constant 6 : i32
          %scan3A_671 = arith.addi %scan3A_588, %scan3A_670 : i32
          %mul3A_672 = arith.constant 16 : i32
          %mul3A_673 = arith.muli %scan3A_671, %mul3A_672 : i32
          %get3A_674 = arith.constant 1 : i32
          %get3A_675 = arith.index_cast %get3A_674 : i32 to index
          %get3A_676 = arith.index_cast %while3A_537 : i32 to index
          %get3A_677 = arith.index_cast %mul3A_673 : i32 to index
          %get3A_678 = tpu.vector_load %arg8[%get3A_675, %get3A_676, %get3A_677] {strides = array<i32>} : memref<2x4x4096xf32, #tpu.memory_space<vmem>>, vector<16xf32>,
          %swap3A_679 = arith.constant 1 : i32
          %swap3A_680 = arith.index_cast %swap3A_679 : i32 to index
          %swap3A_681 = arith.index_cast %sub3A_581 : i32 to index
          %swap3A_682 = arith.index_cast %mul3A_673 : i32 to index
          %swap3A_683 = tpu.vector_load %arg7[%swap3A_680, %swap3A_681, %swap3A_682] {strides = array<i32>} : memref<4x4x4096xf32, #tpu.memory_space<vmem>>, vector<16xf32>,
          tpu.vector_store %arg7[%swap3A_680, %swap3A_681, %swap3A_682], %get3A_678 {add = true, strides = array<i32>} : memref<4x4x4096xf32, #tpu.memory_space<vmem>>, vector<16xf32>,
          %scan3A_684 = arith.constant 7 : i32
          %scan3A_685 = arith.addi %scan3A_588, %scan3A_684 : i32
          %mul3A_686 = arith.constant 16 : i32
          %mul3A_687 = arith.muli %scan3A_685, %mul3A_686 : i32
          %get3A_688 = arith.constant 1 : i32
          %get3A_689 = arith.index_cast %get3A_688 : i32 to index
          %get3A_690 = arith.index_cast %while3A_537 : i32 to index
          %get3A_691 = arith.index_cast %mul3A_687 : i32 to index
          %get3A_692 = tpu.vector_load %arg8[%get3A_689, %get3A_690, %get3A_691] {strides = array<i32>} : memref<2x4x4096xf32, #tpu.memory_space<vmem>>, vector<16xf32>,
          %swap3A_693 = arith.constant 1 : i32
          %swap3A_694 = arith.index_cast %swap3A_693 : i32 to index
          %swap3A_695 = arith.index_cast %sub3A_581 : i32 to index
          %swap3A_696 = arith.index_cast %mul3A_687 : i32 to index
          %swap3A_697 = tpu.vector_load %arg7[%swap3A_694, %swap3A_695, %swap3A_696] {strides = array<i32>} : memref<4x4x4096xf32, #tpu.memory_space<vmem>>, vector<16xf32>,
          tpu.vector_store %arg7[%swap3A_694, %swap3A_695, %swap3A_696], %get3A_692 {add = true, strides = array<i32>} : memref<4x4x4096xf32, #tpu.memory_space<vmem>>, vector<16xf32>,
          %scan3A_698 = arith.constant 8 : i32
          %scan3A_699 = arith.addi %scan3A_588, %scan3A_698 : i32
          %mul3A_700 = arith.constant 16 : i32
          %mul3A_701 = arith.muli %scan3A_699, %mul3A_700 : i32
          %get3A_702 = arith.constant 1 : i32
          %get3A_703 = arith.index_cast %get3A_702 : i32 to index
          %get3A_704 = arith.index_cast %while3A_537 : i32 to index
          %get3A_705 = arith.index_cast %mul3A_701 : i32 to index
          %get3A_706 = tpu.vector_load %arg8[%get3A_703, %get3A_704, %get3A_705] {strides = array<i32>} : memref<2x4x4096xf32, #tpu.memory_space<vmem>>, vector<16xf32>,
          %swap3A_707 = arith.constant 1 : i32
          %swap3A_708 = arith.index_cast %swap3A_707 : i32 to index
          %swap3A_709 = arith.index_cast %sub3A_581 : i32 to index
          %swap3A_710 = arith.index_cast %mul3A_701 : i32 to index
          %swap3A_711 = tpu.vector_load %arg7[%swap3A_708, %swap3A_709, %swap3A_710] {strides = array<i32>} : memref<4x4x4096xf32, #tpu.memory_space<vmem>>, vector<16xf32>,
          tpu.vector_store %arg7[%swap3A_708, %swap3A_709, %swap3A_710], %get3A_706 {add = true, strides = array<i32>} : memref<4x4x4096xf32, #tpu.memory_space<vmem>>, vector<16xf32>,
          %scan3A_712 = arith.constant 9 : i32
          %scan3A_713 = arith.addi %scan3A_588, %scan3A_712 : i32
          %mul3A_714 = arith.constant 16 : i32
          %mul3A_715 = arith.muli %scan3A_713, %mul3A_714 : i32
          %get3A_716 = arith.constant 1 : i32
          %get3A_717 = arith.index_cast %get3A_716 : i32 to index
          %get3A_718 = arith.index_cast %while3A_537 : i32 to index
          %get3A_719 = arith.index_cast %mul3A_715 : i32 to index
          %get3A_720 = tpu.vector_load %arg8[%get3A_717, %get3A_718, %get3A_719] {strides = array<i32>} : memref<2x4x4096xf32, #tpu.memory_space<vmem>>, vector<16xf32>,
          %swap3A_721 = arith.constant 1 : i32
          %swap3A_722 = arith.index_cast %swap3A_721 : i32 to index
          %swap3A_723 = arith.index_cast %sub3A_581 : i32 to index
          %swap3A_724 = arith.index_cast %mul3A_715 : i32 to index
          %swap3A_725 = tpu.vector_load %arg7[%swap3A_722, %swap3A_723, %swap3A_724] {strides = array<i32>} : memref<4x4x4096xf32, #tpu.memory_space<vmem>>, vector<16xf32>,
          tpu.vector_store %arg7[%swap3A_722, %swap3A_723, %swap3A_724], %get3A_720 {add = true, strides = array<i32>} : memref<4x4x4096xf32, #tpu.memory_space<vmem>>, vector<16xf32>,
          %scan3A_726 = arith.constant 10 : i32
          %scan3A_727 = arith.addi %scan3A_588, %scan3A_726 : i32
          %mul3A_728 = arith.constant 16 : i32
          %mul3A_729 = arith.muli %scan3A_727, %mul3A_728 : i32
          %get3A_730 = arith.constant 1 : i32
          %get3A_731 = arith.index_cast %get3A_730 : i32 to index
          %get3A_732 = arith.index_cast %while3A_537 : i32 to index
          %get3A_733 = arith.index_cast %mul3A_729 : i32 to index
          %get3A_734 = tpu.vector_load %arg8[%get3A_731, %get3A_732, %get3A_733] {strides = array<i32>} : memref<2x4x4096xf32, #tpu.memory_space<vmem>>, vector<16xf32>,
          %swap3A_735 = arith.constant 1 : i32
          %swap3A_736 = arith.index_cast %swap3A_735 : i32 to index
          %swap3A_737 = arith.index_cast %sub3A_581 : i32 to index
          %swap3A_738 = arith.index_cast %mul3A_729 : i32 to index
          %swap3A_739 = tpu.vector_load %arg7[%swap3A_736, %swap3A_737, %swap3A_738] {strides = array<i32>} : memref<4x4x4096xf32, #tpu.memory_space<vmem>>, vector<16xf32>,
          tpu.vector_store %arg7[%swap3A_736, %swap3A_737, %swap3A_738], %get3A_734 {add = true, strides = array<i32>} : memref<4x4x4096xf32, #tpu.memory_space<vmem>>, vector<16xf32>,
          %scan3A_740 = arith.constant 11 : i32
          %scan3A_741 = arith.addi %scan3A_588, %scan3A_740 : i32
          %mul3A_742 = arith.constant 16 : i32
          %mul3A_743 = arith.muli %scan3A_741, %mul3A_742 : i32
          %get3A_744 = arith.constant 1 : i32
          %get3A_745 = arith.index_cast %get3A_744 : i32 to index
          %get3A_746 = arith.index_cast %while3A_537 : i32 to index
          %get3A_747 = arith.index_cast %mul3A_743 : i32 to index
          %get3A_748 = tpu.vector_load %arg8[%get3A_745, %get3A_746, %get3A_747] {strides = array<i32>} : memref<2x4x4096xf32, #tpu.memory_space<vmem>>, vector<16xf32>,
          %swap3A_749 = arith.constant 1 : i32
          %swap3A_750 = arith.index_cast %swap3A_749 : i32 to index
          %swap3A_751 = arith.index_cast %sub3A_581 : i32 to index
          %swap3A_752 = arith.index_cast %mul3A_743 : i32 to index
          %swap3A_753 = tpu.vector_load %arg7[%swap3A_750, %swap3A_751, %swap3A_752] {strides = array<i32>} : memref<4x4x4096xf32, #tpu.memory_space<vmem>>, vector<16xf32>,
          tpu.vector_store %arg7[%swap3A_750, %swap3A_751, %swap3A_752], %get3A_748 {add = true, strides = array<i32>} : memref<4x4x4096xf32, #tpu.memory_space<vmem>>, vector<16xf32>,
          %scan3A_754 = arith.constant 12 : i32
          %scan3A_755 = arith.addi %scan3A_588, %scan3A_754 : i32
          %mul3A_756 = arith.constant 16 : i32
          %mul3A_757 = arith.muli %scan3A_755, %mul3A_756 : i32
          %get3A_758 = arith.constant 1 : i32
          %get3A_759 = arith.index_cast %get3A_758 : i32 to index
          %get3A_760 = arith.index_cast %while3A_537 : i32 to index
          %get3A_761 = arith.index_cast %mul3A_757 : i32 to index
          %get3A_762 = tpu.vector_load %arg8[%get3A_759, %get3A_760, %get3A_761] {strides = array<i32>} : memref<2x4x4096xf32, #tpu.memory_space<vmem>>, vector<16xf32>,
          %swap3A_763 = arith.constant 1 : i32
          %swap3A_764 = arith.index_cast %swap3A_763 : i32 to index
          %swap3A_765 = arith.index_cast %sub3A_581 : i32 to index
          %swap3A_766 = arith.index_cast %mul3A_757 : i32 to index
          %swap3A_767 = tpu.vector_load %arg7[%swap3A_764, %swap3A_765, %swap3A_766] {strides = array<i32>} : memref<4x4x4096xf32, #tpu.memory_space<vmem>>, vector<16xf32>,
          tpu.vector_store %arg7[%swap3A_764, %swap3A_765, %swap3A_766], %get3A_762 {add = true, strides = array<i32>} : memref<4x4x4096xf32, #tpu.memory_space<vmem>>, vector<16xf32>,
          %scan3A_768 = arith.constant 13 : i32
          %scan3A_769 = arith.addi %scan3A_588, %scan3A_768 : i32
          %mul3A_770 = arith.constant 16 : i32
          %mul3A_771 = arith.muli %scan3A_769, %mul3A_770 : i32
          %get3A_772 = arith.constant 1 : i32
          %get3A_773 = arith.index_cast %get3A_772 : i32 to index
          %get3A_774 = arith.index_cast %while3A_537 : i32 to index
          %get3A_775 = arith.index_cast %mul3A_771 : i32 to index
          %get3A_776 = tpu.vector_load %arg8[%get3A_773, %get3A_774, %get3A_775] {strides = array<i32>} : memref<2x4x4096xf32, #tpu.memory_space<vmem>>, vector<16xf32>,
          %swap3A_777 = arith.constant 1 : i32
          %swap3A_778 = arith.index_cast %swap3A_777 : i32 to index
          %swap3A_779 = arith.index_cast %sub3A_581 : i32 to index
          %swap3A_780 = arith.index_cast %mul3A_771 : i32 to index
          %swap3A_781 = tpu.vector_load %arg7[%swap3A_778, %swap3A_779, %swap3A_780] {strides = array<i32>} : memref<4x4x4096xf32, #tpu.memory_space<vmem>>, vector<16xf32>,
          tpu.vector_store %arg7[%swap3A_778, %swap3A_779, %swap3A_780], %get3A_776 {add = true, strides = array<i32>} : memref<4x4x4096xf32, #tpu.memory_space<vmem>>, vector<16xf32>,
          %scan3A_782 = arith.constant 14 : i32
          %scan3A_783 = arith.addi %scan3A_588, %scan3A_782 : i32
          %mul3A_784 = arith.constant 16 : i32
          %mul3A_785 = arith.muli %scan3A_783, %mul3A_784 : i32
          %get3A_786 = arith.constant 1 : i32
          %get3A_787 = arith.index_cast %get3A_786 : i32 to index
          %get3A_788 = arith.index_cast %while3A_537 : i32 to index
          %get3A_789 = arith.index_cast %mul3A_785 : i32 to index
          %get3A_790 = tpu.vector_load %arg8[%get3A_787, %get3A_788, %get3A_789] {strides = array<i32>} : memref<2x4x4096xf32, #tpu.memory_space<vmem>>, vector<16xf32>,
          %swap3A_791 = arith.constant 1 : i32
          %swap3A_792 = arith.index_cast %swap3A_791 : i32 to index
          %swap3A_793 = arith.index_cast %sub3A_581 : i32 to index
          %swap3A_794 = arith.index_cast %mul3A_785 : i32 to index
          %swap3A_795 = tpu.vector_load %arg7[%swap3A_792, %swap3A_793, %swap3A_794] {strides = array<i32>} : memref<4x4x4096xf32, #tpu.memory_space<vmem>>, vector<16xf32>,
          tpu.vector_store %arg7[%swap3A_792, %swap3A_793, %swap3A_794], %get3A_790 {add = true, strides = array<i32>} : memref<4x4x4096xf32, #tpu.memory_space<vmem>>, vector<16xf32>,
          %scan3A_796 = arith.constant 15 : i32
          %scan3A_797 = arith.addi %scan3A_588, %scan3A_796 : i32
          %mul3A_798 = arith.constant 16 : i32
          %mul3A_799 = arith.muli %scan3A_797, %mul3A_798 : i32
          %get3A_800 = arith.constant 1 : i32
          %get3A_801 = arith.index_cast %get3A_800 : i32 to index
          %get3A_802 = arith.index_cast %while3A_537 : i32 to index
          %get3A_803 = arith.index_cast %mul3A_799 : i32 to index
          %get3A_804 = tpu.vector_load %arg8[%get3A_801, %get3A_802, %get3A_803] {strides = array<i32>} : memref<2x4x4096xf32, #tpu.memory_space<vmem>>, vector<16xf32>,
          %swap3A_805 = arith.constant 1 : i32
          %swap3A_806 = arith.index_cast %swap3A_805 : i32 to index
          %swap3A_807 = arith.index_cast %sub3A_581 : i32 to index
          %swap3A_808 = arith.index_cast %mul3A_799 : i32 to index
          %swap3A_809 = tpu.vector_load %arg7[%swap3A_806, %swap3A_807, %swap3A_808] {strides = array<i32>} : memref<4x4x4096xf32, #tpu.memory_space<vmem>>, vector<16xf32>,
          tpu.vector_store %arg7[%swap3A_806, %swap3A_807, %swap3A_808], %get3A_804 {add = true, strides = array<i32>} : memref<4x4x4096xf32, #tpu.memory_space<vmem>>, vector<16xf32>,
        }
        %scan3A_587 = arith.constant 256 : i32
      }
      %add3A_243 = arith.constant 2 : i32
      %add3A_244 = arith.addi %add3A_201, %add3A_243 : i32
      %jit3A_245 = arith.constant 16 : i32
      %div3A_246 = arith.divsi %add3A_244, %jit3A_245 : i32
      %sign3A_247 = arith.constant 0 : i32
      %sign3A_248 = arith.cmpi sgt, %add3A_244, %sign3A_247 : i32
      %sign3A_249 = arith.extui %sign3A_248 : i1 to i32
      %sign3A_250 = arith.constant 0 : i32
      %sign3A_251 = arith.cmpi slt, %add3A_244, %sign3A_250 : i32
      %sign3A_252 = arith.extui %sign3A_251 : i1 to i32
      %sign3A_253 = arith.subi %sign3A_249, %sign3A_252 : i32
      %sign3A_254 = arith.constant 0 : i32
      %sign3A_255 = arith.cmpi sgt, %jit3A_245, %sign3A_254 : i32
      %sign3A_256 = arith.extui %sign3A_255 : i1 to i32
      %sign3A_257 = arith.constant 0 : i32
      %sign3A_258 = arith.cmpi slt, %jit3A_245, %sign3A_257 : i32
      %sign3A_259 = arith.extui %sign3A_258 : i1 to i32
      %sign3A_260 = arith.subi %sign3A_256, %sign3A_259 : i32
      %ne3A_261 = arith.cmpi ne, %sign3A_253, %sign3A_260 : i32
      %rem3A_262 = arith.remsi %add3A_244, %jit3A_245 : i32
      %ne3A_263 = arith.constant 0 : i32
      %ne3A_264 = arith.cmpi ne, %rem3A_262, %ne3A_263 : i32
      %and3A_265 = arith.andi %ne3A_261, %ne3A_264 : i1
      %sub3A_266 = arith.constant 1 : i32
      %sub3A_267 = arith.subi %div3A_246, %sub3A_266 : i32
      %select_n3A_268 = arith.select %and3A_265, %sub3A_267, %div3A_246 : i32
      %mul3A_269 = arith.constant 16 : i32
      %mul3A_270 = arith.muli %select_n3A_268, %mul3A_269 : i32
      %get3A_271 = arith.index_cast %mul3A_270 : i32 to index
      %get3A_272 = tpu.vector_load %arg10[%get3A_271] {strides = array<i32>} : memref<96xi32, #tpu.memory_space<vmem>>, vector<16xi32>,
      %iota3A_273 = tpu.iota {dimensions = array<i32: 0>} : vector<16xi32>
      %sub3A_274 = arith.subi %add3A_244, %mul3A_270 : i32
      %eq3A_275 = vector.broadcast %sub3A_274 : i32 to vector<16xi32>
      %eq3A_276 = arith.cmpi eq, %iota3A_273, %eq3A_275 : vector<16xi32>
      %jit3A_277 = arith.constant 0 : i32
      %broadcast_in_dim3A_278 = vector.broadcast %jit3A_277 : i32 to vector<16xi32>
      %select_n3A_279 = arith.select %eq3A_276, %get3A_272, %broadcast_in_dim3A_278 : vector<16xi1>, vector<16xi32>
      %reduce_sum3A_280 = arith.constant true
      %reduce_sum3A_281 = vector.broadcast %reduce_sum3A_280 : i1 to vector<16xi1>
      %reduce_sum3A_282 = tpu.scan <sum>, %select_n3A_279 masked %reduce_sum3A_281 : vector<16xi32>, vector<16xi1> -> vector<16xi32>
      %reduce_sum3A_283 = vector.extract %reduce_sum3A_282[15] : i32 from vector<16xi32>
      %sub3A_284 = arith.subi %reduce_sum3A_283, %reduce_sum3A_170 : i32
      %while3A_285 = arith.constant 0 : i32
      %while3A_286 = arith.constant 0 : i32
      %while3A_287 = arith.subi %sub3A_284, %while3A_286 : i32
      %while3A_288 = arith.addi %while3A_286, %while3A_287 : i32
      %while3A_289 = arith.constant 1 : i32
      %while3A_290 = arith.divsi %while3A_287, %while3A_289 : i32
      %while3A_291 = arith.muli %while3A_290, %while3A_289 : i32
      %while3A_292 = arith.addi %while3A_286, %while3A_291 : i32
      %while3A_293 = arith.constant 1 : i32
      scf.for %while3A_537 = %while3A_286 to %while3A_292 step %while3A_293  : i32 {
        %add3A_538 = arith.addi %reduce_sum3A_170, %while3A_537 : i32
        %jit3A_539 = arith.constant 16 : i32
        %div3A_540 = arith.divsi %add3A_538, %jit3A_539 : i32
        %sign3A_541 = arith.constant 0 : i32
        %sign3A_542 = arith.cmpi sgt, %add3A_538, %sign3A_541 : i32
        %sign3A_543 = arith.extui %sign3A_542 : i1 to i32
        %sign3A_544 = arith.constant 0 : i32
        %sign3A_545 = arith.cmpi slt, %add3A_538, %sign3A_544 : i32
        %sign3A_546 = arith.extui %sign3A_545 : i1 to i32
        %sign3A_547 = arith.subi %sign3A_543, %sign3A_546 : i32
        %sign3A_548 = arith.constant 0 : i32
        %sign3A_549 = arith.cmpi sgt, %jit3A_539, %sign3A_548 : i32
        %sign3A_550 = arith.extui %sign3A_549 : i1 to i32
        %sign3A_551 = arith.constant 0 : i32
        %sign3A_552 = arith.cmpi slt, %jit3A_539, %sign3A_551 : i32
        %sign3A_553 = arith.extui %sign3A_552 : i1 to i32
        %sign3A_554 = arith.subi %sign3A_550, %sign3A_553 : i32
        %ne3A_555 = arith.cmpi ne, %sign3A_547, %sign3A_554 : i32
        %rem3A_556 = arith.remsi %add3A_538, %jit3A_539 : i32
        %ne3A_557 = arith.constant 0 : i32
        %ne3A_558 = arith.cmpi ne, %rem3A_556, %ne3A_557 : i32
        %and3A_559 = arith.andi %ne3A_555, %ne3A_558 : i1
        %sub3A_560 = arith.constant 1 : i32
        %sub3A_561 = arith.subi %div3A_540, %sub3A_560 : i32
        %select_n3A_562 = arith.select %and3A_559, %sub3A_561, %div3A_540 : i32
        %mul3A_563 = arith.constant 16 : i32
        %mul3A_564 = arith.muli %select_n3A_562, %mul3A_563 : i32
        %get3A_565 = arith.index_cast %mul3A_564 : i32 to index
        %get3A_566 = tpu.vector_load %arg9[%get3A_565] {strides = array<i32>} : memref<128xi32, #tpu.memory_space<vmem>>, vector<16xi32>,
        %iota3A_567 = tpu.iota {dimensions = array<i32: 0>} : vector<16xi32>
        %sub3A_568 = arith.subi %add3A_538, %mul3A_564 : i32
        %eq3A_569 = vector.broadcast %sub3A_568 : i32 to vector<16xi32>
        %eq3A_570 = arith.cmpi eq, %iota3A_567, %eq3A_569 : vector<16xi32>
        %jit3A_571 = arith.constant 0 : i32
        %broadcast_in_dim3A_572 = vector.broadcast %jit3A_571 : i32 to vector<16xi32>
        %select_n3A_573 = arith.select %eq3A_570, %get3A_566, %broadcast_in_dim3A_572 : vector<16xi1>, vector<16xi32>
        %reduce_sum3A_574 = arith.constant true
        %reduce_sum3A_575 = vector.broadcast %reduce_sum3A_574 : i1 to vector<16xi1>
        %reduce_sum3A_576 = tpu.scan <sum>, %select_n3A_573 masked %reduce_sum3A_575 : vector<16xi32>, vector<16xi1> -> vector<16xi32>
        %reduce_sum3A_577 = vector.extract %reduce_sum3A_576[15] : i32 from vector<16xi32>
        %dma_start3A_578 = arith.constant 0 : i32
        %dma_start3A_579 = arith.constant 0 : i32
        %dma_start3A_580 = tpu.memref_slice %arg8[%dma_start3A_578, %while3A_537, %dma_start3A_579] : memref<2x4x4096xf32, #tpu.memory_space<vmem>> -> memref<1x1x4096xf32, #tpu.memory_space<vmem>>
        %dma_start3A_581 = tpu.memref_squeeze %dma_start3A_580 : memref<1x1x4096xf32, #tpu.memory_space<vmem>> -> memref<1x4096xf32, #tpu.memory_space<vmem>>
        %dma_start3A_582 = arith.constant 0 : i32
        %dma_start3A_583 = tpu.memref_slice %arg3[%reduce_sum3A_577, %dma_start3A_582] : memref<8192x4096xf32, #tpu.memory_space<hbm>> -> memref<1x4096xf32, #tpu.memory_space<hbm>>
        %dma_start3A_584 = arith.constant 0 : i32
        %dma_start3A_585 = tpu.memref_slice %arg8[%dma_start3A_578, %while3A_537, %dma_start3A_584] : memref<2x4x4096xf32, #tpu.memory_space<vmem>> -> memref<1x1x4096xf32, #tpu.memory_space<vmem>>
        %dma_start3A_586 = tpu.memref_squeeze %dma_start3A_585 : memref<1x1x4096xf32, #tpu.memory_space<vmem>> -> memref<1x4096xf32, #tpu.memory_space<vmem>>
        %dma_start3A_587 = arith.constant 0 : i32
        %dma_start3A_588 = tpu.memref_slice %arg3[%reduce_sum3A_577, %dma_start3A_587] : memref<8192x4096xf32, #tpu.memory_space<hbm>> -> memref<1x4096xf32, #tpu.memory_space<hbm>>
        tpu.enqueue_dma source(%dma_start3A_588 : memref<1x4096xf32, #tpu.memory_space<hbm>>) target(%dma_start3A_586 : memref<1x4096xf32, #tpu.memory_space<vmem>>) target_semaphore(%arg19 : memref<!tpu.dma_semaphore, #tpu.memory_space<semaphore_mem>>)
      }
      %while3A_294 = arith.constant 1 : i32
      scf.for %while3A_537 = %while3A_292 to %while3A_288 step %while3A_294  : i32 {
        %add3A_538 = arith.addi %reduce_sum3A_170, %while3A_537 : i32
        %jit3A_539 = arith.constant 16 : i32
        %div3A_540 = arith.divsi %add3A_538, %jit3A_539 : i32
        %sign3A_541 = arith.constant 0 : i32
        %sign3A_542 = arith.cmpi sgt, %add3A_538, %sign3A_541 : i32
        %sign3A_543 = arith.extui %sign3A_542 : i1 to i32
        %sign3A_544 = arith.constant 0 : i32
        %sign3A_545 = arith.cmpi slt, %add3A_538, %sign3A_544 : i32
        %sign3A_546 = arith.extui %sign3A_545 : i1 to i32
        %sign3A_547 = arith.subi %sign3A_543, %sign3A_546 : i32
        %sign3A_548 = arith.constant 0 : i32
        %sign3A_549 = arith.cmpi sgt, %jit3A_539, %sign3A_548 : i32
        %sign3A_550 = arith.extui %sign3A_549 : i1 to i32
        %sign3A_551 = arith.constant 0 : i32
        %sign3A_552 = arith.cmpi slt, %jit3A_539, %sign3A_551 : i32
        %sign3A_553 = arith.extui %sign3A_552 : i1 to i32
        %sign3A_554 = arith.subi %sign3A_550, %sign3A_553 : i32
        %ne3A_555 = arith.cmpi ne, %sign3A_547, %sign3A_554 : i32
        %rem3A_556 = arith.remsi %add3A_538, %jit3A_539 : i32
        %ne3A_557 = arith.constant 0 : i32
        %ne3A_558 = arith.cmpi ne, %rem3A_556, %ne3A_557 : i32
        %and3A_559 = arith.andi %ne3A_555, %ne3A_558 : i1
        %sub3A_560 = arith.constant 1 : i32
        %sub3A_561 = arith.subi %div3A_540, %sub3A_560 : i32
        %select_n3A_562 = arith.select %and3A_559, %sub3A_561, %div3A_540 : i32
        %mul3A_563 = arith.constant 16 : i32
        %mul3A_564 = arith.muli %select_n3A_562, %mul3A_563 : i32
        %get3A_565 = arith.index_cast %mul3A_564 : i32 to index
        %get3A_566 = tpu.vector_load %arg9[%get3A_565] {strides = array<i32>} : memref<128xi32, #tpu.memory_space<vmem>>, vector<16xi32>,
        %iota3A_567 = tpu.iota {dimensions = array<i32: 0>} : vector<16xi32>
        %sub3A_568 = arith.subi %add3A_538, %mul3A_564 : i32
        %eq3A_569 = vector.broadcast %sub3A_568 : i32 to vector<16xi32>
        %eq3A_570 = arith.cmpi eq, %iota3A_567, %eq3A_569 : vector<16xi32>
        %jit3A_571 = arith.constant 0 : i32
        %broadcast_in_dim3A_572 = vector.broadcast %jit3A_571 : i32 to vector<16xi32>
        %select_n3A_573 = arith.select %eq3A_570, %get3A_566, %broadcast_in_dim3A_572 : vector<16xi1>, vector<16xi32>
        %reduce_sum3A_574 = arith.constant true
        %reduce_sum3A_575 = vector.broadcast %reduce_sum3A_574 : i1 to vector<16xi1>
        %reduce_sum3A_576 = tpu.scan <sum>, %select_n3A_573 masked %reduce_sum3A_575 : vector<16xi32>, vector<16xi1> -> vector<16xi32>
        %reduce_sum3A_577 = vector.extract %reduce_sum3A_576[15] : i32 from vector<16xi32>
        %dma_start3A_578 = arith.constant 0 : i32
        %dma_start3A_579 = arith.constant 0 : i32
        %dma_start3A_580 = tpu.memref_slice %arg8[%dma_start3A_578, %while3A_537, %dma_start3A_579] : memref<2x4x4096xf32, #tpu.memory_space<vmem>> -> memref<1x1x4096xf32, #tpu.memory_space<vmem>>
        %dma_start3A_581 = tpu.memref_squeeze %dma_start3A_580 : memref<1x1x4096xf32, #tpu.memory_space<vmem>> -> memref<1x4096xf32, #tpu.memory_space<vmem>>
        %dma_start3A_582 = arith.constant 0 : i32
        %dma_start3A_583 = tpu.memref_slice %arg3[%reduce_sum3A_577, %dma_start3A_582] : memref<8192x4096xf32, #tpu.memory_space<hbm>> -> memref<1x4096xf32, #tpu.memory_space<hbm>>
        %dma_start3A_584 = arith.constant 0 : i32
        %dma_start3A_585 = tpu.memref_slice %arg8[%dma_start3A_578, %while3A_537, %dma_start3A_584] : memref<2x4x4096xf32, #tpu.memory_space<vmem>> -> memref<1x1x4096xf32, #tpu.memory_space<vmem>>
        %dma_start3A_586 = tpu.memref_squeeze %dma_start3A_585 : memref<1x1x4096xf32, #tpu.memory_space<vmem>> -> memref<1x4096xf32, #tpu.memory_space<vmem>>
        %dma_start3A_587 = arith.constant 0 : i32
        %dma_start3A_588 = tpu.memref_slice %arg3[%reduce_sum3A_577, %dma_start3A_587] : memref<8192x4096xf32, #tpu.memory_space<hbm>> -> memref<1x4096xf32, #tpu.memory_space<hbm>>
        tpu.enqueue_dma source(%dma_start3A_588 : memref<1x4096xf32, #tpu.memory_space<hbm>>) target(%dma_start3A_586 : memref<1x4096xf32, #tpu.memory_space<vmem>>) target_semaphore(%arg19 : memref<!tpu.dma_semaphore, #tpu.memory_space<semaphore_mem>>)
      }
      %mul3A_295 = arith.constant 4 : i32
      %mul3A_296 = arith.muli %add3A_201, %mul3A_295 : i32
      %add3A_297 = arith.addi %mul3A_2, %mul3A_296 : i32
      %dma_start3A_298 = arith.constant 1 : i32
      %dma_start3A_299 = arith.constant 0 : i32
      %dma_start3A_300 = arith.constant 0 : i32
      %dma_start3A_301 = tpu.memref_slice %arg7[%dma_start3A_298, %dma_start3A_299, %dma_start3A_300] : memref<4x4x4096xf32, #tpu.memory_space<vmem>> -> memref<1x4x4096xf32, #tpu.memory_space<vmem>>
      %dma_start3A_302 = tpu.memref_squeeze %dma_start3A_301 : memref<1x4x4096xf32, #tpu.memory_space<vmem>> -> memref<4x4096xf32, #tpu.memory_space<vmem>>
      %dma_start3A_303 = arith.constant 0 : i32
      %dma_start3A_304 = tpu.memref_slice %arg6[%add3A_297, %dma_start3A_303] : memref<4096x4096xf32, #tpu.memory_space<hbm>> -> memref<4x4096xf32, #tpu.memory_space<hbm>>
      %dma_start3A_305 = arith.constant 0 : i32
      %dma_start3A_306 = tpu.memref_slice %arg6[%add3A_297, %dma_start3A_305] : memref<4096x4096xf32, #tpu.memory_space<hbm>> -> memref<4x4096xf32, #tpu.memory_space<hbm>>
      %dma_start3A_307 = arith.constant 0 : i32
      %dma_start3A_308 = arith.constant 0 : i32
      %dma_start3A_309 = tpu.memref_slice %arg7[%dma_start3A_298, %dma_start3A_307, %dma_start3A_308] : memref<4x4x4096xf32, #tpu.memory_space<vmem>> -> memref<1x4x4096xf32, #tpu.memory_space<vmem>>
      %dma_start3A_310 = tpu.memref_squeeze %dma_start3A_309 : memref<1x4x4096xf32, #tpu.memory_space<vmem>> -> memref<4x4096xf32, #tpu.memory_space<vmem>>
      tpu.enqueue_dma source(%dma_start3A_310 : memref<4x4096xf32, #tpu.memory_space<vmem>>) target(%dma_start3A_306 : memref<4x4096xf32, #tpu.memory_space<hbm>>) target_semaphore(%arg16 : memref<!tpu.dma_semaphore, #tpu.memory_space<semaphore_mem>>)
      %mul3A_311 = arith.constant 4 : i32
      %mul3A_312 = arith.muli %scan3A_90, %mul3A_311 : i32
      %add3A_313 = arith.constant 2 : i32
      %add3A_314 = arith.addi %mul3A_312, %add3A_313 : i32
      %sub3A_315 = arith.subi %reduce_sum3A_283, %reduce_sum3A_170 : i32
      %dma_wait3A_316 = arith.constant 2 : i32
      %dma_wait3A_317 = arith.constant 0 : i32
      %dma_wait3A_318 = arith.constant 0 : i32
      %dma_wait3A_319 = tpu.memref_slice %arg7[%dma_wait3A_316, %dma_wait3A_317, %dma_wait3A_318] : memref<4x4x4096xf32, #tpu.memory_space<vmem>> -> memref<1x4x4096xf32, #tpu.memory_space<vmem>>
      %dma_wait3A_320 = tpu.memref_squeeze %dma_wait3A_319 : memref<1x4x4096xf32, #tpu.memory_space<vmem>> -> memref<4x4096xf32, #tpu.memory_space<vmem>>
      %dma_wait3A_321 = arith.constant 0 : i32
      %dma_wait3A_322 = tpu.memref_slice %arg2[%mul3A_2, %dma_wait3A_321] : memref<8192x4096xf32, #tpu.memory_space<hbm>> -> memref<4x4096xf32, #tpu.memory_space<hbm>>
      %dma_wait3A_323 = arith.constant 0 : i32
      %dma_wait3A_324 = arith.constant 0 : i32
      %dma_wait3A_325 = tpu.memref_slice %arg7[%dma_wait3A_316, %dma_wait3A_323, %dma_wait3A_324] : memref<4x4x4096xf32, #tpu.memory_space<vmem>> -> memref<1x4x4096xf32, #tpu.memory_space<vmem>>
      %dma_wait3A_326 = tpu.memref_squeeze %dma_wait3A_325 : memref<1x4x4096xf32, #tpu.memory_space<vmem>> -> memref<4x4096xf32, #tpu.memory_space<vmem>>
      %dma_wait3A_327 = arith.constant 0 : i32
      %dma_wait3A_328 = tpu.memref_slice %arg2[%mul3A_2, %dma_wait3A_327] : memref<8192x4096xf32, #tpu.memory_space<hbm>> -> memref<4x4096xf32, #tpu.memory_space<hbm>>
      tpu.wait_dma2 semaphore(%arg13 : memref<!tpu.dma_semaphore, #tpu.memory_space<semaphore_mem>>) src(%dma_wait3A_328 : memref<4x4096xf32, #tpu.memory_space<hbm>>) dst(%dma_wait3A_326 : memref<4x4096xf32, #tpu.memory_space<vmem>>)
      %add3A_329 = arith.constant 1 : i32
      %add3A_330 = arith.addi %add3A_314, %add3A_329 : i32
      %lt3A_331 = arith.constant 32 : i32
      %lt3A_332 = arith.cmpi slt, %add3A_330, %lt3A_331 : i32
      %convert_element_type3A_333 = arith.extui %lt3A_332 : i1 to i32
      %cond3A_334 = arith.constant 0 : i32
      %cond3A_335 = arith.cmpi ne, %convert_element_type3A_333, %cond3A_334 : i32
      scf.if %cond3A_335 {
        %ge3A = arith.constant 3 : i32
        %ge3A_537 = arith.cmpi sge, %add3A_314, %ge3A : i32
        %convert_element_type3A_538 = arith.extui %ge3A_537 : i1 to i32
        %cond3A_539 = arith.constant 0 : i32
        %cond3A_540 = arith.cmpi ne, %convert_element_type3A_538, %cond3A_539 : i32
        scf.if %cond3A_540 {
          %dma_wait3A_559 = arith.constant 3 : i32
          %dma_wait3A_560 = arith.constant 0 : i32
          %dma_wait3A_561 = arith.constant 0 : i32
          %dma_wait3A_562 = tpu.memref_slice %arg7[%dma_wait3A_559, %dma_wait3A_560, %dma_wait3A_561] : memref<4x4x4096xf32, #tpu.memory_space<vmem>> -> memref<1x4x4096xf32, #tpu.memory_space<vmem>>
          %dma_wait3A_563 = tpu.memref_squeeze %dma_wait3A_562 : memref<1x4x4096xf32, #tpu.memory_space<vmem>> -> memref<4x4096xf32, #tpu.memory_space<vmem>>
          %dma_wait3A_564 = arith.constant 0 : i32
          %dma_wait3A_565 = tpu.memref_slice %arg6[%mul3A_2, %dma_wait3A_564] : memref<4096x4096xf32, #tpu.memory_space<hbm>> -> memref<4x4096xf32, #tpu.memory_space<hbm>>
          %dma_wait3A_566 = arith.constant 0 : i32
          %dma_wait3A_567 = tpu.memref_slice %arg6[%mul3A_2, %dma_wait3A_566] : memref<4096x4096xf32, #tpu.memory_space<hbm>> -> memref<4x4096xf32, #tpu.memory_space<hbm>>
          %dma_wait3A_568 = arith.constant 0 : i32
          %dma_wait3A_569 = arith.constant 0 : i32
          %dma_wait3A_570 = tpu.memref_slice %arg7[%dma_wait3A_559, %dma_wait3A_568, %dma_wait3A_569] : memref<4x4x4096xf32, #tpu.memory_space<vmem>> -> memref<1x4x4096xf32, #tpu.memory_space<vmem>>
          %dma_wait3A_571 = tpu.memref_squeeze %dma_wait3A_570 : memref<1x4x4096xf32, #tpu.memory_space<vmem>> -> memref<4x4096xf32, #tpu.memory_space<vmem>>
          tpu.wait_dma2 semaphore(%arg18 : memref<!tpu.dma_semaphore, #tpu.memory_space<semaphore_mem>>) src(%dma_wait3A_571 : memref<4x4096xf32, #tpu.memory_space<vmem>>) dst(%dma_wait3A_567 : memref<4x4096xf32, #tpu.memory_space<hbm>>)
        } else {
        }
        %add3A_541 = arith.constant 1 : i32
        %add3A_542 = arith.addi %add3A_314, %add3A_541 : i32
        %mul3A_543 = arith.constant 4 : i32
        %mul3A_544 = arith.muli %add3A_542, %mul3A_543 : i32
        %add3A_545 = arith.addi %mul3A_2, %mul3A_544 : i32
        %dma_start3A_546 = arith.constant 3 : i32
        %dma_start3A_547 = arith.constant 0 : i32
        %dma_start3A_548 = arith.constant 0 : i32
        %dma_start3A_549 = tpu.memref_slice %arg7[%dma_start3A_546, %dma_start3A_547, %dma_start3A_548] : memref<4x4x4096xf32, #tpu.memory_space<vmem>> -> memref<1x4x4096xf32, #tpu.memory_space<vmem>>
        %dma_start3A_550 = tpu.memref_squeeze %dma_start3A_549 : memref<1x4x4096xf32, #tpu.memory_space<vmem>> -> memref<4x4096xf32, #tpu.memory_space<vmem>>
        %dma_start3A_551 = arith.constant 0 : i32
        %dma_start3A_552 = tpu.memref_slice %arg2[%add3A_545, %dma_start3A_551] : memref<8192x4096xf32, #tpu.memory_space<hbm>> -> memref<4x4096xf32, #tpu.memory_space<hbm>>
        %dma_start3A_553 = arith.constant 0 : i32
        %dma_start3A_554 = arith.constant 0 : i32
        %dma_start3A_555 = tpu.memref_slice %arg7[%dma_start3A_546, %dma_start3A_553, %dma_start3A_554] : memref<4x4x4096xf32, #tpu.memory_space<vmem>> -> memref<1x4x4096xf32, #tpu.memory_space<vmem>>
        %dma_start3A_556 = tpu.memref_squeeze %dma_start3A_555 : memref<1x4x4096xf32, #tpu.memory_space<vmem>> -> memref<4x4096xf32, #tpu.memory_space<vmem>>
        %dma_start3A_557 = arith.constant 0 : i32
        %dma_start3A_558 = tpu.memref_slice %arg2[%add3A_545, %dma_start3A_557] : memref<8192x4096xf32, #tpu.memory_space<hbm>> -> memref<4x4096xf32, #tpu.memory_space<hbm>>
        tpu.enqueue_dma source(%dma_start3A_558 : memref<4x4096xf32, #tpu.memory_space<hbm>>) target(%dma_start3A_556 : memref<4x4096xf32, #tpu.memory_space<vmem>>) target_semaphore(%arg14 : memref<!tpu.dma_semaphore, #tpu.memory_space<semaphore_mem>>)
      } else {
      }
      %while3A_336 = arith.constant 0 : i32
      %while3A_337 = arith.constant 0 : i32
      %while3A_338 = arith.subi %sub3A_315, %while3A_337 : i32
      %while3A_339 = arith.addi %while3A_337, %while3A_338 : i32
      %while3A_340 = arith.constant 1 : i32
      %while3A_341 = arith.divsi %while3A_338, %while3A_340 : i32
      %while3A_342 = arith.muli %while3A_341, %while3A_340 : i32
      %while3A_343 = arith.addi %while3A_337, %while3A_342 : i32
      %while3A_344 = arith.constant 1 : i32
      scf.for %while3A_537 = %while3A_337 to %while3A_343 step %while3A_344  : i32 {
        %dma_wait3A_538 = arith.constant 0 : i32
        %dma_wait3A_539 = arith.constant 0 : i32
        %dma_wait3A_540 = arith.constant 0 : i32
        %dma_wait3A_541 = tpu.memref_slice %arg8[%dma_wait3A_538, %dma_wait3A_539, %dma_wait3A_540] : memref<2x4x4096xf32, #tpu.memory_space<vmem>> -> memref<1x1x4096xf32, #tpu.memory_space<vmem>>
        %dma_wait3A_542 = tpu.memref_squeeze %dma_wait3A_541 : memref<1x1x4096xf32, #tpu.memory_space<vmem>> -> memref<1x4096xf32, #tpu.memory_space<vmem>>
        %dma_wait3A_543 = arith.constant 0 : i32
        %dma_wait3A_544 = tpu.memref_slice %arg3[%mul3A_2, %dma_wait3A_543] : memref<8192x4096xf32, #tpu.memory_space<hbm>> -> memref<1x4096xf32, #tpu.memory_space<hbm>>
        %dma_wait3A_545 = arith.constant 0 : i32
        %dma_wait3A_546 = arith.constant 0 : i32
        %dma_wait3A_547 = tpu.memref_slice %arg8[%dma_wait3A_538, %dma_wait3A_545, %dma_wait3A_546] : memref<2x4x4096xf32, #tpu.memory_space<vmem>> -> memref<1x1x4096xf32, #tpu.memory_space<vmem>>
        %dma_wait3A_548 = tpu.memref_squeeze %dma_wait3A_547 : memref<1x1x4096xf32, #tpu.memory_space<vmem>> -> memref<1x4096xf32, #tpu.memory_space<vmem>>
        %dma_wait3A_549 = arith.constant 0 : i32
        %dma_wait3A_550 = tpu.memref_slice %arg3[%mul3A_2, %dma_wait3A_549] : memref<8192x4096xf32, #tpu.memory_space<hbm>> -> memref<1x4096xf32, #tpu.memory_space<hbm>>
        tpu.wait_dma2 semaphore(%arg19 : memref<!tpu.dma_semaphore, #tpu.memory_space<semaphore_mem>>) src(%dma_wait3A_550 : memref<1x4096xf32, #tpu.memory_space<hbm>>) dst(%dma_wait3A_548 : memref<1x4096xf32, #tpu.memory_space<vmem>>)
      }
      %while3A_345 = arith.constant 1 : i32
      scf.for %while3A_537 = %while3A_343 to %while3A_339 step %while3A_345  : i32 {
        %dma_wait3A_538 = arith.constant 0 : i32
        %dma_wait3A_539 = arith.constant 0 : i32
        %dma_wait3A_540 = arith.constant 0 : i32
        %dma_wait3A_541 = tpu.memref_slice %arg8[%dma_wait3A_538, %dma_wait3A_539, %dma_wait3A_540] : memref<2x4x4096xf32, #tpu.memory_space<vmem>> -> memref<1x1x4096xf32, #tpu.memory_space<vmem>>
        %dma_wait3A_542 = tpu.memref_squeeze %dma_wait3A_541 : memref<1x1x4096xf32, #tpu.memory_space<vmem>> -> memref<1x4096xf32, #tpu.memory_space<vmem>>
        %dma_wait3A_543 = arith.constant 0 : i32
        %dma_wait3A_544 = tpu.memref_slice %arg3[%mul3A_2, %dma_wait3A_543] : memref<8192x4096xf32, #tpu.memory_space<hbm>> -> memref<1x4096xf32, #tpu.memory_space<hbm>>
        %dma_wait3A_545 = arith.constant 0 : i32
        %dma_wait3A_546 = arith.constant 0 : i32
        %dma_wait3A_547 = tpu.memref_slice %arg8[%dma_wait3A_538, %dma_wait3A_545, %dma_wait3A_546] : memref<2x4x4096xf32, #tpu.memory_space<vmem>> -> memref<1x1x4096xf32, #tpu.memory_space<vmem>>
        %dma_wait3A_548 = tpu.memref_squeeze %dma_wait3A_547 : memref<1x1x4096xf32, #tpu.memory_space<vmem>> -> memref<1x4096xf32, #tpu.memory_space<vmem>>
        %dma_wait3A_549 = arith.constant 0 : i32
        %dma_wait3A_550 = tpu.memref_slice %arg3[%mul3A_2, %dma_wait3A_549] : memref<8192x4096xf32, #tpu.memory_space<hbm>> -> memref<1x4096xf32, #tpu.memory_space<hbm>>
        tpu.wait_dma2 semaphore(%arg19 : memref<!tpu.dma_semaphore, #tpu.memory_space<semaphore_mem>>) src(%dma_wait3A_550 : memref<1x4096xf32, #tpu.memory_space<hbm>>) dst(%dma_wait3A_548 : memref<1x4096xf32, #tpu.memory_space<vmem>>)
      }
      %while3A_346 = arith.constant 0 : i32
      %while3A_347 = arith.constant 0 : i32
      %while3A_348 = arith.subi %sub3A_315, %while3A_347 : i32
      %while3A_349 = arith.addi %while3A_347, %while3A_348 : i32
      %while3A_350 = arith.constant 1 : i32
      %while3A_351 = arith.divsi %while3A_348, %while3A_350 : i32
      %while3A_352 = arith.muli %while3A_351, %while3A_350 : i32
      %while3A_353 = arith.addi %while3A_347, %while3A_352 : i32
      %while3A_354 = arith.constant 1 : i32
      scf.for %while3A_537 = %while3A_347 to %while3A_353 step %while3A_354  : i32 {
        %add3A_538 = arith.addi %reduce_sum3A_170, %while3A_537 : i32
        %jit3A_539 = arith.constant 16 : i32
        %div3A_540 = arith.divsi %add3A_538, %jit3A_539 : i32
        %sign3A_541 = arith.constant 0 : i32
        %sign3A_542 = arith.cmpi sgt, %add3A_538, %sign3A_541 : i32
        %sign3A_543 = arith.extui %sign3A_542 : i1 to i32
        %sign3A_544 = arith.constant 0 : i32
        %sign3A_545 = arith.cmpi slt, %add3A_538, %sign3A_544 : i32
        %sign3A_546 = arith.extui %sign3A_545 : i1 to i32
        %sign3A_547 = arith.subi %sign3A_543, %sign3A_546 : i32
        %sign3A_548 = arith.constant 0 : i32
        %sign3A_549 = arith.cmpi sgt, %jit3A_539, %sign3A_548 : i32
        %sign3A_550 = arith.extui %sign3A_549 : i1 to i32
        %sign3A_551 = arith.constant 0 : i32
        %sign3A_552 = arith.cmpi slt, %jit3A_539, %sign3A_551 : i32
        %sign3A_553 = arith.extui %sign3A_552 : i1 to i32
        %sign3A_554 = arith.subi %sign3A_550, %sign3A_553 : i32
        %ne3A_555 = arith.cmpi ne, %sign3A_547, %sign3A_554 : i32
        %rem3A_556 = arith.remsi %add3A_538, %jit3A_539 : i32
        %ne3A_557 = arith.constant 0 : i32
        %ne3A_558 = arith.cmpi ne, %rem3A_556, %ne3A_557 : i32
        %and3A_559 = arith.andi %ne3A_555, %ne3A_558 : i1
        %sub3A_560 = arith.constant 1 : i32
        %sub3A_561 = arith.subi %div3A_540, %sub3A_560 : i32
        %select_n3A_562 = arith.select %and3A_559, %sub3A_561, %div3A_540 : i32
        %mul3A_563 = arith.constant 16 : i32
        %mul3A_564 = arith.muli %select_n3A_562, %mul3A_563 : i32
        %get3A_565 = arith.index_cast %mul3A_564 : i32 to index
        %get3A_566 = tpu.vector_load %arg9[%get3A_565] {strides = array<i32>} : memref<128xi32, #tpu.memory_space<vmem>>, vector<16xi32>,
        %iota3A_567 = tpu.iota {dimensions = array<i32: 0>} : vector<16xi32>
        %sub3A_568 = arith.subi %add3A_538, %mul3A_564 : i32
        %eq3A_569 = vector.broadcast %sub3A_568 : i32 to vector<16xi32>
        %eq3A_570 = arith.cmpi eq, %iota3A_567, %eq3A_569 : vector<16xi32>
        %jit3A_571 = arith.constant 0 : i32
        %broadcast_in_dim3A_572 = vector.broadcast %jit3A_571 : i32 to vector<16xi32>
        %select_n3A_573 = arith.select %eq3A_570, %get3A_566, %broadcast_in_dim3A_572 : vector<16xi1>, vector<16xi32>
        %reduce_sum3A_574 = arith.constant true
        %reduce_sum3A_575 = vector.broadcast %reduce_sum3A_574 : i1 to vector<16xi1>
        %reduce_sum3A_576 = tpu.scan <sum>, %select_n3A_573 masked %reduce_sum3A_575 : vector<16xi32>, vector<16xi1> -> vector<16xi32>
        %reduce_sum3A_577 = vector.extract %reduce_sum3A_576[15] : i32 from vector<16xi32>
        %mul3A_578 = arith.constant 4 : i32
        %mul3A_579 = arith.muli %add3A_314, %mul3A_578 : i32
        %add3A_580 = arith.addi %mul3A_2, %mul3A_579 : i32
        %sub3A_581 = arith.subi %reduce_sum3A_577, %add3A_580 : i32
        %scan3A_582 = arith.constant 0 : i32
        %scan3A_583 = arith.constant 0 : i32
        %scan3A_584 = arith.constant 256 : i32
        %scan3A_585 = arith.addi %scan3A_583, %scan3A_584 : i32
        %scan3A_586 = arith.constant 16 : i32
        scf.for %scan3A_588 = %scan3A_583 to %scan3A_585 step %scan3A_586  : i32 {
          %mul3A_589 = arith.constant 16 : i32
          %mul3A_590 = arith.muli %scan3A_588, %mul3A_589 : i32
          %get3A_591 = arith.constant 0 : i32
          %get3A_592 = arith.index_cast %get3A_591 : i32 to index
          %get3A_593 = arith.index_cast %while3A_537 : i32 to index
          %get3A_594 = arith.index_cast %mul3A_590 : i32 to index
          %get3A_595 = tpu.vector_load %arg8[%get3A_592, %get3A_593, %get3A_594] {strides = array<i32>} : memref<2x4x4096xf32, #tpu.memory_space<vmem>>, vector<16xf32>,
          %swap3A = arith.constant 2 : i32
          %swap3A_596 = arith.index_cast %swap3A : i32 to index
          %swap3A_597 = arith.index_cast %sub3A_581 : i32 to index
          %swap3A_598 = arith.index_cast %mul3A_590 : i32 to index
          %swap3A_599 = tpu.vector_load %arg7[%swap3A_596, %swap3A_597, %swap3A_598] {strides = array<i32>} : memref<4x4x4096xf32, #tpu.memory_space<vmem>>, vector<16xf32>,
          tpu.vector_store %arg7[%swap3A_596, %swap3A_597, %swap3A_598], %get3A_595 {add = true, strides = array<i32>} : memref<4x4x4096xf32, #tpu.memory_space<vmem>>, vector<16xf32>,
          %scan3A_600 = arith.constant 1 : i32
          %scan3A_601 = arith.addi %scan3A_588, %scan3A_600 : i32
          %mul3A_602 = arith.constant 16 : i32
          %mul3A_603 = arith.muli %scan3A_601, %mul3A_602 : i32
          %get3A_604 = arith.constant 0 : i32
          %get3A_605 = arith.index_cast %get3A_604 : i32 to index
          %get3A_606 = arith.index_cast %while3A_537 : i32 to index
          %get3A_607 = arith.index_cast %mul3A_603 : i32 to index
          %get3A_608 = tpu.vector_load %arg8[%get3A_605, %get3A_606, %get3A_607] {strides = array<i32>} : memref<2x4x4096xf32, #tpu.memory_space<vmem>>, vector<16xf32>,
          %swap3A_609 = arith.constant 2 : i32
          %swap3A_610 = arith.index_cast %swap3A_609 : i32 to index
          %swap3A_611 = arith.index_cast %sub3A_581 : i32 to index
          %swap3A_612 = arith.index_cast %mul3A_603 : i32 to index
          %swap3A_613 = tpu.vector_load %arg7[%swap3A_610, %swap3A_611, %swap3A_612] {strides = array<i32>} : memref<4x4x4096xf32, #tpu.memory_space<vmem>>, vector<16xf32>,
          tpu.vector_store %arg7[%swap3A_610, %swap3A_611, %swap3A_612], %get3A_608 {add = true, strides = array<i32>} : memref<4x4x4096xf32, #tpu.memory_space<vmem>>, vector<16xf32>,
          %scan3A_614 = arith.constant 2 : i32
          %scan3A_615 = arith.addi %scan3A_588, %scan3A_614 : i32
          %mul3A_616 = arith.constant 16 : i32
          %mul3A_617 = arith.muli %scan3A_615, %mul3A_616 : i32
          %get3A_618 = arith.constant 0 : i32
          %get3A_619 = arith.index_cast %get3A_618 : i32 to index
          %get3A_620 = arith.index_cast %while3A_537 : i32 to index
          %get3A_621 = arith.index_cast %mul3A_617 : i32 to index
          %get3A_622 = tpu.vector_load %arg8[%get3A_619, %get3A_620, %get3A_621] {strides = array<i32>} : memref<2x4x4096xf32, #tpu.memory_space<vmem>>, vector<16xf32>,
          %swap3A_623 = arith.constant 2 : i32
          %swap3A_624 = arith.index_cast %swap3A_623 : i32 to index
          %swap3A_625 = arith.index_cast %sub3A_581 : i32 to index
          %swap3A_626 = arith.index_cast %mul3A_617 : i32 to index
          %swap3A_627 = tpu.vector_load %arg7[%swap3A_624, %swap3A_625, %swap3A_626] {strides = array<i32>} : memref<4x4x4096xf32, #tpu.memory_space<vmem>>, vector<16xf32>,
          tpu.vector_store %arg7[%swap3A_624, %swap3A_625, %swap3A_626], %get3A_622 {add = true, strides = array<i32>} : memref<4x4x4096xf32, #tpu.memory_space<vmem>>, vector<16xf32>,
          %scan3A_628 = arith.constant 3 : i32
          %scan3A_629 = arith.addi %scan3A_588, %scan3A_628 : i32
          %mul3A_630 = arith.constant 16 : i32
          %mul3A_631 = arith.muli %scan3A_629, %mul3A_630 : i32
          %get3A_632 = arith.constant 0 : i32
          %get3A_633 = arith.index_cast %get3A_632 : i32 to index
          %get3A_634 = arith.index_cast %while3A_537 : i32 to index
          %get3A_635 = arith.index_cast %mul3A_631 : i32 to index
          %get3A_636 = tpu.vector_load %arg8[%get3A_633, %get3A_634, %get3A_635] {strides = array<i32>} : memref<2x4x4096xf32, #tpu.memory_space<vmem>>, vector<16xf32>,
          %swap3A_637 = arith.constant 2 : i32
          %swap3A_638 = arith.index_cast %swap3A_637 : i32 to index
          %swap3A_639 = arith.index_cast %sub3A_581 : i32 to index
          %swap3A_640 = arith.index_cast %mul3A_631 : i32 to index
          %swap3A_641 = tpu.vector_load %arg7[%swap3A_638, %swap3A_639, %swap3A_640] {strides = array<i32>} : memref<4x4x4096xf32, #tpu.memory_space<vmem>>, vector<16xf32>,
          tpu.vector_store %arg7[%swap3A_638, %swap3A_639, %swap3A_640], %get3A_636 {add = true, strides = array<i32>} : memref<4x4x4096xf32, #tpu.memory_space<vmem>>, vector<16xf32>,
          %scan3A_642 = arith.constant 4 : i32
          %scan3A_643 = arith.addi %scan3A_588, %scan3A_642 : i32
          %mul3A_644 = arith.constant 16 : i32
          %mul3A_645 = arith.muli %scan3A_643, %mul3A_644 : i32
          %get3A_646 = arith.constant 0 : i32
          %get3A_647 = arith.index_cast %get3A_646 : i32 to index
          %get3A_648 = arith.index_cast %while3A_537 : i32 to index
          %get3A_649 = arith.index_cast %mul3A_645 : i32 to index
          %get3A_650 = tpu.vector_load %arg8[%get3A_647, %get3A_648, %get3A_649] {strides = array<i32>} : memref<2x4x4096xf32, #tpu.memory_space<vmem>>, vector<16xf32>,
          %swap3A_651 = arith.constant 2 : i32
          %swap3A_652 = arith.index_cast %swap3A_651 : i32 to index
          %swap3A_653 = arith.index_cast %sub3A_581 : i32 to index
          %swap3A_654 = arith.index_cast %mul3A_645 : i32 to index
          %swap3A_655 = tpu.vector_load %arg7[%swap3A_652, %swap3A_653, %swap3A_654] {strides = array<i32>} : memref<4x4x4096xf32, #tpu.memory_space<vmem>>, vector<16xf32>,
          tpu.vector_store %arg7[%swap3A_652, %swap3A_653, %swap3A_654], %get3A_650 {add = true, strides = array<i32>} : memref<4x4x4096xf32, #tpu.memory_space<vmem>>, vector<16xf32>,
          %scan3A_656 = arith.constant 5 : i32
          %scan3A_657 = arith.addi %scan3A_588, %scan3A_656 : i32
          %mul3A_658 = arith.constant 16 : i32
          %mul3A_659 = arith.muli %scan3A_657, %mul3A_658 : i32
          %get3A_660 = arith.constant 0 : i32
          %get3A_661 = arith.index_cast %get3A_660 : i32 to index
          %get3A_662 = arith.index_cast %while3A_537 : i32 to index
          %get3A_663 = arith.index_cast %mul3A_659 : i32 to index
          %get3A_664 = tpu.vector_load %arg8[%get3A_661, %get3A_662, %get3A_663] {strides = array<i32>} : memref<2x4x4096xf32, #tpu.memory_space<vmem>>, vector<16xf32>,
          %swap3A_665 = arith.constant 2 : i32
          %swap3A_666 = arith.index_cast %swap3A_665 : i32 to index
          %swap3A_667 = arith.index_cast %sub3A_581 : i32 to index
          %swap3A_668 = arith.index_cast %mul3A_659 : i32 to index
          %swap3A_669 = tpu.vector_load %arg7[%swap3A_666, %swap3A_667, %swap3A_668] {strides = array<i32>} : memref<4x4x4096xf32, #tpu.memory_space<vmem>>, vector<16xf32>,
          tpu.vector_store %arg7[%swap3A_666, %swap3A_667, %swap3A_668], %get3A_664 {add = true, strides = array<i32>} : memref<4x4x4096xf32, #tpu.memory_space<vmem>>, vector<16xf32>,
          %scan3A_670 = arith.constant 6 : i32
          %scan3A_671 = arith.addi %scan3A_588, %scan3A_670 : i32
          %mul3A_672 = arith.constant 16 : i32
          %mul3A_673 = arith.muli %scan3A_671, %mul3A_672 : i32
          %get3A_674 = arith.constant 0 : i32
          %get3A_675 = arith.index_cast %get3A_674 : i32 to index
          %get3A_676 = arith.index_cast %while3A_537 : i32 to index
          %get3A_677 = arith.index_cast %mul3A_673 : i32 to index
          %get3A_678 = tpu.vector_load %arg8[%get3A_675, %get3A_676, %get3A_677] {strides = array<i32>} : memref<2x4x4096xf32, #tpu.memory_space<vmem>>, vector<16xf32>,
          %swap3A_679 = arith.constant 2 : i32
          %swap3A_680 = arith.index_cast %swap3A_679 : i32 to index
          %swap3A_681 = arith.index_cast %sub3A_581 : i32 to index
          %swap3A_682 = arith.index_cast %mul3A_673 : i32 to index
          %swap3A_683 = tpu.vector_load %arg7[%swap3A_680, %swap3A_681, %swap3A_682] {strides = array<i32>} : memref<4x4x4096xf32, #tpu.memory_space<vmem>>, vector<16xf32>,
          tpu.vector_store %arg7[%swap3A_680, %swap3A_681, %swap3A_682], %get3A_678 {add = true, strides = array<i32>} : memref<4x4x4096xf32, #tpu.memory_space<vmem>>, vector<16xf32>,
          %scan3A_684 = arith.constant 7 : i32
          %scan3A_685 = arith.addi %scan3A_588, %scan3A_684 : i32
          %mul3A_686 = arith.constant 16 : i32
          %mul3A_687 = arith.muli %scan3A_685, %mul3A_686 : i32
          %get3A_688 = arith.constant 0 : i32
          %get3A_689 = arith.index_cast %get3A_688 : i32 to index
          %get3A_690 = arith.index_cast %while3A_537 : i32 to index
          %get3A_691 = arith.index_cast %mul3A_687 : i32 to index
          %get3A_692 = tpu.vector_load %arg8[%get3A_689, %get3A_690, %get3A_691] {strides = array<i32>} : memref<2x4x4096xf32, #tpu.memory_space<vmem>>, vector<16xf32>,
          %swap3A_693 = arith.constant 2 : i32
          %swap3A_694 = arith.index_cast %swap3A_693 : i32 to index
          %swap3A_695 = arith.index_cast %sub3A_581 : i32 to index
          %swap3A_696 = arith.index_cast %mul3A_687 : i32 to index
          %swap3A_697 = tpu.vector_load %arg7[%swap3A_694, %swap3A_695, %swap3A_696] {strides = array<i32>} : memref<4x4x4096xf32, #tpu.memory_space<vmem>>, vector<16xf32>,
          tpu.vector_store %arg7[%swap3A_694, %swap3A_695, %swap3A_696], %get3A_692 {add = true, strides = array<i32>} : memref<4x4x4096xf32, #tpu.memory_space<vmem>>, vector<16xf32>,
          %scan3A_698 = arith.constant 8 : i32
          %scan3A_699 = arith.addi %scan3A_588, %scan3A_698 : i32
          %mul3A_700 = arith.constant 16 : i32
          %mul3A_701 = arith.muli %scan3A_699, %mul3A_700 : i32
          %get3A_702 = arith.constant 0 : i32
          %get3A_703 = arith.index_cast %get3A_702 : i32 to index
          %get3A_704 = arith.index_cast %while3A_537 : i32 to index
          %get3A_705 = arith.index_cast %mul3A_701 : i32 to index
          %get3A_706 = tpu.vector_load %arg8[%get3A_703, %get3A_704, %get3A_705] {strides = array<i32>} : memref<2x4x4096xf32, #tpu.memory_space<vmem>>, vector<16xf32>,
          %swap3A_707 = arith.constant 2 : i32
          %swap3A_708 = arith.index_cast %swap3A_707 : i32 to index
          %swap3A_709 = arith.index_cast %sub3A_581 : i32 to index
          %swap3A_710 = arith.index_cast %mul3A_701 : i32 to index
          %swap3A_711 = tpu.vector_load %arg7[%swap3A_708, %swap3A_709, %swap3A_710] {strides = array<i32>} : memref<4x4x4096xf32, #tpu.memory_space<vmem>>, vector<16xf32>,
          tpu.vector_store %arg7[%swap3A_708, %swap3A_709, %swap3A_710], %get3A_706 {add = true, strides = array<i32>} : memref<4x4x4096xf32, #tpu.memory_space<vmem>>, vector<16xf32>,
          %scan3A_712 = arith.constant 9 : i32
          %scan3A_713 = arith.addi %scan3A_588, %scan3A_712 : i32
          %mul3A_714 = arith.constant 16 : i32
          %mul3A_715 = arith.muli %scan3A_713, %mul3A_714 : i32
          %get3A_716 = arith.constant 0 : i32
          %get3A_717 = arith.index_cast %get3A_716 : i32 to index
          %get3A_718 = arith.index_cast %while3A_537 : i32 to index
          %get3A_719 = arith.index_cast %mul3A_715 : i32 to index
          %get3A_720 = tpu.vector_load %arg8[%get3A_717, %get3A_718, %get3A_719] {strides = array<i32>} : memref<2x4x4096xf32, #tpu.memory_space<vmem>>, vector<16xf32>,
          %swap3A_721 = arith.constant 2 : i32
          %swap3A_722 = arith.index_cast %swap3A_721 : i32 to index
          %swap3A_723 = arith.index_cast %sub3A_581 : i32 to index
          %swap3A_724 = arith.index_cast %mul3A_715 : i32 to index
          %swap3A_725 = tpu.vector_load %arg7[%swap3A_722, %swap3A_723, %swap3A_724] {strides = array<i32>} : memref<4x4x4096xf32, #tpu.memory_space<vmem>>, vector<16xf32>,
          tpu.vector_store %arg7[%swap3A_722, %swap3A_723, %swap3A_724], %get3A_720 {add = true, strides = array<i32>} : memref<4x4x4096xf32, #tpu.memory_space<vmem>>, vector<16xf32>,
          %scan3A_726 = arith.constant 10 : i32
          %scan3A_727 = arith.addi %scan3A_588, %scan3A_726 : i32
          %mul3A_728 = arith.constant 16 : i32
          %mul3A_729 = arith.muli %scan3A_727, %mul3A_728 : i32
          %get3A_730 = arith.constant 0 : i32
          %get3A_731 = arith.index_cast %get3A_730 : i32 to index
          %get3A_732 = arith.index_cast %while3A_537 : i32 to index
          %get3A_733 = arith.index_cast %mul3A_729 : i32 to index
          %get3A_734 = tpu.vector_load %arg8[%get3A_731, %get3A_732, %get3A_733] {strides = array<i32>} : memref<2x4x4096xf32, #tpu.memory_space<vmem>>, vector<16xf32>,
          %swap3A_735 = arith.constant 2 : i32
          %swap3A_736 = arith.index_cast %swap3A_735 : i32 to index
          %swap3A_737 = arith.index_cast %sub3A_581 : i32 to index
          %swap3A_738 = arith.index_cast %mul3A_729 : i32 to index
          %swap3A_739 = tpu.vector_load %arg7[%swap3A_736, %swap3A_737, %swap3A_738] {strides = array<i32>} : memref<4x4x4096xf32, #tpu.memory_space<vmem>>, vector<16xf32>,
          tpu.vector_store %arg7[%swap3A_736, %swap3A_737, %swap3A_738], %get3A_734 {add = true, strides = array<i32>} : memref<4x4x4096xf32, #tpu.memory_space<vmem>>, vector<16xf32>,
          %scan3A_740 = arith.constant 11 : i32
          %scan3A_741 = arith.addi %scan3A_588, %scan3A_740 : i32
          %mul3A_742 = arith.constant 16 : i32
          %mul3A_743 = arith.muli %scan3A_741, %mul3A_742 : i32
          %get3A_744 = arith.constant 0 : i32
          %get3A_745 = arith.index_cast %get3A_744 : i32 to index
          %get3A_746 = arith.index_cast %while3A_537 : i32 to index
          %get3A_747 = arith.index_cast %mul3A_743 : i32 to index
          %get3A_748 = tpu.vector_load %arg8[%get3A_745, %get3A_746, %get3A_747] {strides = array<i32>} : memref<2x4x4096xf32, #tpu.memory_space<vmem>>, vector<16xf32>,
          %swap3A_749 = arith.constant 2 : i32
          %swap3A_750 = arith.index_cast %swap3A_749 : i32 to index
          %swap3A_751 = arith.index_cast %sub3A_581 : i32 to index
          %swap3A_752 = arith.index_cast %mul3A_743 : i32 to index
          %swap3A_753 = tpu.vector_load %arg7[%swap3A_750, %swap3A_751, %swap3A_752] {strides = array<i32>} : memref<4x4x4096xf32, #tpu.memory_space<vmem>>, vector<16xf32>,
          tpu.vector_store %arg7[%swap3A_750, %swap3A_751, %swap3A_752], %get3A_748 {add = true, strides = array<i32>} : memref<4x4x4096xf32, #tpu.memory_space<vmem>>, vector<16xf32>,
          %scan3A_754 = arith.constant 12 : i32
          %scan3A_755 = arith.addi %scan3A_588, %scan3A_754 : i32
          %mul3A_756 = arith.constant 16 : i32
          %mul3A_757 = arith.muli %scan3A_755, %mul3A_756 : i32
          %get3A_758 = arith.constant 0 : i32
          %get3A_759 = arith.index_cast %get3A_758 : i32 to index
          %get3A_760 = arith.index_cast %while3A_537 : i32 to index
          %get3A_761 = arith.index_cast %mul3A_757 : i32 to index
          %get3A_762 = tpu.vector_load %arg8[%get3A_759, %get3A_760, %get3A_761] {strides = array<i32>} : memref<2x4x4096xf32, #tpu.memory_space<vmem>>, vector<16xf32>,
          %swap3A_763 = arith.constant 2 : i32
          %swap3A_764 = arith.index_cast %swap3A_763 : i32 to index
          %swap3A_765 = arith.index_cast %sub3A_581 : i32 to index
          %swap3A_766 = arith.index_cast %mul3A_757 : i32 to index
          %swap3A_767 = tpu.vector_load %arg7[%swap3A_764, %swap3A_765, %swap3A_766] {strides = array<i32>} : memref<4x4x4096xf32, #tpu.memory_space<vmem>>, vector<16xf32>,
          tpu.vector_store %arg7[%swap3A_764, %swap3A_765, %swap3A_766], %get3A_762 {add = true, strides = array<i32>} : memref<4x4x4096xf32, #tpu.memory_space<vmem>>, vector<16xf32>,
          %scan3A_768 = arith.constant 13 : i32
          %scan3A_769 = arith.addi %scan3A_588, %scan3A_768 : i32
          %mul3A_770 = arith.constant 16 : i32
          %mul3A_771 = arith.muli %scan3A_769, %mul3A_770 : i32
          %get3A_772 = arith.constant 0 : i32
          %get3A_773 = arith.index_cast %get3A_772 : i32 to index
          %get3A_774 = arith.index_cast %while3A_537 : i32 to index
          %get3A_775 = arith.index_cast %mul3A_771 : i32 to index
          %get3A_776 = tpu.vector_load %arg8[%get3A_773, %get3A_774, %get3A_775] {strides = array<i32>} : memref<2x4x4096xf32, #tpu.memory_space<vmem>>, vector<16xf32>,
          %swap3A_777 = arith.constant 2 : i32
          %swap3A_778 = arith.index_cast %swap3A_777 : i32 to index
          %swap3A_779 = arith.index_cast %sub3A_581 : i32 to index
          %swap3A_780 = arith.index_cast %mul3A_771 : i32 to index
          %swap3A_781 = tpu.vector_load %arg7[%swap3A_778, %swap3A_779, %swap3A_780] {strides = array<i32>} : memref<4x4x4096xf32, #tpu.memory_space<vmem>>, vector<16xf32>,
          tpu.vector_store %arg7[%swap3A_778, %swap3A_779, %swap3A_780], %get3A_776 {add = true, strides = array<i32>} : memref<4x4x4096xf32, #tpu.memory_space<vmem>>, vector<16xf32>,
          %scan3A_782 = arith.constant 14 : i32
          %scan3A_783 = arith.addi %scan3A_588, %scan3A_782 : i32
          %mul3A_784 = arith.constant 16 : i32
          %mul3A_785 = arith.muli %scan3A_783, %mul3A_784 : i32
          %get3A_786 = arith.constant 0 : i32
          %get3A_787 = arith.index_cast %get3A_786 : i32 to index
          %get3A_788 = arith.index_cast %while3A_537 : i32 to index
          %get3A_789 = arith.index_cast %mul3A_785 : i32 to index
          %get3A_790 = tpu.vector_load %arg8[%get3A_787, %get3A_788, %get3A_789] {strides = array<i32>} : memref<2x4x4096xf32, #tpu.memory_space<vmem>>, vector<16xf32>,
          %swap3A_791 = arith.constant 2 : i32
          %swap3A_792 = arith.index_cast %swap3A_791 : i32 to index
          %swap3A_793 = arith.index_cast %sub3A_581 : i32 to index
          %swap3A_794 = arith.index_cast %mul3A_785 : i32 to index
          %swap3A_795 = tpu.vector_load %arg7[%swap3A_792, %swap3A_793, %swap3A_794] {strides = array<i32>} : memref<4x4x4096xf32, #tpu.memory_space<vmem>>, vector<16xf32>,
          tpu.vector_store %arg7[%swap3A_792, %swap3A_793, %swap3A_794], %get3A_790 {add = true, strides = array<i32>} : memref<4x4x4096xf32, #tpu.memory_space<vmem>>, vector<16xf32>,
          %scan3A_796 = arith.constant 15 : i32
          %scan3A_797 = arith.addi %scan3A_588, %scan3A_796 : i32
          %mul3A_798 = arith.constant 16 : i32
          %mul3A_799 = arith.muli %scan3A_797, %mul3A_798 : i32
          %get3A_800 = arith.constant 0 : i32
          %get3A_801 = arith.index_cast %get3A_800 : i32 to index
          %get3A_802 = arith.index_cast %while3A_537 : i32 to index
          %get3A_803 = arith.index_cast %mul3A_799 : i32 to index
          %get3A_804 = tpu.vector_load %arg8[%get3A_801, %get3A_802, %get3A_803] {strides = array<i32>} : memref<2x4x4096xf32, #tpu.memory_space<vmem>>, vector<16xf32>,
          %swap3A_805 = arith.constant 2 : i32
          %swap3A_806 = arith.index_cast %swap3A_805 : i32 to index
          %swap3A_807 = arith.index_cast %sub3A_581 : i32 to index
          %swap3A_808 = arith.index_cast %mul3A_799 : i32 to index
          %swap3A_809 = tpu.vector_load %arg7[%swap3A_806, %swap3A_807, %swap3A_808] {strides = array<i32>} : memref<4x4x4096xf32, #tpu.memory_space<vmem>>, vector<16xf32>,
          tpu.vector_store %arg7[%swap3A_806, %swap3A_807, %swap3A_808], %get3A_804 {add = true, strides = array<i32>} : memref<4x4x4096xf32, #tpu.memory_space<vmem>>, vector<16xf32>,
        }
        %scan3A_587 = arith.constant 256 : i32
      }
      %while3A_355 = arith.constant 1 : i32
      scf.for %while3A_537 = %while3A_353 to %while3A_349 step %while3A_355  : i32 {
        %add3A_538 = arith.addi %reduce_sum3A_170, %while3A_537 : i32
        %jit3A_539 = arith.constant 16 : i32
        %div3A_540 = arith.divsi %add3A_538, %jit3A_539 : i32
        %sign3A_541 = arith.constant 0 : i32
        %sign3A_542 = arith.cmpi sgt, %add3A_538, %sign3A_541 : i32
        %sign3A_543 = arith.extui %sign3A_542 : i1 to i32
        %sign3A_544 = arith.constant 0 : i32
        %sign3A_545 = arith.cmpi slt, %add3A_538, %sign3A_544 : i32
        %sign3A_546 = arith.extui %sign3A_545 : i1 to i32
        %sign3A_547 = arith.subi %sign3A_543, %sign3A_546 : i32
        %sign3A_548 = arith.constant 0 : i32
        %sign3A_549 = arith.cmpi sgt, %jit3A_539, %sign3A_548 : i32
        %sign3A_550 = arith.extui %sign3A_549 : i1 to i32
        %sign3A_551 = arith.constant 0 : i32
        %sign3A_552 = arith.cmpi slt, %jit3A_539, %sign3A_551 : i32
        %sign3A_553 = arith.extui %sign3A_552 : i1 to i32
        %sign3A_554 = arith.subi %sign3A_550, %sign3A_553 : i32
        %ne3A_555 = arith.cmpi ne, %sign3A_547, %sign3A_554 : i32
        %rem3A_556 = arith.remsi %add3A_538, %jit3A_539 : i32
        %ne3A_557 = arith.constant 0 : i32
        %ne3A_558 = arith.cmpi ne, %rem3A_556, %ne3A_557 : i32
        %and3A_559 = arith.andi %ne3A_555, %ne3A_558 : i1
        %sub3A_560 = arith.constant 1 : i32
        %sub3A_561 = arith.subi %div3A_540, %sub3A_560 : i32
        %select_n3A_562 = arith.select %and3A_559, %sub3A_561, %div3A_540 : i32
        %mul3A_563 = arith.constant 16 : i32
        %mul3A_564 = arith.muli %select_n3A_562, %mul3A_563 : i32
        %get3A_565 = arith.index_cast %mul3A_564 : i32 to index
        %get3A_566 = tpu.vector_load %arg9[%get3A_565] {strides = array<i32>} : memref<128xi32, #tpu.memory_space<vmem>>, vector<16xi32>,
        %iota3A_567 = tpu.iota {dimensions = array<i32: 0>} : vector<16xi32>
        %sub3A_568 = arith.subi %add3A_538, %mul3A_564 : i32
        %eq3A_569 = vector.broadcast %sub3A_568 : i32 to vector<16xi32>
        %eq3A_570 = arith.cmpi eq, %iota3A_567, %eq3A_569 : vector<16xi32>
        %jit3A_571 = arith.constant 0 : i32
        %broadcast_in_dim3A_572 = vector.broadcast %jit3A_571 : i32 to vector<16xi32>
        %select_n3A_573 = arith.select %eq3A_570, %get3A_566, %broadcast_in_dim3A_572 : vector<16xi1>, vector<16xi32>
        %reduce_sum3A_574 = arith.constant true
        %reduce_sum3A_575 = vector.broadcast %reduce_sum3A_574 : i1 to vector<16xi1>
        %reduce_sum3A_576 = tpu.scan <sum>, %select_n3A_573 masked %reduce_sum3A_575 : vector<16xi32>, vector<16xi1> -> vector<16xi32>
        %reduce_sum3A_577 = vector.extract %reduce_sum3A_576[15] : i32 from vector<16xi32>
        %mul3A_578 = arith.constant 4 : i32
        %mul3A_579 = arith.muli %add3A_314, %mul3A_578 : i32
        %add3A_580 = arith.addi %mul3A_2, %mul3A_579 : i32
        %sub3A_581 = arith.subi %reduce_sum3A_577, %add3A_580 : i32
        %scan3A_582 = arith.constant 0 : i32
        %scan3A_583 = arith.constant 0 : i32
        %scan3A_584 = arith.constant 256 : i32
        %scan3A_585 = arith.addi %scan3A_583, %scan3A_584 : i32
        %scan3A_586 = arith.constant 16 : i32
        scf.for %scan3A_588 = %scan3A_583 to %scan3A_585 step %scan3A_586  : i32 {
          %mul3A_589 = arith.constant 16 : i32
          %mul3A_590 = arith.muli %scan3A_588, %mul3A_589 : i32
          %get3A_591 = arith.constant 0 : i32
          %get3A_592 = arith.index_cast %get3A_591 : i32 to index
          %get3A_593 = arith.index_cast %while3A_537 : i32 to index
          %get3A_594 = arith.index_cast %mul3A_590 : i32 to index
          %get3A_595 = tpu.vector_load %arg8[%get3A_592, %get3A_593, %get3A_594] {strides = array<i32>} : memref<2x4x4096xf32, #tpu.memory_space<vmem>>, vector<16xf32>,
          %swap3A = arith.constant 2 : i32
          %swap3A_596 = arith.index_cast %swap3A : i32 to index
          %swap3A_597 = arith.index_cast %sub3A_581 : i32 to index
          %swap3A_598 = arith.index_cast %mul3A_590 : i32 to index
          %swap3A_599 = tpu.vector_load %arg7[%swap3A_596, %swap3A_597, %swap3A_598] {strides = array<i32>} : memref<4x4x4096xf32, #tpu.memory_space<vmem>>, vector<16xf32>,
          tpu.vector_store %arg7[%swap3A_596, %swap3A_597, %swap3A_598], %get3A_595 {add = true, strides = array<i32>} : memref<4x4x4096xf32, #tpu.memory_space<vmem>>, vector<16xf32>,
          %scan3A_600 = arith.constant 1 : i32
          %scan3A_601 = arith.addi %scan3A_588, %scan3A_600 : i32
          %mul3A_602 = arith.constant 16 : i32
          %mul3A_603 = arith.muli %scan3A_601, %mul3A_602 : i32
          %get3A_604 = arith.constant 0 : i32
          %get3A_605 = arith.index_cast %get3A_604 : i32 to index
          %get3A_606 = arith.index_cast %while3A_537 : i32 to index
          %get3A_607 = arith.index_cast %mul3A_603 : i32 to index
          %get3A_608 = tpu.vector_load %arg8[%get3A_605, %get3A_606, %get3A_607] {strides = array<i32>} : memref<2x4x4096xf32, #tpu.memory_space<vmem>>, vector<16xf32>,
          %swap3A_609 = arith.constant 2 : i32
          %swap3A_610 = arith.index_cast %swap3A_609 : i32 to index
          %swap3A_611 = arith.index_cast %sub3A_581 : i32 to index
          %swap3A_612 = arith.index_cast %mul3A_603 : i32 to index
          %swap3A_613 = tpu.vector_load %arg7[%swap3A_610, %swap3A_611, %swap3A_612] {strides = array<i32>} : memref<4x4x4096xf32, #tpu.memory_space<vmem>>, vector<16xf32>,
          tpu.vector_store %arg7[%swap3A_610, %swap3A_611, %swap3A_612], %get3A_608 {add = true, strides = array<i32>} : memref<4x4x4096xf32, #tpu.memory_space<vmem>>, vector<16xf32>,
          %scan3A_614 = arith.constant 2 : i32
          %scan3A_615 = arith.addi %scan3A_588, %scan3A_614 : i32
          %mul3A_616 = arith.constant 16 : i32
          %mul3A_617 = arith.muli %scan3A_615, %mul3A_616 : i32
          %get3A_618 = arith.constant 0 : i32
          %get3A_619 = arith.index_cast %get3A_618 : i32 to index
          %get3A_620 = arith.index_cast %while3A_537 : i32 to index
          %get3A_621 = arith.index_cast %mul3A_617 : i32 to index
          %get3A_622 = tpu.vector_load %arg8[%get3A_619, %get3A_620, %get3A_621] {strides = array<i32>} : memref<2x4x4096xf32, #tpu.memory_space<vmem>>, vector<16xf32>,
          %swap3A_623 = arith.constant 2 : i32
          %swap3A_624 = arith.index_cast %swap3A_623 : i32 to index
          %swap3A_625 = arith.index_cast %sub3A_581 : i32 to index
          %swap3A_626 = arith.index_cast %mul3A_617 : i32 to index
          %swap3A_627 = tpu.vector_load %arg7[%swap3A_624, %swap3A_625, %swap3A_626] {strides = array<i32>} : memref<4x4x4096xf32, #tpu.memory_space<vmem>>, vector<16xf32>,
          tpu.vector_store %arg7[%swap3A_624, %swap3A_625, %swap3A_626], %get3A_622 {add = true, strides = array<i32>} : memref<4x4x4096xf32, #tpu.memory_space<vmem>>, vector<16xf32>,
          %scan3A_628 = arith.constant 3 : i32
          %scan3A_629 = arith.addi %scan3A_588, %scan3A_628 : i32
          %mul3A_630 = arith.constant 16 : i32
          %mul3A_631 = arith.muli %scan3A_629, %mul3A_630 : i32
          %get3A_632 = arith.constant 0 : i32
          %get3A_633 = arith.index_cast %get3A_632 : i32 to index
          %get3A_634 = arith.index_cast %while3A_537 : i32 to index
          %get3A_635 = arith.index_cast %mul3A_631 : i32 to index
          %get3A_636 = tpu.vector_load %arg8[%get3A_633, %get3A_634, %get3A_635] {strides = array<i32>} : memref<2x4x4096xf32, #tpu.memory_space<vmem>>, vector<16xf32>,
          %swap3A_637 = arith.constant 2 : i32
          %swap3A_638 = arith.index_cast %swap3A_637 : i32 to index
          %swap3A_639 = arith.index_cast %sub3A_581 : i32 to index
          %swap3A_640 = arith.index_cast %mul3A_631 : i32 to index
          %swap3A_641 = tpu.vector_load %arg7[%swap3A_638, %swap3A_639, %swap3A_640] {strides = array<i32>} : memref<4x4x4096xf32, #tpu.memory_space<vmem>>, vector<16xf32>,
          tpu.vector_store %arg7[%swap3A_638, %swap3A_639, %swap3A_640], %get3A_636 {add = true, strides = array<i32>} : memref<4x4x4096xf32, #tpu.memory_space<vmem>>, vector<16xf32>,
          %scan3A_642 = arith.constant 4 : i32
          %scan3A_643 = arith.addi %scan3A_588, %scan3A_642 : i32
          %mul3A_644 = arith.constant 16 : i32
          %mul3A_645 = arith.muli %scan3A_643, %mul3A_644 : i32
          %get3A_646 = arith.constant 0 : i32
          %get3A_647 = arith.index_cast %get3A_646 : i32 to index
          %get3A_648 = arith.index_cast %while3A_537 : i32 to index
          %get3A_649 = arith.index_cast %mul3A_645 : i32 to index
          %get3A_650 = tpu.vector_load %arg8[%get3A_647, %get3A_648, %get3A_649] {strides = array<i32>} : memref<2x4x4096xf32, #tpu.memory_space<vmem>>, vector<16xf32>,
          %swap3A_651 = arith.constant 2 : i32
          %swap3A_652 = arith.index_cast %swap3A_651 : i32 to index
          %swap3A_653 = arith.index_cast %sub3A_581 : i32 to index
          %swap3A_654 = arith.index_cast %mul3A_645 : i32 to index
          %swap3A_655 = tpu.vector_load %arg7[%swap3A_652, %swap3A_653, %swap3A_654] {strides = array<i32>} : memref<4x4x4096xf32, #tpu.memory_space<vmem>>, vector<16xf32>,
          tpu.vector_store %arg7[%swap3A_652, %swap3A_653, %swap3A_654], %get3A_650 {add = true, strides = array<i32>} : memref<4x4x4096xf32, #tpu.memory_space<vmem>>, vector<16xf32>,
          %scan3A_656 = arith.constant 5 : i32
          %scan3A_657 = arith.addi %scan3A_588, %scan3A_656 : i32
          %mul3A_658 = arith.constant 16 : i32
          %mul3A_659 = arith.muli %scan3A_657, %mul3A_658 : i32
          %get3A_660 = arith.constant 0 : i32
          %get3A_661 = arith.index_cast %get3A_660 : i32 to index
          %get3A_662 = arith.index_cast %while3A_537 : i32 to index
          %get3A_663 = arith.index_cast %mul3A_659 : i32 to index
          %get3A_664 = tpu.vector_load %arg8[%get3A_661, %get3A_662, %get3A_663] {strides = array<i32>} : memref<2x4x4096xf32, #tpu.memory_space<vmem>>, vector<16xf32>,
          %swap3A_665 = arith.constant 2 : i32
          %swap3A_666 = arith.index_cast %swap3A_665 : i32 to index
          %swap3A_667 = arith.index_cast %sub3A_581 : i32 to index
          %swap3A_668 = arith.index_cast %mul3A_659 : i32 to index
          %swap3A_669 = tpu.vector_load %arg7[%swap3A_666, %swap3A_667, %swap3A_668] {strides = array<i32>} : memref<4x4x4096xf32, #tpu.memory_space<vmem>>, vector<16xf32>,
          tpu.vector_store %arg7[%swap3A_666, %swap3A_667, %swap3A_668], %get3A_664 {add = true, strides = array<i32>} : memref<4x4x4096xf32, #tpu.memory_space<vmem>>, vector<16xf32>,
          %scan3A_670 = arith.constant 6 : i32
          %scan3A_671 = arith.addi %scan3A_588, %scan3A_670 : i32
          %mul3A_672 = arith.constant 16 : i32
          %mul3A_673 = arith.muli %scan3A_671, %mul3A_672 : i32
          %get3A_674 = arith.constant 0 : i32
          %get3A_675 = arith.index_cast %get3A_674 : i32 to index
          %get3A_676 = arith.index_cast %while3A_537 : i32 to index
          %get3A_677 = arith.index_cast %mul3A_673 : i32 to index
          %get3A_678 = tpu.vector_load %arg8[%get3A_675, %get3A_676, %get3A_677] {strides = array<i32>} : memref<2x4x4096xf32, #tpu.memory_space<vmem>>, vector<16xf32>,
          %swap3A_679 = arith.constant 2 : i32
          %swap3A_680 = arith.index_cast %swap3A_679 : i32 to index
          %swap3A_681 = arith.index_cast %sub3A_581 : i32 to index
          %swap3A_682 = arith.index_cast %mul3A_673 : i32 to index
          %swap3A_683 = tpu.vector_load %arg7[%swap3A_680, %swap3A_681, %swap3A_682] {strides = array<i32>} : memref<4x4x4096xf32, #tpu.memory_space<vmem>>, vector<16xf32>,
          tpu.vector_store %arg7[%swap3A_680, %swap3A_681, %swap3A_682], %get3A_678 {add = true, strides = array<i32>} : memref<4x4x4096xf32, #tpu.memory_space<vmem>>, vector<16xf32>,
          %scan3A_684 = arith.constant 7 : i32
          %scan3A_685 = arith.addi %scan3A_588, %scan3A_684 : i32
          %mul3A_686 = arith.constant 16 : i32
          %mul3A_687 = arith.muli %scan3A_685, %mul3A_686 : i32
          %get3A_688 = arith.constant 0 : i32
          %get3A_689 = arith.index_cast %get3A_688 : i32 to index
          %get3A_690 = arith.index_cast %while3A_537 : i32 to index
          %get3A_691 = arith.index_cast %mul3A_687 : i32 to index
          %get3A_692 = tpu.vector_load %arg8[%get3A_689, %get3A_690, %get3A_691] {strides = array<i32>} : memref<2x4x4096xf32, #tpu.memory_space<vmem>>, vector<16xf32>,
          %swap3A_693 = arith.constant 2 : i32
          %swap3A_694 = arith.index_cast %swap3A_693 : i32 to index
          %swap3A_695 = arith.index_cast %sub3A_581 : i32 to index
          %swap3A_696 = arith.index_cast %mul3A_687 : i32 to index
          %swap3A_697 = tpu.vector_load %arg7[%swap3A_694, %swap3A_695, %swap3A_696] {strides = array<i32>} : memref<4x4x4096xf32, #tpu.memory_space<vmem>>, vector<16xf32>,
          tpu.vector_store %arg7[%swap3A_694, %swap3A_695, %swap3A_696], %get3A_692 {add = true, strides = array<i32>} : memref<4x4x4096xf32, #tpu.memory_space<vmem>>, vector<16xf32>,
          %scan3A_698 = arith.constant 8 : i32
          %scan3A_699 = arith.addi %scan3A_588, %scan3A_698 : i32
          %mul3A_700 = arith.constant 16 : i32
          %mul3A_701 = arith.muli %scan3A_699, %mul3A_700 : i32
          %get3A_702 = arith.constant 0 : i32
          %get3A_703 = arith.index_cast %get3A_702 : i32 to index
          %get3A_704 = arith.index_cast %while3A_537 : i32 to index
          %get3A_705 = arith.index_cast %mul3A_701 : i32 to index
          %get3A_706 = tpu.vector_load %arg8[%get3A_703, %get3A_704, %get3A_705] {strides = array<i32>} : memref<2x4x4096xf32, #tpu.memory_space<vmem>>, vector<16xf32>,
          %swap3A_707 = arith.constant 2 : i32
          %swap3A_708 = arith.index_cast %swap3A_707 : i32 to index
          %swap3A_709 = arith.index_cast %sub3A_581 : i32 to index
          %swap3A_710 = arith.index_cast %mul3A_701 : i32 to index
          %swap3A_711 = tpu.vector_load %arg7[%swap3A_708, %swap3A_709, %swap3A_710] {strides = array<i32>} : memref<4x4x4096xf32, #tpu.memory_space<vmem>>, vector<16xf32>,
          tpu.vector_store %arg7[%swap3A_708, %swap3A_709, %swap3A_710], %get3A_706 {add = true, strides = array<i32>} : memref<4x4x4096xf32, #tpu.memory_space<vmem>>, vector<16xf32>,
          %scan3A_712 = arith.constant 9 : i32
          %scan3A_713 = arith.addi %scan3A_588, %scan3A_712 : i32
          %mul3A_714 = arith.constant 16 : i32
          %mul3A_715 = arith.muli %scan3A_713, %mul3A_714 : i32
          %get3A_716 = arith.constant 0 : i32
          %get3A_717 = arith.index_cast %get3A_716 : i32 to index
          %get3A_718 = arith.index_cast %while3A_537 : i32 to index
          %get3A_719 = arith.index_cast %mul3A_715 : i32 to index
          %get3A_720 = tpu.vector_load %arg8[%get3A_717, %get3A_718, %get3A_719] {strides = array<i32>} : memref<2x4x4096xf32, #tpu.memory_space<vmem>>, vector<16xf32>,
          %swap3A_721 = arith.constant 2 : i32
          %swap3A_722 = arith.index_cast %swap3A_721 : i32 to index
          %swap3A_723 = arith.index_cast %sub3A_581 : i32 to index
          %swap3A_724 = arith.index_cast %mul3A_715 : i32 to index
          %swap3A_725 = tpu.vector_load %arg7[%swap3A_722, %swap3A_723, %swap3A_724] {strides = array<i32>} : memref<4x4x4096xf32, #tpu.memory_space<vmem>>, vector<16xf32>,
          tpu.vector_store %arg7[%swap3A_722, %swap3A_723, %swap3A_724], %get3A_720 {add = true, strides = array<i32>} : memref<4x4x4096xf32, #tpu.memory_space<vmem>>, vector<16xf32>,
          %scan3A_726 = arith.constant 10 : i32
          %scan3A_727 = arith.addi %scan3A_588, %scan3A_726 : i32
          %mul3A_728 = arith.constant 16 : i32
          %mul3A_729 = arith.muli %scan3A_727, %mul3A_728 : i32
          %get3A_730 = arith.constant 0 : i32
          %get3A_731 = arith.index_cast %get3A_730 : i32 to index
          %get3A_732 = arith.index_cast %while3A_537 : i32 to index
          %get3A_733 = arith.index_cast %mul3A_729 : i32 to index
          %get3A_734 = tpu.vector_load %arg8[%get3A_731, %get3A_732, %get3A_733] {strides = array<i32>} : memref<2x4x4096xf32, #tpu.memory_space<vmem>>, vector<16xf32>,
          %swap3A_735 = arith.constant 2 : i32
          %swap3A_736 = arith.index_cast %swap3A_735 : i32 to index
          %swap3A_737 = arith.index_cast %sub3A_581 : i32 to index
          %swap3A_738 = arith.index_cast %mul3A_729 : i32 to index
          %swap3A_739 = tpu.vector_load %arg7[%swap3A_736, %swap3A_737, %swap3A_738] {strides = array<i32>} : memref<4x4x4096xf32, #tpu.memory_space<vmem>>, vector<16xf32>,
          tpu.vector_store %arg7[%swap3A_736, %swap3A_737, %swap3A_738], %get3A_734 {add = true, strides = array<i32>} : memref<4x4x4096xf32, #tpu.memory_space<vmem>>, vector<16xf32>,
          %scan3A_740 = arith.constant 11 : i32
          %scan3A_741 = arith.addi %scan3A_588, %scan3A_740 : i32
          %mul3A_742 = arith.constant 16 : i32
          %mul3A_743 = arith.muli %scan3A_741, %mul3A_742 : i32
          %get3A_744 = arith.constant 0 : i32
          %get3A_745 = arith.index_cast %get3A_744 : i32 to index
          %get3A_746 = arith.index_cast %while3A_537 : i32 to index
          %get3A_747 = arith.index_cast %mul3A_743 : i32 to index
          %get3A_748 = tpu.vector_load %arg8[%get3A_745, %get3A_746, %get3A_747] {strides = array<i32>} : memref<2x4x4096xf32, #tpu.memory_space<vmem>>, vector<16xf32>,
          %swap3A_749 = arith.constant 2 : i32
          %swap3A_750 = arith.index_cast %swap3A_749 : i32 to index
          %swap3A_751 = arith.index_cast %sub3A_581 : i32 to index
          %swap3A_752 = arith.index_cast %mul3A_743 : i32 to index
          %swap3A_753 = tpu.vector_load %arg7[%swap3A_750, %swap3A_751, %swap3A_752] {strides = array<i32>} : memref<4x4x4096xf32, #tpu.memory_space<vmem>>, vector<16xf32>,
          tpu.vector_store %arg7[%swap3A_750, %swap3A_751, %swap3A_752], %get3A_748 {add = true, strides = array<i32>} : memref<4x4x4096xf32, #tpu.memory_space<vmem>>, vector<16xf32>,
          %scan3A_754 = arith.constant 12 : i32
          %scan3A_755 = arith.addi %scan3A_588, %scan3A_754 : i32
          %mul3A_756 = arith.constant 16 : i32
          %mul3A_757 = arith.muli %scan3A_755, %mul3A_756 : i32
          %get3A_758 = arith.constant 0 : i32
          %get3A_759 = arith.index_cast %get3A_758 : i32 to index
          %get3A_760 = arith.index_cast %while3A_537 : i32 to index
          %get3A_761 = arith.index_cast %mul3A_757 : i32 to index
          %get3A_762 = tpu.vector_load %arg8[%get3A_759, %get3A_760, %get3A_761] {strides = array<i32>} : memref<2x4x4096xf32, #tpu.memory_space<vmem>>, vector<16xf32>,
          %swap3A_763 = arith.constant 2 : i32
          %swap3A_764 = arith.index_cast %swap3A_763 : i32 to index
          %swap3A_765 = arith.index_cast %sub3A_581 : i32 to index
          %swap3A_766 = arith.index_cast %mul3A_757 : i32 to index
          %swap3A_767 = tpu.vector_load %arg7[%swap3A_764, %swap3A_765, %swap3A_766] {strides = array<i32>} : memref<4x4x4096xf32, #tpu.memory_space<vmem>>, vector<16xf32>,
          tpu.vector_store %arg7[%swap3A_764, %swap3A_765, %swap3A_766], %get3A_762 {add = true, strides = array<i32>} : memref<4x4x4096xf32, #tpu.memory_space<vmem>>, vector<16xf32>,
          %scan3A_768 = arith.constant 13 : i32
          %scan3A_769 = arith.addi %scan3A_588, %scan3A_768 : i32
          %mul3A_770 = arith.constant 16 : i32
          %mul3A_771 = arith.muli %scan3A_769, %mul3A_770 : i32
          %get3A_772 = arith.constant 0 : i32
          %get3A_773 = arith.index_cast %get3A_772 : i32 to index
          %get3A_774 = arith.index_cast %while3A_537 : i32 to index
          %get3A_775 = arith.index_cast %mul3A_771 : i32 to index
          %get3A_776 = tpu.vector_load %arg8[%get3A_773, %get3A_774, %get3A_775] {strides = array<i32>} : memref<2x4x4096xf32, #tpu.memory_space<vmem>>, vector<16xf32>,
          %swap3A_777 = arith.constant 2 : i32
          %swap3A_778 = arith.index_cast %swap3A_777 : i32 to index
          %swap3A_779 = arith.index_cast %sub3A_581 : i32 to index
          %swap3A_780 = arith.index_cast %mul3A_771 : i32 to index
          %swap3A_781 = tpu.vector_load %arg7[%swap3A_778, %swap3A_779, %swap3A_780] {strides = array<i32>} : memref<4x4x4096xf32, #tpu.memory_space<vmem>>, vector<16xf32>,
          tpu.vector_store %arg7[%swap3A_778, %swap3A_779, %swap3A_780], %get3A_776 {add = true, strides = array<i32>} : memref<4x4x4096xf32, #tpu.memory_space<vmem>>, vector<16xf32>,
          %scan3A_782 = arith.constant 14 : i32
          %scan3A_783 = arith.addi %scan3A_588, %scan3A_782 : i32
          %mul3A_784 = arith.constant 16 : i32
          %mul3A_785 = arith.muli %scan3A_783, %mul3A_784 : i32
          %get3A_786 = arith.constant 0 : i32
          %get3A_787 = arith.index_cast %get3A_786 : i32 to index
          %get3A_788 = arith.index_cast %while3A_537 : i32 to index
          %get3A_789 = arith.index_cast %mul3A_785 : i32 to index
          %get3A_790 = tpu.vector_load %arg8[%get3A_787, %get3A_788, %get3A_789] {strides = array<i32>} : memref<2x4x4096xf32, #tpu.memory_space<vmem>>, vector<16xf32>,
          %swap3A_791 = arith.constant 2 : i32
          %swap3A_792 = arith.index_cast %swap3A_791 : i32 to index
          %swap3A_793 = arith.index_cast %sub3A_581 : i32 to index
          %swap3A_794 = arith.index_cast %mul3A_785 : i32 to index
          %swap3A_795 = tpu.vector_load %arg7[%swap3A_792, %swap3A_793, %swap3A_794] {strides = array<i32>} : memref<4x4x4096xf32, #tpu.memory_space<vmem>>, vector<16xf32>,
          tpu.vector_store %arg7[%swap3A_792, %swap3A_793, %swap3A_794], %get3A_790 {add = true, strides = array<i32>} : memref<4x4x4096xf32, #tpu.memory_space<vmem>>, vector<16xf32>,
          %scan3A_796 = arith.constant 15 : i32
          %scan3A_797 = arith.addi %scan3A_588, %scan3A_796 : i32
          %mul3A_798 = arith.constant 16 : i32
          %mul3A_799 = arith.muli %scan3A_797, %mul3A_798 : i32
          %get3A_800 = arith.constant 0 : i32
          %get3A_801 = arith.index_cast %get3A_800 : i32 to index
          %get3A_802 = arith.index_cast %while3A_537 : i32 to index
          %get3A_803 = arith.index_cast %mul3A_799 : i32 to index
          %get3A_804 = tpu.vector_load %arg8[%get3A_801, %get3A_802, %get3A_803] {strides = array<i32>} : memref<2x4x4096xf32, #tpu.memory_space<vmem>>, vector<16xf32>,
          %swap3A_805 = arith.constant 2 : i32
          %swap3A_806 = arith.index_cast %swap3A_805 : i32 to index
          %swap3A_807 = arith.index_cast %sub3A_581 : i32 to index
          %swap3A_808 = arith.index_cast %mul3A_799 : i32 to index
          %swap3A_809 = tpu.vector_load %arg7[%swap3A_806, %swap3A_807, %swap3A_808] {strides = array<i32>} : memref<4x4x4096xf32, #tpu.memory_space<vmem>>, vector<16xf32>,
          tpu.vector_store %arg7[%swap3A_806, %swap3A_807, %swap3A_808], %get3A_804 {add = true, strides = array<i32>} : memref<4x4x4096xf32, #tpu.memory_space<vmem>>, vector<16xf32>,
        }
        %scan3A_587 = arith.constant 256 : i32
      }
      %add3A_356 = arith.constant 2 : i32
      %add3A_357 = arith.addi %add3A_314, %add3A_356 : i32
      %jit3A_358 = arith.constant 16 : i32
      %div3A_359 = arith.divsi %add3A_357, %jit3A_358 : i32
      %sign3A_360 = arith.constant 0 : i32
      %sign3A_361 = arith.cmpi sgt, %add3A_357, %sign3A_360 : i32
      %sign3A_362 = arith.extui %sign3A_361 : i1 to i32
      %sign3A_363 = arith.constant 0 : i32
      %sign3A_364 = arith.cmpi slt, %add3A_357, %sign3A_363 : i32
      %sign3A_365 = arith.extui %sign3A_364 : i1 to i32
      %sign3A_366 = arith.subi %sign3A_362, %sign3A_365 : i32
      %sign3A_367 = arith.constant 0 : i32
      %sign3A_368 = arith.cmpi sgt, %jit3A_358, %sign3A_367 : i32
      %sign3A_369 = arith.extui %sign3A_368 : i1 to i32
      %sign3A_370 = arith.constant 0 : i32
      %sign3A_371 = arith.cmpi slt, %jit3A_358, %sign3A_370 : i32
      %sign3A_372 = arith.extui %sign3A_371 : i1 to i32
      %sign3A_373 = arith.subi %sign3A_369, %sign3A_372 : i32
      %ne3A_374 = arith.cmpi ne, %sign3A_366, %sign3A_373 : i32
      %rem3A_375 = arith.remsi %add3A_357, %jit3A_358 : i32
      %ne3A_376 = arith.constant 0 : i32
      %ne3A_377 = arith.cmpi ne, %rem3A_375, %ne3A_376 : i32
      %and3A_378 = arith.andi %ne3A_374, %ne3A_377 : i1
      %sub3A_379 = arith.constant 1 : i32
      %sub3A_380 = arith.subi %div3A_359, %sub3A_379 : i32
      %select_n3A_381 = arith.select %and3A_378, %sub3A_380, %div3A_359 : i32
      %mul3A_382 = arith.constant 16 : i32
      %mul3A_383 = arith.muli %select_n3A_381, %mul3A_382 : i32
      %get3A_384 = arith.index_cast %mul3A_383 : i32 to index
      %get3A_385 = tpu.vector_load %arg10[%get3A_384] {strides = array<i32>} : memref<96xi32, #tpu.memory_space<vmem>>, vector<16xi32>,
      %iota3A_386 = tpu.iota {dimensions = array<i32: 0>} : vector<16xi32>
      %sub3A_387 = arith.subi %add3A_357, %mul3A_383 : i32
      %eq3A_388 = vector.broadcast %sub3A_387 : i32 to vector<16xi32>
      %eq3A_389 = arith.cmpi eq, %iota3A_386, %eq3A_388 : vector<16xi32>
      %jit3A_390 = arith.constant 0 : i32
      %broadcast_in_dim3A_391 = vector.broadcast %jit3A_390 : i32 to vector<16xi32>
      %select_n3A_392 = arith.select %eq3A_389, %get3A_385, %broadcast_in_dim3A_391 : vector<16xi1>, vector<16xi32>
      %reduce_sum3A_393 = arith.constant true
      %reduce_sum3A_394 = vector.broadcast %reduce_sum3A_393 : i1 to vector<16xi1>
      %reduce_sum3A_395 = tpu.scan <sum>, %select_n3A_392 masked %reduce_sum3A_394 : vector<16xi32>, vector<16xi1> -> vector<16xi32>
      %reduce_sum3A_396 = vector.extract %reduce_sum3A_395[15] : i32 from vector<16xi32>
      %sub3A_397 = arith.subi %reduce_sum3A_396, %reduce_sum3A_283 : i32
      %while3A_398 = arith.constant 0 : i32
      %while3A_399 = arith.constant 0 : i32
      %while3A_400 = arith.subi %sub3A_397, %while3A_399 : i32
      %while3A_401 = arith.addi %while3A_399, %while3A_400 : i32
      %while3A_402 = arith.constant 1 : i32
      %while3A_403 = arith.divsi %while3A_400, %while3A_402 : i32
      %while3A_404 = arith.muli %while3A_403, %while3A_402 : i32
      %while3A_405 = arith.addi %while3A_399, %while3A_404 : i32
      %while3A_406 = arith.constant 1 : i32
      scf.for %while3A_537 = %while3A_399 to %while3A_405 step %while3A_406  : i32 {
        %add3A_538 = arith.addi %reduce_sum3A_283, %while3A_537 : i32
        %jit3A_539 = arith.constant 16 : i32
        %div3A_540 = arith.divsi %add3A_538, %jit3A_539 : i32
        %sign3A_541 = arith.constant 0 : i32
        %sign3A_542 = arith.cmpi sgt, %add3A_538, %sign3A_541 : i32
        %sign3A_543 = arith.extui %sign3A_542 : i1 to i32
        %sign3A_544 = arith.constant 0 : i32
        %sign3A_545 = arith.cmpi slt, %add3A_538, %sign3A_544 : i32
        %sign3A_546 = arith.extui %sign3A_545 : i1 to i32
        %sign3A_547 = arith.subi %sign3A_543, %sign3A_546 : i32
        %sign3A_548 = arith.constant 0 : i32
        %sign3A_549 = arith.cmpi sgt, %jit3A_539, %sign3A_548 : i32
        %sign3A_550 = arith.extui %sign3A_549 : i1 to i32
        %sign3A_551 = arith.constant 0 : i32
        %sign3A_552 = arith.cmpi slt, %jit3A_539, %sign3A_551 : i32
        %sign3A_553 = arith.extui %sign3A_552 : i1 to i32
        %sign3A_554 = arith.subi %sign3A_550, %sign3A_553 : i32
        %ne3A_555 = arith.cmpi ne, %sign3A_547, %sign3A_554 : i32
        %rem3A_556 = arith.remsi %add3A_538, %jit3A_539 : i32
        %ne3A_557 = arith.constant 0 : i32
        %ne3A_558 = arith.cmpi ne, %rem3A_556, %ne3A_557 : i32
        %and3A_559 = arith.andi %ne3A_555, %ne3A_558 : i1
        %sub3A_560 = arith.constant 1 : i32
        %sub3A_561 = arith.subi %div3A_540, %sub3A_560 : i32
        %select_n3A_562 = arith.select %and3A_559, %sub3A_561, %div3A_540 : i32
        %mul3A_563 = arith.constant 16 : i32
        %mul3A_564 = arith.muli %select_n3A_562, %mul3A_563 : i32
        %get3A_565 = arith.index_cast %mul3A_564 : i32 to index
        %get3A_566 = tpu.vector_load %arg9[%get3A_565] {strides = array<i32>} : memref<128xi32, #tpu.memory_space<vmem>>, vector<16xi32>,
        %iota3A_567 = tpu.iota {dimensions = array<i32: 0>} : vector<16xi32>
        %sub3A_568 = arith.subi %add3A_538, %mul3A_564 : i32
        %eq3A_569 = vector.broadcast %sub3A_568 : i32 to vector<16xi32>
        %eq3A_570 = arith.cmpi eq, %iota3A_567, %eq3A_569 : vector<16xi32>
        %jit3A_571 = arith.constant 0 : i32
        %broadcast_in_dim3A_572 = vector.broadcast %jit3A_571 : i32 to vector<16xi32>
        %select_n3A_573 = arith.select %eq3A_570, %get3A_566, %broadcast_in_dim3A_572 : vector<16xi1>, vector<16xi32>
        %reduce_sum3A_574 = arith.constant true
        %reduce_sum3A_575 = vector.broadcast %reduce_sum3A_574 : i1 to vector<16xi1>
        %reduce_sum3A_576 = tpu.scan <sum>, %select_n3A_573 masked %reduce_sum3A_575 : vector<16xi32>, vector<16xi1> -> vector<16xi32>
        %reduce_sum3A_577 = vector.extract %reduce_sum3A_576[15] : i32 from vector<16xi32>
        %dma_start3A_578 = arith.constant 1 : i32
        %dma_start3A_579 = arith.constant 0 : i32
        %dma_start3A_580 = tpu.memref_slice %arg8[%dma_start3A_578, %while3A_537, %dma_start3A_579] : memref<2x4x4096xf32, #tpu.memory_space<vmem>> -> memref<1x1x4096xf32, #tpu.memory_space<vmem>>
        %dma_start3A_581 = tpu.memref_squeeze %dma_start3A_580 : memref<1x1x4096xf32, #tpu.memory_space<vmem>> -> memref<1x4096xf32, #tpu.memory_space<vmem>>
        %dma_start3A_582 = arith.constant 0 : i32
        %dma_start3A_583 = tpu.memref_slice %arg3[%reduce_sum3A_577, %dma_start3A_582] : memref<8192x4096xf32, #tpu.memory_space<hbm>> -> memref<1x4096xf32, #tpu.memory_space<hbm>>
        %dma_start3A_584 = arith.constant 0 : i32
        %dma_start3A_585 = tpu.memref_slice %arg8[%dma_start3A_578, %while3A_537, %dma_start3A_584] : memref<2x4x4096xf32, #tpu.memory_space<vmem>> -> memref<1x1x4096xf32, #tpu.memory_space<vmem>>
        %dma_start3A_586 = tpu.memref_squeeze %dma_start3A_585 : memref<1x1x4096xf32, #tpu.memory_space<vmem>> -> memref<1x4096xf32, #tpu.memory_space<vmem>>
        %dma_start3A_587 = arith.constant 0 : i32
        %dma_start3A_588 = tpu.memref_slice %arg3[%reduce_sum3A_577, %dma_start3A_587] : memref<8192x4096xf32, #tpu.memory_space<hbm>> -> memref<1x4096xf32, #tpu.memory_space<hbm>>
        tpu.enqueue_dma source(%dma_start3A_588 : memref<1x4096xf32, #tpu.memory_space<hbm>>) target(%dma_start3A_586 : memref<1x4096xf32, #tpu.memory_space<vmem>>) target_semaphore(%arg20 : memref<!tpu.dma_semaphore, #tpu.memory_space<semaphore_mem>>)
      }
      %while3A_407 = arith.constant 1 : i32
      scf.for %while3A_537 = %while3A_405 to %while3A_401 step %while3A_407  : i32 {
        %add3A_538 = arith.addi %reduce_sum3A_283, %while3A_537 : i32
        %jit3A_539 = arith.constant 16 : i32
        %div3A_540 = arith.divsi %add3A_538, %jit3A_539 : i32
        %sign3A_541 = arith.constant 0 : i32
        %sign3A_542 = arith.cmpi sgt, %add3A_538, %sign3A_541 : i32
        %sign3A_543 = arith.extui %sign3A_542 : i1 to i32
        %sign3A_544 = arith.constant 0 : i32
        %sign3A_545 = arith.cmpi slt, %add3A_538, %sign3A_544 : i32
        %sign3A_546 = arith.extui %sign3A_545 : i1 to i32
        %sign3A_547 = arith.subi %sign3A_543, %sign3A_546 : i32
        %sign3A_548 = arith.constant 0 : i32
        %sign3A_549 = arith.cmpi sgt, %jit3A_539, %sign3A_548 : i32
        %sign3A_550 = arith.extui %sign3A_549 : i1 to i32
        %sign3A_551 = arith.constant 0 : i32
        %sign3A_552 = arith.cmpi slt, %jit3A_539, %sign3A_551 : i32
        %sign3A_553 = arith.extui %sign3A_552 : i1 to i32
        %sign3A_554 = arith.subi %sign3A_550, %sign3A_553 : i32
        %ne3A_555 = arith.cmpi ne, %sign3A_547, %sign3A_554 : i32
        %rem3A_556 = arith.remsi %add3A_538, %jit3A_539 : i32
        %ne3A_557 = arith.constant 0 : i32
        %ne3A_558 = arith.cmpi ne, %rem3A_556, %ne3A_557 : i32
        %and3A_559 = arith.andi %ne3A_555, %ne3A_558 : i1
        %sub3A_560 = arith.constant 1 : i32
        %sub3A_561 = arith.subi %div3A_540, %sub3A_560 : i32
        %select_n3A_562 = arith.select %and3A_559, %sub3A_561, %div3A_540 : i32
        %mul3A_563 = arith.constant 16 : i32
        %mul3A_564 = arith.muli %select_n3A_562, %mul3A_563 : i32
        %get3A_565 = arith.index_cast %mul3A_564 : i32 to index
        %get3A_566 = tpu.vector_load %arg9[%get3A_565] {strides = array<i32>} : memref<128xi32, #tpu.memory_space<vmem>>, vector<16xi32>,
        %iota3A_567 = tpu.iota {dimensions = array<i32: 0>} : vector<16xi32>
        %sub3A_568 = arith.subi %add3A_538, %mul3A_564 : i32
        %eq3A_569 = vector.broadcast %sub3A_568 : i32 to vector<16xi32>
        %eq3A_570 = arith.cmpi eq, %iota3A_567, %eq3A_569 : vector<16xi32>
        %jit3A_571 = arith.constant 0 : i32
        %broadcast_in_dim3A_572 = vector.broadcast %jit3A_571 : i32 to vector<16xi32>
        %select_n3A_573 = arith.select %eq3A_570, %get3A_566, %broadcast_in_dim3A_572 : vector<16xi1>, vector<16xi32>
        %reduce_sum3A_574 = arith.constant true
        %reduce_sum3A_575 = vector.broadcast %reduce_sum3A_574 : i1 to vector<16xi1>
        %reduce_sum3A_576 = tpu.scan <sum>, %select_n3A_573 masked %reduce_sum3A_575 : vector<16xi32>, vector<16xi1> -> vector<16xi32>
        %reduce_sum3A_577 = vector.extract %reduce_sum3A_576[15] : i32 from vector<16xi32>
        %dma_start3A_578 = arith.constant 1 : i32
        %dma_start3A_579 = arith.constant 0 : i32
        %dma_start3A_580 = tpu.memref_slice %arg8[%dma_start3A_578, %while3A_537, %dma_start3A_579] : memref<2x4x4096xf32, #tpu.memory_space<vmem>> -> memref<1x1x4096xf32, #tpu.memory_space<vmem>>
        %dma_start3A_581 = tpu.memref_squeeze %dma_start3A_580 : memref<1x1x4096xf32, #tpu.memory_space<vmem>> -> memref<1x4096xf32, #tpu.memory_space<vmem>>
        %dma_start3A_582 = arith.constant 0 : i32
        %dma_start3A_583 = tpu.memref_slice %arg3[%reduce_sum3A_577, %dma_start3A_582] : memref<8192x4096xf32, #tpu.memory_space<hbm>> -> memref<1x4096xf32, #tpu.memory_space<hbm>>
        %dma_start3A_584 = arith.constant 0 : i32
        %dma_start3A_585 = tpu.memref_slice %arg8[%dma_start3A_578, %while3A_537, %dma_start3A_584] : memref<2x4x4096xf32, #tpu.memory_space<vmem>> -> memref<1x1x4096xf32, #tpu.memory_space<vmem>>
        %dma_start3A_586 = tpu.memref_squeeze %dma_start3A_585 : memref<1x1x4096xf32, #tpu.memory_space<vmem>> -> memref<1x4096xf32, #tpu.memory_space<vmem>>
        %dma_start3A_587 = arith.constant 0 : i32
        %dma_start3A_588 = tpu.memref_slice %arg3[%reduce_sum3A_577, %dma_start3A_587] : memref<8192x4096xf32, #tpu.memory_space<hbm>> -> memref<1x4096xf32, #tpu.memory_space<hbm>>
        tpu.enqueue_dma source(%dma_start3A_588 : memref<1x4096xf32, #tpu.memory_space<hbm>>) target(%dma_start3A_586 : memref<1x4096xf32, #tpu.memory_space<vmem>>) target_semaphore(%arg20 : memref<!tpu.dma_semaphore, #tpu.memory_space<semaphore_mem>>)
      }
      %mul3A_408 = arith.constant 4 : i32
      %mul3A_409 = arith.muli %add3A_314, %mul3A_408 : i32
      %add3A_410 = arith.addi %mul3A_2, %mul3A_409 : i32
      %dma_start3A_411 = arith.constant 2 : i32
      %dma_start3A_412 = arith.constant 0 : i32
      %dma_start3A_413 = arith.constant 0 : i32
      %dma_start3A_414 = tpu.memref_slice %arg7[%dma_start3A_411, %dma_start3A_412, %dma_start3A_413] : memref<4x4x4096xf32, #tpu.memory_space<vmem>> -> memref<1x4x4096xf32, #tpu.memory_space<vmem>>
      %dma_start3A_415 = tpu.memref_squeeze %dma_start3A_414 : memref<1x4x4096xf32, #tpu.memory_space<vmem>> -> memref<4x4096xf32, #tpu.memory_space<vmem>>
      %dma_start3A_416 = arith.constant 0 : i32
      %dma_start3A_417 = tpu.memref_slice %arg6[%add3A_410, %dma_start3A_416] : memref<4096x4096xf32, #tpu.memory_space<hbm>> -> memref<4x4096xf32, #tpu.memory_space<hbm>>
      %dma_start3A_418 = arith.constant 0 : i32
      %dma_start3A_419 = tpu.memref_slice %arg6[%add3A_410, %dma_start3A_418] : memref<4096x4096xf32, #tpu.memory_space<hbm>> -> memref<4x4096xf32, #tpu.memory_space<hbm>>
      %dma_start3A_420 = arith.constant 0 : i32
      %dma_start3A_421 = arith.constant 0 : i32
      %dma_start3A_422 = tpu.memref_slice %arg7[%dma_start3A_411, %dma_start3A_420, %dma_start3A_421] : memref<4x4x4096xf32, #tpu.memory_space<vmem>> -> memref<1x4x4096xf32, #tpu.memory_space<vmem>>
      %dma_start3A_423 = tpu.memref_squeeze %dma_start3A_422 : memref<1x4x4096xf32, #tpu.memory_space<vmem>> -> memref<4x4096xf32, #tpu.memory_space<vmem>>
      tpu.enqueue_dma source(%dma_start3A_423 : memref<4x4096xf32, #tpu.memory_space<vmem>>) target(%dma_start3A_419 : memref<4x4096xf32, #tpu.memory_space<hbm>>) target_semaphore(%arg17 : memref<!tpu.dma_semaphore, #tpu.memory_space<semaphore_mem>>)
      %mul3A_424 = arith.constant 4 : i32
      %mul3A_425 = arith.muli %scan3A_90, %mul3A_424 : i32
      %add3A_426 = arith.constant 3 : i32
      %add3A_427 = arith.addi %mul3A_425, %add3A_426 : i32
      %sub3A_428 = arith.subi %reduce_sum3A_396, %reduce_sum3A_283 : i32
      %dma_wait3A_429 = arith.constant 3 : i32
      %dma_wait3A_430 = arith.constant 0 : i32
      %dma_wait3A_431 = arith.constant 0 : i32
      %dma_wait3A_432 = tpu.memref_slice %arg7[%dma_wait3A_429, %dma_wait3A_430, %dma_wait3A_431] : memref<4x4x4096xf32, #tpu.memory_space<vmem>> -> memref<1x4x4096xf32, #tpu.memory_space<vmem>>
      %dma_wait3A_433 = tpu.memref_squeeze %dma_wait3A_432 : memref<1x4x4096xf32, #tpu.memory_space<vmem>> -> memref<4x4096xf32, #tpu.memory_space<vmem>>
      %dma_wait3A_434 = arith.constant 0 : i32
      %dma_wait3A_435 = tpu.memref_slice %arg2[%mul3A_2, %dma_wait3A_434] : memref<8192x4096xf32, #tpu.memory_space<hbm>> -> memref<4x4096xf32, #tpu.memory_space<hbm>>
      %dma_wait3A_436 = arith.constant 0 : i32
      %dma_wait3A_437 = arith.constant 0 : i32
      %dma_wait3A_438 = tpu.memref_slice %arg7[%dma_wait3A_429, %dma_wait3A_436, %dma_wait3A_437] : memref<4x4x4096xf32, #tpu.memory_space<vmem>> -> memref<1x4x4096xf32, #tpu.memory_space<vmem>>
      %dma_wait3A_439 = tpu.memref_squeeze %dma_wait3A_438 : memref<1x4x4096xf32, #tpu.memory_space<vmem>> -> memref<4x4096xf32, #tpu.memory_space<vmem>>
      %dma_wait3A_440 = arith.constant 0 : i32
      %dma_wait3A_441 = tpu.memref_slice %arg2[%mul3A_2, %dma_wait3A_440] : memref<8192x4096xf32, #tpu.memory_space<hbm>> -> memref<4x4096xf32, #tpu.memory_space<hbm>>
      tpu.wait_dma2 semaphore(%arg14 : memref<!tpu.dma_semaphore, #tpu.memory_space<semaphore_mem>>) src(%dma_wait3A_441 : memref<4x4096xf32, #tpu.memory_space<hbm>>) dst(%dma_wait3A_439 : memref<4x4096xf32, #tpu.memory_space<vmem>>)
      %add3A_442 = arith.constant 1 : i32
      %add3A_443 = arith.addi %add3A_427, %add3A_442 : i32
      %lt3A_444 = arith.constant 32 : i32
      %lt3A_445 = arith.cmpi slt, %add3A_443, %lt3A_444 : i32
      %convert_element_type3A_446 = arith.extui %lt3A_445 : i1 to i32
      %cond3A_447 = arith.constant 0 : i32
      %cond3A_448 = arith.cmpi ne, %convert_element_type3A_446, %cond3A_447 : i32
      scf.if %cond3A_448 {
        %ge3A = arith.constant 3 : i32
        %ge3A_537 = arith.cmpi sge, %add3A_427, %ge3A : i32
        %convert_element_type3A_538 = arith.extui %ge3A_537 : i1 to i32
        %cond3A_539 = arith.constant 0 : i32
        %cond3A_540 = arith.cmpi ne, %convert_element_type3A_538, %cond3A_539 : i32
        scf.if %cond3A_540 {
          %dma_wait3A_559 = arith.constant 0 : i32
          %dma_wait3A_560 = arith.constant 0 : i32
          %dma_wait3A_561 = arith.constant 0 : i32
          %dma_wait3A_562 = tpu.memref_slice %arg7[%dma_wait3A_559, %dma_wait3A_560, %dma_wait3A_561] : memref<4x4x4096xf32, #tpu.memory_space<vmem>> -> memref<1x4x4096xf32, #tpu.memory_space<vmem>>
          %dma_wait3A_563 = tpu.memref_squeeze %dma_wait3A_562 : memref<1x4x4096xf32, #tpu.memory_space<vmem>> -> memref<4x4096xf32, #tpu.memory_space<vmem>>
          %dma_wait3A_564 = arith.constant 0 : i32
          %dma_wait3A_565 = tpu.memref_slice %arg6[%mul3A_2, %dma_wait3A_564] : memref<4096x4096xf32, #tpu.memory_space<hbm>> -> memref<4x4096xf32, #tpu.memory_space<hbm>>
          %dma_wait3A_566 = arith.constant 0 : i32
          %dma_wait3A_567 = tpu.memref_slice %arg6[%mul3A_2, %dma_wait3A_566] : memref<4096x4096xf32, #tpu.memory_space<hbm>> -> memref<4x4096xf32, #tpu.memory_space<hbm>>
          %dma_wait3A_568 = arith.constant 0 : i32
          %dma_wait3A_569 = arith.constant 0 : i32
          %dma_wait3A_570 = tpu.memref_slice %arg7[%dma_wait3A_559, %dma_wait3A_568, %dma_wait3A_569] : memref<4x4x4096xf32, #tpu.memory_space<vmem>> -> memref<1x4x4096xf32, #tpu.memory_space<vmem>>
          %dma_wait3A_571 = tpu.memref_squeeze %dma_wait3A_570 : memref<1x4x4096xf32, #tpu.memory_space<vmem>> -> memref<4x4096xf32, #tpu.memory_space<vmem>>
          tpu.wait_dma2 semaphore(%arg15 : memref<!tpu.dma_semaphore, #tpu.memory_space<semaphore_mem>>) src(%dma_wait3A_571 : memref<4x4096xf32, #tpu.memory_space<vmem>>) dst(%dma_wait3A_567 : memref<4x4096xf32, #tpu.memory_space<hbm>>)
        } else {
        }
        %add3A_541 = arith.constant 1 : i32
        %add3A_542 = arith.addi %add3A_427, %add3A_541 : i32
        %mul3A_543 = arith.constant 4 : i32
        %mul3A_544 = arith.muli %add3A_542, %mul3A_543 : i32
        %add3A_545 = arith.addi %mul3A_2, %mul3A_544 : i32
        %dma_start3A_546 = arith.constant 0 : i32
        %dma_start3A_547 = arith.constant 0 : i32
        %dma_start3A_548 = arith.constant 0 : i32
        %dma_start3A_549 = tpu.memref_slice %arg7[%dma_start3A_546, %dma_start3A_547, %dma_start3A_548] : memref<4x4x4096xf32, #tpu.memory_space<vmem>> -> memref<1x4x4096xf32, #tpu.memory_space<vmem>>
        %dma_start3A_550 = tpu.memref_squeeze %dma_start3A_549 : memref<1x4x4096xf32, #tpu.memory_space<vmem>> -> memref<4x4096xf32, #tpu.memory_space<vmem>>
        %dma_start3A_551 = arith.constant 0 : i32
        %dma_start3A_552 = tpu.memref_slice %arg2[%add3A_545, %dma_start3A_551] : memref<8192x4096xf32, #tpu.memory_space<hbm>> -> memref<4x4096xf32, #tpu.memory_space<hbm>>
        %dma_start3A_553 = arith.constant 0 : i32
        %dma_start3A_554 = arith.constant 0 : i32
        %dma_start3A_555 = tpu.memref_slice %arg7[%dma_start3A_546, %dma_start3A_553, %dma_start3A_554] : memref<4x4x4096xf32, #tpu.memory_space<vmem>> -> memref<1x4x4096xf32, #tpu.memory_space<vmem>>
        %dma_start3A_556 = tpu.memref_squeeze %dma_start3A_555 : memref<1x4x4096xf32, #tpu.memory_space<vmem>> -> memref<4x4096xf32, #tpu.memory_space<vmem>>
        %dma_start3A_557 = arith.constant 0 : i32
        %dma_start3A_558 = tpu.memref_slice %arg2[%add3A_545, %dma_start3A_557] : memref<8192x4096xf32, #tpu.memory_space<hbm>> -> memref<4x4096xf32, #tpu.memory_space<hbm>>
        tpu.enqueue_dma source(%dma_start3A_558 : memref<4x4096xf32, #tpu.memory_space<hbm>>) target(%dma_start3A_556 : memref<4x4096xf32, #tpu.memory_space<vmem>>) target_semaphore(%arg11 : memref<!tpu.dma_semaphore, #tpu.memory_space<semaphore_mem>>)
      } else {
      }
      %while3A_449 = arith.constant 0 : i32
      %while3A_450 = arith.constant 0 : i32
      %while3A_451 = arith.subi %sub3A_428, %while3A_450 : i32
      %while3A_452 = arith.addi %while3A_450, %while3A_451 : i32
      %while3A_453 = arith.constant 1 : i32
      %while3A_454 = arith.divsi %while3A_451, %while3A_453 : i32
      %while3A_455 = arith.muli %while3A_454, %while3A_453 : i32
      %while3A_456 = arith.addi %while3A_450, %while3A_455 : i32
      %while3A_457 = arith.constant 1 : i32
      scf.for %while3A_537 = %while3A_450 to %while3A_456 step %while3A_457  : i32 {
        %dma_wait3A_538 = arith.constant 1 : i32
        %dma_wait3A_539 = arith.constant 0 : i32
        %dma_wait3A_540 = arith.constant 0 : i32
        %dma_wait3A_541 = tpu.memref_slice %arg8[%dma_wait3A_538, %dma_wait3A_539, %dma_wait3A_540] : memref<2x4x4096xf32, #tpu.memory_space<vmem>> -> memref<1x1x4096xf32, #tpu.memory_space<vmem>>
        %dma_wait3A_542 = tpu.memref_squeeze %dma_wait3A_541 : memref<1x1x4096xf32, #tpu.memory_space<vmem>> -> memref<1x4096xf32, #tpu.memory_space<vmem>>
        %dma_wait3A_543 = arith.constant 0 : i32
        %dma_wait3A_544 = tpu.memref_slice %arg3[%mul3A_2, %dma_wait3A_543] : memref<8192x4096xf32, #tpu.memory_space<hbm>> -> memref<1x4096xf32, #tpu.memory_space<hbm>>
        %dma_wait3A_545 = arith.constant 0 : i32
        %dma_wait3A_546 = arith.constant 0 : i32
        %dma_wait3A_547 = tpu.memref_slice %arg8[%dma_wait3A_538, %dma_wait3A_545, %dma_wait3A_546] : memref<2x4x4096xf32, #tpu.memory_space<vmem>> -> memref<1x1x4096xf32, #tpu.memory_space<vmem>>
        %dma_wait3A_548 = tpu.memref_squeeze %dma_wait3A_547 : memref<1x1x4096xf32, #tpu.memory_space<vmem>> -> memref<1x4096xf32, #tpu.memory_space<vmem>>
        %dma_wait3A_549 = arith.constant 0 : i32
        %dma_wait3A_550 = tpu.memref_slice %arg3[%mul3A_2, %dma_wait3A_549] : memref<8192x4096xf32, #tpu.memory_space<hbm>> -> memref<1x4096xf32, #tpu.memory_space<hbm>>
        tpu.wait_dma2 semaphore(%arg20 : memref<!tpu.dma_semaphore, #tpu.memory_space<semaphore_mem>>) src(%dma_wait3A_550 : memref<1x4096xf32, #tpu.memory_space<hbm>>) dst(%dma_wait3A_548 : memref<1x4096xf32, #tpu.memory_space<vmem>>)
      }
      %while3A_458 = arith.constant 1 : i32
      scf.for %while3A_537 = %while3A_456 to %while3A_452 step %while3A_458  : i32 {
        %dma_wait3A_538 = arith.constant 1 : i32
        %dma_wait3A_539 = arith.constant 0 : i32
        %dma_wait3A_540 = arith.constant 0 : i32
        %dma_wait3A_541 = tpu.memref_slice %arg8[%dma_wait3A_538, %dma_wait3A_539, %dma_wait3A_540] : memref<2x4x4096xf32, #tpu.memory_space<vmem>> -> memref<1x1x4096xf32, #tpu.memory_space<vmem>>
        %dma_wait3A_542 = tpu.memref_squeeze %dma_wait3A_541 : memref<1x1x4096xf32, #tpu.memory_space<vmem>> -> memref<1x4096xf32, #tpu.memory_space<vmem>>
        %dma_wait3A_543 = arith.constant 0 : i32
        %dma_wait3A_544 = tpu.memref_slice %arg3[%mul3A_2, %dma_wait3A_543] : memref<8192x4096xf32, #tpu.memory_space<hbm>> -> memref<1x4096xf32, #tpu.memory_space<hbm>>
        %dma_wait3A_545 = arith.constant 0 : i32
        %dma_wait3A_546 = arith.constant 0 : i32
        %dma_wait3A_547 = tpu.memref_slice %arg8[%dma_wait3A_538, %dma_wait3A_545, %dma_wait3A_546] : memref<2x4x4096xf32, #tpu.memory_space<vmem>> -> memref<1x1x4096xf32, #tpu.memory_space<vmem>>
        %dma_wait3A_548 = tpu.memref_squeeze %dma_wait3A_547 : memref<1x1x4096xf32, #tpu.memory_space<vmem>> -> memref<1x4096xf32, #tpu.memory_space<vmem>>
        %dma_wait3A_549 = arith.constant 0 : i32
        %dma_wait3A_550 = tpu.memref_slice %arg3[%mul3A_2, %dma_wait3A_549] : memref<8192x4096xf32, #tpu.memory_space<hbm>> -> memref<1x4096xf32, #tpu.memory_space<hbm>>
        tpu.wait_dma2 semaphore(%arg20 : memref<!tpu.dma_semaphore, #tpu.memory_space<semaphore_mem>>) src(%dma_wait3A_550 : memref<1x4096xf32, #tpu.memory_space<hbm>>) dst(%dma_wait3A_548 : memref<1x4096xf32, #tpu.memory_space<vmem>>)
      }
      %while3A_459 = arith.constant 0 : i32
      %while3A_460 = arith.constant 0 : i32
      %while3A_461 = arith.subi %sub3A_428, %while3A_460 : i32
      %while3A_462 = arith.addi %while3A_460, %while3A_461 : i32
      %while3A_463 = arith.constant 1 : i32
      %while3A_464 = arith.divsi %while3A_461, %while3A_463 : i32
      %while3A_465 = arith.muli %while3A_464, %while3A_463 : i32
      %while3A_466 = arith.addi %while3A_460, %while3A_465 : i32
      %while3A_467 = arith.constant 1 : i32
      scf.for %while3A_537 = %while3A_460 to %while3A_466 step %while3A_467  : i32 {
        %add3A_538 = arith.addi %reduce_sum3A_283, %while3A_537 : i32
        %jit3A_539 = arith.constant 16 : i32
        %div3A_540 = arith.divsi %add3A_538, %jit3A_539 : i32
        %sign3A_541 = arith.constant 0 : i32
        %sign3A_542 = arith.cmpi sgt, %add3A_538, %sign3A_541 : i32
        %sign3A_543 = arith.extui %sign3A_542 : i1 to i32
        %sign3A_544 = arith.constant 0 : i32
        %sign3A_545 = arith.cmpi slt, %add3A_538, %sign3A_544 : i32
        %sign3A_546 = arith.extui %sign3A_545 : i1 to i32
        %sign3A_547 = arith.subi %sign3A_543, %sign3A_546 : i32
        %sign3A_548 = arith.constant 0 : i32
        %sign3A_549 = arith.cmpi sgt, %jit3A_539, %sign3A_548 : i32
        %sign3A_550 = arith.extui %sign3A_549 : i1 to i32
        %sign3A_551 = arith.constant 0 : i32
        %sign3A_552 = arith.cmpi slt, %jit3A_539, %sign3A_551 : i32
        %sign3A_553 = arith.extui %sign3A_552 : i1 to i32
        %sign3A_554 = arith.subi %sign3A_550, %sign3A_553 : i32
        %ne3A_555 = arith.cmpi ne, %sign3A_547, %sign3A_554 : i32
        %rem3A_556 = arith.remsi %add3A_538, %jit3A_539 : i32
        %ne3A_557 = arith.constant 0 : i32
        %ne3A_558 = arith.cmpi ne, %rem3A_556, %ne3A_557 : i32
        %and3A_559 = arith.andi %ne3A_555, %ne3A_558 : i1
        %sub3A_560 = arith.constant 1 : i32
        %sub3A_561 = arith.subi %div3A_540, %sub3A_560 : i32
        %select_n3A_562 = arith.select %and3A_559, %sub3A_561, %div3A_540 : i32
        %mul3A_563 = arith.constant 16 : i32
        %mul3A_564 = arith.muli %select_n3A_562, %mul3A_563 : i32
        %get3A_565 = arith.index_cast %mul3A_564 : i32 to index
        %get3A_566 = tpu.vector_load %arg9[%get3A_565] {strides = array<i32>} : memref<128xi32, #tpu.memory_space<vmem>>, vector<16xi32>,
        %iota3A_567 = tpu.iota {dimensions = array<i32: 0>} : vector<16xi32>
        %sub3A_568 = arith.subi %add3A_538, %mul3A_564 : i32
        %eq3A_569 = vector.broadcast %sub3A_568 : i32 to vector<16xi32>
        %eq3A_570 = arith.cmpi eq, %iota3A_567, %eq3A_569 : vector<16xi32>
        %jit3A_571 = arith.constant 0 : i32
        %broadcast_in_dim3A_572 = vector.broadcast %jit3A_571 : i32 to vector<16xi32>
        %select_n3A_573 = arith.select %eq3A_570, %get3A_566, %broadcast_in_dim3A_572 : vector<16xi1>, vector<16xi32>
        %reduce_sum3A_574 = arith.constant true
        %reduce_sum3A_575 = vector.broadcast %reduce_sum3A_574 : i1 to vector<16xi1>
        %reduce_sum3A_576 = tpu.scan <sum>, %select_n3A_573 masked %reduce_sum3A_575 : vector<16xi32>, vector<16xi1> -> vector<16xi32>
        %reduce_sum3A_577 = vector.extract %reduce_sum3A_576[15] : i32 from vector<16xi32>
        %mul3A_578 = arith.constant 4 : i32
        %mul3A_579 = arith.muli %add3A_427, %mul3A_578 : i32
        %add3A_580 = arith.addi %mul3A_2, %mul3A_579 : i32
        %sub3A_581 = arith.subi %reduce_sum3A_577, %add3A_580 : i32
        %scan3A_582 = arith.constant 0 : i32
        %scan3A_583 = arith.constant 0 : i32
        %scan3A_584 = arith.constant 256 : i32
        %scan3A_585 = arith.addi %scan3A_583, %scan3A_584 : i32
        %scan3A_586 = arith.constant 16 : i32
        scf.for %scan3A_588 = %scan3A_583 to %scan3A_585 step %scan3A_586  : i32 {
          %mul3A_589 = arith.constant 16 : i32
          %mul3A_590 = arith.muli %scan3A_588, %mul3A_589 : i32
          %get3A_591 = arith.constant 1 : i32
          %get3A_592 = arith.index_cast %get3A_591 : i32 to index
          %get3A_593 = arith.index_cast %while3A_537 : i32 to index
          %get3A_594 = arith.index_cast %mul3A_590 : i32 to index
          %get3A_595 = tpu.vector_load %arg8[%get3A_592, %get3A_593, %get3A_594] {strides = array<i32>} : memref<2x4x4096xf32, #tpu.memory_space<vmem>>, vector<16xf32>,
          %swap3A = arith.constant 3 : i32
          %swap3A_596 = arith.index_cast %swap3A : i32 to index
          %swap3A_597 = arith.index_cast %sub3A_581 : i32 to index
          %swap3A_598 = arith.index_cast %mul3A_590 : i32 to index
          %swap3A_599 = tpu.vector_load %arg7[%swap3A_596, %swap3A_597, %swap3A_598] {strides = array<i32>} : memref<4x4x4096xf32, #tpu.memory_space<vmem>>, vector<16xf32>,
          tpu.vector_store %arg7[%swap3A_596, %swap3A_597, %swap3A_598], %get3A_595 {add = true, strides = array<i32>} : memref<4x4x4096xf32, #tpu.memory_space<vmem>>, vector<16xf32>,
          %scan3A_600 = arith.constant 1 : i32
          %scan3A_601 = arith.addi %scan3A_588, %scan3A_600 : i32
          %mul3A_602 = arith.constant 16 : i32
          %mul3A_603 = arith.muli %scan3A_601, %mul3A_602 : i32
          %get3A_604 = arith.constant 1 : i32
          %get3A_605 = arith.index_cast %get3A_604 : i32 to index
          %get3A_606 = arith.index_cast %while3A_537 : i32 to index
          %get3A_607 = arith.index_cast %mul3A_603 : i32 to index
          %get3A_608 = tpu.vector_load %arg8[%get3A_605, %get3A_606, %get3A_607] {strides = array<i32>} : memref<2x4x4096xf32, #tpu.memory_space<vmem>>, vector<16xf32>,
          %swap3A_609 = arith.constant 3 : i32
          %swap3A_610 = arith.index_cast %swap3A_609 : i32 to index
          %swap3A_611 = arith.index_cast %sub3A_581 : i32 to index
          %swap3A_612 = arith.index_cast %mul3A_603 : i32 to index
          %swap3A_613 = tpu.vector_load %arg7[%swap3A_610, %swap3A_611, %swap3A_612] {strides = array<i32>} : memref<4x4x4096xf32, #tpu.memory_space<vmem>>, vector<16xf32>,
          tpu.vector_store %arg7[%swap3A_610, %swap3A_611, %swap3A_612], %get3A_608 {add = true, strides = array<i32>} : memref<4x4x4096xf32, #tpu.memory_space<vmem>>, vector<16xf32>,
          %scan3A_614 = arith.constant 2 : i32
          %scan3A_615 = arith.addi %scan3A_588, %scan3A_614 : i32
          %mul3A_616 = arith.constant 16 : i32
          %mul3A_617 = arith.muli %scan3A_615, %mul3A_616 : i32
          %get3A_618 = arith.constant 1 : i32
          %get3A_619 = arith.index_cast %get3A_618 : i32 to index
          %get3A_620 = arith.index_cast %while3A_537 : i32 to index
          %get3A_621 = arith.index_cast %mul3A_617 : i32 to index
          %get3A_622 = tpu.vector_load %arg8[%get3A_619, %get3A_620, %get3A_621] {strides = array<i32>} : memref<2x4x4096xf32, #tpu.memory_space<vmem>>, vector<16xf32>,
          %swap3A_623 = arith.constant 3 : i32
          %swap3A_624 = arith.index_cast %swap3A_623 : i32 to index
          %swap3A_625 = arith.index_cast %sub3A_581 : i32 to index
          %swap3A_626 = arith.index_cast %mul3A_617 : i32 to index
          %swap3A_627 = tpu.vector_load %arg7[%swap3A_624, %swap3A_625, %swap3A_626] {strides = array<i32>} : memref<4x4x4096xf32, #tpu.memory_space<vmem>>, vector<16xf32>,
          tpu.vector_store %arg7[%swap3A_624, %swap3A_625, %swap3A_626], %get3A_622 {add = true, strides = array<i32>} : memref<4x4x4096xf32, #tpu.memory_space<vmem>>, vector<16xf32>,
          %scan3A_628 = arith.constant 3 : i32
          %scan3A_629 = arith.addi %scan3A_588, %scan3A_628 : i32
          %mul3A_630 = arith.constant 16 : i32
          %mul3A_631 = arith.muli %scan3A_629, %mul3A_630 : i32
          %get3A_632 = arith.constant 1 : i32
          %get3A_633 = arith.index_cast %get3A_632 : i32 to index
          %get3A_634 = arith.index_cast %while3A_537 : i32 to index
          %get3A_635 = arith.index_cast %mul3A_631 : i32 to index
          %get3A_636 = tpu.vector_load %arg8[%get3A_633, %get3A_634, %get3A_635] {strides = array<i32>} : memref<2x4x4096xf32, #tpu.memory_space<vmem>>, vector<16xf32>,
          %swap3A_637 = arith.constant 3 : i32
          %swap3A_638 = arith.index_cast %swap3A_637 : i32 to index
          %swap3A_639 = arith.index_cast %sub3A_581 : i32 to index
          %swap3A_640 = arith.index_cast %mul3A_631 : i32 to index
          %swap3A_641 = tpu.vector_load %arg7[%swap3A_638, %swap3A_639, %swap3A_640] {strides = array<i32>} : memref<4x4x4096xf32, #tpu.memory_space<vmem>>, vector<16xf32>,
          tpu.vector_store %arg7[%swap3A_638, %swap3A_639, %swap3A_640], %get3A_636 {add = true, strides = array<i32>} : memref<4x4x4096xf32, #tpu.memory_space<vmem>>, vector<16xf32>,
          %scan3A_642 = arith.constant 4 : i32
          %scan3A_643 = arith.addi %scan3A_588, %scan3A_642 : i32
          %mul3A_644 = arith.constant 16 : i32
          %mul3A_645 = arith.muli %scan3A_643, %mul3A_644 : i32
          %get3A_646 = arith.constant 1 : i32
          %get3A_647 = arith.index_cast %get3A_646 : i32 to index
          %get3A_648 = arith.index_cast %while3A_537 : i32 to index
          %get3A_649 = arith.index_cast %mul3A_645 : i32 to index
          %get3A_650 = tpu.vector_load %arg8[%get3A_647, %get3A_648, %get3A_649] {strides = array<i32>} : memref<2x4x4096xf32, #tpu.memory_space<vmem>>, vector<16xf32>,
          %swap3A_651 = arith.constant 3 : i32
          %swap3A_652 = arith.index_cast %swap3A_651 : i32 to index
          %swap3A_653 = arith.index_cast %sub3A_581 : i32 to index
          %swap3A_654 = arith.index_cast %mul3A_645 : i32 to index
          %swap3A_655 = tpu.vector_load %arg7[%swap3A_652, %swap3A_653, %swap3A_654] {strides = array<i32>} : memref<4x4x4096xf32, #tpu.memory_space<vmem>>, vector<16xf32>,
          tpu.vector_store %arg7[%swap3A_652, %swap3A_653, %swap3A_654], %get3A_650 {add = true, strides = array<i32>} : memref<4x4x4096xf32, #tpu.memory_space<vmem>>, vector<16xf32>,
          %scan3A_656 = arith.constant 5 : i32
          %scan3A_657 = arith.addi %scan3A_588, %scan3A_656 : i32
          %mul3A_658 = arith.constant 16 : i32
          %mul3A_659 = arith.muli %scan3A_657, %mul3A_658 : i32
          %get3A_660 = arith.constant 1 : i32
          %get3A_661 = arith.index_cast %get3A_660 : i32 to index
          %get3A_662 = arith.index_cast %while3A_537 : i32 to index
          %get3A_663 = arith.index_cast %mul3A_659 : i32 to index
          %get3A_664 = tpu.vector_load %arg8[%get3A_661, %get3A_662, %get3A_663] {strides = array<i32>} : memref<2x4x4096xf32, #tpu.memory_space<vmem>>, vector<16xf32>,
          %swap3A_665 = arith.constant 3 : i32
          %swap3A_666 = arith.index_cast %swap3A_665 : i32 to index
          %swap3A_667 = arith.index_cast %sub3A_581 : i32 to index
          %swap3A_668 = arith.index_cast %mul3A_659 : i32 to index
          %swap3A_669 = tpu.vector_load %arg7[%swap3A_666, %swap3A_667, %swap3A_668] {strides = array<i32>} : memref<4x4x4096xf32, #tpu.memory_space<vmem>>, vector<16xf32>,
          tpu.vector_store %arg7[%swap3A_666, %swap3A_667, %swap3A_668], %get3A_664 {add = true, strides = array<i32>} : memref<4x4x4096xf32, #tpu.memory_space<vmem>>, vector<16xf32>,
          %scan3A_670 = arith.constant 6 : i32
          %scan3A_671 = arith.addi %scan3A_588, %scan3A_670 : i32
          %mul3A_672 = arith.constant 16 : i32
          %mul3A_673 = arith.muli %scan3A_671, %mul3A_672 : i32
          %get3A_674 = arith.constant 1 : i32
          %get3A_675 = arith.index_cast %get3A_674 : i32 to index
          %get3A_676 = arith.index_cast %while3A_537 : i32 to index
          %get3A_677 = arith.index_cast %mul3A_673 : i32 to index
          %get3A_678 = tpu.vector_load %arg8[%get3A_675, %get3A_676, %get3A_677] {strides = array<i32>} : memref<2x4x4096xf32, #tpu.memory_space<vmem>>, vector<16xf32>,
          %swap3A_679 = arith.constant 3 : i32
          %swap3A_680 = arith.index_cast %swap3A_679 : i32 to index
          %swap3A_681 = arith.index_cast %sub3A_581 : i32 to index
          %swap3A_682 = arith.index_cast %mul3A_673 : i32 to index
          %swap3A_683 = tpu.vector_load %arg7[%swap3A_680, %swap3A_681, %swap3A_682] {strides = array<i32>} : memref<4x4x4096xf32, #tpu.memory_space<vmem>>, vector<16xf32>,
          tpu.vector_store %arg7[%swap3A_680, %swap3A_681, %swap3A_682], %get3A_678 {add = true, strides = array<i32>} : memref<4x4x4096xf32, #tpu.memory_space<vmem>>, vector<16xf32>,
          %scan3A_684 = arith.constant 7 : i32
          %scan3A_685 = arith.addi %scan3A_588, %scan3A_684 : i32
          %mul3A_686 = arith.constant 16 : i32
          %mul3A_687 = arith.muli %scan3A_685, %mul3A_686 : i32
          %get3A_688 = arith.constant 1 : i32
          %get3A_689 = arith.index_cast %get3A_688 : i32 to index
          %get3A_690 = arith.index_cast %while3A_537 : i32 to index
          %get3A_691 = arith.index_cast %mul3A_687 : i32 to index
          %get3A_692 = tpu.vector_load %arg8[%get3A_689, %get3A_690, %get3A_691] {strides = array<i32>} : memref<2x4x4096xf32, #tpu.memory_space<vmem>>, vector<16xf32>,
          %swap3A_693 = arith.constant 3 : i32
          %swap3A_694 = arith.index_cast %swap3A_693 : i32 to index
          %swap3A_695 = arith.index_cast %sub3A_581 : i32 to index
          %swap3A_696 = arith.index_cast %mul3A_687 : i32 to index
          %swap3A_697 = tpu.vector_load %arg7[%swap3A_694, %swap3A_695, %swap3A_696] {strides = array<i32>} : memref<4x4x4096xf32, #tpu.memory_space<vmem>>, vector<16xf32>,
          tpu.vector_store %arg7[%swap3A_694, %swap3A_695, %swap3A_696], %get3A_692 {add = true, strides = array<i32>} : memref<4x4x4096xf32, #tpu.memory_space<vmem>>, vector<16xf32>,
          %scan3A_698 = arith.constant 8 : i32
          %scan3A_699 = arith.addi %scan3A_588, %scan3A_698 : i32
          %mul3A_700 = arith.constant 16 : i32
          %mul3A_701 = arith.muli %scan3A_699, %mul3A_700 : i32
          %get3A_702 = arith.constant 1 : i32
          %get3A_703 = arith.index_cast %get3A_702 : i32 to index
          %get3A_704 = arith.index_cast %while3A_537 : i32 to index
          %get3A_705 = arith.index_cast %mul3A_701 : i32 to index
          %get3A_706 = tpu.vector_load %arg8[%get3A_703, %get3A_704, %get3A_705] {strides = array<i32>} : memref<2x4x4096xf32, #tpu.memory_space<vmem>>, vector<16xf32>,
          %swap3A_707 = arith.constant 3 : i32
          %swap3A_708 = arith.index_cast %swap3A_707 : i32 to index
          %swap3A_709 = arith.index_cast %sub3A_581 : i32 to index
          %swap3A_710 = arith.index_cast %mul3A_701 : i32 to index
          %swap3A_711 = tpu.vector_load %arg7[%swap3A_708, %swap3A_709, %swap3A_710] {strides = array<i32>} : memref<4x4x4096xf32, #tpu.memory_space<vmem>>, vector<16xf32>,
          tpu.vector_store %arg7[%swap3A_708, %swap3A_709, %swap3A_710], %get3A_706 {add = true, strides = array<i32>} : memref<4x4x4096xf32, #tpu.memory_space<vmem>>, vector<16xf32>,
          %scan3A_712 = arith.constant 9 : i32
          %scan3A_713 = arith.addi %scan3A_588, %scan3A_712 : i32
          %mul3A_714 = arith.constant 16 : i32
          %mul3A_715 = arith.muli %scan3A_713, %mul3A_714 : i32
          %get3A_716 = arith.constant 1 : i32
          %get3A_717 = arith.index_cast %get3A_716 : i32 to index
          %get3A_718 = arith.index_cast %while3A_537 : i32 to index
          %get3A_719 = arith.index_cast %mul3A_715 : i32 to index
          %get3A_720 = tpu.vector_load %arg8[%get3A_717, %get3A_718, %get3A_719] {strides = array<i32>} : memref<2x4x4096xf32, #tpu.memory_space<vmem>>, vector<16xf32>,
          %swap3A_721 = arith.constant 3 : i32
          %swap3A_722 = arith.index_cast %swap3A_721 : i32 to index
          %swap3A_723 = arith.index_cast %sub3A_581 : i32 to index
          %swap3A_724 = arith.index_cast %mul3A_715 : i32 to index
          %swap3A_725 = tpu.vector_load %arg7[%swap3A_722, %swap3A_723, %swap3A_724] {strides = array<i32>} : memref<4x4x4096xf32, #tpu.memory_space<vmem>>, vector<16xf32>,
          tpu.vector_store %arg7[%swap3A_722, %swap3A_723, %swap3A_724], %get3A_720 {add = true, strides = array<i32>} : memref<4x4x4096xf32, #tpu.memory_space<vmem>>, vector<16xf32>,
          %scan3A_726 = arith.constant 10 : i32
          %scan3A_727 = arith.addi %scan3A_588, %scan3A_726 : i32
          %mul3A_728 = arith.constant 16 : i32
          %mul3A_729 = arith.muli %scan3A_727, %mul3A_728 : i32
          %get3A_730 = arith.constant 1 : i32
          %get3A_731 = arith.index_cast %get3A_730 : i32 to index
          %get3A_732 = arith.index_cast %while3A_537 : i32 to index
          %get3A_733 = arith.index_cast %mul3A_729 : i32 to index
          %get3A_734 = tpu.vector_load %arg8[%get3A_731, %get3A_732, %get3A_733] {strides = array<i32>} : memref<2x4x4096xf32, #tpu.memory_space<vmem>>, vector<16xf32>,
          %swap3A_735 = arith.constant 3 : i32
          %swap3A_736 = arith.index_cast %swap3A_735 : i32 to index
          %swap3A_737 = arith.index_cast %sub3A_581 : i32 to index
          %swap3A_738 = arith.index_cast %mul3A_729 : i32 to index
          %swap3A_739 = tpu.vector_load %arg7[%swap3A_736, %swap3A_737, %swap3A_738] {strides = array<i32>} : memref<4x4x4096xf32, #tpu.memory_space<vmem>>, vector<16xf32>,
          tpu.vector_store %arg7[%swap3A_736, %swap3A_737, %swap3A_738], %get3A_734 {add = true, strides = array<i32>} : memref<4x4x4096xf32, #tpu.memory_space<vmem>>, vector<16xf32>,
          %scan3A_740 = arith.constant 11 : i32
          %scan3A_741 = arith.addi %scan3A_588, %scan3A_740 : i32
          %mul3A_742 = arith.constant 16 : i32
          %mul3A_743 = arith.muli %scan3A_741, %mul3A_742 : i32
          %get3A_744 = arith.constant 1 : i32
          %get3A_745 = arith.index_cast %get3A_744 : i32 to index
          %get3A_746 = arith.index_cast %while3A_537 : i32 to index
          %get3A_747 = arith.index_cast %mul3A_743 : i32 to index
          %get3A_748 = tpu.vector_load %arg8[%get3A_745, %get3A_746, %get3A_747] {strides = array<i32>} : memref<2x4x4096xf32, #tpu.memory_space<vmem>>, vector<16xf32>,
          %swap3A_749 = arith.constant 3 : i32
          %swap3A_750 = arith.index_cast %swap3A_749 : i32 to index
          %swap3A_751 = arith.index_cast %sub3A_581 : i32 to index
          %swap3A_752 = arith.index_cast %mul3A_743 : i32 to index
          %swap3A_753 = tpu.vector_load %arg7[%swap3A_750, %swap3A_751, %swap3A_752] {strides = array<i32>} : memref<4x4x4096xf32, #tpu.memory_space<vmem>>, vector<16xf32>,
          tpu.vector_store %arg7[%swap3A_750, %swap3A_751, %swap3A_752], %get3A_748 {add = true, strides = array<i32>} : memref<4x4x4096xf32, #tpu.memory_space<vmem>>, vector<16xf32>,
          %scan3A_754 = arith.constant 12 : i32
          %scan3A_755 = arith.addi %scan3A_588, %scan3A_754 : i32
          %mul3A_756 = arith.constant 16 : i32
          %mul3A_757 = arith.muli %scan3A_755, %mul3A_756 : i32
          %get3A_758 = arith.constant 1 : i32
          %get3A_759 = arith.index_cast %get3A_758 : i32 to index
          %get3A_760 = arith.index_cast %while3A_537 : i32 to index
          %get3A_761 = arith.index_cast %mul3A_757 : i32 to index
          %get3A_762 = tpu.vector_load %arg8[%get3A_759, %get3A_760, %get3A_761] {strides = array<i32>} : memref<2x4x4096xf32, #tpu.memory_space<vmem>>, vector<16xf32>,
          %swap3A_763 = arith.constant 3 : i32
          %swap3A_764 = arith.index_cast %swap3A_763 : i32 to index
          %swap3A_765 = arith.index_cast %sub3A_581 : i32 to index
          %swap3A_766 = arith.index_cast %mul3A_757 : i32 to index
          %swap3A_767 = tpu.vector_load %arg7[%swap3A_764, %swap3A_765, %swap3A_766] {strides = array<i32>} : memref<4x4x4096xf32, #tpu.memory_space<vmem>>, vector<16xf32>,
          tpu.vector_store %arg7[%swap3A_764, %swap3A_765, %swap3A_766], %get3A_762 {add = true, strides = array<i32>} : memref<4x4x4096xf32, #tpu.memory_space<vmem>>, vector<16xf32>,
          %scan3A_768 = arith.constant 13 : i32
          %scan3A_769 = arith.addi %scan3A_588, %scan3A_768 : i32
          %mul3A_770 = arith.constant 16 : i32
          %mul3A_771 = arith.muli %scan3A_769, %mul3A_770 : i32
          %get3A_772 = arith.constant 1 : i32
          %get3A_773 = arith.index_cast %get3A_772 : i32 to index
          %get3A_774 = arith.index_cast %while3A_537 : i32 to index
          %get3A_775 = arith.index_cast %mul3A_771 : i32 to index
          %get3A_776 = tpu.vector_load %arg8[%get3A_773, %get3A_774, %get3A_775] {strides = array<i32>} : memref<2x4x4096xf32, #tpu.memory_space<vmem>>, vector<16xf32>,
          %swap3A_777 = arith.constant 3 : i32
          %swap3A_778 = arith.index_cast %swap3A_777 : i32 to index
          %swap3A_779 = arith.index_cast %sub3A_581 : i32 to index
          %swap3A_780 = arith.index_cast %mul3A_771 : i32 to index
          %swap3A_781 = tpu.vector_load %arg7[%swap3A_778, %swap3A_779, %swap3A_780] {strides = array<i32>} : memref<4x4x4096xf32, #tpu.memory_space<vmem>>, vector<16xf32>,
          tpu.vector_store %arg7[%swap3A_778, %swap3A_779, %swap3A_780], %get3A_776 {add = true, strides = array<i32>} : memref<4x4x4096xf32, #tpu.memory_space<vmem>>, vector<16xf32>,
          %scan3A_782 = arith.constant 14 : i32
          %scan3A_783 = arith.addi %scan3A_588, %scan3A_782 : i32
          %mul3A_784 = arith.constant 16 : i32
          %mul3A_785 = arith.muli %scan3A_783, %mul3A_784 : i32
          %get3A_786 = arith.constant 1 : i32
          %get3A_787 = arith.index_cast %get3A_786 : i32 to index
          %get3A_788 = arith.index_cast %while3A_537 : i32 to index
          %get3A_789 = arith.index_cast %mul3A_785 : i32 to index
          %get3A_790 = tpu.vector_load %arg8[%get3A_787, %get3A_788, %get3A_789] {strides = array<i32>} : memref<2x4x4096xf32, #tpu.memory_space<vmem>>, vector<16xf32>,
          %swap3A_791 = arith.constant 3 : i32
          %swap3A_792 = arith.index_cast %swap3A_791 : i32 to index
          %swap3A_793 = arith.index_cast %sub3A_581 : i32 to index
          %swap3A_794 = arith.index_cast %mul3A_785 : i32 to index
          %swap3A_795 = tpu.vector_load %arg7[%swap3A_792, %swap3A_793, %swap3A_794] {strides = array<i32>} : memref<4x4x4096xf32, #tpu.memory_space<vmem>>, vector<16xf32>,
          tpu.vector_store %arg7[%swap3A_792, %swap3A_793, %swap3A_794], %get3A_790 {add = true, strides = array<i32>} : memref<4x4x4096xf32, #tpu.memory_space<vmem>>, vector<16xf32>,
          %scan3A_796 = arith.constant 15 : i32
          %scan3A_797 = arith.addi %scan3A_588, %scan3A_796 : i32
          %mul3A_798 = arith.constant 16 : i32
          %mul3A_799 = arith.muli %scan3A_797, %mul3A_798 : i32
          %get3A_800 = arith.constant 1 : i32
          %get3A_801 = arith.index_cast %get3A_800 : i32 to index
          %get3A_802 = arith.index_cast %while3A_537 : i32 to index
          %get3A_803 = arith.index_cast %mul3A_799 : i32 to index
          %get3A_804 = tpu.vector_load %arg8[%get3A_801, %get3A_802, %get3A_803] {strides = array<i32>} : memref<2x4x4096xf32, #tpu.memory_space<vmem>>, vector<16xf32>,
          %swap3A_805 = arith.constant 3 : i32
          %swap3A_806 = arith.index_cast %swap3A_805 : i32 to index
          %swap3A_807 = arith.index_cast %sub3A_581 : i32 to index
          %swap3A_808 = arith.index_cast %mul3A_799 : i32 to index
          %swap3A_809 = tpu.vector_load %arg7[%swap3A_806, %swap3A_807, %swap3A_808] {strides = array<i32>} : memref<4x4x4096xf32, #tpu.memory_space<vmem>>, vector<16xf32>,
          tpu.vector_store %arg7[%swap3A_806, %swap3A_807, %swap3A_808], %get3A_804 {add = true, strides = array<i32>} : memref<4x4x4096xf32, #tpu.memory_space<vmem>>, vector<16xf32>,
        }
        %scan3A_587 = arith.constant 256 : i32
      }
      %while3A_468 = arith.constant 1 : i32
      scf.for %while3A_537 = %while3A_466 to %while3A_462 step %while3A_468  : i32 {
        %add3A_538 = arith.addi %reduce_sum3A_283, %while3A_537 : i32
        %jit3A_539 = arith.constant 16 : i32
        %div3A_540 = arith.divsi %add3A_538, %jit3A_539 : i32
        %sign3A_541 = arith.constant 0 : i32
        %sign3A_542 = arith.cmpi sgt, %add3A_538, %sign3A_541 : i32
        %sign3A_543 = arith.extui %sign3A_542 : i1 to i32
        %sign3A_544 = arith.constant 0 : i32
        %sign3A_545 = arith.cmpi slt, %add3A_538, %sign3A_544 : i32
        %sign3A_546 = arith.extui %sign3A_545 : i1 to i32
        %sign3A_547 = arith.subi %sign3A_543, %sign3A_546 : i32
        %sign3A_548 = arith.constant 0 : i32
        %sign3A_549 = arith.cmpi sgt, %jit3A_539, %sign3A_548 : i32
        %sign3A_550 = arith.extui %sign3A_549 : i1 to i32
        %sign3A_551 = arith.constant 0 : i32
        %sign3A_552 = arith.cmpi slt, %jit3A_539, %sign3A_551 : i32
        %sign3A_553 = arith.extui %sign3A_552 : i1 to i32
        %sign3A_554 = arith.subi %sign3A_550, %sign3A_553 : i32
        %ne3A_555 = arith.cmpi ne, %sign3A_547, %sign3A_554 : i32
        %rem3A_556 = arith.remsi %add3A_538, %jit3A_539 : i32
        %ne3A_557 = arith.constant 0 : i32
        %ne3A_558 = arith.cmpi ne, %rem3A_556, %ne3A_557 : i32
        %and3A_559 = arith.andi %ne3A_555, %ne3A_558 : i1
        %sub3A_560 = arith.constant 1 : i32
        %sub3A_561 = arith.subi %div3A_540, %sub3A_560 : i32
        %select_n3A_562 = arith.select %and3A_559, %sub3A_561, %div3A_540 : i32
        %mul3A_563 = arith.constant 16 : i32
        %mul3A_564 = arith.muli %select_n3A_562, %mul3A_563 : i32
        %get3A_565 = arith.index_cast %mul3A_564 : i32 to index
        %get3A_566 = tpu.vector_load %arg9[%get3A_565] {strides = array<i32>} : memref<128xi32, #tpu.memory_space<vmem>>, vector<16xi32>,
        %iota3A_567 = tpu.iota {dimensions = array<i32: 0>} : vector<16xi32>
        %sub3A_568 = arith.subi %add3A_538, %mul3A_564 : i32
        %eq3A_569 = vector.broadcast %sub3A_568 : i32 to vector<16xi32>
        %eq3A_570 = arith.cmpi eq, %iota3A_567, %eq3A_569 : vector<16xi32>
        %jit3A_571 = arith.constant 0 : i32
        %broadcast_in_dim3A_572 = vector.broadcast %jit3A_571 : i32 to vector<16xi32>
        %select_n3A_573 = arith.select %eq3A_570, %get3A_566, %broadcast_in_dim3A_572 : vector<16xi1>, vector<16xi32>
        %reduce_sum3A_574 = arith.constant true
        %reduce_sum3A_575 = vector.broadcast %reduce_sum3A_574 : i1 to vector<16xi1>
        %reduce_sum3A_576 = tpu.scan <sum>, %select_n3A_573 masked %reduce_sum3A_575 : vector<16xi32>, vector<16xi1> -> vector<16xi32>
        %reduce_sum3A_577 = vector.extract %reduce_sum3A_576[15] : i32 from vector<16xi32>
        %mul3A_578 = arith.constant 4 : i32
        %mul3A_579 = arith.muli %add3A_427, %mul3A_578 : i32
        %add3A_580 = arith.addi %mul3A_2, %mul3A_579 : i32
        %sub3A_581 = arith.subi %reduce_sum3A_577, %add3A_580 : i32
        %scan3A_582 = arith.constant 0 : i32
        %scan3A_583 = arith.constant 0 : i32
        %scan3A_584 = arith.constant 256 : i32
        %scan3A_585 = arith.addi %scan3A_583, %scan3A_584 : i32
        %scan3A_586 = arith.constant 16 : i32
        scf.for %scan3A_588 = %scan3A_583 to %scan3A_585 step %scan3A_586  : i32 {
          %mul3A_589 = arith.constant 16 : i32
          %mul3A_590 = arith.muli %scan3A_588, %mul3A_589 : i32
          %get3A_591 = arith.constant 1 : i32
          %get3A_592 = arith.index_cast %get3A_591 : i32 to index
          %get3A_593 = arith.index_cast %while3A_537 : i32 to index
          %get3A_594 = arith.index_cast %mul3A_590 : i32 to index
          %get3A_595 = tpu.vector_load %arg8[%get3A_592, %get3A_593, %get3A_594] {strides = array<i32>} : memref<2x4x4096xf32, #tpu.memory_space<vmem>>, vector<16xf32>,
          %swap3A = arith.constant 3 : i32
          %swap3A_596 = arith.index_cast %swap3A : i32 to index
          %swap3A_597 = arith.index_cast %sub3A_581 : i32 to index
          %swap3A_598 = arith.index_cast %mul3A_590 : i32 to index
          %swap3A_599 = tpu.vector_load %arg7[%swap3A_596, %swap3A_597, %swap3A_598] {strides = array<i32>} : memref<4x4x4096xf32, #tpu.memory_space<vmem>>, vector<16xf32>,
          tpu.vector_store %arg7[%swap3A_596, %swap3A_597, %swap3A_598], %get3A_595 {add = true, strides = array<i32>} : memref<4x4x4096xf32, #tpu.memory_space<vmem>>, vector<16xf32>,
          %scan3A_600 = arith.constant 1 : i32
          %scan3A_601 = arith.addi %scan3A_588, %scan3A_600 : i32
          %mul3A_602 = arith.constant 16 : i32
          %mul3A_603 = arith.muli %scan3A_601, %mul3A_602 : i32
          %get3A_604 = arith.constant 1 : i32
          %get3A_605 = arith.index_cast %get3A_604 : i32 to index
          %get3A_606 = arith.index_cast %while3A_537 : i32 to index
          %get3A_607 = arith.index_cast %mul3A_603 : i32 to index
          %get3A_608 = tpu.vector_load %arg8[%get3A_605, %get3A_606, %get3A_607] {strides = array<i32>} : memref<2x4x4096xf32, #tpu.memory_space<vmem>>, vector<16xf32>,
          %swap3A_609 = arith.constant 3 : i32
          %swap3A_610 = arith.index_cast %swap3A_609 : i32 to index
          %swap3A_611 = arith.index_cast %sub3A_581 : i32 to index
          %swap3A_612 = arith.index_cast %mul3A_603 : i32 to index
          %swap3A_613 = tpu.vector_load %arg7[%swap3A_610, %swap3A_611, %swap3A_612] {strides = array<i32>} : memref<4x4x4096xf32, #tpu.memory_space<vmem>>, vector<16xf32>,
          tpu.vector_store %arg7[%swap3A_610, %swap3A_611, %swap3A_612], %get3A_608 {add = true, strides = array<i32>} : memref<4x4x4096xf32, #tpu.memory_space<vmem>>, vector<16xf32>,
          %scan3A_614 = arith.constant 2 : i32
          %scan3A_615 = arith.addi %scan3A_588, %scan3A_614 : i32
          %mul3A_616 = arith.constant 16 : i32
          %mul3A_617 = arith.muli %scan3A_615, %mul3A_616 : i32
          %get3A_618 = arith.constant 1 : i32
          %get3A_619 = arith.index_cast %get3A_618 : i32 to index
          %get3A_620 = arith.index_cast %while3A_537 : i32 to index
          %get3A_621 = arith.index_cast %mul3A_617 : i32 to index
          %get3A_622 = tpu.vector_load %arg8[%get3A_619, %get3A_620, %get3A_621] {strides = array<i32>} : memref<2x4x4096xf32, #tpu.memory_space<vmem>>, vector<16xf32>,
          %swap3A_623 = arith.constant 3 : i32
          %swap3A_624 = arith.index_cast %swap3A_623 : i32 to index
          %swap3A_625 = arith.index_cast %sub3A_581 : i32 to index
          %swap3A_626 = arith.index_cast %mul3A_617 : i32 to index
          %swap3A_627 = tpu.vector_load %arg7[%swap3A_624, %swap3A_625, %swap3A_626] {strides = array<i32>} : memref<4x4x4096xf32, #tpu.memory_space<vmem>>, vector<16xf32>,
          tpu.vector_store %arg7[%swap3A_624, %swap3A_625, %swap3A_626], %get3A_622 {add = true, strides = array<i32>} : memref<4x4x4096xf32, #tpu.memory_space<vmem>>, vector<16xf32>,
          %scan3A_628 = arith.constant 3 : i32
          %scan3A_629 = arith.addi %scan3A_588, %scan3A_628 : i32
          %mul3A_630 = arith.constant 16 : i32
          %mul3A_631 = arith.muli %scan3A_629, %mul3A_630 : i32
          %get3A_632 = arith.constant 1 : i32
          %get3A_633 = arith.index_cast %get3A_632 : i32 to index
          %get3A_634 = arith.index_cast %while3A_537 : i32 to index
          %get3A_635 = arith.index_cast %mul3A_631 : i32 to index
          %get3A_636 = tpu.vector_load %arg8[%get3A_633, %get3A_634, %get3A_635] {strides = array<i32>} : memref<2x4x4096xf32, #tpu.memory_space<vmem>>, vector<16xf32>,
          %swap3A_637 = arith.constant 3 : i32
          %swap3A_638 = arith.index_cast %swap3A_637 : i32 to index
          %swap3A_639 = arith.index_cast %sub3A_581 : i32 to index
          %swap3A_640 = arith.index_cast %mul3A_631 : i32 to index
          %swap3A_641 = tpu.vector_load %arg7[%swap3A_638, %swap3A_639, %swap3A_640] {strides = array<i32>} : memref<4x4x4096xf32, #tpu.memory_space<vmem>>, vector<16xf32>,
          tpu.vector_store %arg7[%swap3A_638, %swap3A_639, %swap3A_640], %get3A_636 {add = true, strides = array<i32>} : memref<4x4x4096xf32, #tpu.memory_space<vmem>>, vector<16xf32>,
          %scan3A_642 = arith.constant 4 : i32
          %scan3A_643 = arith.addi %scan3A_588, %scan3A_642 : i32
          %mul3A_644 = arith.constant 16 : i32
          %mul3A_645 = arith.muli %scan3A_643, %mul3A_644 : i32
          %get3A_646 = arith.constant 1 : i32
          %get3A_647 = arith.index_cast %get3A_646 : i32 to index
          %get3A_648 = arith.index_cast %while3A_537 : i32 to index
          %get3A_649 = arith.index_cast %mul3A_645 : i32 to index
          %get3A_650 = tpu.vector_load %arg8[%get3A_647, %get3A_648, %get3A_649] {strides = array<i32>} : memref<2x4x4096xf32, #tpu.memory_space<vmem>>, vector<16xf32>,
          %swap3A_651 = arith.constant 3 : i32
          %swap3A_652 = arith.index_cast %swap3A_651 : i32 to index
          %swap3A_653 = arith.index_cast %sub3A_581 : i32 to index
          %swap3A_654 = arith.index_cast %mul3A_645 : i32 to index
          %swap3A_655 = tpu.vector_load %arg7[%swap3A_652, %swap3A_653, %swap3A_654] {strides = array<i32>} : memref<4x4x4096xf32, #tpu.memory_space<vmem>>, vector<16xf32>,
          tpu.vector_store %arg7[%swap3A_652, %swap3A_653, %swap3A_654], %get3A_650 {add = true, strides = array<i32>} : memref<4x4x4096xf32, #tpu.memory_space<vmem>>, vector<16xf32>,
          %scan3A_656 = arith.constant 5 : i32
          %scan3A_657 = arith.addi %scan3A_588, %scan3A_656 : i32
          %mul3A_658 = arith.constant 16 : i32
          %mul3A_659 = arith.muli %scan3A_657, %mul3A_658 : i32
          %get3A_660 = arith.constant 1 : i32
          %get3A_661 = arith.index_cast %get3A_660 : i32 to index
          %get3A_662 = arith.index_cast %while3A_537 : i32 to index
          %get3A_663 = arith.index_cast %mul3A_659 : i32 to index
          %get3A_664 = tpu.vector_load %arg8[%get3A_661, %get3A_662, %get3A_663] {strides = array<i32>} : memref<2x4x4096xf32, #tpu.memory_space<vmem>>, vector<16xf32>,
          %swap3A_665 = arith.constant 3 : i32
          %swap3A_666 = arith.index_cast %swap3A_665 : i32 to index
          %swap3A_667 = arith.index_cast %sub3A_581 : i32 to index
          %swap3A_668 = arith.index_cast %mul3A_659 : i32 to index
          %swap3A_669 = tpu.vector_load %arg7[%swap3A_666, %swap3A_667, %swap3A_668] {strides = array<i32>} : memref<4x4x4096xf32, #tpu.memory_space<vmem>>, vector<16xf32>,
          tpu.vector_store %arg7[%swap3A_666, %swap3A_667, %swap3A_668], %get3A_664 {add = true, strides = array<i32>} : memref<4x4x4096xf32, #tpu.memory_space<vmem>>, vector<16xf32>,
          %scan3A_670 = arith.constant 6 : i32
          %scan3A_671 = arith.addi %scan3A_588, %scan3A_670 : i32
          %mul3A_672 = arith.constant 16 : i32
          %mul3A_673 = arith.muli %scan3A_671, %mul3A_672 : i32
          %get3A_674 = arith.constant 1 : i32
          %get3A_675 = arith.index_cast %get3A_674 : i32 to index
          %get3A_676 = arith.index_cast %while3A_537 : i32 to index
          %get3A_677 = arith.index_cast %mul3A_673 : i32 to index
          %get3A_678 = tpu.vector_load %arg8[%get3A_675, %get3A_676, %get3A_677] {strides = array<i32>} : memref<2x4x4096xf32, #tpu.memory_space<vmem>>, vector<16xf32>,
          %swap3A_679 = arith.constant 3 : i32
          %swap3A_680 = arith.index_cast %swap3A_679 : i32 to index
          %swap3A_681 = arith.index_cast %sub3A_581 : i32 to index
          %swap3A_682 = arith.index_cast %mul3A_673 : i32 to index
          %swap3A_683 = tpu.vector_load %arg7[%swap3A_680, %swap3A_681, %swap3A_682] {strides = array<i32>} : memref<4x4x4096xf32, #tpu.memory_space<vmem>>, vector<16xf32>,
          tpu.vector_store %arg7[%swap3A_680, %swap3A_681, %swap3A_682], %get3A_678 {add = true, strides = array<i32>} : memref<4x4x4096xf32, #tpu.memory_space<vmem>>, vector<16xf32>,
          %scan3A_684 = arith.constant 7 : i32
          %scan3A_685 = arith.addi %scan3A_588, %scan3A_684 : i32
          %mul3A_686 = arith.constant 16 : i32
          %mul3A_687 = arith.muli %scan3A_685, %mul3A_686 : i32
          %get3A_688 = arith.constant 1 : i32
          %get3A_689 = arith.index_cast %get3A_688 : i32 to index
          %get3A_690 = arith.index_cast %while3A_537 : i32 to index
          %get3A_691 = arith.index_cast %mul3A_687 : i32 to index
          %get3A_692 = tpu.vector_load %arg8[%get3A_689, %get3A_690, %get3A_691] {strides = array<i32>} : memref<2x4x4096xf32, #tpu.memory_space<vmem>>, vector<16xf32>,
          %swap3A_693 = arith.constant 3 : i32
          %swap3A_694 = arith.index_cast %swap3A_693 : i32 to index
          %swap3A_695 = arith.index_cast %sub3A_581 : i32 to index
          %swap3A_696 = arith.index_cast %mul3A_687 : i32 to index
          %swap3A_697 = tpu.vector_load %arg7[%swap3A_694, %swap3A_695, %swap3A_696] {strides = array<i32>} : memref<4x4x4096xf32, #tpu.memory_space<vmem>>, vector<16xf32>,
          tpu.vector_store %arg7[%swap3A_694, %swap3A_695, %swap3A_696], %get3A_692 {add = true, strides = array<i32>} : memref<4x4x4096xf32, #tpu.memory_space<vmem>>, vector<16xf32>,
          %scan3A_698 = arith.constant 8 : i32
          %scan3A_699 = arith.addi %scan3A_588, %scan3A_698 : i32
          %mul3A_700 = arith.constant 16 : i32
          %mul3A_701 = arith.muli %scan3A_699, %mul3A_700 : i32
          %get3A_702 = arith.constant 1 : i32
          %get3A_703 = arith.index_cast %get3A_702 : i32 to index
          %get3A_704 = arith.index_cast %while3A_537 : i32 to index
          %get3A_705 = arith.index_cast %mul3A_701 : i32 to index
          %get3A_706 = tpu.vector_load %arg8[%get3A_703, %get3A_704, %get3A_705] {strides = array<i32>} : memref<2x4x4096xf32, #tpu.memory_space<vmem>>, vector<16xf32>,
          %swap3A_707 = arith.constant 3 : i32
          %swap3A_708 = arith.index_cast %swap3A_707 : i32 to index
          %swap3A_709 = arith.index_cast %sub3A_581 : i32 to index
          %swap3A_710 = arith.index_cast %mul3A_701 : i32 to index
          %swap3A_711 = tpu.vector_load %arg7[%swap3A_708, %swap3A_709, %swap3A_710] {strides = array<i32>} : memref<4x4x4096xf32, #tpu.memory_space<vmem>>, vector<16xf32>,
          tpu.vector_store %arg7[%swap3A_708, %swap3A_709, %swap3A_710], %get3A_706 {add = true, strides = array<i32>} : memref<4x4x4096xf32, #tpu.memory_space<vmem>>, vector<16xf32>,
          %scan3A_712 = arith.constant 9 : i32
          %scan3A_713 = arith.addi %scan3A_588, %scan3A_712 : i32
          %mul3A_714 = arith.constant 16 : i32
          %mul3A_715 = arith.muli %scan3A_713, %mul3A_714 : i32
          %get3A_716 = arith.constant 1 : i32
          %get3A_717 = arith.index_cast %get3A_716 : i32 to index
          %get3A_718 = arith.index_cast %while3A_537 : i32 to index
          %get3A_719 = arith.index_cast %mul3A_715 : i32 to index
          %get3A_720 = tpu.vector_load %arg8[%get3A_717, %get3A_718, %get3A_719] {strides = array<i32>} : memref<2x4x4096xf32, #tpu.memory_space<vmem>>, vector<16xf32>,
          %swap3A_721 = arith.constant 3 : i32
          %swap3A_722 = arith.index_cast %swap3A_721 : i32 to index
          %swap3A_723 = arith.index_cast %sub3A_581 : i32 to index
          %swap3A_724 = arith.index_cast %mul3A_715 : i32 to index
          %swap3A_725 = tpu.vector_load %arg7[%swap3A_722, %swap3A_723, %swap3A_724] {strides = array<i32>} : memref<4x4x4096xf32, #tpu.memory_space<vmem>>, vector<16xf32>,
          tpu.vector_store %arg7[%swap3A_722, %swap3A_723, %swap3A_724], %get3A_720 {add = true, strides = array<i32>} : memref<4x4x4096xf32, #tpu.memory_space<vmem>>, vector<16xf32>,
          %scan3A_726 = arith.constant 10 : i32
          %scan3A_727 = arith.addi %scan3A_588, %scan3A_726 : i32
          %mul3A_728 = arith.constant 16 : i32
          %mul3A_729 = arith.muli %scan3A_727, %mul3A_728 : i32
          %get3A_730 = arith.constant 1 : i32
          %get3A_731 = arith.index_cast %get3A_730 : i32 to index
          %get3A_732 = arith.index_cast %while3A_537 : i32 to index
          %get3A_733 = arith.index_cast %mul3A_729 : i32 to index
          %get3A_734 = tpu.vector_load %arg8[%get3A_731, %get3A_732, %get3A_733] {strides = array<i32>} : memref<2x4x4096xf32, #tpu.memory_space<vmem>>, vector<16xf32>,
          %swap3A_735 = arith.constant 3 : i32
          %swap3A_736 = arith.index_cast %swap3A_735 : i32 to index
          %swap3A_737 = arith.index_cast %sub3A_581 : i32 to index
          %swap3A_738 = arith.index_cast %mul3A_729 : i32 to index
          %swap3A_739 = tpu.vector_load %arg7[%swap3A_736, %swap3A_737, %swap3A_738] {strides = array<i32>} : memref<4x4x4096xf32, #tpu.memory_space<vmem>>, vector<16xf32>,
          tpu.vector_store %arg7[%swap3A_736, %swap3A_737, %swap3A_738], %get3A_734 {add = true, strides = array<i32>} : memref<4x4x4096xf32, #tpu.memory_space<vmem>>, vector<16xf32>,
          %scan3A_740 = arith.constant 11 : i32
          %scan3A_741 = arith.addi %scan3A_588, %scan3A_740 : i32
          %mul3A_742 = arith.constant 16 : i32
          %mul3A_743 = arith.muli %scan3A_741, %mul3A_742 : i32
          %get3A_744 = arith.constant 1 : i32
          %get3A_745 = arith.index_cast %get3A_744 : i32 to index
          %get3A_746 = arith.index_cast %while3A_537 : i32 to index
          %get3A_747 = arith.index_cast %mul3A_743 : i32 to index
          %get3A_748 = tpu.vector_load %arg8[%get3A_745, %get3A_746, %get3A_747] {strides = array<i32>} : memref<2x4x4096xf32, #tpu.memory_space<vmem>>, vector<16xf32>,
          %swap3A_749 = arith.constant 3 : i32
          %swap3A_750 = arith.index_cast %swap3A_749 : i32 to index
          %swap3A_751 = arith.index_cast %sub3A_581 : i32 to index
          %swap3A_752 = arith.index_cast %mul3A_743 : i32 to index
          %swap3A_753 = tpu.vector_load %arg7[%swap3A_750, %swap3A_751, %swap3A_752] {strides = array<i32>} : memref<4x4x4096xf32, #tpu.memory_space<vmem>>, vector<16xf32>,
          tpu.vector_store %arg7[%swap3A_750, %swap3A_751, %swap3A_752], %get3A_748 {add = true, strides = array<i32>} : memref<4x4x4096xf32, #tpu.memory_space<vmem>>, vector<16xf32>,
          %scan3A_754 = arith.constant 12 : i32
          %scan3A_755 = arith.addi %scan3A_588, %scan3A_754 : i32
          %mul3A_756 = arith.constant 16 : i32
          %mul3A_757 = arith.muli %scan3A_755, %mul3A_756 : i32
          %get3A_758 = arith.constant 1 : i32
          %get3A_759 = arith.index_cast %get3A_758 : i32 to index
          %get3A_760 = arith.index_cast %while3A_537 : i32 to index
          %get3A_761 = arith.index_cast %mul3A_757 : i32 to index
          %get3A_762 = tpu.vector_load %arg8[%get3A_759, %get3A_760, %get3A_761] {strides = array<i32>} : memref<2x4x4096xf32, #tpu.memory_space<vmem>>, vector<16xf32>,
          %swap3A_763 = arith.constant 3 : i32
          %swap3A_764 = arith.index_cast %swap3A_763 : i32 to index
          %swap3A_765 = arith.index_cast %sub3A_581 : i32 to index
          %swap3A_766 = arith.index_cast %mul3A_757 : i32 to index
          %swap3A_767 = tpu.vector_load %arg7[%swap3A_764, %swap3A_765, %swap3A_766] {strides = array<i32>} : memref<4x4x4096xf32, #tpu.memory_space<vmem>>, vector<16xf32>,
          tpu.vector_store %arg7[%swap3A_764, %swap3A_765, %swap3A_766], %get3A_762 {add = true, strides = array<i32>} : memref<4x4x4096xf32, #tpu.memory_space<vmem>>, vector<16xf32>,
          %scan3A_768 = arith.constant 13 : i32
          %scan3A_769 = arith.addi %scan3A_588, %scan3A_768 : i32
          %mul3A_770 = arith.constant 16 : i32
          %mul3A_771 = arith.muli %scan3A_769, %mul3A_770 : i32
          %get3A_772 = arith.constant 1 : i32
          %get3A_773 = arith.index_cast %get3A_772 : i32 to index
          %get3A_774 = arith.index_cast %while3A_537 : i32 to index
          %get3A_775 = arith.index_cast %mul3A_771 : i32 to index
          %get3A_776 = tpu.vector_load %arg8[%get3A_773, %get3A_774, %get3A_775] {strides = array<i32>} : memref<2x4x4096xf32, #tpu.memory_space<vmem>>, vector<16xf32>,
          %swap3A_777 = arith.constant 3 : i32
          %swap3A_778 = arith.index_cast %swap3A_777 : i32 to index
          %swap3A_779 = arith.index_cast %sub3A_581 : i32 to index
          %swap3A_780 = arith.index_cast %mul3A_771 : i32 to index
          %swap3A_781 = tpu.vector_load %arg7[%swap3A_778, %swap3A_779, %swap3A_780] {strides = array<i32>} : memref<4x4x4096xf32, #tpu.memory_space<vmem>>, vector<16xf32>,
          tpu.vector_store %arg7[%swap3A_778, %swap3A_779, %swap3A_780], %get3A_776 {add = true, strides = array<i32>} : memref<4x4x4096xf32, #tpu.memory_space<vmem>>, vector<16xf32>,
          %scan3A_782 = arith.constant 14 : i32
          %scan3A_783 = arith.addi %scan3A_588, %scan3A_782 : i32
          %mul3A_784 = arith.constant 16 : i32
          %mul3A_785 = arith.muli %scan3A_783, %mul3A_784 : i32
          %get3A_786 = arith.constant 1 : i32
          %get3A_787 = arith.index_cast %get3A_786 : i32 to index
          %get3A_788 = arith.index_cast %while3A_537 : i32 to index
          %get3A_789 = arith.index_cast %mul3A_785 : i32 to index
          %get3A_790 = tpu.vector_load %arg8[%get3A_787, %get3A_788, %get3A_789] {strides = array<i32>} : memref<2x4x4096xf32, #tpu.memory_space<vmem>>, vector<16xf32>,
          %swap3A_791 = arith.constant 3 : i32
          %swap3A_792 = arith.index_cast %swap3A_791 : i32 to index
          %swap3A_793 = arith.index_cast %sub3A_581 : i32 to index
          %swap3A_794 = arith.index_cast %mul3A_785 : i32 to index
          %swap3A_795 = tpu.vector_load %arg7[%swap3A_792, %swap3A_793, %swap3A_794] {strides = array<i32>} : memref<4x4x4096xf32, #tpu.memory_space<vmem>>, vector<16xf32>,
          tpu.vector_store %arg7[%swap3A_792, %swap3A_793, %swap3A_794], %get3A_790 {add = true, strides = array<i32>} : memref<4x4x4096xf32, #tpu.memory_space<vmem>>, vector<16xf32>,
          %scan3A_796 = arith.constant 15 : i32
          %scan3A_797 = arith.addi %scan3A_588, %scan3A_796 : i32
          %mul3A_798 = arith.constant 16 : i32
          %mul3A_799 = arith.muli %scan3A_797, %mul3A_798 : i32
          %get3A_800 = arith.constant 1 : i32
          %get3A_801 = arith.index_cast %get3A_800 : i32 to index
          %get3A_802 = arith.index_cast %while3A_537 : i32 to index
          %get3A_803 = arith.index_cast %mul3A_799 : i32 to index
          %get3A_804 = tpu.vector_load %arg8[%get3A_801, %get3A_802, %get3A_803] {strides = array<i32>} : memref<2x4x4096xf32, #tpu.memory_space<vmem>>, vector<16xf32>,
          %swap3A_805 = arith.constant 3 : i32
          %swap3A_806 = arith.index_cast %swap3A_805 : i32 to index
          %swap3A_807 = arith.index_cast %sub3A_581 : i32 to index
          %swap3A_808 = arith.index_cast %mul3A_799 : i32 to index
          %swap3A_809 = tpu.vector_load %arg7[%swap3A_806, %swap3A_807, %swap3A_808] {strides = array<i32>} : memref<4x4x4096xf32, #tpu.memory_space<vmem>>, vector<16xf32>,
          tpu.vector_store %arg7[%swap3A_806, %swap3A_807, %swap3A_808], %get3A_804 {add = true, strides = array<i32>} : memref<4x4x4096xf32, #tpu.memory_space<vmem>>, vector<16xf32>,
        }
        %scan3A_587 = arith.constant 256 : i32
      }
      %add3A_469 = arith.constant 2 : i32
      %add3A_470 = arith.addi %add3A_427, %add3A_469 : i32
      %jit3A_471 = arith.constant 16 : i32
      %div3A_472 = arith.divsi %add3A_470, %jit3A_471 : i32
      %sign3A_473 = arith.constant 0 : i32
      %sign3A_474 = arith.cmpi sgt, %add3A_470, %sign3A_473 : i32
      %sign3A_475 = arith.extui %sign3A_474 : i1 to i32
      %sign3A_476 = arith.constant 0 : i32
      %sign3A_477 = arith.cmpi slt, %add3A_470, %sign3A_476 : i32
      %sign3A_478 = arith.extui %sign3A_477 : i1 to i32
      %sign3A_479 = arith.subi %sign3A_475, %sign3A_478 : i32
      %sign3A_480 = arith.constant 0 : i32
      %sign3A_481 = arith.cmpi sgt, %jit3A_471, %sign3A_480 : i32
      %sign3A_482 = arith.extui %sign3A_481 : i1 to i32
      %sign3A_483 = arith.constant 0 : i32
      %sign3A_484 = arith.cmpi slt, %jit3A_471, %sign3A_483 : i32
      %sign3A_485 = arith.extui %sign3A_484 : i1 to i32
      %sign3A_486 = arith.subi %sign3A_482, %sign3A_485 : i32
      %ne3A_487 = arith.cmpi ne, %sign3A_479, %sign3A_486 : i32
      %rem3A_488 = arith.remsi %add3A_470, %jit3A_471 : i32
      %ne3A_489 = arith.constant 0 : i32
      %ne3A_490 = arith.cmpi ne, %rem3A_488, %ne3A_489 : i32
      %and3A_491 = arith.andi %ne3A_487, %ne3A_490 : i1
      %sub3A_492 = arith.constant 1 : i32
      %sub3A_493 = arith.subi %div3A_472, %sub3A_492 : i32
      %select_n3A_494 = arith.select %and3A_491, %sub3A_493, %div3A_472 : i32
      %mul3A_495 = arith.constant 16 : i32
      %mul3A_496 = arith.muli %select_n3A_494, %mul3A_495 : i32
      %get3A_497 = arith.index_cast %mul3A_496 : i32 to index
      %get3A_498 = tpu.vector_load %arg10[%get3A_497] {strides = array<i32>} : memref<96xi32, #tpu.memory_space<vmem>>, vector<16xi32>,
      %iota3A_499 = tpu.iota {dimensions = array<i32: 0>} : vector<16xi32>
      %sub3A_500 = arith.subi %add3A_470, %mul3A_496 : i32
      %eq3A_501 = vector.broadcast %sub3A_500 : i32 to vector<16xi32>
      %eq3A_502 = arith.cmpi eq, %iota3A_499, %eq3A_501 : vector<16xi32>
      %jit3A_503 = arith.constant 0 : i32
      %broadcast_in_dim3A_504 = vector.broadcast %jit3A_503 : i32 to vector<16xi32>
      %select_n3A_505 = arith.select %eq3A_502, %get3A_498, %broadcast_in_dim3A_504 : vector<16xi1>, vector<16xi32>
      %reduce_sum3A_506 = arith.constant true
      %reduce_sum3A_507 = vector.broadcast %reduce_sum3A_506 : i1 to vector<16xi1>
      %reduce_sum3A_508 = tpu.scan <sum>, %select_n3A_505 masked %reduce_sum3A_507 : vector<16xi32>, vector<16xi1> -> vector<16xi32>
      %reduce_sum3A_509 = vector.extract %reduce_sum3A_508[15] : i32 from vector<16xi32>
      %sub3A_510 = arith.subi %reduce_sum3A_509, %reduce_sum3A_396 : i32
      %while3A_511 = arith.constant 0 : i32
      %while3A_512 = arith.constant 0 : i32
      %while3A_513 = arith.subi %sub3A_510, %while3A_512 : i32
      %while3A_514 = arith.addi %while3A_512, %while3A_513 : i32
      %while3A_515 = arith.constant 1 : i32
      %while3A_516 = arith.divsi %while3A_513, %while3A_515 : i32
      %while3A_517 = arith.muli %while3A_516, %while3A_515 : i32
      %while3A_518 = arith.addi %while3A_512, %while3A_517 : i32
      %while3A_519 = arith.constant 1 : i32
      scf.for %while3A_537 = %while3A_512 to %while3A_518 step %while3A_519  : i32 {
        %add3A_538 = arith.addi %reduce_sum3A_396, %while3A_537 : i32
        %jit3A_539 = arith.constant 16 : i32
        %div3A_540 = arith.divsi %add3A_538, %jit3A_539 : i32
        %sign3A_541 = arith.constant 0 : i32
        %sign3A_542 = arith.cmpi sgt, %add3A_538, %sign3A_541 : i32
        %sign3A_543 = arith.extui %sign3A_542 : i1 to i32
        %sign3A_544 = arith.constant 0 : i32
        %sign3A_545 = arith.cmpi slt, %add3A_538, %sign3A_544 : i32
        %sign3A_546 = arith.extui %sign3A_545 : i1 to i32
        %sign3A_547 = arith.subi %sign3A_543, %sign3A_546 : i32
        %sign3A_548 = arith.constant 0 : i32
        %sign3A_549 = arith.cmpi sgt, %jit3A_539, %sign3A_548 : i32
        %sign3A_550 = arith.extui %sign3A_549 : i1 to i32
        %sign3A_551 = arith.constant 0 : i32
        %sign3A_552 = arith.cmpi slt, %jit3A_539, %sign3A_551 : i32
        %sign3A_553 = arith.extui %sign3A_552 : i1 to i32
        %sign3A_554 = arith.subi %sign3A_550, %sign3A_553 : i32
        %ne3A_555 = arith.cmpi ne, %sign3A_547, %sign3A_554 : i32
        %rem3A_556 = arith.remsi %add3A_538, %jit3A_539 : i32
        %ne3A_557 = arith.constant 0 : i32
        %ne3A_558 = arith.cmpi ne, %rem3A_556, %ne3A_557 : i32
        %and3A_559 = arith.andi %ne3A_555, %ne3A_558 : i1
        %sub3A_560 = arith.constant 1 : i32
        %sub3A_561 = arith.subi %div3A_540, %sub3A_560 : i32
        %select_n3A_562 = arith.select %and3A_559, %sub3A_561, %div3A_540 : i32
        %mul3A_563 = arith.constant 16 : i32
        %mul3A_564 = arith.muli %select_n3A_562, %mul3A_563 : i32
        %get3A_565 = arith.index_cast %mul3A_564 : i32 to index
        %get3A_566 = tpu.vector_load %arg9[%get3A_565] {strides = array<i32>} : memref<128xi32, #tpu.memory_space<vmem>>, vector<16xi32>,
        %iota3A_567 = tpu.iota {dimensions = array<i32: 0>} : vector<16xi32>
        %sub3A_568 = arith.subi %add3A_538, %mul3A_564 : i32
        %eq3A_569 = vector.broadcast %sub3A_568 : i32 to vector<16xi32>
        %eq3A_570 = arith.cmpi eq, %iota3A_567, %eq3A_569 : vector<16xi32>
        %jit3A_571 = arith.constant 0 : i32
        %broadcast_in_dim3A_572 = vector.broadcast %jit3A_571 : i32 to vector<16xi32>
        %select_n3A_573 = arith.select %eq3A_570, %get3A_566, %broadcast_in_dim3A_572 : vector<16xi1>, vector<16xi32>
        %reduce_sum3A_574 = arith.constant true
        %reduce_sum3A_575 = vector.broadcast %reduce_sum3A_574 : i1 to vector<16xi1>
        %reduce_sum3A_576 = tpu.scan <sum>, %select_n3A_573 masked %reduce_sum3A_575 : vector<16xi32>, vector<16xi1> -> vector<16xi32>
        %reduce_sum3A_577 = vector.extract %reduce_sum3A_576[15] : i32 from vector<16xi32>
        %dma_start3A_578 = arith.constant 0 : i32
        %dma_start3A_579 = arith.constant 0 : i32
        %dma_start3A_580 = tpu.memref_slice %arg8[%dma_start3A_578, %while3A_537, %dma_start3A_579] : memref<2x4x4096xf32, #tpu.memory_space<vmem>> -> memref<1x1x4096xf32, #tpu.memory_space<vmem>>
        %dma_start3A_581 = tpu.memref_squeeze %dma_start3A_580 : memref<1x1x4096xf32, #tpu.memory_space<vmem>> -> memref<1x4096xf32, #tpu.memory_space<vmem>>
        %dma_start3A_582 = arith.constant 0 : i32
        %dma_start3A_583 = tpu.memref_slice %arg3[%reduce_sum3A_577, %dma_start3A_582] : memref<8192x4096xf32, #tpu.memory_space<hbm>> -> memref<1x4096xf32, #tpu.memory_space<hbm>>
        %dma_start3A_584 = arith.constant 0 : i32
        %dma_start3A_585 = tpu.memref_slice %arg8[%dma_start3A_578, %while3A_537, %dma_start3A_584] : memref<2x4x4096xf32, #tpu.memory_space<vmem>> -> memref<1x1x4096xf32, #tpu.memory_space<vmem>>
        %dma_start3A_586 = tpu.memref_squeeze %dma_start3A_585 : memref<1x1x4096xf32, #tpu.memory_space<vmem>> -> memref<1x4096xf32, #tpu.memory_space<vmem>>
        %dma_start3A_587 = arith.constant 0 : i32
        %dma_start3A_588 = tpu.memref_slice %arg3[%reduce_sum3A_577, %dma_start3A_587] : memref<8192x4096xf32, #tpu.memory_space<hbm>> -> memref<1x4096xf32, #tpu.memory_space<hbm>>
        tpu.enqueue_dma source(%dma_start3A_588 : memref<1x4096xf32, #tpu.memory_space<hbm>>) target(%dma_start3A_586 : memref<1x4096xf32, #tpu.memory_space<vmem>>) target_semaphore(%arg19 : memref<!tpu.dma_semaphore, #tpu.memory_space<semaphore_mem>>)
      }
      %while3A_520 = arith.constant 1 : i32
      scf.for %while3A_537 = %while3A_518 to %while3A_514 step %while3A_520  : i32 {
        %add3A_538 = arith.addi %reduce_sum3A_396, %while3A_537 : i32
        %jit3A_539 = arith.constant 16 : i32
        %div3A_540 = arith.divsi %add3A_538, %jit3A_539 : i32
        %sign3A_541 = arith.constant 0 : i32
        %sign3A_542 = arith.cmpi sgt, %add3A_538, %sign3A_541 : i32
        %sign3A_543 = arith.extui %sign3A_542 : i1 to i32
        %sign3A_544 = arith.constant 0 : i32
        %sign3A_545 = arith.cmpi slt, %add3A_538, %sign3A_544 : i32
        %sign3A_546 = arith.extui %sign3A_545 : i1 to i32
        %sign3A_547 = arith.subi %sign3A_543, %sign3A_546 : i32
        %sign3A_548 = arith.constant 0 : i32
        %sign3A_549 = arith.cmpi sgt, %jit3A_539, %sign3A_548 : i32
        %sign3A_550 = arith.extui %sign3A_549 : i1 to i32
        %sign3A_551 = arith.constant 0 : i32
        %sign3A_552 = arith.cmpi slt, %jit3A_539, %sign3A_551 : i32
        %sign3A_553 = arith.extui %sign3A_552 : i1 to i32
        %sign3A_554 = arith.subi %sign3A_550, %sign3A_553 : i32
        %ne3A_555 = arith.cmpi ne, %sign3A_547, %sign3A_554 : i32
        %rem3A_556 = arith.remsi %add3A_538, %jit3A_539 : i32
        %ne3A_557 = arith.constant 0 : i32
        %ne3A_558 = arith.cmpi ne, %rem3A_556, %ne3A_557 : i32
        %and3A_559 = arith.andi %ne3A_555, %ne3A_558 : i1
        %sub3A_560 = arith.constant 1 : i32
        %sub3A_561 = arith.subi %div3A_540, %sub3A_560 : i32
        %select_n3A_562 = arith.select %and3A_559, %sub3A_561, %div3A_540 : i32
        %mul3A_563 = arith.constant 16 : i32
        %mul3A_564 = arith.muli %select_n3A_562, %mul3A_563 : i32
        %get3A_565 = arith.index_cast %mul3A_564 : i32 to index
        %get3A_566 = tpu.vector_load %arg9[%get3A_565] {strides = array<i32>} : memref<128xi32, #tpu.memory_space<vmem>>, vector<16xi32>,
        %iota3A_567 = tpu.iota {dimensions = array<i32: 0>} : vector<16xi32>
        %sub3A_568 = arith.subi %add3A_538, %mul3A_564 : i32
        %eq3A_569 = vector.broadcast %sub3A_568 : i32 to vector<16xi32>
        %eq3A_570 = arith.cmpi eq, %iota3A_567, %eq3A_569 : vector<16xi32>
        %jit3A_571 = arith.constant 0 : i32
        %broadcast_in_dim3A_572 = vector.broadcast %jit3A_571 : i32 to vector<16xi32>
        %select_n3A_573 = arith.select %eq3A_570, %get3A_566, %broadcast_in_dim3A_572 : vector<16xi1>, vector<16xi32>
        %reduce_sum3A_574 = arith.constant true
        %reduce_sum3A_575 = vector.broadcast %reduce_sum3A_574 : i1 to vector<16xi1>
        %reduce_sum3A_576 = tpu.scan <sum>, %select_n3A_573 masked %reduce_sum3A_575 : vector<16xi32>, vector<16xi1> -> vector<16xi32>
        %reduce_sum3A_577 = vector.extract %reduce_sum3A_576[15] : i32 from vector<16xi32>
        %dma_start3A_578 = arith.constant 0 : i32
        %dma_start3A_579 = arith.constant 0 : i32
        %dma_start3A_580 = tpu.memref_slice %arg8[%dma_start3A_578, %while3A_537, %dma_start3A_579] : memref<2x4x4096xf32, #tpu.memory_space<vmem>> -> memref<1x1x4096xf32, #tpu.memory_space<vmem>>
        %dma_start3A_581 = tpu.memref_squeeze %dma_start3A_580 : memref<1x1x4096xf32, #tpu.memory_space<vmem>> -> memref<1x4096xf32, #tpu.memory_space<vmem>>
        %dma_start3A_582 = arith.constant 0 : i32
        %dma_start3A_583 = tpu.memref_slice %arg3[%reduce_sum3A_577, %dma_start3A_582] : memref<8192x4096xf32, #tpu.memory_space<hbm>> -> memref<1x4096xf32, #tpu.memory_space<hbm>>
        %dma_start3A_584 = arith.constant 0 : i32
        %dma_start3A_585 = tpu.memref_slice %arg8[%dma_start3A_578, %while3A_537, %dma_start3A_584] : memref<2x4x4096xf32, #tpu.memory_space<vmem>> -> memref<1x1x4096xf32, #tpu.memory_space<vmem>>
        %dma_start3A_586 = tpu.memref_squeeze %dma_start3A_585 : memref<1x1x4096xf32, #tpu.memory_space<vmem>> -> memref<1x4096xf32, #tpu.memory_space<vmem>>
        %dma_start3A_587 = arith.constant 0 : i32
        %dma_start3A_588 = tpu.memref_slice %arg3[%reduce_sum3A_577, %dma_start3A_587] : memref<8192x4096xf32, #tpu.memory_space<hbm>> -> memref<1x4096xf32, #tpu.memory_space<hbm>>
        tpu.enqueue_dma source(%dma_start3A_588 : memref<1x4096xf32, #tpu.memory_space<hbm>>) target(%dma_start3A_586 : memref<1x4096xf32, #tpu.memory_space<vmem>>) target_semaphore(%arg19 : memref<!tpu.dma_semaphore, #tpu.memory_space<semaphore_mem>>)
      }
      %mul3A_521 = arith.constant 4 : i32
      %mul3A_522 = arith.muli %add3A_427, %mul3A_521 : i32
      %add3A_523 = arith.addi %mul3A_2, %mul3A_522 : i32
      %dma_start3A_524 = arith.constant 3 : i32
      %dma_start3A_525 = arith.constant 0 : i32
      %dma_start3A_526 = arith.constant 0 : i32
      %dma_start3A_527 = tpu.memref_slice %arg7[%dma_start3A_524, %dma_start3A_525, %dma_start3A_526] : memref<4x4x4096xf32, #tpu.memory_space<vmem>> -> memref<1x4x4096xf32, #tpu.memory_space<vmem>>
      %dma_start3A_528 = tpu.memref_squeeze %dma_start3A_527 : memref<1x4x4096xf32, #tpu.memory_space<vmem>> -> memref<4x4096xf32, #tpu.memory_space<vmem>>
      %dma_start3A_529 = arith.constant 0 : i32
      %dma_start3A_530 = tpu.memref_slice %arg6[%add3A_523, %dma_start3A_529] : memref<4096x4096xf32, #tpu.memory_space<hbm>> -> memref<4x4096xf32, #tpu.memory_space<hbm>>
      %dma_start3A_531 = arith.constant 0 : i32
      %dma_start3A_532 = tpu.memref_slice %arg6[%add3A_523, %dma_start3A_531] : memref<4096x4096xf32, #tpu.memory_space<hbm>> -> memref<4x4096xf32, #tpu.memory_space<hbm>>
      %dma_start3A_533 = arith.constant 0 : i32
      %dma_start3A_534 = arith.constant 0 : i32
      %dma_start3A_535 = tpu.memref_slice %arg7[%dma_start3A_524, %dma_start3A_533, %dma_start3A_534] : memref<4x4x4096xf32, #tpu.memory_space<vmem>> -> memref<1x4x4096xf32, #tpu.memory_space<vmem>>
      %dma_start3A_536 = tpu.memref_squeeze %dma_start3A_535 : memref<1x4x4096xf32, #tpu.memory_space<vmem>> -> memref<4x4096xf32, #tpu.memory_space<vmem>>
      tpu.enqueue_dma source(%dma_start3A_536 : memref<4x4096xf32, #tpu.memory_space<vmem>>) target(%dma_start3A_532 : memref<4x4096xf32, #tpu.memory_space<hbm>>) target_semaphore(%arg18 : memref<!tpu.dma_semaphore, #tpu.memory_space<semaphore_mem>>)
      scf.yield %reduce_sum3A_396, %reduce_sum3A_509 : i32, i32
    }
    %scan3A_38 = arith.constant 8 : i32
    %dma_wait3A = arith.constant 0 : i32
    %dma_wait3A_39 = arith.constant 0 : i32
    %dma_wait3A_40 = arith.constant 0 : i32
    %dma_wait3A_41 = tpu.memref_slice %arg7[%dma_wait3A, %dma_wait3A_39, %dma_wait3A_40] : memref<4x4x4096xf32, #tpu.memory_space<vmem>> -> memref<1x4x4096xf32, #tpu.memory_space<vmem>>
    %dma_wait3A_42 = tpu.memref_squeeze %dma_wait3A_41 : memref<1x4x4096xf32, #tpu.memory_space<vmem>> -> memref<4x4096xf32, #tpu.memory_space<vmem>>
    %dma_wait3A_43 = arith.constant 0 : i32
    %dma_wait3A_44 = tpu.memref_slice %arg6[%mul3A_2, %dma_wait3A_43] : memref<4096x4096xf32, #tpu.memory_space<hbm>> -> memref<4x4096xf32, #tpu.memory_space<hbm>>
    %dma_wait3A_45 = arith.constant 0 : i32
    %dma_wait3A_46 = tpu.memref_slice %arg6[%mul3A_2, %dma_wait3A_45] : memref<4096x4096xf32, #tpu.memory_space<hbm>> -> memref<4x4096xf32, #tpu.memory_space<hbm>>
    %dma_wait3A_47 = arith.constant 0 : i32
    %dma_wait3A_48 = arith.constant 0 : i32
    %dma_wait3A_49 = tpu.memref_slice %arg7[%dma_wait3A, %dma_wait3A_47, %dma_wait3A_48] : memref<4x4x4096xf32, #tpu.memory_space<vmem>> -> memref<1x4x4096xf32, #tpu.memory_space<vmem>>
    %dma_wait3A_50 = tpu.memref_squeeze %dma_wait3A_49 : memref<1x4x4096xf32, #tpu.memory_space<vmem>> -> memref<4x4096xf32, #tpu.memory_space<vmem>>
    tpu.wait_dma2 semaphore(%arg15 : memref<!tpu.dma_semaphore, #tpu.memory_space<semaphore_mem>>) src(%dma_wait3A_50 : memref<4x4096xf32, #tpu.memory_space<vmem>>) dst(%dma_wait3A_46 : memref<4x4096xf32, #tpu.memory_space<hbm>>)
    %dma_wait3A_51 = arith.constant 1 : i32
    %dma_wait3A_52 = arith.constant 0 : i32
    %dma_wait3A_53 = arith.constant 0 : i32
    %dma_wait3A_54 = tpu.memref_slice %arg7[%dma_wait3A_51, %dma_wait3A_52, %dma_wait3A_53] : memref<4x4x4096xf32, #tpu.memory_space<vmem>> -> memref<1x4x4096xf32, #tpu.memory_space<vmem>>
    %dma_wait3A_55 = tpu.memref_squeeze %dma_wait3A_54 : memref<1x4x4096xf32, #tpu.memory_space<vmem>> -> memref<4x4096xf32, #tpu.memory_space<vmem>>
    %dma_wait3A_56 = arith.constant 0 : i32
    %dma_wait3A_57 = tpu.memref_slice %arg6[%mul3A_2, %dma_wait3A_56] : memref<4096x4096xf32, #tpu.memory_space<hbm>> -> memref<4x4096xf32, #tpu.memory_space<hbm>>
    %dma_wait3A_58 = arith.constant 0 : i32
    %dma_wait3A_59 = tpu.memref_slice %arg6[%mul3A_2, %dma_wait3A_58] : memref<4096x4096xf32, #tpu.memory_space<hbm>> -> memref<4x4096xf32, #tpu.memory_space<hbm>>
    %dma_wait3A_60 = arith.constant 0 : i32
    %dma_wait3A_61 = arith.constant 0 : i32
    %dma_wait3A_62 = tpu.memref_slice %arg7[%dma_wait3A_51, %dma_wait3A_60, %dma_wait3A_61] : memref<4x4x4096xf32, #tpu.memory_space<vmem>> -> memref<1x4x4096xf32, #tpu.memory_space<vmem>>
    %dma_wait3A_63 = tpu.memref_squeeze %dma_wait3A_62 : memref<1x4x4096xf32, #tpu.memory_space<vmem>> -> memref<4x4096xf32, #tpu.memory_space<vmem>>
    tpu.wait_dma2 semaphore(%arg16 : memref<!tpu.dma_semaphore, #tpu.memory_space<semaphore_mem>>) src(%dma_wait3A_63 : memref<4x4096xf32, #tpu.memory_space<vmem>>) dst(%dma_wait3A_59 : memref<4x4096xf32, #tpu.memory_space<hbm>>)
    %dma_wait3A_64 = arith.constant 2 : i32
    %dma_wait3A_65 = arith.constant 0 : i32
    %dma_wait3A_66 = arith.constant 0 : i32
    %dma_wait3A_67 = tpu.memref_slice %arg7[%dma_wait3A_64, %dma_wait3A_65, %dma_wait3A_66] : memref<4x4x4096xf32, #tpu.memory_space<vmem>> -> memref<1x4x4096xf32, #tpu.memory_space<vmem>>
    %dma_wait3A_68 = tpu.memref_squeeze %dma_wait3A_67 : memref<1x4x4096xf32, #tpu.memory_space<vmem>> -> memref<4x4096xf32, #tpu.memory_space<vmem>>
    %dma_wait3A_69 = arith.constant 0 : i32
    %dma_wait3A_70 = tpu.memref_slice %arg6[%mul3A_2, %dma_wait3A_69] : memref<4096x4096xf32, #tpu.memory_space<hbm>> -> memref<4x4096xf32, #tpu.memory_space<hbm>>
    %dma_wait3A_71 = arith.constant 0 : i32
    %dma_wait3A_72 = tpu.memref_slice %arg6[%mul3A_2, %dma_wait3A_71] : memref<4096x4096xf32, #tpu.memory_space<hbm>> -> memref<4x4096xf32, #tpu.memory_space<hbm>>
    %dma_wait3A_73 = arith.constant 0 : i32
    %dma_wait3A_74 = arith.constant 0 : i32
    %dma_wait3A_75 = tpu.memref_slice %arg7[%dma_wait3A_64, %dma_wait3A_73, %dma_wait3A_74] : memref<4x4x4096xf32, #tpu.memory_space<vmem>> -> memref<1x4x4096xf32, #tpu.memory_space<vmem>>
    %dma_wait3A_76 = tpu.memref_squeeze %dma_wait3A_75 : memref<1x4x4096xf32, #tpu.memory_space<vmem>> -> memref<4x4096xf32, #tpu.memory_space<vmem>>
    tpu.wait_dma2 semaphore(%arg17 : memref<!tpu.dma_semaphore, #tpu.memory_space<semaphore_mem>>) src(%dma_wait3A_76 : memref<4x4096xf32, #tpu.memory_space<vmem>>) dst(%dma_wait3A_72 : memref<4x4096xf32, #tpu.memory_space<hbm>>)
    %dma_wait3A_77 = arith.constant 3 : i32
    %dma_wait3A_78 = arith.constant 0 : i32
    %dma_wait3A_79 = arith.constant 0 : i32
    %dma_wait3A_80 = tpu.memref_slice %arg7[%dma_wait3A_77, %dma_wait3A_78, %dma_wait3A_79] : memref<4x4x4096xf32, #tpu.memory_space<vmem>> -> memref<1x4x4096xf32, #tpu.memory_space<vmem>>
    %dma_wait3A_81 = tpu.memref_squeeze %dma_wait3A_80 : memref<1x4x4096xf32, #tpu.memory_space<vmem>> -> memref<4x4096xf32, #tpu.memory_space<vmem>>
    %dma_wait3A_82 = arith.constant 0 : i32
    %dma_wait3A_83 = tpu.memref_slice %arg6[%mul3A_2, %dma_wait3A_82] : memref<4096x4096xf32, #tpu.memory_space<hbm>> -> memref<4x4096xf32, #tpu.memory_space<hbm>>
    %dma_wait3A_84 = arith.constant 0 : i32
    %dma_wait3A_85 = tpu.memref_slice %arg6[%mul3A_2, %dma_wait3A_84] : memref<4096x4096xf32, #tpu.memory_space<hbm>> -> memref<4x4096xf32, #tpu.memory_space<hbm>>
    %dma_wait3A_86 = arith.constant 0 : i32
    %dma_wait3A_87 = arith.constant 0 : i32
    %dma_wait3A_88 = tpu.memref_slice %arg7[%dma_wait3A_77, %dma_wait3A_86, %dma_wait3A_87] : memref<4x4x4096xf32, #tpu.memory_space<vmem>> -> memref<1x4x4096xf32, #tpu.memory_space<vmem>>
    %dma_wait3A_89 = tpu.memref_squeeze %dma_wait3A_88 : memref<1x4x4096xf32, #tpu.memory_space<vmem>> -> memref<4x4096xf32, #tpu.memory_space<vmem>>
    tpu.wait_dma2 semaphore(%arg18 : memref<!tpu.dma_semaphore, #tpu.memory_space<semaphore_mem>>) src(%dma_wait3A_89 : memref<4x4096xf32, #tpu.memory_space<vmem>>) dst(%dma_wait3A_85 : memref<4x4096xf32, #tpu.memory_space<hbm>>)
    return
  }
}

</mosaic_0001>

<sc_bundles>
// kernel: _sc_masked_add.3.cloned.1.call-start
scs
__scs_entry_jumppad:
0x0: {  	(pc) =	sbr.rel $0x88, $3  }
0x1: {  	(tag) =	ssettag $0x0;
	lr =	simm.s32 $0x1  }
0x2: {  	[smem:$0x3F9D] =	sst lr;
	_ =	strace $0xD0000000  }
0x3: {  	_ = 	snop  }
0x4: {  	_ = 	snop  }
0x5: {  	_ = 	snop  }
0x6: {  	_ = 	snop  }
0x7: {  	_ = 	snop  }
__scs_overlays_trampoline_lowered:
0x8: {  	[smem:$0x3FAC] =	sst s0  }
0x9: {  	[smem:$0x3FAD] =	sst s1  }
0xa: {  	[smem:$0x3FAE] =	sst s2  }
0xb: {  	[smem:$0x3FAF] =	sst s3  }
0xc: {  	[smem:$0x3FB0] =	sst s4  }
0xd: {  	[smem:$0x3FB1] =	sst s5  }
0xe: {  	[smem:$0x3FB2] =	sst s6  }
0xf: {  	[smem:$0x3FB3] =	sst s7  }
0x10: {  	[smem:$0x3FB4] =	sst s8  }
0x11: {  	[smem:$0x3FB5] =	sst s9;
	s0 =	simm.s32 @!p0 $0x0  }
0x12: {  	s1 =	sld [smem:$0x3F9B];
	s0 =	simm.s32 @p0 $0x1  }
0x13: {  	[smem:$0x3FB6] =	sst s0;
	s0 =	simm.s32 @!p1 $0x0  }
0x14: {  	s2 =	sld [smem:$0x3F9A];
	s0 =	simm.s32 @p1 $0x1  }
0x15: {  	[smem:$0x3FB7] =	sst s0;
	s0 =	simm.s32 @!p2 $0x0  }
0x16: {  	s3 =	sld [smem:$0x3FDB];
	s0 =	simm.s32 @p2 $0x1  }
0x17: {  	s4 =	simm.s32 $0x1BF5;
	[smem:$0x3FB9] =	sst s0  }
0x18: {  	s0 =	sld [smem:$0x3F9C];
	_ =	swait.ge [sflag:s4], $0x0  }
0x19: {  	s7 =	sld [smem:$0x3F9D]  }
0x1a: {  	s8 =	sadd.s32 $0xFFFFE003, lr  }
0x1b: {  	s9 =	sadd.s32 $0xFFFFFEF7, lr;
	s5 =	simm.s32 $0xFFFFFFFF;
	p2 =	slt.u32 s8, $0xFFFFF086  }
0x1c: {  	p1 =	slt.u32 s9, $0xF7A;
	s5 =	simm.s32 @!p2 $0x0  }
0x1d: {  	s5 =	simm.s32 @p1 $0x1;
	p0 =	seq.s32 s7, s2  }
0x1e: {  	s7 =	smul.u32 @!p0 $0xF7A, s2;
	p2 =	seq.s32 @!p0 s5, $0x0  }
0x1f: {  	s9 =	smul.u32 $0xF7A, s1;
	s8 =	simm.s32 @!p0 $0x1BF5;
	p2 =	por !p2, p0  }
0x20: {  	[sflag:s8] =	ssyncset.s32 @!p0 $0xFFFFF086;
	s6 =	sadd.s32 @!p0 s3, s7;
	s7 =	simm.s32 @!p0 $0x108  }
0x21: {  	s3 =	sadd.s32 s3, s9;
	s6 =	sadd.s32 @!p0 $0x88, s6;
	s7 =	simm.s32 @p2 $0x1082  }
0x22: {  	[simem:s7], [sflag:s8] =	dma.local @!p0 [hbm:s6], $0xF7A  }
0x23: {  	s9 =	sor.u32 $0xD0000000, s2;
	s6 =	simm.s32 $0x108;
	_ =	swait.ge @!p0 [sflag:s8], $0x0  }
0x24: {  	s3 =	sadd.s32 $0x88, s3;
	s6 =	simm.s32 @!p1 $0x1082;
	[sflag:s4] =	ssyncset.s32 $0xFFFFF086  }
0x25: {  	[simem:s6], [sflag:s4] =	dma.local [hbm:s3], $0xF7A  }
0x26: {  	[smem:$0x3F9D] =	sst s1;
	(tag) =	ssettag s2;
	_ =	strace s9  }
0x27: {  	s1 =	sld [smem:$0x3FAD]  }
0x28: {  	s2 =	sld [smem:$0x3FAE]  }
0x29: {  	s4 =	sld [smem:$0x3FB0]  }
0x2a: {  	p0 =	seq.s32 s5, $0x0;
	s5 =	sld [smem:$0x3FB1]  }
0x2b: {  	s6 =	sld [smem:$0x3FB2]  }
0x2c: {  	s7 =	sld [smem:$0x3FB3]  }
0x2d: {  	s3 =	simm.s32 $0x108;
	s8 =	sld [smem:$0x3FB4]  }
0x2e: {  	s3 =	simm.s32 @!p0 $0x1082;
	s9 =	sld [smem:$0x3FB5]  }
0x2f: {  	lr =	sadd.s32 s0, s3;
	s0 =	sld [smem:$0x3FAC]  }
0x30: {  	s3 =	sld [smem:$0x3FAF]  }
0x31: {  	[smem:$0x3FB8] =	sst s10  }
0x32: {  	s10 =	sld [smem:$0x3FB6];
	_ =	sdelay $0x3  }
0x33: {  	p0 =	seq.s32 s10, $0x1;
	s10 =	sld [smem:$0x3FB8];
	_ =	sdelay $0x3  }
0x34: {  	[smem:$0x3FB8] =	sst s10  }
0x35: {  	s10 =	sld [smem:$0x3FB7];
	_ =	sdelay $0x3  }
0x36: {  	p1 =	seq.s32 s10, $0x1;
	s10 =	sld [smem:$0x3FB8];
	_ =	sdelay $0x3  }
0x37: {  	[smem:$0x3FB8] =	sst s10  }
0x38: {  	s10 =	sld [smem:$0x3FB9]  }
0x39: {  	_ = 	snop;
	(pc) =	sbr.ind lr, $3  }
0x3a: {  	_ = 	snop  }
0x3b: {  	_ = 	snop  }
0x3c: {  	p2 =	seq.s32 s10, $0x1;
	s10 =	sld [smem:$0x3FB8]  }
0x3d: {  	_ =	shalt  }
0x3e: {  	_ =	shalt  }
0x3f: {  	_ =	shalt  }
0x40: {  	_ =	shalt  }
0x41: {  	_ =	shalt  }
0x42: {  	_ =	shalt  }
0x43: {  	_ =	shalt  }
0x44: {  	_ =	shalt  }
0x45: {  	_ =	shalt  }
0x46: {  	_ =	shalt  }
0x47: {  	_ =	shalt  }
0x48: {  	_ =	shalt  }
0x49: {  	_ =	shalt  }
0x4a: {  	_ =	shalt  }
0x4b: {  	_ =	shalt  }
0x4c: {  	_ =	shalt  }
0x4d: {  	_ =	shalt  }
0x4e: {  	_ =	shalt  }
0x4f: {  	_ =	shalt  }
0x50: {  	_ =	shalt  }
0x51: {  	_ =	shalt  }
0x52: {  	_ =	shalt  }
0x53: {  	_ =	shalt  }
0x54: {  	_ =	shalt  }
0x55: {  	_ =	shalt  }
0x56: {  	_ =	shalt  }
0x57: {  	_ =	shalt  }
0x58: {  	_ =	shalt  }
0x59: {  	_ =	shalt  }
0x5a: {  	_ =	shalt  }
0x5b: {  	_ =	shalt  }
0x5c: {  	_ =	shalt  }
0x5d: {  	_ =	shalt  }
0x5e: {  	_ =	shalt  }
0x5f: {  	_ =	shalt  }
0x60: {  	_ =	shalt  }
0x61: {  	_ =	shalt  }
0x62: {  	_ =	shalt  }
0x63: {  	_ =	shalt  }
0x64: {  	_ =	shalt  }
0x65: {  	_ =	shalt  }
0x66: {  	_ =	shalt  }
0x67: {  	_ =	shalt  }
0x68: {  	_ =	shalt  }
0x69: {  	_ =	shalt  }
0x6a: {  	_ =	shalt  }
0x6b: {  	_ =	shalt  }
0x6c: {  	_ =	shalt  }
0x6d: {  	_ =	shalt  }
0x6e: {  	_ =	shalt  }
0x6f: {  	_ =	shalt  }
0x70: {  	_ =	shalt  }
0x71: {  	_ =	shalt  }
0x72: {  	_ =	shalt  }
0x73: {  	_ =	shalt  }
0x74: {  	_ =	shalt  }
0x75: {  	_ =	shalt  }
0x76: {  	_ =	shalt  }
0x77: {  	_ =	shalt  }
0x78: {  	_ =	shalt  }
0x79: {  	_ =	shalt  }
0x7a: {  	_ =	shalt  }
0x7b: {  	_ =	shalt  }
0x7c: {  	_ =	shalt  }
0x7d: {  	_ =	shalt  }
0x7e: {  	_ =	shalt  }
0x7f: {  	_ =	shalt  }
0x80: {  	_ =	shalt  }
0x81: {  	_ =	shalt  }
0x82: {  	_ =	shalt  }
0x83: {  	_ =	shalt  }
0x84: {  	_ =	shalt  }
0x85: {  	_ =	shalt  }
0x86: {  	_ =	shalt  }
0x87: {  	_ =	shalt  }
.Lfunc_end0:
.L_simem_size_0:
called_computation_lowered:
.L_overlay_start_0:
0x88: {  	s2 =	sld [smem:$0x3FD9]  }
0x89: {  	s3 =	sld [smem:$0x3FFE];
	_ =	sdelay $0x1  }
0x8a: {  	s1 =	srdreg.scid  }
0x8b: {  	s0 =	sand.u32 $0x1, s1  }
0x8c: {  	s18 =	sshll.u32 s0, $0xA;
	s2 =	sadd.s32 s3, s2  }
0x8d: {  	s2 =	sadd.s32 s2, s18  }
0x8e: {  	[smem:$0x3FC4] =	sst s2  }
0x8f: {  	_ = 	snop  }
0x90: {  	s2 =	sld [smem:$0x3FC9]  }
0x91: {  	s19 =	sld [smem:$0x3FC8]  }
0x92: {  	s4 =	sld [smem:$0x3FC7]  }
0x93: {  	s5 =	sld [smem:$0x3FC6]  }
0x94: {  	s6 =	sld [smem:$0x3FD0];
	(tm) =	ssettm $0x1  }
0x95: {  	s7 =	sld [smem:$0x3FFB];
	_ =	sdelay $0x3  }
0x96: {  	_ =	strace s7  }
0x97: {  	s7 =	sld [smem:$0x3FFC];
	_ =	sdelay $0x3  }
0x98: {  	_ =	strace s7  }
0x99: {  	s7 =	sld [smem:$0x3FFD];
	_ =	sdelay $0x3  }
0x9a: {  	_ =	strace s7  }
0x9b: {  	_ =	strace $0x8FFFFFFF  }
0x9c: {  	s20 =	sld [smem:$0x3FDB];
	_ =	sdelay $0x1  }
0x9d: {  	s8 =	simm.s32 $_scs_section_size  }
0x9e: {  	s9 =	simm.s32 $_size__tile_overlayer_lowered;
	s10 =	simm.s32 $_tile_overlayer_lowered  }
0x9f: {  	s23 =	simm.s32 $0x1BFF;
	s22 =	sshll.u32 s10, $0x1;
	s7 =	sadd.s32 s8, s20  }
0xa0: {  	s11 =	simm.s32 $0x0;
	s21 =	sshll.u32 s9, $0x1;
	s9 =	sadd.s32 s22, s7  }
0xa1: {  	[timem:s11], [sflag:s23] =	dma.local [hbm:s9], s21  }
0xa2: {  	_ =	swait.ge [sflag:s23], s21  }
0xa3: {  	s8 =	ssub.s32 $0x0, s21;
	[sflag:s23] =	ssyncset.done $0x0  }
0xa4: {  	[sflag:s23] =	ssyncadd.s32 s8;
	_ =	sdelay $0x1  }
0xa5: {  	s24 =	simm.s32 $0x1B8B  }
0xa6: {  	_ =	swait.ge [sflag:s24], $0x1  }
0xa7: {  	[sflag:s24] =	ssyncset.done $0x0  }
0xa8: {  	s25 =	simm.s32 $0x1B8E;
	[sflag:s24] =	ssyncadd.s32 $0xFFFFFFFF  }
0xa9: {  	s26 =	simm.s32 $execute0_lowered;
	[smem:$0x3FD2] =	sst s25  }
0xaa: {  	s8 =	sshll.u32 s26, $0x1;
	_ =	strace $0x80000046;
	[dreg:$0x1] =	wrdreg $0xFFFFFFFF  }
0xab: {  	s28 =	simm.s32 $_size_execute0_lowered;
	s7 =	sadd.s32 s7, s8;
	[dreg:$0x0] =	wrdreg $0x0  }
0xac: {  	s8 =	sshll.u32 s28, $0x1;
	[dreg:$0x2] =	wrdreg s7  }
0xad: {  	[dreg:$0x3] =	wrdreg s8  }
0xae: {  	[dreg:$0x4] =	wrdreg $0xC0  }
0xaf: {  	_ =	task [dreg:s11], $0x5FFFF  }
0xb0: {  	[dreg:$0x1] =	wrdreg $0xFFFFFFFF  }
0xb1: {  	[dreg:$0x0] =	wrdreg $0x60  }
0xb2: {  	[dreg:$0x2] =	wrdreg s2  }
0xb3: {  	[dreg:$0x3] =	wrdreg s19  }
0xb4: {  	[dreg:$0x4] =	wrdreg s4  }
0xb5: {  	[dreg:$0x5] =	wrdreg s5  }
0xb6: {  	[dreg:$0x6] =	wrdreg s6  }
0xb7: {  	[dreg:$0x7] =	wrdreg $0x9  }
0xb8: {  	_ =	task.clear_ibuf [dreg:s11], $0x8FFFF;
	_ =	strace $0x90000046  }
0xb9: {  	s29 =	simm.s32 $0x9;
	_ =	strace $0x80000048  }
0xba: {  	_ =	swait.ge [sflag:s29], $0x1  }
0xbb: {  	[sflag:s29] =	ssyncadd.s32 $0xFFFFFFFF  }
0xbc: {  	_ =	strace $0x90000048  }
0xbd: {  	_ =	sfence  }
0xbe: {  	s30 =	sld [smem:$0x0];
	_ =	sdelay $0x2  }
0xbf: {  	s31 =	sshll.u32 s1, $0xD;
	s1 =	sshrl.u32 s1, $0x2  }
0xc0: {  	s3 =	sand.u32 $0x4000, s31;
	s1 =	sadd.s32 s1, s30  }
0xc1: {  	s0 =	sor.u32 s3, s0;
	s1 =	sshll.u32 s1, $0x11  }
0xc2: {  	s0 =	sor.u32 s1, s0  }
0xc3: {  	s0 =	sadd.s32 $0x8F2B, s0  }
0xc4: {  	[sflag:s0] =	ssyncadd.remote.s32 $0x1  }
0xc5: {  	_ =	sfence.sel $0xFFFF  }
0xc6: {  	[dreg:$0x0] =	wrdreg $0xFFFFFFFF;
	(pc) =	sbr.abs _section_cstart, $3  }
0xc7: {  	[dreg:$0x1] =	wrdreg $0xFFFFFFFF  }
0xc8: {  	_ =	task.clear_ibuf [dreg:s11], $0x2FFFF;
	_ =	strace $0x9FFFFFFF  }
0xc9: {  	(tm) =	ssettm $0x7FFFFFFF  }
tec
execute0_lowered:
.L_overlay_start_1:
0x0: {  	(tag) =	ssettag $0x1  }
0x1: {  	s10 =	rddreg [dreg:$0x0]  }
0x2: {  	s2 =	rddreg [dreg:$0x1]  }
0x3: {  	s0 =	rddreg [dreg:$0x2]  }
0x4: {  	s1 =	rddreg [dreg:$0x3]  }
0x5: {  	s4 =	rddreg [dreg:$0x4];
	s3 =	srdreg.scid  }
0x6: {  	s11 =	stileid.u32;
	s5 =	simm.s32 $0x0;
	s29 =	simm.s32 $0x4000  }
0x7: {  	s28 =	simm.s32 $0x3;
	s3 =	sand.u32 $0x1, s3;
	s6 =	sshll.u32 s11, $0x1  }
0x8: {  	s30 =	simm.s32 $0x4;
	s7 =	ssub.s32 $0x2, s3;
	s6 =	sor.u32 s3, s6  }
0x9: {  	[smem:$0x7FF] =	sst s5;
	s8 =	sshrl.u32 s7, $0x1;
	s9 =	sshll.u32 s6, $0x4  }
0xa: {  	_ =	strace $0x80000047;
	s7 =	ssub.s32 s7, s8;
	s0 =	sadd.s32 s0, s9  }
0xb: {  	s19 =	sadd.s32 s1, s9;
	s8 =	sshll.u32 s6, $0x10;
	[dreg:$0x6] =	wrdreg s0  }
0xc: {  	s20 =	sshll.u32 s11, $0x8;
	[dreg:$0x7] =	wrdreg s19;
	s22 =	sadd.s32 s10, s8  }
0xd: {  	s21 =	sshll.u32 s3, $0x7;
	s23 =	smax.u32 s7, $0x1;
	[dreg:$0x8] =	wrdreg s22  }
0xe: {  	s0 =	sor.u32 s20, s21;
	s24 =	sor.u32 $0x40, s8;
	[dreg:$0x9] =	wrdreg s23  }
.Ltmp0:
0xf: {  	[dreg:$0xa] =	wrdreg s24;
	s25 =	ssub.s32 $0x0, s0;
	(pc) =	sbr.rel .LBB2_1-.Ltmp0, $4  }
0x10: {  	s3 =	simm.s32 $0x0;
	s26 =	sxor.u32 $0xFFFFC, s0;
	[dreg:$0xb] =	wrdreg s25  }
0x11: {  	s19 =	simm.s32 $0x200;
	s31 =	sxor.u32 $0xFFFFFFF8, s0;
	[dreg:$0xc] =	wrdreg s26  }
0x12: {  	s20 =	simm.s32 $0x400;
	s0 =	sxor.u32 $0xFFFFFFF4, s0;
	[dreg:$0xd] =	wrdreg s31  }
0x13: {  	vm0 =	vcmask $0x308;
	v0 =	vlaneseq.u32;
	s23 =	simm.s32 $0x9;
	[dreg:$0xe] =	wrdreg s0;
	s26 =	simm.s32 $0xA  }
.LBB2_51:
0x14: {  	s0 =	simm.s32 $0x5  }
0x15: {  	_ =	swait.ge [sflag:s0], $0x4000  }
0x16: {  	[sflag:s0] =	ssyncset.done $0x0  }
0x17: {  	s24 =	simm.s32 $0x6;
	[sflag:s0] =	ssyncadd.s32 $0xFFFFC000  }
0x18: {  	_ =	swait.ge [sflag:s24], $0x4000  }
0x19: {  	[sflag:s24] =	ssyncset.done $0x0  }
0x1a: {  	s25 =	simm.s32 $0x7;
	[sflag:s24] =	ssyncadd.s32 $0xFFFFC000  }
0x1b: {  	_ =	swait.ge [sflag:s25], $0x4000  }
0x1c: {  	[sflag:s25] =	ssyncset.done $0x0  }
0x1d: {  	s1 =	simm.s32 $0x8;
	[sflag:s25] =	ssyncadd.s32 $0xFFFFC000  }
0x1e: {  	_ =	swait.ge [sflag:s1], $0x4000  }
0x1f: {  	s3 =	rddreg [dreg:$0xf]  }
0x20: {  	s31 =	rddreg [dreg:$0x9];
	s3 =	sadd.s32 $0x1, s3  }
0x21: {  	p0 =	sne.s32 s3, s31  }
.Ltmp1:
0x22: {  	_ = 	snop;
	(pc) =	sbr.rel @!p0 .LBB2_52-.Ltmp1, $3  }
0x23: {  	_ =	sdelay $0x1  }
0x24: {  	[sflag:s1] =	ssyncset.done $0x0  }
0x25: {  	[sflag:s1] =	ssyncadd.s32 $0xFFFFC000  }
.LBB2_1:
0x26: {  	[dreg:$0xf] =	wrdreg s3  }
0x27: {  	s0 =	rddreg [dreg:$0x6];
	s1 =	simm.s32 $0x18000;
	s22 =	simm.s32 $0xB  }
0x28: {  	[tilespmem:s1], [sflag:$0xB] =	stream.linear.gather [hbm4b:s0+s5], $0x80, $0x38;
	[tilespmem:$0x18100] =	vst v63  }
0x29: {  	_ =	swait.ge [sflag:s22], $0x80  }
0x2a: {  	[sflag:s22] =	ssyncset.done $0x0  }
0x2b: {  	s25 =	simm.s32 $0x18080;
	s24 =	rddreg [dreg:$0x7];
	[sflag:s22] =	ssyncadd.s32 $0xFFFFFF80  }
0x2c: {  	[tilespmem:s25], [sflag:$0xB] =	stream.linear.gather [hbm4b:s24+s5], $0x80, $0x38;
	[tilespmem:$0x18100] =	vst v63  }
0x2d: {  	_ =	swait.ge [sflag:s22], $0x80  }
0x2e: {  	[sflag:s22] =	ssyncset.done $0x0  }
0x2f: {  	s31 =	rddreg [dreg:$0x8];
	[sflag:s22] =	ssyncadd.s32 $0xFFFFFF80  }
0x30: {  	[tilespmem:s5], [sflag:$0x1] =	stream.strided.gather [hbm4b:s31+s19], $0x4000, s20, s19, $0x38;
	[tilespmem:$0x18100] =	vst v63  }
0x31: {  	v1 =	vld [tilespmem:$0x18080];
	_ =	sdelay $0x4  }
0x32: {  	v1 =	vsel vm0, $0x0, v1  }
0x33: {  	(xrf0) =	vadd.scan.msk.s32 $0xffff, v1;
	_ =	sdelay $0x5  }
0x34: {  	v1, _, _ =	vpop (xrf0)  }
0x35: {  	(v2sf) =	vpush v1, $0xF;
	_ =	sdelay $0xe  }
0x36: {  	s6 =	spop (v2sf)  }
0x37: {  	p0 =	slt.s32 s6, $0x1  }
.Ltmp2:
0x38: {  	_ = 	snop;
	(pc) =	sbr.rel @p0 .LBB2_5-.Ltmp2, $2  }
0x39: {  	_ =	sdelay $0x2  }
0x3a: {  	s3 =	simm.s32 $0x0;
	s0 =	simm.s32 $0x0;
	s1 =	simm.s32 $0x0  }
.LBB2_2:
0x3b: {  	s7 =	sand.u32 $0x7FFFFFF0, s3  }
0x3c: {  	v1 =	vld [tilespmem:s7+$0x18000];
	_ =	sdelay $0x1  }
0x3d: {  	s25 =	sand.u32 $0xF, s3  }
0x3e: {  	v2 =	vmov s25  }
0x3f: {  	vm1 =	veq.s32 v2, v0  }
0x40: {  	v1 =	vnsel vm1, $0x0, v1  }
0x41: {  	(xrf0) =	vadd.scan.msk.s32 $0xffff, v1;
	_ =	sdelay $0x5  }
0x42: {  	v1, _, _ =	vpop (xrf0)  }
0x43: {  	(v2sf) =	vpush v1, $0xF;
	_ =	sdelay $0xe  }
0x44: {  	s31 =	sshll.u32 s1, $0x2;
	s10 =	sshll.u32 s0, $0x2;
	s9 =	spop (v2sf)  }
0x45: {  	s7 =	sand.u32 $0xFFFF0000, s31;
	s11 =	sshll.u32 s9, $0xC;
	s9 =	sshll.u32 s9, $0x7  }
0x46: {  	s10 =	sand.u32 $0x600, s10;
	s11 =	sand.u32 $0xFFFF8000, s11;
	s9 =	sand.u32 $0x380, s9  }
0x47: {  	s7 =	sor.u32 s10, s7;
	s9 =	sor.u32 s9, s11  }
0x48: {  	s7 =	sshra.s32 s7, $0x2;
	s9 =	sshrl.u32 s9, $0x3  }
0x49: {  	s7 =	sadd.s32 $0x10000, s7;
	s9 =	sadd.s32 s2, s9  }
0x4a: {  	s10 =	simm.s32 $0x80;
	s11 =	sadd.s32 $0x200, s7;
	s12 =	sadd.s32 $0x0, s9  }
.LBB2_3:
0x4b: {  	[tilespmem:s7], [sflag:$0x9] =	stream.linear.gather [hbm4b:s12+s5], $0x80, $0x38;
	[tilespmem:$0x18100] =	vst v63  }
0x4c: {  	s12 =	smov.u32 s10;
	s7 =	smov.u32 s11;
	p0 =	sne.s32 s10, $0xF80  }
.Ltmp3:
0x4d: {  	s10 =	sadd.s32 $0x80, s10;
	(pc) =	sbr.rel @p0 .LBB2_3-.Ltmp3, $2  }
0x4e: {  	_ =	sdelay $0x2  }
0x4f: {  	s11 =	sadd.s32 $0x200, s11;
	s12 =	sadd.s32 s12, s9  }
0x50: {  	s3 =	sadd.s32 $0x1, s3  }
0x51: {  	p0 =	sne.s32 s3, s6  }
.Ltmp4:
0x52: {  	_ = 	snop;
	(pc) =	sbr.rel @p0 .LBB2_2-.Ltmp4, $3  }
0x53: {  	_ =	sdelay $0x1  }
0x54: {  	[tilespmem:s7], [sflag:$0x9] =	stream.linear.gather [hbm4b:s12+s5], $0x80, $0x38;
	[tilespmem:$0x18100] =	vst v63  }
0x55: {  	s1 =	sadd.s32 $0x1000, s1;
	s0 =	sadd.s32 $0x80, s0  }
.LBB2_5:
.Ltmp5:
0x56: {  	(pc) =	sbr.rel .LBB2_6-.Ltmp5, $4  }
0x57: {  	s15 =	rddreg [dreg:$0xe]  }
0x58: {  	s14 =	rddreg [dreg:$0xd]  }
0x59: {  	s13 =	rddreg [dreg:$0xc]  }
0x5a: {  	s31 =	simm.s32 $0x0;
	s12 =	rddreg [dreg:$0xb];
	s10 =	simm.s32 $0x0  }
.LBB2_50:
0x5b: {  	s10 =	sadd.s32 $0x1, s10  }
0x5c: {  	p0 =	sne.s32 s10, $0x8  }
.Ltmp6:
0x5d: {  	_ = 	snop;
	(pc) =	sbr.rel @!p0 .LBB2_51-.Ltmp6, $4  }
0x5e: {  	_ = 	snop  }
0x5f: {  	s0 =	sadd.s32 s4, s0;
	s1 =	simm.s32 $0xC000;
	s12 =	sadd.s32 $0xFFFFFFF0, s12  }
0x60: {  	s13 =	sadd.s32 $0xFFFFFFF0, s13;
	s14 =	sadd.s32 $0xFFFFFFF0, s14;
	s15 =	sadd.s32 $0xFFFFFFF0, s15  }
0x61: {  	[hbm4b:s0+s19] =	stream.strided.scatter [tilespmem:s1], [sflag:$0x8], $0x4000, s20, s19, $0x38;
	[tilespmem:$0x18100] =	vst v63  }
.LBB2_6:
0x62: {  	s0 =	simm.s32 $0x1  }
0x63: {  	_ =	swait.ge [sflag:s0], $0x4000  }
0x64: {  	p0 =	seq.s32 s10, $0x0;
	[sflag:s0] =	ssyncset.done $0x0  }
0x65: {  	s7 =	ssub.s32 s6, s31;
	s1 =	simm.s32 @!p0 $0x6;
	[sflag:s0] =	ssyncadd.s32 $0xFFFFC000  }
0x66: {  	p1 =	slt.s32 s7, $0x1;
	_ =	swait.ge @!p0 [sflag:s1], $0x4000  }
.Ltmp7:
0x67: {  	s25 =	sshll.u32 s10, $0xD;
	[sflag:s1] =	ssyncset.done @!p0 $0x0;
	(pc) =	sbr.rel @p1 .LBB2_13-.Ltmp7, $4  }
0x68: {  	s3 =	sadd.s32 s8, s25;
	[sflag:s1] =	ssyncadd.s32 @!p0 $0xFFFFC000  }
0x69: {  	s0 =	sor.u32 $0x40, s3;
	s1 =	rddreg [dreg:$0x0]  }
0x6a: {  	s1 =	sadd.s32 s1, s0  }
0x6b: {  	[tilespmem:s29], [sflag:$0x2] =	stream.strided.gather [hbm4b:s1+s19], $0x4000, s20, s19, $0x38;
	[tilespmem:$0x18100] =	vst v63  }
0x6c: {  	p1 =	sne.s32 s7, $0x1  }
.Ltmp8:
0x6d: {  	_ = 	snop;
	(pc) =	sbr.rel @!p1 .LBB2_9-.Ltmp8, $3  }
0x6e: {  	_ =	sdelay $0x1  }
0x6f: {  	_ =	swait.ge [sflag:s23], $0x1000  }
0x70: {  	s1 =	sadd.s32 $0xFFFFFFFF, s7;
	s16 =	simm.s32 $0x0;
	[sflag:s23] =	ssyncset.done $0x0  }
.LBB2_8:
0x71: {  	p1 =	sne.s32 s1, $0x1;
	s1 =	sadd.s32 $0xFFFFFFFF, s1;
	[sflag:s23] =	ssyncadd.s32 $0xFFFFF000  }
.Ltmp9:
0x72: {  	(pc) =	sbr.rel @p1 .LBB2_8-.Ltmp9, $3  }
0x73: {  	_ =	sdelay $0x1  }
0x74: {  	_ =	swait.ge [sflag:s23], $0x1000  }
0x75: {  	[sflag:s23] =	ssyncset.done $0x0  }
.LBB2_9:
0x76: {  	[sflag:s23] =	ssyncadd.s32 $0xFFFFF000  }
0x77: {  	s17 =	smov.u32 s16;
	s11 =	smov.u32 s16;
	s18 =	smov.u32 s16  }
.LBB2_10:
0x78: {  	s1 =	sadd.s32 s31, s18  }
0x79: {  	s9 =	sand.u32 $0xF, s1  }
0x7a: {  	s21 =	sshra.s32 s1, $0x1F;
	p1 =	slt.s32 s1, $0x1;
	p2 =	sne.s32 s9, $0x0  }
0x7b: {  	s29 =	sshrl.u32 s21, $0x1C;
	p1 =	por !p1, !p2  }
0x7c: {  	s21 =	simm.s32 $0x1;
	s9 =	sadd.s32 s29, s1;
	p1 =	por !p1, !p1  }
0x7d: {  	s9 =	sshrl.u32 s9, $0x4;
	s21 =	simm.s32 @!p1 $0x0  }
0x7e: {  	s9 =	ssub.s32 s9, s21  }
0x7f: {  	s9 =	sshll.u32 s9, $0x4  }
0x80: {  	v1 =	vld [tilespmem:s9+$0x18000];
	_ =	sdelay $0x1  }
0x81: {  	s1 =	ssub.s32 s1, s9  }
0x82: {  	v2 =	vmov s1  }
0x83: {  	vm1 =	veq.s32 v2, v0  }
0x84: {  	v1 =	vnsel vm1, $0x0, v1  }
0x85: {  	(xrf0) =	vadd.scan.msk.s32 $0xffff, v1;
	_ =	sdelay $0x5  }
0x86: {  	v1, _, _ =	vpop (xrf0)  }
0x87: {  	(v2sf) =	vpush v1, $0xF;
	_ =	sdelay $0x6  }
0x88: {  	s22 =	sshll.u32 s17, $0x2;
	s21 =	sshll.u32 s11, $0x2  }
0x89: {  	s9 =	sand.u32 $0x600, s22;
	s1 =	sand.u32 $0xFFFF0000, s21  }
0x8a: {  	s1 =	sor.u32 s9, s1  }
0x8b: {  	s1 =	sshra.s32 s1, $0x2  }
0x8c: {  	s1 =	sadd.s32 $0x10200, s1  }
0x8d: {  	v1 =	vmov s1;
	_ =	sdelay $0x2  }
0x8e: {  	s24 =	spop (v2sf)  }
0x8f: {  	s29 =	sshra.s32 s16, $0x2;
	s25 =	sadd.s32 s24, s12  }
0x90: {  	v2 =	vld.idx.msk [tilespmem:v1+s29+$0xFFFFFE00 ss:$0x1], $0xffff;
	s1 =	sand.u32 $0x3, s24;
	s9 =	sshll.u32 s25, $0xE  }
0x91: {  	s1 =	sshll.u32 s1, $0x9;
	s9 =	sand.u32 $0xFFFF0000, s9  }
0x92: {  	s1 =	sor.u32 s1, s9  }
0x93: {  	s22 =	sshra.s32 s1, $0x2  }
0x94: {  	s25 =	sadd.s32 s29, s22  }
0x95: {  	[tilespmem:s25+$0x0] =	vst.add.f32.msk $0xffff, v2  }
0x96: {  	v2 =	vld.idx.msk [tilespmem:v1+s29+$0xFFFFFE10 ss:$0x1], $0xffff;
	_ =	sdelay $0x4  }
0x97: {  	[tilespmem:s25+$0x10] =	vst.add.f32.msk $0xffff, v2  }
0x98: {  	v2 =	vld.idx.msk [tilespmem:v1+s29+$0xFFFFFE20 ss:$0x1], $0xffff;
	_ =	sdelay $0x4  }
0x99: {  	[tilespmem:s25+$0x20] =	vst.add.f32.msk $0xffff, v2  }
0x9a: {  	v2 =	vld.idx.msk [tilespmem:v1+s29+$0xFFFFFE30 ss:$0x1], $0xffff;
	_ =	sdelay $0x4  }
0x9b: {  	[tilespmem:s25+$0x30] =	vst.add.f32.msk $0xffff, v2  }
0x9c: {  	v2 =	vld.idx.msk [tilespmem:v1+s29+$0xFFFFFE40 ss:$0x1], $0xffff;
	_ =	sdelay $0x4  }
0x9d: {  	[tilespmem:s25+$0x40] =	vst.add.f32.msk $0xffff, v2  }
0x9e: {  	v2 =	vld.idx.msk [tilespmem:v1+s29+$0xFFFFFE50 ss:$0x1], $0xffff;
	_ =	sdelay $0x4  }
0x9f: {  	[tilespmem:s25+$0x50] =	vst.add.f32.msk $0xffff, v2  }
0xa0: {  	v2 =	vld.idx.msk [tilespmem:v1+s29+$0xFFFFFE60 ss:$0x1], $0xffff;
	_ =	sdelay $0x4  }
0xa1: {  	[tilespmem:s25+$0x60] =	vst.add.f32.msk $0xffff, v2  }
0xa2: {  	v2 =	vld.idx.msk [tilespmem:v1+s29+$0xFFFFFE70 ss:$0x1], $0xffff;
	_ =	sdelay $0x4  }
0xa3: {  	[tilespmem:s25+$0x70] =	vst.add.f32.msk $0xffff, v2  }
0xa4: {  	v2 =	vld.idx.msk [tilespmem:v1+s29+$0x0 ss:$0x1], $0xffff;
	_ =	sdelay $0x4  }
0xa5: {  	[tilespmem:s25+$0x200] =	vst.add.f32.msk $0xffff, v2  }
0xa6: {  	v2 =	vld.idx.msk [tilespmem:v1+s29+$0x10 ss:$0x1], $0xffff;
	_ =	sdelay $0x4  }
0xa7: {  	[tilespmem:s25+$0x210] =	vst.add.f32.msk $0xffff, v2  }
0xa8: {  	v2 =	vld.idx.msk [tilespmem:v1+s29+$0x20 ss:$0x1], $0xffff;
	_ =	sdelay $0x4  }
0xa9: {  	[tilespmem:s25+$0x220] =	vst.add.f32.msk $0xffff, v2  }
0xaa: {  	v2 =	vld.idx.msk [tilespmem:v1+s29+$0x30 ss:$0x1], $0xffff;
	_ =	sdelay $0x4  }
0xab: {  	[tilespmem:s25+$0x230] =	vst.add.f32.msk $0xffff, v2  }
0xac: {  	v2 =	vld.idx.msk [tilespmem:v1+s29+$0x40 ss:$0x1], $0xffff;
	_ =	sdelay $0x4  }
0xad: {  	[tilespmem:s25+$0x240] =	vst.add.f32.msk $0xffff, v2  }
0xae: {  	v2 =	vld.idx.msk [tilespmem:v1+s29+$0x50 ss:$0x1], $0xffff;
	_ =	sdelay $0x4  }
0xaf: {  	[tilespmem:s25+$0x250] =	vst.add.f32.msk $0xffff, v2  }
0xb0: {  	v2 =	vld.idx.msk [tilespmem:v1+s29+$0x60 ss:$0x1], $0xffff;
	_ =	sdelay $0x4  }
0xb1: {  	[tilespmem:s25+$0x260] =	vst.add.f32.msk $0xffff, v2  }
0xb2: {  	v2 =	vld.idx.msk [tilespmem:v1+s29+$0x70 ss:$0x1], $0xffff;
	_ =	sdelay $0x3  }
0xb3: {  	s9 =	simm.s32 $0x0;
	s1 =	sadd.s32 $0x1000, s16  }
.LBB2_11:
0xb4: {  	s21 =	sshra.s32 s1, $0x2;
	s9 =	sadd.s32 $0x10, s9;
	[tilespmem:s25+$0x270] =	vst.add.f32.msk $0xffff, v2  }
0xb5: {  	v2 =	vld.idx.msk [tilespmem:v1+s21+$0xFFFFFE00 ss:$0x1], $0xffff;
	p1 =	slt.u32 s9, $0xF0;
	_ =	sdelay $0x4  }
0xb6: {  	s25 =	sadd.s32 s21, s22  }
0xb7: {  	[tilespmem:s25+$0x0] =	vst.add.f32.msk $0xffff, v2  }
0xb8: {  	v2 =	vld.idx.msk [tilespmem:v1+s21+$0xFFFFFE10 ss:$0x1], $0xffff;
	_ =	sdelay $0x5  }
0xb9: {  	[tilespmem:s25+$0x10] =	vst.add.f32.msk $0xffff, v2  }
0xba: {  	v2 =	vld.idx.msk [tilespmem:v1+s21+$0xFFFFFE20 ss:$0x1], $0xffff;
	_ =	sdelay $0x5  }
0xbb: {  	[tilespmem:s25+$0x20] =	vst.add.f32.msk $0xffff, v2  }
0xbc: {  	v2 =	vld.idx.msk [tilespmem:v1+s21+$0xFFFFFE30 ss:$0x1], $0xffff;
	_ =	sdelay $0x5  }
0xbd: {  	[tilespmem:s25+$0x30] =	vst.add.f32.msk $0xffff, v2  }
0xbe: {  	v2 =	vld.idx.msk [tilespmem:v1+s21+$0xFFFFFE40 ss:$0x1], $0xffff;
	_ =	sdelay $0x5  }
0xbf: {  	[tilespmem:s25+$0x40] =	vst.add.f32.msk $0xffff, v2  }
0xc0: {  	v2 =	vld.idx.msk [tilespmem:v1+s21+$0xFFFFFE50 ss:$0x1], $0xffff;
	_ =	sdelay $0x5  }
0xc1: {  	[tilespmem:s25+$0x50] =	vst.add.f32.msk $0xffff, v2  }
0xc2: {  	v2 =	vld.idx.msk [tilespmem:v1+s21+$0xFFFFFE60 ss:$0x1], $0xffff;
	_ =	sdelay $0x5  }
0xc3: {  	[tilespmem:s25+$0x60] =	vst.add.f32.msk $0xffff, v2  }
0xc4: {  	v2 =	vld.idx.msk [tilespmem:v1+s21+$0xFFFFFE70 ss:$0x1], $0xffff;
	_ =	sdelay $0x5  }
0xc5: {  	[tilespmem:s25+$0x70] =	vst.add.f32.msk $0xffff, v2  }
0xc6: {  	v2 =	vld.idx.msk [tilespmem:v1+s21+$0x0 ss:$0x1], $0xffff;
	_ =	sdelay $0x5  }
0xc7: {  	[tilespmem:s25+$0x200] =	vst.add.f32.msk $0xffff, v2  }
0xc8: {  	v2 =	vld.idx.msk [tilespmem:v1+s21+$0x10 ss:$0x1], $0xffff;
	_ =	sdelay $0x5  }
0xc9: {  	[tilespmem:s25+$0x210] =	vst.add.f32.msk $0xffff, v2  }
0xca: {  	v2 =	vld.idx.msk [tilespmem:v1+s21+$0x20 ss:$0x1], $0xffff;
	_ =	sdelay $0x5  }
0xcb: {  	[tilespmem:s25+$0x220] =	vst.add.f32.msk $0xffff, v2  }
0xcc: {  	v2 =	vld.idx.msk [tilespmem:v1+s21+$0x30 ss:$0x1], $0xffff;
	_ =	sdelay $0x5  }
0xcd: {  	[tilespmem:s25+$0x230] =	vst.add.f32.msk $0xffff, v2  }
0xce: {  	v2 =	vld.idx.msk [tilespmem:v1+s21+$0x40 ss:$0x1], $0xffff;
	_ =	sdelay $0x5  }
0xcf: {  	[tilespmem:s25+$0x240] =	vst.add.f32.msk $0xffff, v2  }
0xd0: {  	v2 =	vld.idx.msk [tilespmem:v1+s21+$0x50 ss:$0x1], $0xffff;
	_ =	sdelay $0x5  }
0xd1: {  	[tilespmem:s25+$0x250] =	vst.add.f32.msk $0xffff, v2  }
0xd2: {  	v2 =	vld.idx.msk [tilespmem:v1+s21+$0x60 ss:$0x1], $0xffff;
	_ =	sdelay $0x5  }
0xd3: {  	[tilespmem:s25+$0x260] =	vst.add.f32.msk $0xffff, v2  }
0xd4: {  	v2 =	vld.idx.msk [tilespmem:v1+s21+$0x70 ss:$0x1], $0xffff  }
.Ltmp10:
0xd5: {  	(pc) =	sbr.rel @p1 .LBB2_11-.Ltmp10, $2  }
0xd6: {  	_ =	sdelay $0x2  }
0xd7: {  	s1 =	sadd.s32 $0x1000, s1  }
0xd8: {  	s18 =	sadd.s32 $0x1, s18  }
0xd9: {  	p1 =	sne.s32 s18, s7  }
.Ltmp11:
0xda: {  	_ = 	snop;
	(pc) =	sbr.rel @p1 .LBB2_10-.Ltmp11, $2  }
0xdb: {  	_ =	sdelay $0x2  }
0xdc: {  	[tilespmem:s25+$0x270] =	vst.add.f32.msk $0xffff, v2;
	s11 =	sadd.s32 $0x1000, s11;
	s17 =	sadd.s32 $0x80, s17  }
.LBB2_13:
0xdd: {  	s7 =	sshll.u32 s10, $0x2  }
0xde: {  	s16 =	sand.u32 $0x10, s7  }
0xdf: {  	v1 =	vld [tilespmem:s16+$0x18080]  }
0xe0: {  	s1 =	sor.u32 $0x2, s7  }
0xe1: {  	s9 =	ssub.s32 s1, s16  }
0xe2: {  	v2 =	vmov s9  }
0xe3: {  	vm1 =	veq.s32 v2, v0  }
0xe4: {  	v1 =	vnsel vm1, $0x0, v1  }
0xe5: {  	(xrf0) =	vadd.scan.msk.s32 $0xffff, v1;
	_ =	sdelay $0x5  }
0xe6: {  	v1, _, _ =	vpop (xrf0)  }
0xe7: {  	(v2sf) =	vpush v1, $0xF;
	_ =	sdelay $0xe  }
0xe8: {  	s31 =	spop (v2sf)  }
0xe9: {  	s17 =	ssub.s32 s31, s6  }
0xea: {  	p1 =	slt.s32 s17, $0x1  }
.Ltmp12:
0xeb: {  	_ = 	snop;
	(pc) =	sbr.rel @p1 .LBB2_17-.Ltmp12, $2  }
0xec: {  	_ =	sdelay $0x2  }
0xed: {  	s11 =	simm.s32 $0x0;
	s18 =	simm.s32 $0x0;
	s9 =	simm.s32 $0x0  }
.LBB2_14:
0xee: {  	s21 =	sadd.s32 s6, s18  }
0xef: {  	s22 =	sand.u32 $0xF, s21  }
0xf0: {  	s24 =	sshra.s32 s21, $0x1F;
	p2 =	slt.s32 s21, $0x1;
	p3 =	sne.s32 s22, $0x0  }
0xf1: {  	s24 =	sshrl.u32 s24, $0x1C;
	p2 =	por !p2, !p3  }
0xf2: {  	s22 =	sadd.s32 s24, s21;
	s24 =	simm.s32 $0x1;
	p2 =	por !p2, !p2  }
0xf3: {  	s22 =	sshrl.u32 s22, $0x4;
	s24 =	simm.s32 @!p2 $0x0  }
0xf4: {  	s22 =	ssub.s32 s22, s24  }
0xf5: {  	s22 =	sshll.u32 s22, $0x4  }
0xf6: {  	v1 =	vld [tilespmem:s22+$0x18000];
	_ =	sdelay $0x1  }
0xf7: {  	s21 =	ssub.s32 s21, s22  }
0xf8: {  	v2 =	vmov s21  }
0xf9: {  	vm1 =	veq.s32 v2, v0  }
0xfa: {  	v1 =	vnsel vm1, $0x0, v1  }
0xfb: {  	(xrf0) =	vadd.scan.msk.s32 $0xffff, v1;
	_ =	sdelay $0x5  }
0xfc: {  	v1, _, _ =	vpop (xrf0)  }
0xfd: {  	(v2sf) =	vpush v1, $0xF;
	_ =	sdelay $0xe  }
0xfe: {  	s25 =	sshll.u32 s11, $0x2;
	s24 =	sshll.u32 s9, $0x2;
	s22 =	spop (v2sf)  }
0xff: {  	s21 =	sand.u32 $0xFFFF0000, s25;
	s25 =	sshll.u32 s22, $0xC;
	s22 =	sshll.u32 s22, $0x7  }
0x100: {  	s24 =	sand.u32 $0x600, s24;
	s25 =	sand.u32 $0xFFFF8000, s25;
	s22 =	sand.u32 $0x380, s22  }
0x101: {  	s21 =	sor.u32 s24, s21;
	s22 =	sor.u32 s22, s25  }
0x102: {  	s21 =	sshra.s32 s21, $0x2;
	s22 =	sshrl.u32 s22, $0x3  }
0x103: {  	s21 =	sadd.s32 $0x14000, s21;
	s22 =	sadd.s32 s2, s22  }
0x104: {  	s24 =	simm.s32 $0x80;
	s25 =	sadd.s32 $0x200, s21;
	s29 =	sadd.s32 $0x0, s22  }
.LBB2_15:
0x105: {  	[tilespmem:s21], [sflag:$0xA] =	stream.linear.gather [hbm4b:s29+s5], $0x80, $0x38;
	[tilespmem:$0x18100] =	vst v63  }
0x106: {  	s29 =	smov.u32 s24;
	s21 =	smov.u32 s25;
	p2 =	sne.s32 s24, $0xF80  }
.Ltmp13:
0x107: {  	s24 =	sadd.s32 $0x80, s24;
	(pc) =	sbr.rel @p2 .LBB2_15-.Ltmp13, $2  }
0x108: {  	_ =	sdelay $0x2  }
0x109: {  	s25 =	sadd.s32 $0x200, s25;
	s29 =	sadd.s32 s29, s22  }
0x10a: {  	s18 =	sadd.s32 $0x1, s18  }
0x10b: {  	p2 =	sne.s32 s18, s17  }
.Ltmp14:
0x10c: {  	_ = 	snop;
	(pc) =	sbr.rel @p2 .LBB2_14-.Ltmp14, $3  }
0x10d: {  	_ =	sdelay $0x1  }
0x10e: {  	[tilespmem:s21], [sflag:$0xA] =	stream.linear.gather [hbm4b:s29+s5], $0x80, $0x38;
	[tilespmem:$0x18100] =	vst v63  }
0x10f: {  	s11 =	sadd.s32 $0x1000, s11;
	s9 =	sadd.s32 $0x80, s9  }
.LBB2_17:
0x110: {  	s3 =	sadd.s32 s4, s3;
	s24 =	simm.s32 $0x2  }
0x111: {  	[hbm4b:s3+s19] =	stream.strided.scatter [tilespmem:s5], [sflag:$0x5], $0x4000, s20, s19, $0x38;
	[tilespmem:$0x18100] =	vst v63  }
0x112: {  	_ =	swait.ge [sflag:s24], $0x4000  }
0x113: {  	[sflag:s24] =	ssyncset.done $0x0  }
0x114: {  	s9 =	simm.s32 @!p0 $0x7;
	[sflag:s24] =	ssyncadd.s32 $0xFFFFC000  }
0x115: {  	_ =	swait.ge @!p0 [sflag:s9], $0x4000  }
.Ltmp15:
0x116: {  	[sflag:s9] =	ssyncset.done @!p0 $0x0;
	(pc) =	sbr.rel @p1 .LBB2_24-.Ltmp15, $4  }
0x117: {  	s1 =	sshll.u32 s1, $0xB;
	[sflag:s9] =	ssyncadd.s32 @!p0 $0xFFFFC000  }
0x118: {  	s3 =	sadd.s32 s8, s1;
	s25 =	rddreg [dreg:$0x0]  }
0x119: {  	s29 =	simm.s32 $0x8000;
	s1 =	sadd.s32 s25, s3  }
0x11a: {  	[tilespmem:s29], [sflag:$0x3] =	stream.strided.gather [hbm4b:s1+s19], $0x4000, s20, s19, $0x38;
	[tilespmem:$0x18100] =	vst v63  }
0x11b: {  	p1 =	sne.s32 s17, $0x1  }
.Ltmp16:
0x11c: {  	_ = 	snop;
	(pc) =	sbr.rel @!p1 .LBB2_20-.Ltmp16, $3  }
0x11d: {  	_ =	sdelay $0x1  }
0x11e: {  	_ =	swait.ge [sflag:s26], $0x1000  }
0x11f: {  	s1 =	sadd.s32 $0xFFFFFFFF, s17;
	s25 =	simm.s32 $0x0;
	[sflag:s26] =	ssyncset.done $0x0  }
.LBB2_19:
0x120: {  	p1 =	sne.s32 s1, $0x1;
	s1 =	sadd.s32 $0xFFFFFFFF, s1;
	[sflag:s26] =	ssyncadd.s32 $0xFFFFF000  }
.Ltmp17:
0x121: {  	(pc) =	sbr.rel @p1 .LBB2_19-.Ltmp17, $3  }
0x122: {  	_ =	sdelay $0x1  }
0x123: {  	_ =	swait.ge [sflag:s26], $0x1000  }
0x124: {  	[sflag:s26] =	ssyncset.done $0x0  }
.LBB2_20:
0x125: {  	[sflag:s26] =	ssyncadd.s32 $0xFFFFF000  }
0x126: {  	s18 =	smov.u32 s25;
	s11 =	smov.u32 s25;
	s22 =	smov.u32 s25  }
.LBB2_21:
0x127: {  	s1 =	sadd.s32 s6, s22  }
0x128: {  	s9 =	sand.u32 $0xF, s1  }
0x129: {  	s21 =	sshra.s32 s1, $0x1F;
	p1 =	slt.s32 s1, $0x1;
	p2 =	sne.s32 s9, $0x0  }
0x12a: {  	s24 =	sshrl.u32 s21, $0x1C;
	p1 =	por !p1, !p2  }
0x12b: {  	s21 =	simm.s32 $0x1;
	s9 =	sadd.s32 s24, s1;
	p1 =	por !p1, !p1  }
0x12c: {  	s9 =	sshrl.u32 s9, $0x4;
	s21 =	simm.s32 @!p1 $0x0  }
0x12d: {  	s9 =	ssub.s32 s9, s21  }
0x12e: {  	s9 =	sshll.u32 s9, $0x4  }
0x12f: {  	v1 =	vld [tilespmem:s9+$0x18000];
	_ =	sdelay $0x1  }
0x130: {  	s1 =	ssub.s32 s1, s9  }
0x131: {  	v2 =	vmov s1  }
0x132: {  	vm1 =	veq.s32 v2, v0  }
0x133: {  	v1 =	vnsel vm1, $0x0, v1  }
0x134: {  	(xrf0) =	vadd.scan.msk.s32 $0xffff, v1;
	_ =	sdelay $0x5  }
0x135: {  	v1, _, _ =	vpop (xrf0)  }
0x136: {  	(v2sf) =	vpush v1, $0xF;
	_ =	sdelay $0x6  }
0x137: {  	s24 =	sshll.u32 s18, $0x2;
	s21 =	sshll.u32 s11, $0x2  }
0x138: {  	s9 =	sand.u32 $0x600, s24;
	s1 =	sand.u32 $0xFFFF0000, s21  }
0x139: {  	s1 =	sor.u32 s9, s1  }
0x13a: {  	s1 =	sshra.s32 s1, $0x2  }
0x13b: {  	s1 =	sadd.s32 $0x10000, s1  }
0x13c: {  	v1 =	vmov s1;
	_ =	sdelay $0x2  }
0x13d: {  	s1 =	spop (v2sf)  }
0x13e: {  	s24 =	sshra.s32 s25, $0x2;
	s21 =	sadd.s32 s1, s13  }
0x13f: {  	v2 =	vld.idx.msk [tilespmem:v1+s24+$0x4000 ss:$0x1], $0xffff;
	s1 =	sand.u32 $0x3, s1;
	s9 =	sshll.u32 s21, $0xE  }
0x140: {  	s1 =	sshll.u32 s1, $0x9;
	s9 =	sand.u32 $0xFFFF0000, s9  }
0x141: {  	s1 =	sor.u32 s1, s9  }
0x142: {  	s29 =	sshra.s32 s1, $0x2  }
0x143: {  	s9 =	sadd.s32 s24, s29  }
0x144: {  	[tilespmem:s9+$0x4000] =	vst.add.f32.msk $0xffff, v2  }
0x145: {  	v2 =	vld.idx.msk [tilespmem:v1+s24+$0x4010 ss:$0x1], $0xffff;
	_ =	sdelay $0x4  }
0x146: {  	[tilespmem:s9+$0x4010] =	vst.add.f32.msk $0xffff, v2  }
0x147: {  	v2 =	vld.idx.msk [tilespmem:v1+s24+$0x4020 ss:$0x1], $0xffff;
	_ =	sdelay $0x4  }
0x148: {  	[tilespmem:s9+$0x4020] =	vst.add.f32.msk $0xffff, v2  }
0x149: {  	v2 =	vld.idx.msk [tilespmem:v1+s24+$0x4030 ss:$0x1], $0xffff;
	_ =	sdelay $0x4  }
0x14a: {  	[tilespmem:s9+$0x4030] =	vst.add.f32.msk $0xffff, v2  }
0x14b: {  	v2 =	vld.idx.msk [tilespmem:v1+s24+$0x4040 ss:$0x1], $0xffff;
	_ =	sdelay $0x4  }
0x14c: {  	[tilespmem:s9+$0x4040] =	vst.add.f32.msk $0xffff, v2  }
0x14d: {  	v2 =	vld.idx.msk [tilespmem:v1+s24+$0x4050 ss:$0x1], $0xffff;
	_ =	sdelay $0x4  }
0x14e: {  	[tilespmem:s9+$0x4050] =	vst.add.f32.msk $0xffff, v2  }
0x14f: {  	v2 =	vld.idx.msk [tilespmem:v1+s24+$0x4060 ss:$0x1], $0xffff;
	_ =	sdelay $0x4  }
0x150: {  	[tilespmem:s9+$0x4060] =	vst.add.f32.msk $0xffff, v2  }
0x151: {  	v2 =	vld.idx.msk [tilespmem:v1+s24+$0x4070 ss:$0x1], $0xffff;
	_ =	sdelay $0x4  }
0x152: {  	[tilespmem:s9+$0x4070] =	vst.add.f32.msk $0xffff, v2  }
0x153: {  	v2 =	vld.idx.msk [tilespmem:v1+s24+$0x4200 ss:$0x1], $0xffff;
	_ =	sdelay $0x4  }
0x154: {  	[tilespmem:s9+$0x4200] =	vst.add.f32.msk $0xffff, v2  }
0x155: {  	v2 =	vld.idx.msk [tilespmem:v1+s24+$0x4210 ss:$0x1], $0xffff;
	_ =	sdelay $0x4  }
0x156: {  	[tilespmem:s9+$0x4210] =	vst.add.f32.msk $0xffff, v2  }
0x157: {  	v2 =	vld.idx.msk [tilespmem:v1+s24+$0x4220 ss:$0x1], $0xffff;
	_ =	sdelay $0x4  }
0x158: {  	[tilespmem:s9+$0x4220] =	vst.add.f32.msk $0xffff, v2  }
0x159: {  	v2 =	vld.idx.msk [tilespmem:v1+s24+$0x4230 ss:$0x1], $0xffff;
	_ =	sdelay $0x4  }
0x15a: {  	[tilespmem:s9+$0x4230] =	vst.add.f32.msk $0xffff, v2  }
0x15b: {  	v2 =	vld.idx.msk [tilespmem:v1+s24+$0x4240 ss:$0x1], $0xffff;
	_ =	sdelay $0x4  }
0x15c: {  	[tilespmem:s9+$0x4240] =	vst.add.f32.msk $0xffff, v2  }
0x15d: {  	v2 =	vld.idx.msk [tilespmem:v1+s24+$0x4250 ss:$0x1], $0xffff;
	_ =	sdelay $0x4  }
0x15e: {  	[tilespmem:s9+$0x4250] =	vst.add.f32.msk $0xffff, v2  }
0x15f: {  	v2 =	vld.idx.msk [tilespmem:v1+s24+$0x4260 ss:$0x1], $0xffff;
	_ =	sdelay $0x4  }
0x160: {  	[tilespmem:s9+$0x4260] =	vst.add.f32.msk $0xffff, v2  }
0x161: {  	v2 =	vld.idx.msk [tilespmem:v1+s24+$0x4270 ss:$0x1], $0xffff;
	_ =	sdelay $0x3  }
0x162: {  	s21 =	sadd.s32 $0x1000, s25;
	s1 =	simm.s32 $0x0  }
.LBB2_22:
0x163: {  	s24 =	sshra.s32 s21, $0x2;
	s1 =	sadd.s32 $0x10, s1;
	[tilespmem:s9+$0x4270] =	vst.add.f32.msk $0xffff, v2  }
0x164: {  	v2 =	vld.idx.msk [tilespmem:v1+s24+$0x4000 ss:$0x1], $0xffff;
	p1 =	slt.u32 s1, $0xF0;
	_ =	sdelay $0x4  }
0x165: {  	s9 =	sadd.s32 s24, s29  }
0x166: {  	[tilespmem:s9+$0x4000] =	vst.add.f32.msk $0xffff, v2  }
0x167: {  	v2 =	vld.idx.msk [tilespmem:v1+s24+$0x4010 ss:$0x1], $0xffff;
	_ =	sdelay $0x5  }
0x168: {  	[tilespmem:s9+$0x4010] =	vst.add.f32.msk $0xffff, v2  }
0x169: {  	v2 =	vld.idx.msk [tilespmem:v1+s24+$0x4020 ss:$0x1], $0xffff;
	_ =	sdelay $0x5  }
0x16a: {  	[tilespmem:s9+$0x4020] =	vst.add.f32.msk $0xffff, v2  }
0x16b: {  	v2 =	vld.idx.msk [tilespmem:v1+s24+$0x4030 ss:$0x1], $0xffff;
	_ =	sdelay $0x5  }
0x16c: {  	[tilespmem:s9+$0x4030] =	vst.add.f32.msk $0xffff, v2  }
0x16d: {  	v2 =	vld.idx.msk [tilespmem:v1+s24+$0x4040 ss:$0x1], $0xffff;
	_ =	sdelay $0x5  }
0x16e: {  	[tilespmem:s9+$0x4040] =	vst.add.f32.msk $0xffff, v2  }
0x16f: {  	v2 =	vld.idx.msk [tilespmem:v1+s24+$0x4050 ss:$0x1], $0xffff;
	_ =	sdelay $0x5  }
0x170: {  	[tilespmem:s9+$0x4050] =	vst.add.f32.msk $0xffff, v2  }
0x171: {  	v2 =	vld.idx.msk [tilespmem:v1+s24+$0x4060 ss:$0x1], $0xffff;
	_ =	sdelay $0x5  }
0x172: {  	[tilespmem:s9+$0x4060] =	vst.add.f32.msk $0xffff, v2  }
0x173: {  	v2 =	vld.idx.msk [tilespmem:v1+s24+$0x4070 ss:$0x1], $0xffff;
	_ =	sdelay $0x5  }
0x174: {  	[tilespmem:s9+$0x4070] =	vst.add.f32.msk $0xffff, v2  }
0x175: {  	v2 =	vld.idx.msk [tilespmem:v1+s24+$0x4200 ss:$0x1], $0xffff;
	_ =	sdelay $0x5  }
0x176: {  	[tilespmem:s9+$0x4200] =	vst.add.f32.msk $0xffff, v2  }
0x177: {  	v2 =	vld.idx.msk [tilespmem:v1+s24+$0x4210 ss:$0x1], $0xffff;
	_ =	sdelay $0x5  }
0x178: {  	[tilespmem:s9+$0x4210] =	vst.add.f32.msk $0xffff, v2  }
0x179: {  	v2 =	vld.idx.msk [tilespmem:v1+s24+$0x4220 ss:$0x1], $0xffff;
	_ =	sdelay $0x5  }
0x17a: {  	[tilespmem:s9+$0x4220] =	vst.add.f32.msk $0xffff, v2  }
0x17b: {  	v2 =	vld.idx.msk [tilespmem:v1+s24+$0x4230 ss:$0x1], $0xffff;
	_ =	sdelay $0x5  }
0x17c: {  	[tilespmem:s9+$0x4230] =	vst.add.f32.msk $0xffff, v2  }
0x17d: {  	v2 =	vld.idx.msk [tilespmem:v1+s24+$0x4240 ss:$0x1], $0xffff;
	_ =	sdelay $0x5  }
0x17e: {  	[tilespmem:s9+$0x4240] =	vst.add.f32.msk $0xffff, v2  }
0x17f: {  	v2 =	vld.idx.msk [tilespmem:v1+s24+$0x4250 ss:$0x1], $0xffff;
	_ =	sdelay $0x5  }
0x180: {  	[tilespmem:s9+$0x4250] =	vst.add.f32.msk $0xffff, v2  }
0x181: {  	v2 =	vld.idx.msk [tilespmem:v1+s24+$0x4260 ss:$0x1], $0xffff;
	_ =	sdelay $0x5  }
0x182: {  	[tilespmem:s9+$0x4260] =	vst.add.f32.msk $0xffff, v2  }
0x183: {  	v2 =	vld.idx.msk [tilespmem:v1+s24+$0x4270 ss:$0x1], $0xffff  }
.Ltmp18:
0x184: {  	(pc) =	sbr.rel @p1 .LBB2_22-.Ltmp18, $2  }
0x185: {  	_ =	sdelay $0x2  }
0x186: {  	s21 =	sadd.s32 $0x1000, s21  }
0x187: {  	s22 =	sadd.s32 $0x1, s22  }
0x188: {  	p1 =	sne.s32 s22, s17  }
.Ltmp19:
0x189: {  	_ = 	snop;
	(pc) =	sbr.rel @p1 .LBB2_21-.Ltmp19, $2  }
0x18a: {  	_ =	sdelay $0x2  }
0x18b: {  	[tilespmem:s9+$0x4270] =	vst.add.f32.msk $0xffff, v2;
	s11 =	sadd.s32 $0x1000, s11;
	s18 =	sadd.s32 $0x80, s18  }
.LBB2_24:
0x18c: {  	v1 =	vld [tilespmem:s16+$0x18080]  }
0x18d: {  	s1 =	sor.u32 $0x3, s7  }
0x18e: {  	s6 =	ssub.s32 s1, s16  }
0x18f: {  	v2 =	vmov s6  }
0x190: {  	vm1 =	veq.s32 v2, v0  }
0x191: {  	v1 =	vnsel vm1, $0x0, v1  }
0x192: {  	(xrf0) =	vadd.scan.msk.s32 $0xffff, v1;
	_ =	sdelay $0x5  }
0x193: {  	v1, _, _ =	vpop (xrf0)  }
0x194: {  	(v2sf) =	vpush v1, $0xF;
	_ =	sdelay $0xe  }
0x195: {  	s6 =	spop (v2sf)  }
0x196: {  	s16 =	ssub.s32 s6, s31  }
0x197: {  	p1 =	slt.s32 s16, $0x1  }
.Ltmp20:
0x198: {  	_ = 	snop;
	(pc) =	sbr.rel @p1 .LBB2_28-.Ltmp20, $3  }
0x199: {  	_ =	sdelay $0x1  }
0x19a: {  	s9 =	simm.s32 $0x0  }
0x19b: {  	s11 =	simm.s32 $0x0;
	s17 =	simm.s32 $0x0;
	s29 =	simm.s32 $0x4000  }
.LBB2_25:
0x19c: {  	s18 =	sadd.s32 s31, s17  }
0x19d: {  	s21 =	sand.u32 $0xF, s18  }
0x19e: {  	s22 =	sshra.s32 s18, $0x1F;
	p2 =	slt.s32 s18, $0x1;
	p3 =	sne.s32 s21, $0x0  }
0x19f: {  	s25 =	sshrl.u32 s22, $0x1C;
	p2 =	por !p2, !p3  }
0x1a0: {  	s22 =	simm.s32 $0x1;
	s21 =	sadd.s32 s25, s18;
	p2 =	por !p2, !p2  }
0x1a1: {  	s21 =	sshrl.u32 s21, $0x4;
	s22 =	simm.s32 @!p2 $0x0  }
0x1a2: {  	s21 =	ssub.s32 s21, s22  }
0x1a3: {  	s21 =	sshll.u32 s21, $0x4  }
0x1a4: {  	v1 =	vld [tilespmem:s21+$0x18000];
	_ =	sdelay $0x1  }
0x1a5: {  	s18 =	ssub.s32 s18, s21  }
0x1a6: {  	v2 =	vmov s18  }
0x1a7: {  	vm1 =	veq.s32 v2, v0  }
0x1a8: {  	v1 =	vnsel vm1, $0x0, v1  }
0x1a9: {  	(xrf0) =	vadd.scan.msk.s32 $0xffff, v1;
	_ =	sdelay $0x5  }
0x1aa: {  	v1, _, _ =	vpop (xrf0)  }
0x1ab: {  	(v2sf) =	vpush v1, $0xF;
	_ =	sdelay $0xe  }
0x1ac: {  	s25 =	sshll.u32 s9, $0x2;
	s21 =	sshll.u32 s11, $0x2;
	s22 =	spop (v2sf)  }
0x1ad: {  	s18 =	sand.u32 $0xFFFF0000, s21;
	s24 =	sshll.u32 s22, $0xC;
	s21 =	sshll.u32 s22, $0x7  }
0x1ae: {  	s22 =	sand.u32 $0x600, s25;
	s24 =	sand.u32 $0xFFFF8000, s24;
	s21 =	sand.u32 $0x380, s21  }
0x1af: {  	s18 =	sor.u32 s22, s18;
	s21 =	sor.u32 s21, s24  }
0x1b0: {  	s18 =	sshra.s32 s18, $0x2;
	s21 =	sshrl.u32 s21, $0x3  }
0x1b1: {  	s18 =	sadd.s32 $0x10000, s18;
	s21 =	sadd.s32 s2, s21  }
0x1b2: {  	s22 =	simm.s32 $0x80;
	s24 =	sadd.s32 $0x200, s18;
	s25 =	sadd.s32 $0x0, s21  }
.LBB2_26:
0x1b3: {  	[tilespmem:s18], [sflag:$0x9] =	stream.linear.gather [hbm4b:s25+s5], $0x80, $0x38;
	[tilespmem:$0x18100] =	vst v63  }
0x1b4: {  	s25 =	smov.u32 s22;
	s18 =	smov.u32 s24;
	p2 =	sne.s32 s22, $0xF80  }
.Ltmp21:
0x1b5: {  	s22 =	sadd.s32 $0x80, s22;
	(pc) =	sbr.rel @p2 .LBB2_26-.Ltmp21, $2  }
0x1b6: {  	_ =	sdelay $0x2  }
0x1b7: {  	s24 =	sadd.s32 $0x200, s24;
	s25 =	sadd.s32 s25, s21  }
0x1b8: {  	s17 =	sadd.s32 $0x1, s17  }
0x1b9: {  	p2 =	sne.s32 s17, s16  }
.Ltmp22:
0x1ba: {  	_ = 	snop;
	(pc) =	sbr.rel @p2 .LBB2_25-.Ltmp22, $3  }
0x1bb: {  	_ =	sdelay $0x1  }
0x1bc: {  	[tilespmem:s18], [sflag:$0x9] =	stream.linear.gather [hbm4b:s25+s5], $0x80, $0x38;
	[tilespmem:$0x18100] =	vst v63  }
0x1bd: {  	s11 =	sadd.s32 $0x1000, s11;
	s9 =	sadd.s32 $0x80, s9  }
.LBB2_28:
0x1be: {  	s0 =	sadd.s32 s4, s0  }
0x1bf: {  	[hbm4b:s0+s19] =	stream.strided.scatter [tilespmem:s29], [sflag:$0x6], $0x4000, s20, s19, $0x38;
	[tilespmem:$0x18100] =	vst v63  }
0x1c0: {  	_ =	swait.ge [sflag:s28], $0x4000  }
0x1c1: {  	[sflag:s28] =	ssyncset.done $0x0  }
0x1c2: {  	s9 =	simm.s32 @!p0 $0x8;
	[sflag:s28] =	ssyncadd.s32 $0xFFFFC000  }
0x1c3: {  	_ =	swait.ge @!p0 [sflag:s9], $0x4000  }
.Ltmp23:
0x1c4: {  	s21 =	sshll.u32 s1, $0xB;
	[sflag:s9] =	ssyncset.done @!p0 $0x0;
	(pc) =	sbr.rel @p1 .LBB2_35-.Ltmp23, $4  }
0x1c5: {  	s0 =	sand.u32 $0xF000, s21;
	s22 =	rddreg [dreg:$0xa];
	[sflag:s9] =	ssyncadd.s32 @!p0 $0xFFFFC000  }
0x1c6: {  	s0 =	sor.u32 s22, s0;
	s24 =	rddreg [dreg:$0x0]  }
0x1c7: {  	s25 =	simm.s32 $0xC000;
	s1 =	sadd.s32 s24, s0  }
0x1c8: {  	[tilespmem:s25], [sflag:$0x4] =	stream.strided.gather [hbm4b:s1+s19], $0x4000, s20, s19, $0x38;
	[tilespmem:$0x18100] =	vst v63  }
0x1c9: {  	p0 =	sne.s32 s16, $0x1  }
.Ltmp24:
0x1ca: {  	_ = 	snop;
	(pc) =	sbr.rel @!p0 .LBB2_31-.Ltmp24, $3  }
0x1cb: {  	_ =	sdelay $0x1  }
0x1cc: {  	_ =	swait.ge [sflag:s23], $0x1000  }
0x1cd: {  	s1 =	sadd.s32 $0xFFFFFFFF, s16;
	s17 =	simm.s32 $0x0;
	[sflag:s23] =	ssyncset.done $0x0  }
.LBB2_30:
0x1ce: {  	p0 =	sne.s32 s1, $0x1;
	s1 =	sadd.s32 $0xFFFFFFFF, s1;
	[sflag:s23] =	ssyncadd.s32 $0xFFFFF000  }
.Ltmp25:
0x1cf: {  	(pc) =	sbr.rel @p0 .LBB2_30-.Ltmp25, $3  }
0x1d0: {  	_ =	sdelay $0x1  }
0x1d1: {  	_ =	swait.ge [sflag:s23], $0x1000  }
0x1d2: {  	[sflag:s23] =	ssyncset.done $0x0  }
.LBB2_31:
0x1d3: {  	[sflag:s23] =	ssyncadd.s32 $0xFFFFF000  }
0x1d4: {  	s11 =	smov.u32 s17;
	s18 =	smov.u32 s17;
	s22 =	smov.u32 s17  }
.LBB2_32:
0x1d5: {  	s1 =	sadd.s32 s31, s22  }
0x1d6: {  	s9 =	sand.u32 $0xF, s1  }
0x1d7: {  	s21 =	sshra.s32 s1, $0x1F;
	p0 =	slt.s32 s1, $0x1;
	p1 =	sne.s32 s9, $0x0  }
0x1d8: {  	s25 =	sshrl.u32 s21, $0x1C;
	p0 =	por !p0, !p1  }
0x1d9: {  	s21 =	simm.s32 $0x1;
	s9 =	sadd.s32 s25, s1;
	p0 =	por !p0, !p0  }
0x1da: {  	s9 =	sshrl.u32 s9, $0x4;
	s21 =	simm.s32 @!p0 $0x0  }
0x1db: {  	s9 =	ssub.s32 s9, s21  }
0x1dc: {  	s9 =	sshll.u32 s9, $0x4  }
0x1dd: {  	v1 =	vld [tilespmem:s9+$0x18000];
	_ =	sdelay $0x1  }
0x1de: {  	s1 =	ssub.s32 s1, s9  }
0x1df: {  	v2 =	vmov s1  }
0x1e0: {  	vm1 =	veq.s32 v2, v0  }
0x1e1: {  	v1 =	vnsel vm1, $0x0, v1  }
0x1e2: {  	(xrf0) =	vadd.scan.msk.s32 $0xffff, v1;
	_ =	sdelay $0x5  }
0x1e3: {  	v1, _, _ =	vpop (xrf0)  }
0x1e4: {  	(v2sf) =	vpush v1, $0xF;
	_ =	sdelay $0x6  }
0x1e5: {  	s24 =	sshll.u32 s11, $0x2;
	s21 =	sshll.u32 s18, $0x2  }
0x1e6: {  	s9 =	sand.u32 $0x600, s24;
	s1 =	sand.u32 $0xFFFF0000, s21  }
0x1e7: {  	s1 =	sor.u32 s9, s1  }
0x1e8: {  	s1 =	sshra.s32 s1, $0x2  }
0x1e9: {  	s1 =	sadd.s32 $0x10200, s1  }
0x1ea: {  	v1 =	vmov s1;
	_ =	sdelay $0x2  }
0x1eb: {  	s25 =	spop (v2sf)  }
0x1ec: {  	s24 =	sshra.s32 s17, $0x2;
	s21 =	sadd.s32 s25, s14  }
0x1ed: {  	v2 =	vld.idx.msk [tilespmem:v1+s24+$0xFFFFFE00 ss:$0x1], $0xffff;
	s1 =	sand.u32 $0x3, s25;
	s9 =	sshll.u32 s21, $0xE  }
0x1ee: {  	s1 =	sshll.u32 s1, $0x9;
	s9 =	sand.u32 $0xFFFF0000, s9  }
0x1ef: {  	s1 =	sor.u32 s1, s9  }
0x1f0: {  	s25 =	sshra.s32 s1, $0x2  }
0x1f1: {  	s9 =	sadd.s32 s24, s25  }
0x1f2: {  	[tilespmem:s9+$0x8000] =	vst.add.f32.msk $0xffff, v2  }
0x1f3: {  	v2 =	vld.idx.msk [tilespmem:v1+s24+$0xFFFFFE10 ss:$0x1], $0xffff;
	_ =	sdelay $0x4  }
0x1f4: {  	[tilespmem:s9+$0x8010] =	vst.add.f32.msk $0xffff, v2  }
0x1f5: {  	v2 =	vld.idx.msk [tilespmem:v1+s24+$0xFFFFFE20 ss:$0x1], $0xffff;
	_ =	sdelay $0x4  }
0x1f6: {  	[tilespmem:s9+$0x8020] =	vst.add.f32.msk $0xffff, v2  }
0x1f7: {  	v2 =	vld.idx.msk [tilespmem:v1+s24+$0xFFFFFE30 ss:$0x1], $0xffff;
	_ =	sdelay $0x4  }
0x1f8: {  	[tilespmem:s9+$0x8030] =	vst.add.f32.msk $0xffff, v2  }
0x1f9: {  	v2 =	vld.idx.msk [tilespmem:v1+s24+$0xFFFFFE40 ss:$0x1], $0xffff;
	_ =	sdelay $0x4  }
0x1fa: {  	[tilespmem:s9+$0x8040] =	vst.add.f32.msk $0xffff, v2  }
0x1fb: {  	v2 =	vld.idx.msk [tilespmem:v1+s24+$0xFFFFFE50 ss:$0x1], $0xffff;
	_ =	sdelay $0x4  }
0x1fc: {  	[tilespmem:s9+$0x8050] =	vst.add.f32.msk $0xffff, v2  }
0x1fd: {  	v2 =	vld.idx.msk [tilespmem:v1+s24+$0xFFFFFE60 ss:$0x1], $0xffff;
	_ =	sdelay $0x4  }
0x1fe: {  	[tilespmem:s9+$0x8060] =	vst.add.f32.msk $0xffff, v2  }
0x1ff: {  	v2 =	vld.idx.msk [tilespmem:v1+s24+$0xFFFFFE70 ss:$0x1], $0xffff;
	_ =	sdelay $0x4  }
0x200: {  	[tilespmem:s9+$0x8070] =	vst.add.f32.msk $0xffff, v2  }
0x201: {  	v2 =	vld.idx.msk [tilespmem:v1+s24+$0x0 ss:$0x1], $0xffff;
	_ =	sdelay $0x4  }
0x202: {  	[tilespmem:s9+$0x8200] =	vst.add.f32.msk $0xffff, v2  }
0x203: {  	v2 =	vld.idx.msk [tilespmem:v1+s24+$0x10 ss:$0x1], $0xffff;
	_ =	sdelay $0x4  }
0x204: {  	[tilespmem:s9+$0x8210] =	vst.add.f32.msk $0xffff, v2  }
0x205: {  	v2 =	vld.idx.msk [tilespmem:v1+s24+$0x20 ss:$0x1], $0xffff;
	_ =	sdelay $0x4  }
0x206: {  	[tilespmem:s9+$0x8220] =	vst.add.f32.msk $0xffff, v2  }
0x207: {  	v2 =	vld.idx.msk [tilespmem:v1+s24+$0x30 ss:$0x1], $0xffff;
	_ =	sdelay $0x4  }
0x208: {  	[tilespmem:s9+$0x8230] =	vst.add.f32.msk $0xffff, v2  }
0x209: {  	v2 =	vld.idx.msk [tilespmem:v1+s24+$0x40 ss:$0x1], $0xffff;
	_ =	sdelay $0x4  }
0x20a: {  	[tilespmem:s9+$0x8240] =	vst.add.f32.msk $0xffff, v2  }
0x20b: {  	v2 =	vld.idx.msk [tilespmem:v1+s24+$0x50 ss:$0x1], $0xffff;
	_ =	sdelay $0x4  }
0x20c: {  	[tilespmem:s9+$0x8250] =	vst.add.f32.msk $0xffff, v2  }
0x20d: {  	v2 =	vld.idx.msk [tilespmem:v1+s24+$0x60 ss:$0x1], $0xffff;
	_ =	sdelay $0x4  }
0x20e: {  	[tilespmem:s9+$0x8260] =	vst.add.f32.msk $0xffff, v2  }
0x20f: {  	v2 =	vld.idx.msk [tilespmem:v1+s24+$0x70 ss:$0x1], $0xffff;
	_ =	sdelay $0x3  }
0x210: {  	s21 =	sadd.s32 $0x1000, s17;
	s1 =	simm.s32 $0x0  }
.LBB2_33:
0x211: {  	s24 =	sshra.s32 s21, $0x2;
	s1 =	sadd.s32 $0x10, s1;
	[tilespmem:s9+$0x8270] =	vst.add.f32.msk $0xffff, v2  }
0x212: {  	v2 =	vld.idx.msk [tilespmem:v1+s24+$0xFFFFFE00 ss:$0x1], $0xffff;
	p0 =	slt.u32 s1, $0xF0;
	_ =	sdelay $0x4  }
0x213: {  	s9 =	sadd.s32 s24, s25  }
0x214: {  	[tilespmem:s9+$0x8000] =	vst.add.f32.msk $0xffff, v2  }
0x215: {  	v2 =	vld.idx.msk [tilespmem:v1+s24+$0xFFFFFE10 ss:$0x1], $0xffff;
	_ =	sdelay $0x5  }
0x216: {  	[tilespmem:s9+$0x8010] =	vst.add.f32.msk $0xffff, v2  }
0x217: {  	v2 =	vld.idx.msk [tilespmem:v1+s24+$0xFFFFFE20 ss:$0x1], $0xffff;
	_ =	sdelay $0x5  }
0x218: {  	[tilespmem:s9+$0x8020] =	vst.add.f32.msk $0xffff, v2  }
0x219: {  	v2 =	vld.idx.msk [tilespmem:v1+s24+$0xFFFFFE30 ss:$0x1], $0xffff;
	_ =	sdelay $0x5  }
0x21a: {  	[tilespmem:s9+$0x8030] =	vst.add.f32.msk $0xffff, v2  }
0x21b: {  	v2 =	vld.idx.msk [tilespmem:v1+s24+$0xFFFFFE40 ss:$0x1], $0xffff;
	_ =	sdelay $0x5  }
0x21c: {  	[tilespmem:s9+$0x8040] =	vst.add.f32.msk $0xffff, v2  }
0x21d: {  	v2 =	vld.idx.msk [tilespmem:v1+s24+$0xFFFFFE50 ss:$0x1], $0xffff;
	_ =	sdelay $0x5  }
0x21e: {  	[tilespmem:s9+$0x8050] =	vst.add.f32.msk $0xffff, v2  }
0x21f: {  	v2 =	vld.idx.msk [tilespmem:v1+s24+$0xFFFFFE60 ss:$0x1], $0xffff;
	_ =	sdelay $0x5  }
0x220: {  	[tilespmem:s9+$0x8060] =	vst.add.f32.msk $0xffff, v2  }
0x221: {  	v2 =	vld.idx.msk [tilespmem:v1+s24+$0xFFFFFE70 ss:$0x1], $0xffff;
	_ =	sdelay $0x5  }
0x222: {  	[tilespmem:s9+$0x8070] =	vst.add.f32.msk $0xffff, v2  }
0x223: {  	v2 =	vld.idx.msk [tilespmem:v1+s24+$0x0 ss:$0x1], $0xffff;
	_ =	sdelay $0x5  }
0x224: {  	[tilespmem:s9+$0x8200] =	vst.add.f32.msk $0xffff, v2  }
0x225: {  	v2 =	vld.idx.msk [tilespmem:v1+s24+$0x10 ss:$0x1], $0xffff;
	_ =	sdelay $0x5  }
0x226: {  	[tilespmem:s9+$0x8210] =	vst.add.f32.msk $0xffff, v2  }
0x227: {  	v2 =	vld.idx.msk [tilespmem:v1+s24+$0x20 ss:$0x1], $0xffff;
	_ =	sdelay $0x5  }
0x228: {  	[tilespmem:s9+$0x8220] =	vst.add.f32.msk $0xffff, v2  }
0x229: {  	v2 =	vld.idx.msk [tilespmem:v1+s24+$0x30 ss:$0x1], $0xffff;
	_ =	sdelay $0x5  }
0x22a: {  	[tilespmem:s9+$0x8230] =	vst.add.f32.msk $0xffff, v2  }
0x22b: {  	v2 =	vld.idx.msk [tilespmem:v1+s24+$0x40 ss:$0x1], $0xffff;
	_ =	sdelay $0x5  }
0x22c: {  	[tilespmem:s9+$0x8240] =	vst.add.f32.msk $0xffff, v2  }
0x22d: {  	v2 =	vld.idx.msk [tilespmem:v1+s24+$0x50 ss:$0x1], $0xffff;
	_ =	sdelay $0x5  }
0x22e: {  	[tilespmem:s9+$0x8250] =	vst.add.f32.msk $0xffff, v2  }
0x22f: {  	v2 =	vld.idx.msk [tilespmem:v1+s24+$0x60 ss:$0x1], $0xffff;
	_ =	sdelay $0x5  }
0x230: {  	[tilespmem:s9+$0x8260] =	vst.add.f32.msk $0xffff, v2  }
0x231: {  	v2 =	vld.idx.msk [tilespmem:v1+s24+$0x70 ss:$0x1], $0xffff  }
.Ltmp26:
0x232: {  	(pc) =	sbr.rel @p0 .LBB2_33-.Ltmp26, $2  }
0x233: {  	_ =	sdelay $0x2  }
0x234: {  	s21 =	sadd.s32 $0x1000, s21  }
0x235: {  	s22 =	sadd.s32 $0x1, s22  }
0x236: {  	p0 =	sne.s32 s22, s16  }
.Ltmp27:
0x237: {  	_ = 	snop;
	(pc) =	sbr.rel @p0 .LBB2_32-.Ltmp27, $2  }
0x238: {  	_ =	sdelay $0x2  }
0x239: {  	[tilespmem:s9+$0x8270] =	vst.add.f32.msk $0xffff, v2;
	s18 =	sadd.s32 $0x1000, s18;
	s11 =	sadd.s32 $0x80, s11  }
.LBB2_35:
0x23a: {  	s1 =	sadd.s32 $0x4, s7  }
0x23b: {  	s9 =	sand.u32 $0x30, s1  }
0x23c: {  	v1 =	vld [tilespmem:s9+$0x18080];
	_ =	sdelay $0x1  }
0x23d: {  	s25 =	sand.u32 $0xC, s1  }
0x23e: {  	v2 =	vmov s25  }
0x23f: {  	vm1 =	veq.s32 v2, v0  }
0x240: {  	v1 =	vnsel vm1, $0x0, v1  }
0x241: {  	(xrf0) =	vadd.scan.msk.s32 $0xffff, v1;
	_ =	sdelay $0x5  }
0x242: {  	v1, _, _ =	vpop (xrf0)  }
0x243: {  	(v2sf) =	vpush v1, $0xF;
	_ =	sdelay $0xe  }
0x244: {  	s31 =	spop (v2sf)  }
0x245: {  	s16 =	ssub.s32 s31, s6  }
0x246: {  	p0 =	slt.s32 s16, $0x1  }
.Ltmp28:
0x247: {  	_ = 	snop;
	(pc) =	sbr.rel @p0 .LBB2_39-.Ltmp28, $2  }
0x248: {  	_ =	sdelay $0x2  }
0x249: {  	s11 =	simm.s32 $0x0;
	s17 =	simm.s32 $0x0;
	s9 =	simm.s32 $0x0  }
.LBB2_36:
0x24a: {  	s18 =	sadd.s32 s6, s17  }
0x24b: {  	s21 =	sand.u32 $0xF, s18  }
0x24c: {  	s22 =	sshra.s32 s18, $0x1F;
	p1 =	slt.s32 s18, $0x1;
	p2 =	sne.s32 s21, $0x0  }
0x24d: {  	s25 =	sshrl.u32 s22, $0x1C;
	p1 =	por !p1, !p2  }
0x24e: {  	s22 =	simm.s32 $0x1;
	s21 =	sadd.s32 s25, s18;
	p1 =	por !p1, !p1  }
0x24f: {  	s21 =	sshrl.u32 s21, $0x4;
	s22 =	simm.s32 @!p1 $0x0  }
0x250: {  	s21 =	ssub.s32 s21, s22  }
0x251: {  	s21 =	sshll.u32 s21, $0x4  }
0x252: {  	v1 =	vld [tilespmem:s21+$0x18000];
	_ =	sdelay $0x1  }
0x253: {  	s18 =	ssub.s32 s18, s21  }
0x254: {  	v2 =	vmov s18  }
0x255: {  	vm1 =	veq.s32 v2, v0  }
0x256: {  	v1 =	vnsel vm1, $0x0, v1  }
0x257: {  	(xrf0) =	vadd.scan.msk.s32 $0xffff, v1;
	_ =	sdelay $0x5  }
0x258: {  	v1, _, _ =	vpop (xrf0)  }
0x259: {  	(v2sf) =	vpush v1, $0xF;
	_ =	sdelay $0xe  }
0x25a: {  	s25 =	sshll.u32 s9, $0x2;
	s21 =	sshll.u32 s11, $0x2;
	s22 =	spop (v2sf)  }
0x25b: {  	s18 =	sand.u32 $0xFFFF0000, s21;
	s24 =	sshll.u32 s22, $0xC;
	s21 =	sshll.u32 s22, $0x7  }
0x25c: {  	s22 =	sand.u32 $0x600, s25;
	s24 =	sand.u32 $0xFFFF8000, s24;
	s21 =	sand.u32 $0x380, s21  }
0x25d: {  	s18 =	sor.u32 s22, s18;
	s21 =	sor.u32 s21, s24  }
0x25e: {  	s18 =	sshra.s32 s18, $0x2;
	s21 =	sshrl.u32 s21, $0x3  }
0x25f: {  	s18 =	sadd.s32 $0x14000, s18;
	s21 =	sadd.s32 s2, s21  }
0x260: {  	s22 =	simm.s32 $0x80;
	s24 =	sadd.s32 $0x200, s18;
	s25 =	sadd.s32 $0x0, s21  }
.LBB2_37:
0x261: {  	[tilespmem:s18], [sflag:$0xA] =	stream.linear.gather [hbm4b:s25+s5], $0x80, $0x38;
	[tilespmem:$0x18100] =	vst v63  }
0x262: {  	s25 =	smov.u32 s22;
	s18 =	smov.u32 s24;
	p1 =	sne.s32 s22, $0xF80  }
.Ltmp29:
0x263: {  	s22 =	sadd.s32 $0x80, s22;
	(pc) =	sbr.rel @p1 .LBB2_37-.Ltmp29, $2  }
0x264: {  	_ =	sdelay $0x2  }
0x265: {  	s24 =	sadd.s32 $0x200, s24;
	s25 =	sadd.s32 s25, s21  }
0x266: {  	s17 =	sadd.s32 $0x1, s17  }
0x267: {  	p1 =	sne.s32 s17, s16  }
.Ltmp30:
0x268: {  	_ = 	snop;
	(pc) =	sbr.rel @p1 .LBB2_36-.Ltmp30, $3  }
0x269: {  	_ =	sdelay $0x1  }
0x26a: {  	[tilespmem:s18], [sflag:$0xA] =	stream.linear.gather [hbm4b:s25+s5], $0x80, $0x38;
	[tilespmem:$0x18100] =	vst v63  }
0x26b: {  	s11 =	sadd.s32 $0x1000, s11;
	s9 =	sadd.s32 $0x80, s9  }
.LBB2_39:
0x26c: {  	s3 =	sadd.s32 s4, s3;
	s9 =	simm.s32 $0x8000  }
0x26d: {  	[hbm4b:s3+s19] =	stream.strided.scatter [tilespmem:s9], [sflag:$0x7], $0x4000, s20, s19, $0x38;
	[tilespmem:$0x18100] =	vst v63  }
0x26e: {  	_ =	swait.ge [sflag:s30], $0x4000  }
0x26f: {  	p1 =	seq.s32 s10, $0x7;
	[sflag:s30] =	ssyncset.done $0x0  }
0x270: {  	s3 =	simm.s32 @!p1 $0x5;
	[sflag:s30] =	ssyncadd.s32 $0xFFFFC000  }
.Ltmp31:
0x271: {  	_ =	swait.ge @!p1 [sflag:s3], $0x4000;
	(pc) =	sbr.rel @p0 .LBB2_46-.Ltmp31, $4  }
0x272: {  	s1 =	sshll.u32 @!p1 s1, $0xB;
	[sflag:s3] =	ssyncset.done @!p1 $0x0  }
0x273: {  	s9 =	simm.s32 @!p1 $0x400;
	[sflag:s3] =	ssyncadd.s32 @!p1 $0xFFFFC000;
	s3 =	rddreg [dreg:$0x8]  }
0x274: {  	s11 =	simm.s32 @!p1 $0x0;
	s1 =	sadd.s32 @!p1 s1, s3;
	s3 =	simm.s32 @!p1 $0x200  }
0x275: {  	[tilespmem:s11], [sflag:$0x1] =	stream.strided.gather @!p1 [hbm4b:s1+s3], $0x4000, s9, s3, $0x38;
	[tilespmem:$0x18100] =	vst v63  }
0x276: {  	p0 =	sne.s32 s16, $0x1  }
.Ltmp32:
0x277: {  	_ = 	snop;
	(pc) =	sbr.rel @!p0 .LBB2_42-.Ltmp32, $3  }
0x278: {  	_ =	sdelay $0x1  }
0x279: {  	_ =	swait.ge [sflag:s26], $0x1000  }
0x27a: {  	s1 =	sadd.s32 $0xFFFFFFFF, s16;
	s3 =	simm.s32 $0x0;
	[sflag:s26] =	ssyncset.done $0x0  }
.LBB2_41:
0x27b: {  	p0 =	sne.s32 s1, $0x1;
	s1 =	sadd.s32 $0xFFFFFFFF, s1;
	[sflag:s26] =	ssyncadd.s32 $0xFFFFF000  }
.Ltmp33:
0x27c: {  	(pc) =	sbr.rel @p0 .LBB2_41-.Ltmp33, $3  }
0x27d: {  	_ =	sdelay $0x1  }
0x27e: {  	_ =	swait.ge [sflag:s26], $0x1000  }
0x27f: {  	[sflag:s26] =	ssyncset.done $0x0  }
.LBB2_42:
0x280: {  	[sflag:s26] =	ssyncadd.s32 $0xFFFFF000  }
0x281: {  	s11 =	smov.u32 s3;
	s17 =	smov.u32 s3;
	s18 =	smov.u32 s3  }
.LBB2_43:
0x282: {  	s1 =	sadd.s32 s6, s18  }
0x283: {  	s9 =	sand.u32 $0xF, s1  }
0x284: {  	s21 =	sshra.s32 s1, $0x1F;
	p0 =	slt.s32 s1, $0x1;
	p1 =	sne.s32 s9, $0x0  }
0x285: {  	s25 =	sshrl.u32 s21, $0x1C;
	p0 =	por !p0, !p1  }
0x286: {  	s21 =	simm.s32 $0x1;
	s9 =	sadd.s32 s25, s1;
	p0 =	por !p0, !p0  }
0x287: {  	s9 =	sshrl.u32 s9, $0x4;
	s21 =	simm.s32 @!p0 $0x0  }
0x288: {  	s9 =	ssub.s32 s9, s21  }
0x289: {  	s9 =	sshll.u32 s9, $0x4  }
0x28a: {  	v1 =	vld [tilespmem:s9+$0x18000];
	_ =	sdelay $0x1  }
0x28b: {  	s1 =	ssub.s32 s1, s9  }
0x28c: {  	v2 =	vmov s1  }
0x28d: {  	vm1 =	veq.s32 v2, v0  }
0x28e: {  	v1 =	vnsel vm1, $0x0, v1  }
0x28f: {  	(xrf0) =	vadd.scan.msk.s32 $0xffff, v1;
	_ =	sdelay $0x5  }
0x290: {  	v1, _, _ =	vpop (xrf0)  }
0x291: {  	(v2sf) =	vpush v1, $0xF;
	_ =	sdelay $0x6  }
0x292: {  	s21 =	sshll.u32 s11, $0x2;
	s9 =	sshll.u32 s17, $0x2  }
0x293: {  	s1 =	sand.u32 $0xFFFF0000, s9;
	s9 =	sand.u32 $0x600, s21  }
0x294: {  	s1 =	sor.u32 s9, s1  }
0x295: {  	s1 =	sshra.s32 s1, $0x2  }
0x296: {  	s1 =	sadd.s32 $0x10000, s1  }
0x297: {  	v1 =	vmov s1;
	_ =	sdelay $0x2  }
0x298: {  	s22 =	spop (v2sf)  }
0x299: {  	s25 =	sshra.s32 s3, $0x2;
	s24 =	sadd.s32 s22, s15  }
0x29a: {  	v2 =	vld.idx.msk [tilespmem:v1+s25+$0x4000 ss:$0x1], $0xffff;
	s1 =	sand.u32 $0x3, s22;
	s9 =	sshll.u32 s24, $0xE  }
0x29b: {  	s1 =	sshll.u32 s1, $0x9;
	s9 =	sand.u32 $0xFFFF0000, s9  }
0x29c: {  	s1 =	sor.u32 s1, s9  }
0x29d: {  	s22 =	sshra.s32 s1, $0x2  }
0x29e: {  	s9 =	sadd.s32 s25, s22  }
0x29f: {  	[tilespmem:s9+$0xC000] =	vst.add.f32.msk $0xffff, v2  }
0x2a0: {  	v2 =	vld.idx.msk [tilespmem:v1+s25+$0x4010 ss:$0x1], $0xffff;
	_ =	sdelay $0x4  }
0x2a1: {  	[tilespmem:s9+$0xC010] =	vst.add.f32.msk $0xffff, v2  }
0x2a2: {  	v2 =	vld.idx.msk [tilespmem:v1+s25+$0x4020 ss:$0x1], $0xffff;
	_ =	sdelay $0x4  }
0x2a3: {  	[tilespmem:s9+$0xC020] =	vst.add.f32.msk $0xffff, v2  }
0x2a4: {  	v2 =	vld.idx.msk [tilespmem:v1+s25+$0x4030 ss:$0x1], $0xffff;
	_ =	sdelay $0x4  }
0x2a5: {  	[tilespmem:s9+$0xC030] =	vst.add.f32.msk $0xffff, v2  }
0x2a6: {  	v2 =	vld.idx.msk [tilespmem:v1+s25+$0x4040 ss:$0x1], $0xffff;
	_ =	sdelay $0x4  }
0x2a7: {  	[tilespmem:s9+$0xC040] =	vst.add.f32.msk $0xffff, v2  }
0x2a8: {  	v2 =	vld.idx.msk [tilespmem:v1+s25+$0x4050 ss:$0x1], $0xffff;
	_ =	sdelay $0x4  }
0x2a9: {  	[tilespmem:s9+$0xC050] =	vst.add.f32.msk $0xffff, v2  }
0x2aa: {  	v2 =	vld.idx.msk [tilespmem:v1+s25+$0x4060 ss:$0x1], $0xffff;
	_ =	sdelay $0x4  }
0x2ab: {  	[tilespmem:s9+$0xC060] =	vst.add.f32.msk $0xffff, v2  }
0x2ac: {  	v2 =	vld.idx.msk [tilespmem:v1+s25+$0x4070 ss:$0x1], $0xffff;
	_ =	sdelay $0x4  }
0x2ad: {  	[tilespmem:s9+$0xC070] =	vst.add.f32.msk $0xffff, v2  }
0x2ae: {  	v2 =	vld.idx.msk [tilespmem:v1+s25+$0x4200 ss:$0x1], $0xffff;
	_ =	sdelay $0x4  }
0x2af: {  	[tilespmem:s9+$0xC200] =	vst.add.f32.msk $0xffff, v2  }
0x2b0: {  	v2 =	vld.idx.msk [tilespmem:v1+s25+$0x4210 ss:$0x1], $0xffff;
	_ =	sdelay $0x4  }
0x2b1: {  	[tilespmem:s9+$0xC210] =	vst.add.f32.msk $0xffff, v2  }
0x2b2: {  	v2 =	vld.idx.msk [tilespmem:v1+s25+$0x4220 ss:$0x1], $0xffff;
	_ =	sdelay $0x4  }
0x2b3: {  	[tilespmem:s9+$0xC220] =	vst.add.f32.msk $0xffff, v2  }
0x2b4: {  	v2 =	vld.idx.msk [tilespmem:v1+s25+$0x4230 ss:$0x1], $0xffff;
	_ =	sdelay $0x4  }
0x2b5: {  	[tilespmem:s9+$0xC230] =	vst.add.f32.msk $0xffff, v2  }
0x2b6: {  	v2 =	vld.idx.msk [tilespmem:v1+s25+$0x4240 ss:$0x1], $0xffff;
	_ =	sdelay $0x4  }
0x2b7: {  	[tilespmem:s9+$0xC240] =	vst.add.f32.msk $0xffff, v2  }
0x2b8: {  	v2 =	vld.idx.msk [tilespmem:v1+s25+$0x4250 ss:$0x1], $0xffff;
	_ =	sdelay $0x4  }
0x2b9: {  	[tilespmem:s9+$0xC250] =	vst.add.f32.msk $0xffff, v2  }
0x2ba: {  	v2 =	vld.idx.msk [tilespmem:v1+s25+$0x4260 ss:$0x1], $0xffff;
	_ =	sdelay $0x4  }
0x2bb: {  	[tilespmem:s9+$0xC260] =	vst.add.f32.msk $0xffff, v2  }
0x2bc: {  	v2 =	vld.idx.msk [tilespmem:v1+s25+$0x4270 ss:$0x1], $0xffff;
	_ =	sdelay $0x3  }
0x2bd: {  	s21 =	sadd.s32 $0x1000, s3;
	s1 =	simm.s32 $0x0  }
.LBB2_44:
0x2be: {  	s24 =	sshra.s32 s21, $0x2;
	s1 =	sadd.s32 $0x10, s1;
	[tilespmem:s9+$0xC270] =	vst.add.f32.msk $0xffff, v2  }
0x2bf: {  	v2 =	vld.idx.msk [tilespmem:v1+s24+$0x4000 ss:$0x1], $0xffff;
	p0 =	slt.u32 s1, $0xF0;
	_ =	sdelay $0x4  }
0x2c0: {  	s9 =	sadd.s32 s24, s22  }
0x2c1: {  	[tilespmem:s9+$0xC000] =	vst.add.f32.msk $0xffff, v2  }
0x2c2: {  	v2 =	vld.idx.msk [tilespmem:v1+s24+$0x4010 ss:$0x1], $0xffff;
	_ =	sdelay $0x5  }
0x2c3: {  	[tilespmem:s9+$0xC010] =	vst.add.f32.msk $0xffff, v2  }
0x2c4: {  	v2 =	vld.idx.msk [tilespmem:v1+s24+$0x4020 ss:$0x1], $0xffff;
	_ =	sdelay $0x5  }
0x2c5: {  	[tilespmem:s9+$0xC020] =	vst.add.f32.msk $0xffff, v2  }
0x2c6: {  	v2 =	vld.idx.msk [tilespmem:v1+s24+$0x4030 ss:$0x1], $0xffff;
	_ =	sdelay $0x5  }
0x2c7: {  	[tilespmem:s9+$0xC030] =	vst.add.f32.msk $0xffff, v2  }
0x2c8: {  	v2 =	vld.idx.msk [tilespmem:v1+s24+$0x4040 ss:$0x1], $0xffff;
	_ =	sdelay $0x5  }
0x2c9: {  	[tilespmem:s9+$0xC040] =	vst.add.f32.msk $0xffff, v2  }
0x2ca: {  	v2 =	vld.idx.msk [tilespmem:v1+s24+$0x4050 ss:$0x1], $0xffff;
	_ =	sdelay $0x5  }
0x2cb: {  	[tilespmem:s9+$0xC050] =	vst.add.f32.msk $0xffff, v2  }
0x2cc: {  	v2 =	vld.idx.msk [tilespmem:v1+s24+$0x4060 ss:$0x1], $0xffff;
	_ =	sdelay $0x5  }
0x2cd: {  	[tilespmem:s9+$0xC060] =	vst.add.f32.msk $0xffff, v2  }
0x2ce: {  	v2 =	vld.idx.msk [tilespmem:v1+s24+$0x4070 ss:$0x1], $0xffff;
	_ =	sdelay $0x5  }
0x2cf: {  	[tilespmem:s9+$0xC070] =	vst.add.f32.msk $0xffff, v2  }
0x2d0: {  	v2 =	vld.idx.msk [tilespmem:v1+s24+$0x4200 ss:$0x1], $0xffff;
	_ =	sdelay $0x5  }
0x2d1: {  	[tilespmem:s9+$0xC200] =	vst.add.f32.msk $0xffff, v2  }
0x2d2: {  	v2 =	vld.idx.msk [tilespmem:v1+s24+$0x4210 ss:$0x1], $0xffff;
	_ =	sdelay $0x5  }
0x2d3: {  	[tilespmem:s9+$0xC210] =	vst.add.f32.msk $0xffff, v2  }
0x2d4: {  	v2 =	vld.idx.msk [tilespmem:v1+s24+$0x4220 ss:$0x1], $0xffff;
	_ =	sdelay $0x5  }
0x2d5: {  	[tilespmem:s9+$0xC220] =	vst.add.f32.msk $0xffff, v2  }
0x2d6: {  	v2 =	vld.idx.msk [tilespmem:v1+s24+$0x4230 ss:$0x1], $0xffff;
	_ =	sdelay $0x5  }
0x2d7: {  	[tilespmem:s9+$0xC230] =	vst.add.f32.msk $0xffff, v2  }
0x2d8: {  	v2 =	vld.idx.msk [tilespmem:v1+s24+$0x4240 ss:$0x1], $0xffff;
	_ =	sdelay $0x5  }
0x2d9: {  	[tilespmem:s9+$0xC240] =	vst.add.f32.msk $0xffff, v2  }
0x2da: {  	v2 =	vld.idx.msk [tilespmem:v1+s24+$0x4250 ss:$0x1], $0xffff;
	_ =	sdelay $0x5  }
0x2db: {  	[tilespmem:s9+$0xC250] =	vst.add.f32.msk $0xffff, v2  }
0x2dc: {  	v2 =	vld.idx.msk [tilespmem:v1+s24+$0x4260 ss:$0x1], $0xffff;
	_ =	sdelay $0x5  }
0x2dd: {  	[tilespmem:s9+$0xC260] =	vst.add.f32.msk $0xffff, v2  }
0x2de: {  	v2 =	vld.idx.msk [tilespmem:v1+s24+$0x4270 ss:$0x1], $0xffff  }
.Ltmp34:
0x2df: {  	(pc) =	sbr.rel @p0 .LBB2_44-.Ltmp34, $2  }
0x2e0: {  	_ =	sdelay $0x2  }
0x2e1: {  	s21 =	sadd.s32 $0x1000, s21  }
0x2e2: {  	s18 =	sadd.s32 $0x1, s18  }
0x2e3: {  	p0 =	sne.s32 s18, s16  }
.Ltmp35:
0x2e4: {  	_ = 	snop;
	(pc) =	sbr.rel @p0 .LBB2_43-.Ltmp35, $2  }
0x2e5: {  	_ =	sdelay $0x2  }
0x2e6: {  	[tilespmem:s9+$0xC270] =	vst.add.f32.msk $0xffff, v2;
	s17 =	sadd.s32 $0x1000, s17;
	s11 =	sadd.s32 $0x80, s11  }
.LBB2_46:
0x2e7: {  	s1 =	sadd.s32 $0x5, s7  }
0x2e8: {  	s3 =	sand.u32 $0x30, s1  }
0x2e9: {  	v1 =	vld [tilespmem:s3+$0x18080];
	_ =	sdelay $0x1  }
0x2ea: {  	s1 =	sand.u32 $0xD, s1  }
0x2eb: {  	v2 =	vmov s1  }
0x2ec: {  	vm1 =	veq.s32 v2, v0  }
0x2ed: {  	v1 =	vnsel vm1, $0x0, v1  }
0x2ee: {  	(xrf0) =	vadd.scan.msk.s32 $0xffff, v1;
	_ =	sdelay $0x5  }
0x2ef: {  	v1, _, _ =	vpop (xrf0)  }
0x2f0: {  	(v2sf) =	vpush v1, $0xF;
	_ =	sdelay $0xe  }
0x2f1: {  	s6 =	spop (v2sf)  }
0x2f2: {  	s1 =	ssub.s32 s6, s31  }
0x2f3: {  	p0 =	slt.s32 s1, $0x1  }
.Ltmp36:
0x2f4: {  	_ = 	snop;
	(pc) =	sbr.rel @p0 .LBB2_50-.Ltmp36, $2  }
0x2f5: {  	_ =	sdelay $0x2  }
0x2f6: {  	s7 =	simm.s32 $0x0;
	s9 =	simm.s32 $0x0;
	s3 =	simm.s32 $0x0  }
.LBB2_47:
0x2f7: {  	s11 =	sadd.s32 s31, s9  }
0x2f8: {  	s16 =	sand.u32 $0xF, s11  }
0x2f9: {  	s17 =	sshra.s32 s11, $0x1F;
	p0 =	slt.s32 s11, $0x1;
	p1 =	sne.s32 s16, $0x0  }
0x2fa: {  	s21 =	sshrl.u32 s17, $0x1C;
	p0 =	por !p0, !p1  }
0x2fb: {  	s17 =	simm.s32 $0x1;
	s16 =	sadd.s32 s21, s11;
	p0 =	por !p0, !p0  }
0x2fc: {  	s16 =	sshrl.u32 s16, $0x4;
	s17 =	simm.s32 @!p0 $0x0  }
0x2fd: {  	s16 =	ssub.s32 s16, s17  }
0x2fe: {  	s16 =	sshll.u32 s16, $0x4  }
0x2ff: {  	v1 =	vld [tilespmem:s16+$0x18000];
	_ =	sdelay $0x1  }
0x300: {  	s11 =	ssub.s32 s11, s16  }
0x301: {  	v2 =	vmov s11  }
0x302: {  	vm1 =	veq.s32 v2, v0  }
0x303: {  	v1 =	vnsel vm1, $0x0, v1  }
0x304: {  	(xrf0) =	vadd.scan.msk.s32 $0xffff, v1;
	_ =	sdelay $0x5  }
0x305: {  	v1, _, _ =	vpop (xrf0)  }
0x306: {  	(v2sf) =	vpush v1, $0xF;
	_ =	sdelay $0xe  }
0x307: {  	s22 =	sshll.u32 s7, $0x2;
	s25 =	sshll.u32 s3, $0x2;
	s24 =	spop (v2sf)  }
0x308: {  	s17 =	sand.u32 $0x600, s25;
	s18 =	sshll.u32 s24, $0xC;
	s16 =	sshll.u32 s24, $0x7  }
0x309: {  	s11 =	sand.u32 $0xFFFF0000, s22;
	s18 =	sand.u32 $0xFFFF8000, s18;
	s16 =	sand.u32 $0x380, s16  }
0x30a: {  	s11 =	sor.u32 s17, s11;
	s16 =	sor.u32 s16, s18  }
0x30b: {  	s11 =	sshra.s32 s11, $0x2;
	s16 =	sshrl.u32 s16, $0x3  }
0x30c: {  	s11 =	sadd.s32 $0x10000, s11;
	s16 =	sadd.s32 s2, s16  }
0x30d: {  	s17 =	simm.s32 $0x80;
	s18 =	sadd.s32 $0x200, s11;
	s21 =	sadd.s32 $0x0, s16  }
.LBB2_48:
0x30e: {  	[tilespmem:s11], [sflag:$0x9] =	stream.linear.gather [hbm4b:s21+s5], $0x80, $0x38;
	[tilespmem:$0x18100] =	vst v63  }
0x30f: {  	s21 =	smov.u32 s17;
	s11 =	smov.u32 s18;
	p0 =	sne.s32 s17, $0xF80  }
.Ltmp37:
0x310: {  	s17 =	sadd.s32 $0x80, s17;
	(pc) =	sbr.rel @p0 .LBB2_48-.Ltmp37, $2  }
0x311: {  	_ =	sdelay $0x2  }
0x312: {  	s18 =	sadd.s32 $0x200, s18;
	s21 =	sadd.s32 s21, s16  }
0x313: {  	s9 =	sadd.s32 $0x1, s9  }
0x314: {  	p0 =	sne.s32 s9, s1  }
.Ltmp38:
0x315: {  	_ = 	snop;
	(pc) =	sbr.rel @p0 .LBB2_47-.Ltmp38, $4  }
.Ltmp39:
0x316: {  	_ = 	snop;
	(pc) =	sbr.rel @!p0 .LBB2_50-.Ltmp39, $4  }
0x317: {  	_ = 	snop  }
0x318: {  	[tilespmem:s11], [sflag:$0x9] =	stream.linear.gather [hbm4b:s21+s5], $0x80, $0x38;
	[tilespmem:$0x18100] =	vst v63  }
0x319: {  	s7 =	sadd.s32 $0x1000, s7;
	s3 =	sadd.s32 $0x80, s3  }
0x31a: {  	_ = 	snop  }
.LBB2_52:
0x31b: {  	_ =	sfence.sel $0x180000  }
0x31c: {  	[bflag:$0x0] =	sbarrier.arrive $0xFFFF  }
0x31d: {  	_ =	strace $0x90000047  }
0x31e: {  	s0 =	stileid.u32;
	[bflag:$0x2] =	sbarrier.arrive $0xFFFF  }
0x31f: {  	p0 =	sne.s32 s0, $0x0;
	s0 =	rddreg [dreg:$0x5]  }
0x320: {  	s0 =	sadd.s32 @!p0 $0x100000, s0  }
0x321: {  	[sflag:s0] =	ssyncadd.tile.s32 @!p0 $0x1;
	_ =	shalt  }
.Lfunc_end2:
_tile_overlayer_lowered:
.L_overlay_start_2:
0x322: {  	(tag) =	ssettag $0x2  }
0x323: {  	s0 =	rddreg [dreg:$0x0];
	s2 =	stileid.u32  }
0x324: {  	s1 =	rddreg [dreg:$0x1];
	p0 =	sne.s32 s2, $0x0  }
0x325: {  	s3 =	rddreg [dreg:$0x2];
	[bflag:$0x3] =	sbarrier.arrive $0xFFFF;
	s2 =	simm.s32 @!p0 $0x1C0B  }
0x326: {  	[timem:s3], [sflag:s2] =	dma.local @!p0 [hbm:s0], s1  }
0x327: {  	s0 =	simm.s32 @!p0 $0xB  }
0x328: {  	_ =	swait.ge @!p0 [sflag:s0], s1  }
0x329: {  	s1 =	ssub.s32 @!p0 $0x0, s1;
	[sflag:s0] =	ssyncset.done @!p0 $0x0  }
0x32a: {  	[sflag:s0] =	ssyncadd.s32 @!p0 s1  }
0x32b: {  	[bflag:$0x3] =	sbarrier.arrive $0xFFFF  }
0x32c: {  	_ =	shalt  }

</sc_bundles>
